<compile_context>
chip_gen: v7x
topology: tpu7x:2x2x1
jax: 0.10.2.dev20260603
libtpu: 0.0.44.dev20260713+nightly
codegen_flags: <defaults>
</compile_context>

<pallas_src>
import functools

import jax
import jax.numpy as jnp
from jax import lax
from jax.experimental import pallas as pl
from jax.experimental.pallas import tpu as pltpu
from jax.experimental.pallas import tpu_sc as plsc




def _dense_body(x_ref, W0_ref, Wp_ref, bp_ref, Wu_ref, bu_ref, Wr_ref,
                br_ref, Wh_ref, bh_ref, Wo_ref, W1_ref, v_ref):
    x = x_ref[...]
    n = x.shape[0]
    din = x.shape[1]
    W0 = W0_ref[...]

    mean = jnp.sum(x, axis=0, keepdims=True) * (1.0 / n)
    ctx = mean @ Wp_ref[...] + bp_ref[...]

    Wu = Wu_ref[...]
    Wr = Wr_ref[...]
    Wh = Wh_ref[...]
    z = jax.nn.sigmoid(ctx @ Wu[:din] + W0 @ Wu[din:] + bu_ref[...])
    r = jax.nn.sigmoid(ctx @ Wr[:din] + W0 @ Wr[din:] + br_ref[...])
    h_tilde = jnp.tanh(ctx @ Wh[:din] + (r * W0) @ Wh[din:] + bh_ref[...])
    W1 = z * W0 + (1.0 - z) * h_tilde
    W1_ref[...] = W1

    Wv = W1 @ Wo_ref[...]
    v = x @ Wv
    pad = v_ref.shape[0] - n
    v_ref[...] = jnp.concatenate(
        [v, jnp.zeros((pad, 1), dtype=v.dtype)], axis=0)


def _dense(x, W0, Wp, bp, Wu, bu, Wr, br, Wh, bh, Wo, n_pad):
    din, dh = W0.shape
    return pl.pallas_call(
        _dense_body,
        out_shape=[
            jax.ShapeDtypeStruct((din, dh), jnp.float32),
            jax.ShapeDtypeStruct((n_pad, 1), jnp.float32),
        ],
    )(x, W0, Wp, bp.reshape(1, -1), Wu, bu.reshape(1, -1),
      Wr, br.reshape(1, -1), Wh, bh.reshape(1, -1), Wo)



_NC = 2
_NS = 16
_NW = _NC * _NS
_LANE = 16
_CB = 128
_K = 16


def _make_sc(n_out_pad, ch0, ch1):
    zl = n_out_pad // _NS
    sl = n_out_pad // _NW
    ch = ch0
    mesh = plsc.VectorSubcoreMesh(
        core_axis_name="c", subcore_axis_name="s", num_cores=_NC)

    @functools.partial(
        pl.kernel,
        mesh=mesh,
        out_type=[
            jax.ShapeDtypeStruct((n_out_pad,), jnp.float32),
            jax.ShapeDtypeStruct((_NC * n_out_pad,), jnp.float32),
            jax.ShapeDtypeStruct((_NC * n_out_pad,), jnp.float32),
        ],
        scratch_types=[
            pltpu.VMEM((ch, _CB), jnp.int32),
            pltpu.VMEM((ch, _CB), jnp.int32),
            pltpu.VMEM((ch, _CB), jnp.float32),
            pltpu.VMEM((_CB,), jnp.float32),
            pltpu.VMEM((zl,), jnp.float32),
            pltpu.VMEM((sl,), jnp.float32),
            pltpu.VMEM((sl,), jnp.float32),
            pltpu.VMEM((sl,), jnp.float32),
            pltpu.VMEM((sl,), jnp.float32),
            pltpu.VMEM((sl,), jnp.float32),
            pltpu.VMEM((_LANE,), jnp.float32),
            pltpu.VMEM_SHARED((n_out_pad,), jnp.float32),
            pltpu.VMEM_SHARED((n_out_pad,), jnp.float32),
            pltpu.VMEM_SHARED((n_out_pad,), jnp.float32),
            pltpu.SemaphoreType.DMA,
            pltpu.SemaphoreType.DMA,
            pltpu.SemaphoreType.REGULAR,
        ],
    )
    def sc_kernel(v_hbm, ei_hbm, bo_hbm,
                  out_hbm, sp_hbm, dp_hbm,
                  srcb, dstb, valb, ones, zbuf, s0b, s1b, d0b, d1b,
                  obuf, bob, v_sh, s_sh, d_sh, sem_g, sem_s, sem_c):
        c = lax.axis_index("c")
        s = lax.axis_index("s")
        t = c * _NS + s
        is0 = c == 0
        start = jnp.where(is0, s * ch0, _NS * ch0 + s * ch1)
        rounds = jnp.where(is0, ch0 // _K, ch1 // _K)

        for j in range(zl // _LANE):
            zbuf[pl.ds(j * _LANE, _LANE)] = jnp.zeros((_LANE,), jnp.float32)
        zbase = s * zl
        pltpu.sync_copy(zbuf, s_sh.at[pl.ds(zbase, zl)])
        pltpu.sync_copy(zbuf, d_sh.at[pl.ds(zbase, zl)])
        pltpu.sync_copy(v_hbm.at[pl.ds(zbase, zl)],
                        v_sh.at[pl.ds(zbase, zl)])

        for j in range(_CB // _LANE):
            ones[pl.ds(j * _LANE, _LANE)] = jnp.ones((_LANE,), jnp.float32)

        pltpu.sync_copy(ei_hbm.at[0, pl.ds(start, ch)], srcb)
        pltpu.sync_copy(ei_hbm.at[1, pl.ds(start, ch)], dstb)
        plsc.subcore_barrier()

        def fire_gather(q):
            pltpu.async_copy(v_sh.at[srcb.at[q]], valb.at[q], sem_g)

        def fire_deg_scatter(q):
            pltpu.async_copy(ones, d_sh.at[dstb.at[q]], sem_s, add=True)

        def fire_sum_scatter(q):
            pltpu.async_copy(valb.at[q], s_sh.at[dstb.at[q]], sem_s,
                             add=True)

        def drain(sem, count):
            for _ in range(count):
                pltpu.make_async_copy(
                    v_hbm.at[pl.ds(0, _CB)], valb.at[0], sem).wait()

        for j in range(_K):
            fire_gather(j)
            fire_deg_scatter(j)

        def round_body(r, carry):
            @pl.when(r + 1 < rounds)
            def _():
                for j in range(_K):
                    fire_gather((r + 1) * _K + j)
                    fire_deg_scatter((r + 1) * _K + j)
            drain(sem_g, _K)
            for j in range(_K):
                fire_sum_scatter(r * _K + j)
            @pl.when(r > 0)
            def _():
                drain(sem_s, 2 * _K)
            return carry

        lax.fori_loop(0, rounds, round_body, 0)
        drain(sem_s, 2 * _K)
        plsc.subcore_barrier()

        pltpu.sync_copy(s_sh.at[pl.ds(zbase, zl)],
                        sp_hbm.at[pl.ds(c * n_out_pad + zbase, zl)])
        pltpu.sync_copy(d_sh.at[pl.ds(zbase, zl)],
                        dp_hbm.at[pl.ds(c * n_out_pad + zbase, zl)])
        plsc.subcore_barrier()
        pltpu.core_barrier(sem_c, core_axis_name="c")

        base = t * sl
        pltpu.sync_copy(sp_hbm.at[pl.ds(base, sl)], s0b)
        pltpu.sync_copy(sp_hbm.at[pl.ds(n_out_pad + base, sl)], s1b)
        pltpu.sync_copy(dp_hbm.at[pl.ds(base, sl)], d0b)
        pltpu.sync_copy(dp_hbm.at[pl.ds(n_out_pad + base, sl)], d1b)
        pltpu.sync_copy(bo_hbm, bob)
        bias = bob[...]
        for j in range(sl // _LANE):
            ix = pl.ds(j * _LANE, _LANE)
            ssum = s0b[ix] + s1b[ix]
            dsum = d0b[ix] + d1b[ix]
            obuf[ix] = ssum / jnp.maximum(dsum, 1.0) + bias
        pltpu.sync_copy(obuf, out_hbm.at[pl.ds(base, sl)])

    return sc_kernel




def kernel(x, edge_index, W0, Wp, bp, Wu, bu, Wr, br, Wh, bh, Wo, bo):
    n, _ = x.shape
    e = edge_index.shape[1]

    blk = _NW * _LANE
    n_out_pad = ((n + blk - 1) // blk) * blk

    W1, v = _dense(x, W0, Wp, bp, Wu, bu, Wr, br, Wh, bh, Wo, n_out_pad)
    v_flat = v.reshape(n_out_pad)

    def _ceil(a, b):
        return -(-a // b)

    nch = _ceil(e, _CB)
    ch0 = _ceil(_ceil(nch * 13, 20), _NS)
    ch0 = _ceil(ch0, _K) * _K
    ch1 = _ceil(max(nch - _NS * ch0, _NS), _NS)
    ch1 = _ceil(ch1, _K) * _K
    rows = _NS * (ch0 + ch1) + (ch0 - ch1)
    pad_e = rows * _CB - e
    ei = jnp.concatenate(
        [edge_index, jnp.full((2, pad_e), n, jnp.int32)], axis=1).reshape(
            2, rows, _CB)
    bo16 = jnp.broadcast_to(bo.astype(jnp.float32), (_LANE,))

    out_pad, _, _ = _make_sc(n_out_pad, ch0, ch1)(v_flat, ei, bo16)
    out = out_pad[:n].reshape(n, 1)
    return out, W1

# --- scband reference (transcript-rebuilt; emitter-appended) ---
"""Pipeline reference for scband-flare-evolve-gcn-22522808500496 (READ-ONLY COPY).

The authoritative reference and input builder live on the scoring server;
editing this copy changes nothing except your own understanding.
"""

import jax, jax.numpy as jnp
import numpy as np

N = 10000
E = 320000
DIN = 128
DH = 128
DOUT = 1


def setup_inputs(seed: int = 0) -> dict:
    key = jax.random.key(seed)
    ks = jax.random.split(key, 16)
    x = jax.random.normal(ks[0], (N, DIN), dtype=jnp.float32)
    edge_index = jax.random.randint(ks[1], (2, E), 0, N, dtype=jnp.int32)
    # learned parameters
    W0 = jax.random.normal(ks[2], (DIN, DH), dtype=jnp.float32) * 0.05  # initial_weight
    Wp = jax.random.normal(ks[3], (DIN, DIN), dtype=jnp.float32) * 0.05  # pool_proj
    bp = jnp.zeros((DIN,), dtype=jnp.float32)
    Wu = jax.random.normal(ks[4], (DIN + DH, DH), dtype=jnp.float32) * 0.05  # mat_gru.update
    bu = jnp.zeros((DH,), dtype=jnp.float32)
    Wr = jax.random.normal(ks[5], (DIN + DH, DH), dtype=jnp.float32) * 0.05  # mat_gru.reset
    br = jnp.zeros((DH,), dtype=jnp.float32)
    Wh = jax.random.normal(ks[6], (DIN + DH, DH), dtype=jnp.float32) * 0.05  # mat_gru.htilda
    bh = jnp.zeros((DH,), dtype=jnp.float32)
    Wo = jax.random.normal(ks[7], (DH, DOUT), dtype=jnp.float32) * 0.05  # out
    bo = jnp.zeros((DOUT,), dtype=jnp.float32)
    return {"x": x, "edge_index": edge_index, "W0": W0, "Wp": Wp, "bp": bp,
            "Wu": Wu, "bu": bu, "Wr": Wr, "br": br, "Wh": Wh, "bh": bh,
            "Wo": Wo, "bo": bo}


def reference(x, edge_index, W0, Wp, bp, Wu, bu, Wr, br, Wh, bh, Wo, bo):
    n = x.shape[0]
    src = edge_index[0]
    dst = edge_index[1]
    # _gcn_norm: edge weights default to ones; deg = scatter-add of weights at dst
    ew = jnp.ones((edge_index.shape[1],), dtype=jnp.float32)
    deg = jnp.zeros((n,), dtype=jnp.float32).at[dst].add(ew)
    deg = jnp.clip(deg, 1.0, None)
    norm = (ew / deg[dst])[:, None]
    # pooled graph context -> evolve GCN weight via MatGRU
    ctx = x.mean(axis=0, keepdims=True) @ Wp + bp  # [1, DIN]
    inputs = jnp.tile(ctx, (W0.shape[0], 1))  # [DIN, DIN]
    xc = jnp.concatenate([inputs, W0], axis=1)  # [DIN, DIN+DH]
    z_t = jax.nn.sigmoid(xc @ Wu + bu)
    r_t = jax.nn.sigmoid(xc @ Wr + br)
    g_c = jnp.concatenate([inputs, r_t * W0], axis=1)
    h_tilde = jnp.tanh(g_c @ Wh + bh)
    W1 = z_t * W0 + (1.0 - z_t) * h_tilde  # evolved weight [DIN, DH]
    # _gcn_message_pass: m = x[src] * norm; scatter-add at dst
    m = x[src] * norm
    h_agg = jnp.zeros((n, x.shape[1]), dtype=x.dtype).at[dst].add(m)
    h = h_agg @ W1
    out = h @ Wo + bo  # [N, 1]
    return out, W1


if False:  # reference __main__ guard neutralized (emitter)
    inp = setup_inputs()
    out, w = reference(**inp)
    print(out.shape, w.shape)

if __name__ == "__main__":
    import jax
    _d = setup_inputs()
    print(jax.jit(kernel)(*tuple(_d.values())))

</pallas_src>

<mosaic_0001>
#map = affine_map<(d0, d1) -> (0)>
#map1 = affine_map<(d0, d1) -> (0, 0, 0)>
module attributes {stable_mosaic.version = 14 : i64} {
  func.func @sc_kernel(%arg0: i32, %arg1: i32, %arg2: memref<10240xf32, #tpu.memory_space<hbm>>, %arg3: memref<2x2624x128xi32, #tpu.memory_space<hbm>>, %arg4: memref<16xf32, #tpu.memory_space<hbm>>, %arg5: memref<10240xf32, #tpu.memory_space<hbm>>, %arg6: memref<20480xf32, #tpu.memory_space<hbm>>, %arg7: memref<20480xf32, #tpu.memory_space<hbm>>, %arg8: memref<112x128xi32, #tpu.memory_space<vmem>>, %arg9: memref<112x128xi32, #tpu.memory_space<vmem>>, %arg10: memref<112x128xf32, #tpu.memory_space<vmem>>, %arg11: memref<128xf32, #tpu.memory_space<vmem>>, %arg12: memref<640xf32, #tpu.memory_space<vmem>>, %arg13: memref<320xf32, #tpu.memory_space<vmem>>, %arg14: memref<320xf32, #tpu.memory_space<vmem>>, %arg15: memref<320xf32, #tpu.memory_space<vmem>>, %arg16: memref<320xf32, #tpu.memory_space<vmem>>, %arg17: memref<320xf32, #tpu.memory_space<vmem>>, %arg18: memref<16xf32, #tpu.memory_space<vmem>>, %arg19: memref<10240xf32, #tpu.memory_space<vmem_shared>>, %arg20: memref<10240xf32, #tpu.memory_space<vmem_shared>>, %arg21: memref<10240xf32, #tpu.memory_space<vmem_shared>>, %arg22: memref<!tpu.dma_semaphore, #tpu.memory_space<semaphore_mem>>, %arg23: memref<!tpu.dma_semaphore, #tpu.memory_space<semaphore_mem>>, %arg24: memref<!tpu.semaphore, #tpu.memory_space<semaphore_mem>>) attributes {dimension_semantics = [#tpu.dimension_semantics<core_parallel>, #tpu.dimension_semantics<subcore_parallel>], iteration_bounds = array<i64: 2, 16>, scalar_prefetch = 0 : i64, scratch_operands = 17 : i64, tpu.core_type = #tpu.core_type<sc_vector_subcore>, window_params = [{transform_indices = #map}, {transform_indices = #map1}, {transform_indices = #map}, {transform_indices = #map}, {transform_indices = #map}, {transform_indices = #map}]} {
    %mul3A = arith.constant 16 : i32
    %mul3A_0 = arith.muli %arg0, %mul3A : i32
    %add3A = arith.addi %mul3A_0, %arg1 : i32
    %eq3A = arith.constant 0 : i32
    %eq3A_1 = arith.cmpi eq, %arg0, %eq3A : i32
    %mul3A_2 = arith.constant 112 : i32
    %mul3A_3 = arith.muli %arg1, %mul3A_2 : i32
    %mul3A_4 = arith.constant 48 : i32
    %mul3A_5 = arith.muli %arg1, %mul3A_4 : i32
    %add3A_6 = arith.constant 1792 : i32
    %add3A_7 = arith.addi %add3A_6, %mul3A_5 : i32
    %select_n3A = arith.select %eq3A_1, %mul3A_3, %add3A_7 : i32
    %jit3A = arith.constant 7 : i32
    %jit3A_8 = arith.constant 3 : i32
    %select_n3A_9 = arith.select %eq3A_1, %jit3A, %jit3A_8 : i32
    %broadcast_in_dim3A = arith.constant 0.000000e+00 : f32
    %broadcast_in_dim3A_10 = vector.broadcast %broadcast_in_dim3A : f32 to vector<16xf32>
    %swap3A = arith.constant 0 : index
    %swap3A_11 = tpu.vector_load %arg12[%swap3A] {strides = array<i32>} : memref<640xf32, #tpu.memory_space<vmem>>, vector<16xf32>,
    %swap3A_12 = vector.shape_cast %swap3A_11 : vector<16xf32> to vector<16xf32>
    %swap3A_13 = vector.shape_cast %broadcast_in_dim3A_10 : vector<16xf32> to vector<16xf32>
    tpu.vector_store %arg12[%swap3A], %swap3A_13 {strides = array<i32>} : memref<640xf32, #tpu.memory_space<vmem>>, vector<16xf32>,
    %broadcast_in_dim3A_14 = arith.constant 0.000000e+00 : f32
    %broadcast_in_dim3A_15 = vector.broadcast %broadcast_in_dim3A_14 : f32 to vector<16xf32>
    %swap3A_16 = arith.constant 16 : index
    %swap3A_17 = tpu.vector_load %arg12[%swap3A_16] {strides = array<i32>} : memref<640xf32, #tpu.memory_space<vmem>>, vector<16xf32>,
    %swap3A_18 = vector.shape_cast %swap3A_17 : vector<16xf32> to vector<16xf32>
    %swap3A_19 = vector.shape_cast %broadcast_in_dim3A_15 : vector<16xf32> to vector<16xf32>
    tpu.vector_store %arg12[%swap3A_16], %swap3A_19 {strides = array<i32>} : memref<640xf32, #tpu.memory_space<vmem>>, vector<16xf32>,
    %broadcast_in_dim3A_20 = arith.constant 0.000000e+00 : f32
    %broadcast_in_dim3A_21 = vector.broadcast %broadcast_in_dim3A_20 : f32 to vector<16xf32>
    %swap3A_22 = arith.constant 32 : index
    %swap3A_23 = tpu.vector_load %arg12[%swap3A_22] {strides = array<i32>} : memref<640xf32, #tpu.memory_space<vmem>>, vector<16xf32>,
    %swap3A_24 = vector.shape_cast %swap3A_23 : vector<16xf32> to vector<16xf32>
    %swap3A_25 = vector.shape_cast %broadcast_in_dim3A_21 : vector<16xf32> to vector<16xf32>
    tpu.vector_store %arg12[%swap3A_22], %swap3A_25 {strides = array<i32>} : memref<640xf32, #tpu.memory_space<vmem>>, vector<16xf32>,
    %broadcast_in_dim3A_26 = arith.constant 0.000000e+00 : f32
    %broadcast_in_dim3A_27 = vector.broadcast %broadcast_in_dim3A_26 : f32 to vector<16xf32>
    %swap3A_28 = arith.constant 48 : index
    %swap3A_29 = tpu.vector_load %arg12[%swap3A_28] {strides = array<i32>} : memref<640xf32, #tpu.memory_space<vmem>>, vector<16xf32>,
    %swap3A_30 = vector.shape_cast %swap3A_29 : vector<16xf32> to vector<16xf32>
    %swap3A_31 = vector.shape_cast %broadcast_in_dim3A_27 : vector<16xf32> to vector<16xf32>
    tpu.vector_store %arg12[%swap3A_28], %swap3A_31 {strides = array<i32>} : memref<640xf32, #tpu.memory_space<vmem>>, vector<16xf32>,
    %broadcast_in_dim3A_32 = arith.constant 0.000000e+00 : f32
    %broadcast_in_dim3A_33 = vector.broadcast %broadcast_in_dim3A_32 : f32 to vector<16xf32>
    %swap3A_34 = arith.constant 64 : index
    %swap3A_35 = tpu.vector_load %arg12[%swap3A_34] {strides = array<i32>} : memref<640xf32, #tpu.memory_space<vmem>>, vector<16xf32>,
    %swap3A_36 = vector.shape_cast %swap3A_35 : vector<16xf32> to vector<16xf32>
    %swap3A_37 = vector.shape_cast %broadcast_in_dim3A_33 : vector<16xf32> to vector<16xf32>
    tpu.vector_store %arg12[%swap3A_34], %swap3A_37 {strides = array<i32>} : memref<640xf32, #tpu.memory_space<vmem>>, vector<16xf32>,
    %broadcast_in_dim3A_38 = arith.constant 0.000000e+00 : f32
    %broadcast_in_dim3A_39 = vector.broadcast %broadcast_in_dim3A_38 : f32 to vector<16xf32>
    %swap3A_40 = arith.constant 80 : index
    %swap3A_41 = tpu.vector_load %arg12[%swap3A_40] {strides = array<i32>} : memref<640xf32, #tpu.memory_space<vmem>>, vector<16xf32>,
    %swap3A_42 = vector.shape_cast %swap3A_41 : vector<16xf32> to vector<16xf32>
    %swap3A_43 = vector.shape_cast %broadcast_in_dim3A_39 : vector<16xf32> to vector<16xf32>
    tpu.vector_store %arg12[%swap3A_40], %swap3A_43 {strides = array<i32>} : memref<640xf32, #tpu.memory_space<vmem>>, vector<16xf32>,
    %broadcast_in_dim3A_44 = arith.constant 0.000000e+00 : f32
    %broadcast_in_dim3A_45 = vector.broadcast %broadcast_in_dim3A_44 : f32 to vector<16xf32>
    %swap3A_46 = arith.constant 96 : index
    %swap3A_47 = tpu.vector_load %arg12[%swap3A_46] {strides = array<i32>} : memref<640xf32, #tpu.memory_space<vmem>>, vector<16xf32>,
    %swap3A_48 = vector.shape_cast %swap3A_47 : vector<16xf32> to vector<16xf32>
    %swap3A_49 = vector.shape_cast %broadcast_in_dim3A_45 : vector<16xf32> to vector<16xf32>
    tpu.vector_store %arg12[%swap3A_46], %swap3A_49 {strides = array<i32>} : memref<640xf32, #tpu.memory_space<vmem>>, vector<16xf32>,
    %broadcast_in_dim3A_50 = arith.constant 0.000000e+00 : f32
    %broadcast_in_dim3A_51 = vector.broadcast %broadcast_in_dim3A_50 : f32 to vector<16xf32>
    %swap3A_52 = arith.constant 112 : index
    %swap3A_53 = tpu.vector_load %arg12[%swap3A_52] {strides = array<i32>} : memref<640xf32, #tpu.memory_space<vmem>>, vector<16xf32>,
    %swap3A_54 = vector.shape_cast %swap3A_53 : vector<16xf32> to vector<16xf32>
    %swap3A_55 = vector.shape_cast %broadcast_in_dim3A_51 : vector<16xf32> to vector<16xf32>
    tpu.vector_store %arg12[%swap3A_52], %swap3A_55 {strides = array<i32>} : memref<640xf32, #tpu.memory_space<vmem>>, vector<16xf32>,
    %broadcast_in_dim3A_56 = arith.constant 0.000000e+00 : f32
    %broadcast_in_dim3A_57 = vector.broadcast %broadcast_in_dim3A_56 : f32 to vector<16xf32>
    %swap3A_58 = arith.constant 128 : index
    %swap3A_59 = tpu.vector_load %arg12[%swap3A_58] {strides = array<i32>} : memref<640xf32, #tpu.memory_space<vmem>>, vector<16xf32>,
    %swap3A_60 = vector.shape_cast %swap3A_59 : vector<16xf32> to vector<16xf32>
    %swap3A_61 = vector.shape_cast %broadcast_in_dim3A_57 : vector<16xf32> to vector<16xf32>
    tpu.vector_store %arg12[%swap3A_58], %swap3A_61 {strides = array<i32>} : memref<640xf32, #tpu.memory_space<vmem>>, vector<16xf32>,
    %broadcast_in_dim3A_62 = arith.constant 0.000000e+00 : f32
    %broadcast_in_dim3A_63 = vector.broadcast %broadcast_in_dim3A_62 : f32 to vector<16xf32>
    %swap3A_64 = arith.constant 144 : index
    %swap3A_65 = tpu.vector_load %arg12[%swap3A_64] {strides = array<i32>} : memref<640xf32, #tpu.memory_space<vmem>>, vector<16xf32>,
    %swap3A_66 = vector.shape_cast %swap3A_65 : vector<16xf32> to vector<16xf32>
    %swap3A_67 = vector.shape_cast %broadcast_in_dim3A_63 : vector<16xf32> to vector<16xf32>
    tpu.vector_store %arg12[%swap3A_64], %swap3A_67 {strides = array<i32>} : memref<640xf32, #tpu.memory_space<vmem>>, vector<16xf32>,
    %broadcast_in_dim3A_68 = arith.constant 0.000000e+00 : f32
    %broadcast_in_dim3A_69 = vector.broadcast %broadcast_in_dim3A_68 : f32 to vector<16xf32>
    %swap3A_70 = arith.constant 160 : index
    %swap3A_71 = tpu.vector_load %arg12[%swap3A_70] {strides = array<i32>} : memref<640xf32, #tpu.memory_space<vmem>>, vector<16xf32>,
    %swap3A_72 = vector.shape_cast %swap3A_71 : vector<16xf32> to vector<16xf32>
    %swap3A_73 = vector.shape_cast %broadcast_in_dim3A_69 : vector<16xf32> to vector<16xf32>
    tpu.vector_store %arg12[%swap3A_70], %swap3A_73 {strides = array<i32>} : memref<640xf32, #tpu.memory_space<vmem>>, vector<16xf32>,
    %broadcast_in_dim3A_74 = arith.constant 0.000000e+00 : f32
    %broadcast_in_dim3A_75 = vector.broadcast %broadcast_in_dim3A_74 : f32 to vector<16xf32>
    %swap3A_76 = arith.constant 176 : index
    %swap3A_77 = tpu.vector_load %arg12[%swap3A_76] {strides = array<i32>} : memref<640xf32, #tpu.memory_space<vmem>>, vector<16xf32>,
    %swap3A_78 = vector.shape_cast %swap3A_77 : vector<16xf32> to vector<16xf32>
    %swap3A_79 = vector.shape_cast %broadcast_in_dim3A_75 : vector<16xf32> to vector<16xf32>
    tpu.vector_store %arg12[%swap3A_76], %swap3A_79 {strides = array<i32>} : memref<640xf32, #tpu.memory_space<vmem>>, vector<16xf32>,
    %broadcast_in_dim3A_80 = arith.constant 0.000000e+00 : f32
    %broadcast_in_dim3A_81 = vector.broadcast %broadcast_in_dim3A_80 : f32 to vector<16xf32>
    %swap3A_82 = arith.constant 192 : index
    %swap3A_83 = tpu.vector_load %arg12[%swap3A_82] {strides = array<i32>} : memref<640xf32, #tpu.memory_space<vmem>>, vector<16xf32>,
    %swap3A_84 = vector.shape_cast %swap3A_83 : vector<16xf32> to vector<16xf32>
    %swap3A_85 = vector.shape_cast %broadcast_in_dim3A_81 : vector<16xf32> to vector<16xf32>
    tpu.vector_store %arg12[%swap3A_82], %swap3A_85 {strides = array<i32>} : memref<640xf32, #tpu.memory_space<vmem>>, vector<16xf32>,
    %broadcast_in_dim3A_86 = arith.constant 0.000000e+00 : f32
    %broadcast_in_dim3A_87 = vector.broadcast %broadcast_in_dim3A_86 : f32 to vector<16xf32>
    %swap3A_88 = arith.constant 208 : index
    %swap3A_89 = tpu.vector_load %arg12[%swap3A_88] {strides = array<i32>} : memref<640xf32, #tpu.memory_space<vmem>>, vector<16xf32>,
    %swap3A_90 = vector.shape_cast %swap3A_89 : vector<16xf32> to vector<16xf32>
    %swap3A_91 = vector.shape_cast %broadcast_in_dim3A_87 : vector<16xf32> to vector<16xf32>
    tpu.vector_store %arg12[%swap3A_88], %swap3A_91 {strides = array<i32>} : memref<640xf32, #tpu.memory_space<vmem>>, vector<16xf32>,
    %broadcast_in_dim3A_92 = arith.constant 0.000000e+00 : f32
    %broadcast_in_dim3A_93 = vector.broadcast %broadcast_in_dim3A_92 : f32 to vector<16xf32>
    %swap3A_94 = arith.constant 224 : index
    %swap3A_95 = tpu.vector_load %arg12[%swap3A_94] {strides = array<i32>} : memref<640xf32, #tpu.memory_space<vmem>>, vector<16xf32>,
    %swap3A_96 = vector.shape_cast %swap3A_95 : vector<16xf32> to vector<16xf32>
    %swap3A_97 = vector.shape_cast %broadcast_in_dim3A_93 : vector<16xf32> to vector<16xf32>
    tpu.vector_store %arg12[%swap3A_94], %swap3A_97 {strides = array<i32>} : memref<640xf32, #tpu.memory_space<vmem>>, vector<16xf32>,
    %broadcast_in_dim3A_98 = arith.constant 0.000000e+00 : f32
    %broadcast_in_dim3A_99 = vector.broadcast %broadcast_in_dim3A_98 : f32 to vector<16xf32>
    %swap3A_100 = arith.constant 240 : index
    %swap3A_101 = tpu.vector_load %arg12[%swap3A_100] {strides = array<i32>} : memref<640xf32, #tpu.memory_space<vmem>>, vector<16xf32>,
    %swap3A_102 = vector.shape_cast %swap3A_101 : vector<16xf32> to vector<16xf32>
    %swap3A_103 = vector.shape_cast %broadcast_in_dim3A_99 : vector<16xf32> to vector<16xf32>
    tpu.vector_store %arg12[%swap3A_100], %swap3A_103 {strides = array<i32>} : memref<640xf32, #tpu.memory_space<vmem>>, vector<16xf32>,
    %broadcast_in_dim3A_104 = arith.constant 0.000000e+00 : f32
    %broadcast_in_dim3A_105 = vector.broadcast %broadcast_in_dim3A_104 : f32 to vector<16xf32>
    %swap3A_106 = arith.constant 256 : index
    %swap3A_107 = tpu.vector_load %arg12[%swap3A_106] {strides = array<i32>} : memref<640xf32, #tpu.memory_space<vmem>>, vector<16xf32>,
    %swap3A_108 = vector.shape_cast %swap3A_107 : vector<16xf32> to vector<16xf32>
    %swap3A_109 = vector.shape_cast %broadcast_in_dim3A_105 : vector<16xf32> to vector<16xf32>
    tpu.vector_store %arg12[%swap3A_106], %swap3A_109 {strides = array<i32>} : memref<640xf32, #tpu.memory_space<vmem>>, vector<16xf32>,
    %broadcast_in_dim3A_110 = arith.constant 0.000000e+00 : f32
    %broadcast_in_dim3A_111 = vector.broadcast %broadcast_in_dim3A_110 : f32 to vector<16xf32>
    %swap3A_112 = arith.constant 272 : index
    %swap3A_113 = tpu.vector_load %arg12[%swap3A_112] {strides = array<i32>} : memref<640xf32, #tpu.memory_space<vmem>>, vector<16xf32>,
    %swap3A_114 = vector.shape_cast %swap3A_113 : vector<16xf32> to vector<16xf32>
    %swap3A_115 = vector.shape_cast %broadcast_in_dim3A_111 : vector<16xf32> to vector<16xf32>
    tpu.vector_store %arg12[%swap3A_112], %swap3A_115 {strides = array<i32>} : memref<640xf32, #tpu.memory_space<vmem>>, vector<16xf32>,
    %broadcast_in_dim3A_116 = arith.constant 0.000000e+00 : f32
    %broadcast_in_dim3A_117 = vector.broadcast %broadcast_in_dim3A_116 : f32 to vector<16xf32>
    %swap3A_118 = arith.constant 288 : index
    %swap3A_119 = tpu.vector_load %arg12[%swap3A_118] {strides = array<i32>} : memref<640xf32, #tpu.memory_space<vmem>>, vector<16xf32>,
    %swap3A_120 = vector.shape_cast %swap3A_119 : vector<16xf32> to vector<16xf32>
    %swap3A_121 = vector.shape_cast %broadcast_in_dim3A_117 : vector<16xf32> to vector<16xf32>
    tpu.vector_store %arg12[%swap3A_118], %swap3A_121 {strides = array<i32>} : memref<640xf32, #tpu.memory_space<vmem>>, vector<16xf32>,
    %broadcast_in_dim3A_122 = arith.constant 0.000000e+00 : f32
    %broadcast_in_dim3A_123 = vector.broadcast %broadcast_in_dim3A_122 : f32 to vector<16xf32>
    %swap3A_124 = arith.constant 304 : index
    %swap3A_125 = tpu.vector_load %arg12[%swap3A_124] {strides = array<i32>} : memref<640xf32, #tpu.memory_space<vmem>>, vector<16xf32>,
    %swap3A_126 = vector.shape_cast %swap3A_125 : vector<16xf32> to vector<16xf32>
    %swap3A_127 = vector.shape_cast %broadcast_in_dim3A_123 : vector<16xf32> to vector<16xf32>
    tpu.vector_store %arg12[%swap3A_124], %swap3A_127 {strides = array<i32>} : memref<640xf32, #tpu.memory_space<vmem>>, vector<16xf32>,
    %broadcast_in_dim3A_128 = arith.constant 0.000000e+00 : f32
    %broadcast_in_dim3A_129 = vector.broadcast %broadcast_in_dim3A_128 : f32 to vector<16xf32>
    %swap3A_130 = arith.constant 320 : index
    %swap3A_131 = tpu.vector_load %arg12[%swap3A_130] {strides = array<i32>} : memref<640xf32, #tpu.memory_space<vmem>>, vector<16xf32>,
    %swap3A_132 = vector.shape_cast %swap3A_131 : vector<16xf32> to vector<16xf32>
    %swap3A_133 = vector.shape_cast %broadcast_in_dim3A_129 : vector<16xf32> to vector<16xf32>
    tpu.vector_store %arg12[%swap3A_130], %swap3A_133 {strides = array<i32>} : memref<640xf32, #tpu.memory_space<vmem>>, vector<16xf32>,
    %broadcast_in_dim3A_134 = arith.constant 0.000000e+00 : f32
    %broadcast_in_dim3A_135 = vector.broadcast %broadcast_in_dim3A_134 : f32 to vector<16xf32>
    %swap3A_136 = arith.constant 336 : index
    %swap3A_137 = tpu.vector_load %arg12[%swap3A_136] {strides = array<i32>} : memref<640xf32, #tpu.memory_space<vmem>>, vector<16xf32>,
    %swap3A_138 = vector.shape_cast %swap3A_137 : vector<16xf32> to vector<16xf32>
    %swap3A_139 = vector.shape_cast %broadcast_in_dim3A_135 : vector<16xf32> to vector<16xf32>
    tpu.vector_store %arg12[%swap3A_136], %swap3A_139 {strides = array<i32>} : memref<640xf32, #tpu.memory_space<vmem>>, vector<16xf32>,
    %broadcast_in_dim3A_140 = arith.constant 0.000000e+00 : f32
    %broadcast_in_dim3A_141 = vector.broadcast %broadcast_in_dim3A_140 : f32 to vector<16xf32>
    %swap3A_142 = arith.constant 352 : index
    %swap3A_143 = tpu.vector_load %arg12[%swap3A_142] {strides = array<i32>} : memref<640xf32, #tpu.memory_space<vmem>>, vector<16xf32>,
    %swap3A_144 = vector.shape_cast %swap3A_143 : vector<16xf32> to vector<16xf32>
    %swap3A_145 = vector.shape_cast %broadcast_in_dim3A_141 : vector<16xf32> to vector<16xf32>
    tpu.vector_store %arg12[%swap3A_142], %swap3A_145 {strides = array<i32>} : memref<640xf32, #tpu.memory_space<vmem>>, vector<16xf32>,
    %broadcast_in_dim3A_146 = arith.constant 0.000000e+00 : f32
    %broadcast_in_dim3A_147 = vector.broadcast %broadcast_in_dim3A_146 : f32 to vector<16xf32>
    %swap3A_148 = arith.constant 368 : index
    %swap3A_149 = tpu.vector_load %arg12[%swap3A_148] {strides = array<i32>} : memref<640xf32, #tpu.memory_space<vmem>>, vector<16xf32>,
    %swap3A_150 = vector.shape_cast %swap3A_149 : vector<16xf32> to vector<16xf32>
    %swap3A_151 = vector.shape_cast %broadcast_in_dim3A_147 : vector<16xf32> to vector<16xf32>
    tpu.vector_store %arg12[%swap3A_148], %swap3A_151 {strides = array<i32>} : memref<640xf32, #tpu.memory_space<vmem>>, vector<16xf32>,
    %broadcast_in_dim3A_152 = arith.constant 0.000000e+00 : f32
    %broadcast_in_dim3A_153 = vector.broadcast %broadcast_in_dim3A_152 : f32 to vector<16xf32>
    %swap3A_154 = arith.constant 384 : index
    %swap3A_155 = tpu.vector_load %arg12[%swap3A_154] {strides = array<i32>} : memref<640xf32, #tpu.memory_space<vmem>>, vector<16xf32>,
    %swap3A_156 = vector.shape_cast %swap3A_155 : vector<16xf32> to vector<16xf32>
    %swap3A_157 = vector.shape_cast %broadcast_in_dim3A_153 : vector<16xf32> to vector<16xf32>
    tpu.vector_store %arg12[%swap3A_154], %swap3A_157 {strides = array<i32>} : memref<640xf32, #tpu.memory_space<vmem>>, vector<16xf32>,
    %broadcast_in_dim3A_158 = arith.constant 0.000000e+00 : f32
    %broadcast_in_dim3A_159 = vector.broadcast %broadcast_in_dim3A_158 : f32 to vector<16xf32>
    %swap3A_160 = arith.constant 400 : index
    %swap3A_161 = tpu.vector_load %arg12[%swap3A_160] {strides = array<i32>} : memref<640xf32, #tpu.memory_space<vmem>>, vector<16xf32>,
    %swap3A_162 = vector.shape_cast %swap3A_161 : vector<16xf32> to vector<16xf32>
    %swap3A_163 = vector.shape_cast %broadcast_in_dim3A_159 : vector<16xf32> to vector<16xf32>
    tpu.vector_store %arg12[%swap3A_160], %swap3A_163 {strides = array<i32>} : memref<640xf32, #tpu.memory_space<vmem>>, vector<16xf32>,
    %broadcast_in_dim3A_164 = arith.constant 0.000000e+00 : f32
    %broadcast_in_dim3A_165 = vector.broadcast %broadcast_in_dim3A_164 : f32 to vector<16xf32>
    %swap3A_166 = arith.constant 416 : index
    %swap3A_167 = tpu.vector_load %arg12[%swap3A_166] {strides = array<i32>} : memref<640xf32, #tpu.memory_space<vmem>>, vector<16xf32>,
    %swap3A_168 = vector.shape_cast %swap3A_167 : vector<16xf32> to vector<16xf32>
    %swap3A_169 = vector.shape_cast %broadcast_in_dim3A_165 : vector<16xf32> to vector<16xf32>
    tpu.vector_store %arg12[%swap3A_166], %swap3A_169 {strides = array<i32>} : memref<640xf32, #tpu.memory_space<vmem>>, vector<16xf32>,
    %broadcast_in_dim3A_170 = arith.constant 0.000000e+00 : f32
    %broadcast_in_dim3A_171 = vector.broadcast %broadcast_in_dim3A_170 : f32 to vector<16xf32>
    %swap3A_172 = arith.constant 432 : index
    %swap3A_173 = tpu.vector_load %arg12[%swap3A_172] {strides = array<i32>} : memref<640xf32, #tpu.memory_space<vmem>>, vector<16xf32>,
    %swap3A_174 = vector.shape_cast %swap3A_173 : vector<16xf32> to vector<16xf32>
    %swap3A_175 = vector.shape_cast %broadcast_in_dim3A_171 : vector<16xf32> to vector<16xf32>
    tpu.vector_store %arg12[%swap3A_172], %swap3A_175 {strides = array<i32>} : memref<640xf32, #tpu.memory_space<vmem>>, vector<16xf32>,
    %broadcast_in_dim3A_176 = arith.constant 0.000000e+00 : f32
    %broadcast_in_dim3A_177 = vector.broadcast %broadcast_in_dim3A_176 : f32 to vector<16xf32>
    %swap3A_178 = arith.constant 448 : index
    %swap3A_179 = tpu.vector_load %arg12[%swap3A_178] {strides = array<i32>} : memref<640xf32, #tpu.memory_space<vmem>>, vector<16xf32>,
    %swap3A_180 = vector.shape_cast %swap3A_179 : vector<16xf32> to vector<16xf32>
    %swap3A_181 = vector.shape_cast %broadcast_in_dim3A_177 : vector<16xf32> to vector<16xf32>
    tpu.vector_store %arg12[%swap3A_178], %swap3A_181 {strides = array<i32>} : memref<640xf32, #tpu.memory_space<vmem>>, vector<16xf32>,
    %broadcast_in_dim3A_182 = arith.constant 0.000000e+00 : f32
    %broadcast_in_dim3A_183 = vector.broadcast %broadcast_in_dim3A_182 : f32 to vector<16xf32>
    %swap3A_184 = arith.constant 464 : index
    %swap3A_185 = tpu.vector_load %arg12[%swap3A_184] {strides = array<i32>} : memref<640xf32, #tpu.memory_space<vmem>>, vector<16xf32>,
    %swap3A_186 = vector.shape_cast %swap3A_185 : vector<16xf32> to vector<16xf32>
    %swap3A_187 = vector.shape_cast %broadcast_in_dim3A_183 : vector<16xf32> to vector<16xf32>
    tpu.vector_store %arg12[%swap3A_184], %swap3A_187 {strides = array<i32>} : memref<640xf32, #tpu.memory_space<vmem>>, vector<16xf32>,
    %broadcast_in_dim3A_188 = arith.constant 0.000000e+00 : f32
    %broadcast_in_dim3A_189 = vector.broadcast %broadcast_in_dim3A_188 : f32 to vector<16xf32>
    %swap3A_190 = arith.constant 480 : index
    %swap3A_191 = tpu.vector_load %arg12[%swap3A_190] {strides = array<i32>} : memref<640xf32, #tpu.memory_space<vmem>>, vector<16xf32>,
    %swap3A_192 = vector.shape_cast %swap3A_191 : vector<16xf32> to vector<16xf32>
    %swap3A_193 = vector.shape_cast %broadcast_in_dim3A_189 : vector<16xf32> to vector<16xf32>
    tpu.vector_store %arg12[%swap3A_190], %swap3A_193 {strides = array<i32>} : memref<640xf32, #tpu.memory_space<vmem>>, vector<16xf32>,
    %broadcast_in_dim3A_194 = arith.constant 0.000000e+00 : f32
    %broadcast_in_dim3A_195 = vector.broadcast %broadcast_in_dim3A_194 : f32 to vector<16xf32>
    %swap3A_196 = arith.constant 496 : index
    %swap3A_197 = tpu.vector_load %arg12[%swap3A_196] {strides = array<i32>} : memref<640xf32, #tpu.memory_space<vmem>>, vector<16xf32>,
    %swap3A_198 = vector.shape_cast %swap3A_197 : vector<16xf32> to vector<16xf32>
    %swap3A_199 = vector.shape_cast %broadcast_in_dim3A_195 : vector<16xf32> to vector<16xf32>
    tpu.vector_store %arg12[%swap3A_196], %swap3A_199 {strides = array<i32>} : memref<640xf32, #tpu.memory_space<vmem>>, vector<16xf32>,
    %broadcast_in_dim3A_200 = arith.constant 0.000000e+00 : f32
    %broadcast_in_dim3A_201 = vector.broadcast %broadcast_in_dim3A_200 : f32 to vector<16xf32>
    %swap3A_202 = arith.constant 512 : index
    %swap3A_203 = tpu.vector_load %arg12[%swap3A_202] {strides = array<i32>} : memref<640xf32, #tpu.memory_space<vmem>>, vector<16xf32>,
    %swap3A_204 = vector.shape_cast %swap3A_203 : vector<16xf32> to vector<16xf32>
    %swap3A_205 = vector.shape_cast %broadcast_in_dim3A_201 : vector<16xf32> to vector<16xf32>
    tpu.vector_store %arg12[%swap3A_202], %swap3A_205 {strides = array<i32>} : memref<640xf32, #tpu.memory_space<vmem>>, vector<16xf32>,
    %broadcast_in_dim3A_206 = arith.constant 0.000000e+00 : f32
    %broadcast_in_dim3A_207 = vector.broadcast %broadcast_in_dim3A_206 : f32 to vector<16xf32>
    %swap3A_208 = arith.constant 528 : index
    %swap3A_209 = tpu.vector_load %arg12[%swap3A_208] {strides = array<i32>} : memref<640xf32, #tpu.memory_space<vmem>>, vector<16xf32>,
    %swap3A_210 = vector.shape_cast %swap3A_209 : vector<16xf32> to vector<16xf32>
    %swap3A_211 = vector.shape_cast %broadcast_in_dim3A_207 : vector<16xf32> to vector<16xf32>
    tpu.vector_store %arg12[%swap3A_208], %swap3A_211 {strides = array<i32>} : memref<640xf32, #tpu.memory_space<vmem>>, vector<16xf32>,
    %broadcast_in_dim3A_212 = arith.constant 0.000000e+00 : f32
    %broadcast_in_dim3A_213 = vector.broadcast %broadcast_in_dim3A_212 : f32 to vector<16xf32>
    %swap3A_214 = arith.constant 544 : index
    %swap3A_215 = tpu.vector_load %arg12[%swap3A_214] {strides = array<i32>} : memref<640xf32, #tpu.memory_space<vmem>>, vector<16xf32>,
    %swap3A_216 = vector.shape_cast %swap3A_215 : vector<16xf32> to vector<16xf32>
    %swap3A_217 = vector.shape_cast %broadcast_in_dim3A_213 : vector<16xf32> to vector<16xf32>
    tpu.vector_store %arg12[%swap3A_214], %swap3A_217 {strides = array<i32>} : memref<640xf32, #tpu.memory_space<vmem>>, vector<16xf32>,
    %broadcast_in_dim3A_218 = arith.constant 0.000000e+00 : f32
    %broadcast_in_dim3A_219 = vector.broadcast %broadcast_in_dim3A_218 : f32 to vector<16xf32>
    %swap3A_220 = arith.constant 560 : index
    %swap3A_221 = tpu.vector_load %arg12[%swap3A_220] {strides = array<i32>} : memref<640xf32, #tpu.memory_space<vmem>>, vector<16xf32>,
    %swap3A_222 = vector.shape_cast %swap3A_221 : vector<16xf32> to vector<16xf32>
    %swap3A_223 = vector.shape_cast %broadcast_in_dim3A_219 : vector<16xf32> to vector<16xf32>
    tpu.vector_store %arg12[%swap3A_220], %swap3A_223 {strides = array<i32>} : memref<640xf32, #tpu.memory_space<vmem>>, vector<16xf32>,
    %broadcast_in_dim3A_224 = arith.constant 0.000000e+00 : f32
    %broadcast_in_dim3A_225 = vector.broadcast %broadcast_in_dim3A_224 : f32 to vector<16xf32>
    %swap3A_226 = arith.constant 576 : index
    %swap3A_227 = tpu.vector_load %arg12[%swap3A_226] {strides = array<i32>} : memref<640xf32, #tpu.memory_space<vmem>>, vector<16xf32>,
    %swap3A_228 = vector.shape_cast %swap3A_227 : vector<16xf32> to vector<16xf32>
    %swap3A_229 = vector.shape_cast %broadcast_in_dim3A_225 : vector<16xf32> to vector<16xf32>
    tpu.vector_store %arg12[%swap3A_226], %swap3A_229 {strides = array<i32>} : memref<640xf32, #tpu.memory_space<vmem>>, vector<16xf32>,
    %broadcast_in_dim3A_230 = arith.constant 0.000000e+00 : f32
    %broadcast_in_dim3A_231 = vector.broadcast %broadcast_in_dim3A_230 : f32 to vector<16xf32>
    %swap3A_232 = arith.constant 592 : index
    %swap3A_233 = tpu.vector_load %arg12[%swap3A_232] {strides = array<i32>} : memref<640xf32, #tpu.memory_space<vmem>>, vector<16xf32>,
    %swap3A_234 = vector.shape_cast %swap3A_233 : vector<16xf32> to vector<16xf32>
    %swap3A_235 = vector.shape_cast %broadcast_in_dim3A_231 : vector<16xf32> to vector<16xf32>
    tpu.vector_store %arg12[%swap3A_232], %swap3A_235 {strides = array<i32>} : memref<640xf32, #tpu.memory_space<vmem>>, vector<16xf32>,
    %broadcast_in_dim3A_236 = arith.constant 0.000000e+00 : f32
    %broadcast_in_dim3A_237 = vector.broadcast %broadcast_in_dim3A_236 : f32 to vector<16xf32>
    %swap3A_238 = arith.constant 608 : index
    %swap3A_239 = tpu.vector_load %arg12[%swap3A_238] {strides = array<i32>} : memref<640xf32, #tpu.memory_space<vmem>>, vector<16xf32>,
    %swap3A_240 = vector.shape_cast %swap3A_239 : vector<16xf32> to vector<16xf32>
    %swap3A_241 = vector.shape_cast %broadcast_in_dim3A_237 : vector<16xf32> to vector<16xf32>
    tpu.vector_store %arg12[%swap3A_238], %swap3A_241 {strides = array<i32>} : memref<640xf32, #tpu.memory_space<vmem>>, vector<16xf32>,
    %broadcast_in_dim3A_242 = arith.constant 0.000000e+00 : f32
    %broadcast_in_dim3A_243 = vector.broadcast %broadcast_in_dim3A_242 : f32 to vector<16xf32>
    %swap3A_244 = arith.constant 624 : index
    %swap3A_245 = tpu.vector_load %arg12[%swap3A_244] {strides = array<i32>} : memref<640xf32, #tpu.memory_space<vmem>>, vector<16xf32>,
    %swap3A_246 = vector.shape_cast %swap3A_245 : vector<16xf32> to vector<16xf32>
    %swap3A_247 = vector.shape_cast %broadcast_in_dim3A_243 : vector<16xf32> to vector<16xf32>
    tpu.vector_store %arg12[%swap3A_244], %swap3A_247 {strides = array<i32>} : memref<640xf32, #tpu.memory_space<vmem>>, vector<16xf32>,
    %mul3A_248 = arith.constant 640 : i32
    %mul3A_249 = arith.muli %arg1, %mul3A_248 : i32
    "tpu.region"() ({
      %run_scoped3A_1396 = tpu.sem_alloc : memref<!tpu.dma_semaphore, #tpu.memory_space<semaphore_mem>>
      %dma_start3A_1397 = tpu.memref_slice %arg20[%mul3A_249] : memref<10240xf32, #tpu.memory_space<vmem_shared>> -> memref<640xf32, #tpu.memory_space<vmem_shared>>
      %dma_start3A_1398 = tpu.memref_slice %arg20[%mul3A_249] : memref<10240xf32, #tpu.memory_space<vmem_shared>> -> memref<640xf32, #tpu.memory_space<vmem_shared>>
      tpu.enqueue_dma source(%arg12 : memref<640xf32, #tpu.memory_space<vmem>>) target(%dma_start3A_1398 : memref<640xf32, #tpu.memory_space<vmem_shared>>) target_semaphore(%run_scoped3A_1396 : memref<!tpu.dma_semaphore, #tpu.memory_space<semaphore_mem>>)
      %dma_wait3A_1399 = tpu.memref_slice %arg20[%mul3A_249] : memref<10240xf32, #tpu.memory_space<vmem_shared>> -> memref<640xf32, #tpu.memory_space<vmem_shared>>
      %dma_wait3A_1400 = tpu.memref_slice %arg20[%mul3A_249] : memref<10240xf32, #tpu.memory_space<vmem_shared>> -> memref<640xf32, #tpu.memory_space<vmem_shared>>
      tpu.wait_dma2 semaphore(%run_scoped3A_1396 : memref<!tpu.dma_semaphore, #tpu.memory_space<semaphore_mem>>) src(%arg12 : memref<640xf32, #tpu.memory_space<vmem>>) dst(%dma_wait3A_1400 : memref<640xf32, #tpu.memory_space<vmem_shared>>)
      tpu.yield
    }) : () -> ()
    "tpu.region"() ({
      %run_scoped3A_1396 = tpu.sem_alloc : memref<!tpu.dma_semaphore, #tpu.memory_space<semaphore_mem>>
      %dma_start3A_1397 = tpu.memref_slice %arg21[%mul3A_249] : memref<10240xf32, #tpu.memory_space<vmem_shared>> -> memref<640xf32, #tpu.memory_space<vmem_shared>>
      %dma_start3A_1398 = tpu.memref_slice %arg21[%mul3A_249] : memref<10240xf32, #tpu.memory_space<vmem_shared>> -> memref<640xf32, #tpu.memory_space<vmem_shared>>
      tpu.enqueue_dma source(%arg12 : memref<640xf32, #tpu.memory_space<vmem>>) target(%dma_start3A_1398 : memref<640xf32, #tpu.memory_space<vmem_shared>>) target_semaphore(%run_scoped3A_1396 : memref<!tpu.dma_semaphore, #tpu.memory_space<semaphore_mem>>)
      %dma_wait3A_1399 = tpu.memref_slice %arg21[%mul3A_249] : memref<10240xf32, #tpu.memory_space<vmem_shared>> -> memref<640xf32, #tpu.memory_space<vmem_shared>>
      %dma_wait3A_1400 = tpu.memref_slice %arg21[%mul3A_249] : memref<10240xf32, #tpu.memory_space<vmem_shared>> -> memref<640xf32, #tpu.memory_space<vmem_shared>>
      tpu.wait_dma2 semaphore(%run_scoped3A_1396 : memref<!tpu.dma_semaphore, #tpu.memory_space<semaphore_mem>>) src(%arg12 : memref<640xf32, #tpu.memory_space<vmem>>) dst(%dma_wait3A_1400 : memref<640xf32, #tpu.memory_space<vmem_shared>>)
      tpu.yield
    }) : () -> ()
    "tpu.region"() ({
      %run_scoped3A_1396 = tpu.sem_alloc : memref<!tpu.dma_semaphore, #tpu.memory_space<semaphore_mem>>
      %dma_start3A_1397 = tpu.memref_slice %arg19[%mul3A_249] : memref<10240xf32, #tpu.memory_space<vmem_shared>> -> memref<640xf32, #tpu.memory_space<vmem_shared>>
      %dma_start3A_1398 = tpu.memref_slice %arg2[%mul3A_249] : memref<10240xf32, #tpu.memory_space<hbm>> -> memref<640xf32, #tpu.memory_space<hbm>>
      tpu.enqueue_dma source(%dma_start3A_1398 : memref<640xf32, #tpu.memory_space<hbm>>) target(%dma_start3A_1397 : memref<640xf32, #tpu.memory_space<vmem_shared>>) target_semaphore(%run_scoped3A_1396 : memref<!tpu.dma_semaphore, #tpu.memory_space<semaphore_mem>>)
      %dma_wait3A_1399 = tpu.memref_slice %arg19[%mul3A_249] : memref<10240xf32, #tpu.memory_space<vmem_shared>> -> memref<640xf32, #tpu.memory_space<vmem_shared>>
      %dma_wait3A_1400 = tpu.memref_slice %arg2[%mul3A_249] : memref<10240xf32, #tpu.memory_space<hbm>> -> memref<640xf32, #tpu.memory_space<hbm>>
      tpu.wait_dma2 semaphore(%run_scoped3A_1396 : memref<!tpu.dma_semaphore, #tpu.memory_space<semaphore_mem>>) src(%dma_wait3A_1400 : memref<640xf32, #tpu.memory_space<hbm>>) dst(%dma_wait3A_1399 : memref<640xf32, #tpu.memory_space<vmem_shared>>)
      tpu.yield
    }) : () -> ()
    %broadcast_in_dim3A_250 = arith.constant 1.000000e+00 : f32
    %broadcast_in_dim3A_251 = vector.broadcast %broadcast_in_dim3A_250 : f32 to vector<16xf32>
    %swap3A_252 = arith.constant 0 : index
    %swap3A_253 = tpu.vector_load %arg11[%swap3A_252] {strides = array<i32>} : memref<128xf32, #tpu.memory_space<vmem>>, vector<16xf32>,
    %swap3A_254 = vector.shape_cast %swap3A_253 : vector<16xf32> to vector<16xf32>
    %swap3A_255 = vector.shape_cast %broadcast_in_dim3A_251 : vector<16xf32> to vector<16xf32>
    tpu.vector_store %arg11[%swap3A_252], %swap3A_255 {strides = array<i32>} : memref<128xf32, #tpu.memory_space<vmem>>, vector<16xf32>,
    %broadcast_in_dim3A_256 = arith.constant 1.000000e+00 : f32
    %broadcast_in_dim3A_257 = vector.broadcast %broadcast_in_dim3A_256 : f32 to vector<16xf32>
    %swap3A_258 = arith.constant 16 : index
    %swap3A_259 = tpu.vector_load %arg11[%swap3A_258] {strides = array<i32>} : memref<128xf32, #tpu.memory_space<vmem>>, vector<16xf32>,
    %swap3A_260 = vector.shape_cast %swap3A_259 : vector<16xf32> to vector<16xf32>
    %swap3A_261 = vector.shape_cast %broadcast_in_dim3A_257 : vector<16xf32> to vector<16xf32>
    tpu.vector_store %arg11[%swap3A_258], %swap3A_261 {strides = array<i32>} : memref<128xf32, #tpu.memory_space<vmem>>, vector<16xf32>,
    %broadcast_in_dim3A_262 = arith.constant 1.000000e+00 : f32
    %broadcast_in_dim3A_263 = vector.broadcast %broadcast_in_dim3A_262 : f32 to vector<16xf32>
    %swap3A_264 = arith.constant 32 : index
    %swap3A_265 = tpu.vector_load %arg11[%swap3A_264] {strides = array<i32>} : memref<128xf32, #tpu.memory_space<vmem>>, vector<16xf32>,
    %swap3A_266 = vector.shape_cast %swap3A_265 : vector<16xf32> to vector<16xf32>
    %swap3A_267 = vector.shape_cast %broadcast_in_dim3A_263 : vector<16xf32> to vector<16xf32>
    tpu.vector_store %arg11[%swap3A_264], %swap3A_267 {strides = array<i32>} : memref<128xf32, #tpu.memory_space<vmem>>, vector<16xf32>,
    %broadcast_in_dim3A_268 = arith.constant 1.000000e+00 : f32
    %broadcast_in_dim3A_269 = vector.broadcast %broadcast_in_dim3A_268 : f32 to vector<16xf32>
    %swap3A_270 = arith.constant 48 : index
    %swap3A_271 = tpu.vector_load %arg11[%swap3A_270] {strides = array<i32>} : memref<128xf32, #tpu.memory_space<vmem>>, vector<16xf32>,
    %swap3A_272 = vector.shape_cast %swap3A_271 : vector<16xf32> to vector<16xf32>
    %swap3A_273 = vector.shape_cast %broadcast_in_dim3A_269 : vector<16xf32> to vector<16xf32>
    tpu.vector_store %arg11[%swap3A_270], %swap3A_273 {strides = array<i32>} : memref<128xf32, #tpu.memory_space<vmem>>, vector<16xf32>,
    %broadcast_in_dim3A_274 = arith.constant 1.000000e+00 : f32
    %broadcast_in_dim3A_275 = vector.broadcast %broadcast_in_dim3A_274 : f32 to vector<16xf32>
    %swap3A_276 = arith.constant 64 : index
    %swap3A_277 = tpu.vector_load %arg11[%swap3A_276] {strides = array<i32>} : memref<128xf32, #tpu.memory_space<vmem>>, vector<16xf32>,
    %swap3A_278 = vector.shape_cast %swap3A_277 : vector<16xf32> to vector<16xf32>
    %swap3A_279 = vector.shape_cast %broadcast_in_dim3A_275 : vector<16xf32> to vector<16xf32>
    tpu.vector_store %arg11[%swap3A_276], %swap3A_279 {strides = array<i32>} : memref<128xf32, #tpu.memory_space<vmem>>, vector<16xf32>,
    %broadcast_in_dim3A_280 = arith.constant 1.000000e+00 : f32
    %broadcast_in_dim3A_281 = vector.broadcast %broadcast_in_dim3A_280 : f32 to vector<16xf32>
    %swap3A_282 = arith.constant 80 : index
    %swap3A_283 = tpu.vector_load %arg11[%swap3A_282] {strides = array<i32>} : memref<128xf32, #tpu.memory_space<vmem>>, vector<16xf32>,
    %swap3A_284 = vector.shape_cast %swap3A_283 : vector<16xf32> to vector<16xf32>
    %swap3A_285 = vector.shape_cast %broadcast_in_dim3A_281 : vector<16xf32> to vector<16xf32>
    tpu.vector_store %arg11[%swap3A_282], %swap3A_285 {strides = array<i32>} : memref<128xf32, #tpu.memory_space<vmem>>, vector<16xf32>,
    %broadcast_in_dim3A_286 = arith.constant 1.000000e+00 : f32
    %broadcast_in_dim3A_287 = vector.broadcast %broadcast_in_dim3A_286 : f32 to vector<16xf32>
    %swap3A_288 = arith.constant 96 : index
    %swap3A_289 = tpu.vector_load %arg11[%swap3A_288] {strides = array<i32>} : memref<128xf32, #tpu.memory_space<vmem>>, vector<16xf32>,
    %swap3A_290 = vector.shape_cast %swap3A_289 : vector<16xf32> to vector<16xf32>
    %swap3A_291 = vector.shape_cast %broadcast_in_dim3A_287 : vector<16xf32> to vector<16xf32>
    tpu.vector_store %arg11[%swap3A_288], %swap3A_291 {strides = array<i32>} : memref<128xf32, #tpu.memory_space<vmem>>, vector<16xf32>,
    %broadcast_in_dim3A_292 = arith.constant 1.000000e+00 : f32
    %broadcast_in_dim3A_293 = vector.broadcast %broadcast_in_dim3A_292 : f32 to vector<16xf32>
    %swap3A_294 = arith.constant 112 : index
    %swap3A_295 = tpu.vector_load %arg11[%swap3A_294] {strides = array<i32>} : memref<128xf32, #tpu.memory_space<vmem>>, vector<16xf32>,
    %swap3A_296 = vector.shape_cast %swap3A_295 : vector<16xf32> to vector<16xf32>
    %swap3A_297 = vector.shape_cast %broadcast_in_dim3A_293 : vector<16xf32> to vector<16xf32>
    tpu.vector_store %arg11[%swap3A_294], %swap3A_297 {strides = array<i32>} : memref<128xf32, #tpu.memory_space<vmem>>, vector<16xf32>,
    %run_scoped3A = arith.constant 0 : i32
    "tpu.region"() ({
      %run_scoped3A_1396 = tpu.sem_alloc : memref<!tpu.dma_semaphore, #tpu.memory_space<semaphore_mem>>
      %dma_start3A_1397 = arith.constant 0 : i32
      %dma_start3A_1398 = tpu.memref_slice %arg3[%run_scoped3A, %select_n3A, %dma_start3A_1397] : memref<2x2624x128xi32, #tpu.memory_space<hbm>> -> memref<1x112x128xi32, #tpu.memory_space<hbm>>
      %dma_start3A_1399 = tpu.memref_squeeze %dma_start3A_1398 : memref<1x112x128xi32, #tpu.memory_space<hbm>> -> memref<112x128xi32, #tpu.memory_space<hbm>>
      %dma_start3A_1400 = arith.constant 0 : i32
      %dma_start3A_1401 = tpu.memref_slice %arg3[%run_scoped3A, %select_n3A, %dma_start3A_1400] : memref<2x2624x128xi32, #tpu.memory_space<hbm>> -> memref<1x112x128xi32, #tpu.memory_space<hbm>>
      %dma_start3A_1402 = tpu.memref_squeeze %dma_start3A_1401 : memref<1x112x128xi32, #tpu.memory_space<hbm>> -> memref<112x128xi32, #tpu.memory_space<hbm>>
      tpu.enqueue_dma source(%dma_start3A_1402 : memref<112x128xi32, #tpu.memory_space<hbm>>) target(%arg8 : memref<112x128xi32, #tpu.memory_space<vmem>>) target_semaphore(%run_scoped3A_1396 : memref<!tpu.dma_semaphore, #tpu.memory_space<semaphore_mem>>)
      %dma_wait3A_1403 = arith.constant 0 : i32
      %dma_wait3A_1404 = tpu.memref_slice %arg3[%run_scoped3A, %select_n3A, %dma_wait3A_1403] : memref<2x2624x128xi32, #tpu.memory_space<hbm>> -> memref<1x112x128xi32, #tpu.memory_space<hbm>>
      %dma_wait3A_1405 = tpu.memref_squeeze %dma_wait3A_1404 : memref<1x112x128xi32, #tpu.memory_space<hbm>> -> memref<112x128xi32, #tpu.memory_space<hbm>>
      %dma_wait3A_1406 = arith.constant 0 : i32
      %dma_wait3A_1407 = tpu.memref_slice %arg3[%run_scoped3A, %select_n3A, %dma_wait3A_1406] : memref<2x2624x128xi32, #tpu.memory_space<hbm>> -> memref<1x112x128xi32, #tpu.memory_space<hbm>>
      %dma_wait3A_1408 = tpu.memref_squeeze %dma_wait3A_1407 : memref<1x112x128xi32, #tpu.memory_space<hbm>> -> memref<112x128xi32, #tpu.memory_space<hbm>>
      tpu.wait_dma2 semaphore(%run_scoped3A_1396 : memref<!tpu.dma_semaphore, #tpu.memory_space<semaphore_mem>>) src(%dma_wait3A_1408 : memref<112x128xi32, #tpu.memory_space<hbm>>) dst(%arg8 : memref<112x128xi32, #tpu.memory_space<vmem>>)
      tpu.yield
    }) : () -> ()
    %run_scoped3A_298 = arith.constant 1 : i32
    "tpu.region"() ({
      %run_scoped3A_1396 = tpu.sem_alloc : memref<!tpu.dma_semaphore, #tpu.memory_space<semaphore_mem>>
      %dma_start3A_1397 = arith.constant 0 : i32
      %dma_start3A_1398 = tpu.memref_slice %arg3[%run_scoped3A_298, %select_n3A, %dma_start3A_1397] : memref<2x2624x128xi32, #tpu.memory_space<hbm>> -> memref<1x112x128xi32, #tpu.memory_space<hbm>>
      %dma_start3A_1399 = tpu.memref_squeeze %dma_start3A_1398 : memref<1x112x128xi32, #tpu.memory_space<hbm>> -> memref<112x128xi32, #tpu.memory_space<hbm>>
      %dma_start3A_1400 = arith.constant 0 : i32
      %dma_start3A_1401 = tpu.memref_slice %arg3[%run_scoped3A_298, %select_n3A, %dma_start3A_1400] : memref<2x2624x128xi32, #tpu.memory_space<hbm>> -> memref<1x112x128xi32, #tpu.memory_space<hbm>>
      %dma_start3A_1402 = tpu.memref_squeeze %dma_start3A_1401 : memref<1x112x128xi32, #tpu.memory_space<hbm>> -> memref<112x128xi32, #tpu.memory_space<hbm>>
      tpu.enqueue_dma source(%dma_start3A_1402 : memref<112x128xi32, #tpu.memory_space<hbm>>) target(%arg9 : memref<112x128xi32, #tpu.memory_space<vmem>>) target_semaphore(%run_scoped3A_1396 : memref<!tpu.dma_semaphore, #tpu.memory_space<semaphore_mem>>)
      %dma_wait3A_1403 = arith.constant 0 : i32
      %dma_wait3A_1404 = tpu.memref_slice %arg3[%run_scoped3A_298, %select_n3A, %dma_wait3A_1403] : memref<2x2624x128xi32, #tpu.memory_space<hbm>> -> memref<1x112x128xi32, #tpu.memory_space<hbm>>
      %dma_wait3A_1405 = tpu.memref_squeeze %dma_wait3A_1404 : memref<1x112x128xi32, #tpu.memory_space<hbm>> -> memref<112x128xi32, #tpu.memory_space<hbm>>
      %dma_wait3A_1406 = arith.constant 0 : i32
      %dma_wait3A_1407 = tpu.memref_slice %arg3[%run_scoped3A_298, %select_n3A, %dma_wait3A_1406] : memref<2x2624x128xi32, #tpu.memory_space<hbm>> -> memref<1x112x128xi32, #tpu.memory_space<hbm>>
      %dma_wait3A_1408 = tpu.memref_squeeze %dma_wait3A_1407 : memref<1x112x128xi32, #tpu.memory_space<hbm>> -> memref<112x128xi32, #tpu.memory_space<hbm>>
      tpu.wait_dma2 semaphore(%run_scoped3A_1396 : memref<!tpu.dma_semaphore, #tpu.memory_space<semaphore_mem>>) src(%dma_wait3A_1408 : memref<112x128xi32, #tpu.memory_space<hbm>>) dst(%arg9 : memref<112x128xi32, #tpu.memory_space<vmem>>)
      tpu.yield
    }) : () -> ()
    %barrier3A = arith.constant 0 : index
    tpu.barrier barrier_id(%barrier3A)
    %dma_start3A = arith.constant 0 : i32
    %dma_start3A_299 = arith.constant 0 : i32
    %dma_start3A_300 = arith.constant 0 : i32
    %dma_start3A_301 = tpu.memref_slice %arg10[%dma_start3A_299, %dma_start3A_300] : memref<112x128xf32, #tpu.memory_space<vmem>> -> memref<1x128xf32, #tpu.memory_space<vmem>>
    %dma_start3A_302 = tpu.memref_squeeze %dma_start3A_301 : memref<1x128xf32, #tpu.memory_space<vmem>> -> memref<128xf32, #tpu.memory_space<vmem>>
    %dma_start3A_303 = arith.constant 0 : i32
    %dma_start3A_304 = tpu.memref_slice %arg8[%dma_start3A, %dma_start3A_303] : memref<112x128xi32, #tpu.memory_space<vmem>> -> memref<1x128xi32, #tpu.memory_space<vmem>>
    %dma_start3A_305 = tpu.memref_squeeze %dma_start3A_304 : memref<1x128xi32, #tpu.memory_space<vmem>> -> memref<128xi32, #tpu.memory_space<vmem>>
    %dma_start3A_306 = arith.constant 0 : i32
    %dma_start3A_307 = tpu.memref_slice %arg19[%dma_start3A_306] : memref<10240xf32, #tpu.memory_space<vmem_shared>> -> memref<10240xf32, #tpu.memory_space<vmem_shared>>
    tpu.enqueue_indirect_dma source(%dma_start3A_307 : memref<10240xf32, #tpu.memory_space<vmem_shared>>) target(%dma_start3A_302 : memref<128xf32, #tpu.memory_space<vmem>>) offsets(%dma_start3A_305 : memref<128xi32, #tpu.memory_space<vmem>>) semaphore(%arg22 : memref<!tpu.dma_semaphore, #tpu.memory_space<semaphore_mem>>)
    %dma_start3A_308 = arith.constant 0 : i32
    %dma_start3A_309 = arith.constant 0 : i32
    %dma_start3A_310 = tpu.memref_slice %arg9[%dma_start3A_308, %dma_start3A_309] : memref<112x128xi32, #tpu.memory_space<vmem>> -> memref<1x128xi32, #tpu.memory_space<vmem>>
    %dma_start3A_311 = tpu.memref_squeeze %dma_start3A_310 : memref<1x128xi32, #tpu.memory_space<vmem>> -> memref<128xi32, #tpu.memory_space<vmem>>
    %dma_start3A_312 = arith.constant 0 : i32
    %dma_start3A_313 = tpu.memref_slice %arg21[%dma_start3A_312] : memref<10240xf32, #tpu.memory_space<vmem_shared>> -> memref<10240xf32, #tpu.memory_space<vmem_shared>>
    tpu.enqueue_indirect_dma source(%arg11 : memref<128xf32, #tpu.memory_space<vmem>>) target(%dma_start3A_313 : memref<10240xf32, #tpu.memory_space<vmem_shared>>) offsets(%dma_start3A_311 : memref<128xi32, #tpu.memory_space<vmem>>) semaphore(%arg23 : memref<!tpu.dma_semaphore, #tpu.memory_space<semaphore_mem>>) {add = true}
    %dma_start3A_314 = arith.constant 1 : i32
    %dma_start3A_315 = arith.constant 1 : i32
    %dma_start3A_316 = arith.constant 0 : i32
    %dma_start3A_317 = tpu.memref_slice %arg10[%dma_start3A_315, %dma_start3A_316] : memref<112x128xf32, #tpu.memory_space<vmem>> -> memref<1x128xf32, #tpu.memory_space<vmem>>
    %dma_start3A_318 = tpu.memref_squeeze %dma_start3A_317 : memref<1x128xf32, #tpu.memory_space<vmem>> -> memref<128xf32, #tpu.memory_space<vmem>>
    %dma_start3A_319 = arith.constant 0 : i32
    %dma_start3A_320 = tpu.memref_slice %arg8[%dma_start3A_314, %dma_start3A_319] : memref<112x128xi32, #tpu.memory_space<vmem>> -> memref<1x128xi32, #tpu.memory_space<vmem>>
    %dma_start3A_321 = tpu.memref_squeeze %dma_start3A_320 : memref<1x128xi32, #tpu.memory_space<vmem>> -> memref<128xi32, #tpu.memory_space<vmem>>
    %dma_start3A_322 = arith.constant 0 : i32
    %dma_start3A_323 = tpu.memref_slice %arg19[%dma_start3A_322] : memref<10240xf32, #tpu.memory_space<vmem_shared>> -> memref<10240xf32, #tpu.memory_space<vmem_shared>>
    tpu.enqueue_indirect_dma source(%dma_start3A_323 : memref<10240xf32, #tpu.memory_space<vmem_shared>>) target(%dma_start3A_318 : memref<128xf32, #tpu.memory_space<vmem>>) offsets(%dma_start3A_321 : memref<128xi32, #tpu.memory_space<vmem>>) semaphore(%arg22 : memref<!tpu.dma_semaphore, #tpu.memory_space<semaphore_mem>>)
    %dma_start3A_324 = arith.constant 1 : i32
    %dma_start3A_325 = arith.constant 0 : i32
    %dma_start3A_326 = tpu.memref_slice %arg9[%dma_start3A_324, %dma_start3A_325] : memref<112x128xi32, #tpu.memory_space<vmem>> -> memref<1x128xi32, #tpu.memory_space<vmem>>
    %dma_start3A_327 = tpu.memref_squeeze %dma_start3A_326 : memref<1x128xi32, #tpu.memory_space<vmem>> -> memref<128xi32, #tpu.memory_space<vmem>>
    %dma_start3A_328 = arith.constant 0 : i32
    %dma_start3A_329 = tpu.memref_slice %arg21[%dma_start3A_328] : memref<10240xf32, #tpu.memory_space<vmem_shared>> -> memref<10240xf32, #tpu.memory_space<vmem_shared>>
    tpu.enqueue_indirect_dma source(%arg11 : memref<128xf32, #tpu.memory_space<vmem>>) target(%dma_start3A_329 : memref<10240xf32, #tpu.memory_space<vmem_shared>>) offsets(%dma_start3A_327 : memref<128xi32, #tpu.memory_space<vmem>>) semaphore(%arg23 : memref<!tpu.dma_semaphore, #tpu.memory_space<semaphore_mem>>) {add = true}
    %dma_start3A_330 = arith.constant 2 : i32
    %dma_start3A_331 = arith.constant 2 : i32
    %dma_start3A_332 = arith.constant 0 : i32
    %dma_start3A_333 = tpu.memref_slice %arg10[%dma_start3A_331, %dma_start3A_332] : memref<112x128xf32, #tpu.memory_space<vmem>> -> memref<1x128xf32, #tpu.memory_space<vmem>>
    %dma_start3A_334 = tpu.memref_squeeze %dma_start3A_333 : memref<1x128xf32, #tpu.memory_space<vmem>> -> memref<128xf32, #tpu.memory_space<vmem>>
    %dma_start3A_335 = arith.constant 0 : i32
    %dma_start3A_336 = tpu.memref_slice %arg8[%dma_start3A_330, %dma_start3A_335] : memref<112x128xi32, #tpu.memory_space<vmem>> -> memref<1x128xi32, #tpu.memory_space<vmem>>
    %dma_start3A_337 = tpu.memref_squeeze %dma_start3A_336 : memref<1x128xi32, #tpu.memory_space<vmem>> -> memref<128xi32, #tpu.memory_space<vmem>>
    %dma_start3A_338 = arith.constant 0 : i32
    %dma_start3A_339 = tpu.memref_slice %arg19[%dma_start3A_338] : memref<10240xf32, #tpu.memory_space<vmem_shared>> -> memref<10240xf32, #tpu.memory_space<vmem_shared>>
    tpu.enqueue_indirect_dma source(%dma_start3A_339 : memref<10240xf32, #tpu.memory_space<vmem_shared>>) target(%dma_start3A_334 : memref<128xf32, #tpu.memory_space<vmem>>) offsets(%dma_start3A_337 : memref<128xi32, #tpu.memory_space<vmem>>) semaphore(%arg22 : memref<!tpu.dma_semaphore, #tpu.memory_space<semaphore_mem>>)
    %dma_start3A_340 = arith.constant 2 : i32
    %dma_start3A_341 = arith.constant 0 : i32
    %dma_start3A_342 = tpu.memref_slice %arg9[%dma_start3A_340, %dma_start3A_341] : memref<112x128xi32, #tpu.memory_space<vmem>> -> memref<1x128xi32, #tpu.memory_space<vmem>>
    %dma_start3A_343 = tpu.memref_squeeze %dma_start3A_342 : memref<1x128xi32, #tpu.memory_space<vmem>> -> memref<128xi32, #tpu.memory_space<vmem>>
    %dma_start3A_344 = arith.constant 0 : i32
    %dma_start3A_345 = tpu.memref_slice %arg21[%dma_start3A_344] : memref<10240xf32, #tpu.memory_space<vmem_shared>> -> memref<10240xf32, #tpu.memory_space<vmem_shared>>
    tpu.enqueue_indirect_dma source(%arg11 : memref<128xf32, #tpu.memory_space<vmem>>) target(%dma_start3A_345 : memref<10240xf32, #tpu.memory_space<vmem_shared>>) offsets(%dma_start3A_343 : memref<128xi32, #tpu.memory_space<vmem>>) semaphore(%arg23 : memref<!tpu.dma_semaphore, #tpu.memory_space<semaphore_mem>>) {add = true}
    %dma_start3A_346 = arith.constant 3 : i32
    %dma_start3A_347 = arith.constant 3 : i32
    %dma_start3A_348 = arith.constant 0 : i32
    %dma_start3A_349 = tpu.memref_slice %arg10[%dma_start3A_347, %dma_start3A_348] : memref<112x128xf32, #tpu.memory_space<vmem>> -> memref<1x128xf32, #tpu.memory_space<vmem>>
    %dma_start3A_350 = tpu.memref_squeeze %dma_start3A_349 : memref<1x128xf32, #tpu.memory_space<vmem>> -> memref<128xf32, #tpu.memory_space<vmem>>
    %dma_start3A_351 = arith.constant 0 : i32
    %dma_start3A_352 = tpu.memref_slice %arg8[%dma_start3A_346, %dma_start3A_351] : memref<112x128xi32, #tpu.memory_space<vmem>> -> memref<1x128xi32, #tpu.memory_space<vmem>>
    %dma_start3A_353 = tpu.memref_squeeze %dma_start3A_352 : memref<1x128xi32, #tpu.memory_space<vmem>> -> memref<128xi32, #tpu.memory_space<vmem>>
    %dma_start3A_354 = arith.constant 0 : i32
    %dma_start3A_355 = tpu.memref_slice %arg19[%dma_start3A_354] : memref<10240xf32, #tpu.memory_space<vmem_shared>> -> memref<10240xf32, #tpu.memory_space<vmem_shared>>
    tpu.enqueue_indirect_dma source(%dma_start3A_355 : memref<10240xf32, #tpu.memory_space<vmem_shared>>) target(%dma_start3A_350 : memref<128xf32, #tpu.memory_space<vmem>>) offsets(%dma_start3A_353 : memref<128xi32, #tpu.memory_space<vmem>>) semaphore(%arg22 : memref<!tpu.dma_semaphore, #tpu.memory_space<semaphore_mem>>)
    %dma_start3A_356 = arith.constant 3 : i32
    %dma_start3A_357 = arith.constant 0 : i32
    %dma_start3A_358 = tpu.memref_slice %arg9[%dma_start3A_356, %dma_start3A_357] : memref<112x128xi32, #tpu.memory_space<vmem>> -> memref<1x128xi32, #tpu.memory_space<vmem>>
    %dma_start3A_359 = tpu.memref_squeeze %dma_start3A_358 : memref<1x128xi32, #tpu.memory_space<vmem>> -> memref<128xi32, #tpu.memory_space<vmem>>
    %dma_start3A_360 = arith.constant 0 : i32
    %dma_start3A_361 = tpu.memref_slice %arg21[%dma_start3A_360] : memref<10240xf32, #tpu.memory_space<vmem_shared>> -> memref<10240xf32, #tpu.memory_space<vmem_shared>>
    tpu.enqueue_indirect_dma source(%arg11 : memref<128xf32, #tpu.memory_space<vmem>>) target(%dma_start3A_361 : memref<10240xf32, #tpu.memory_space<vmem_shared>>) offsets(%dma_start3A_359 : memref<128xi32, #tpu.memory_space<vmem>>) semaphore(%arg23 : memref<!tpu.dma_semaphore, #tpu.memory_space<semaphore_mem>>) {add = true}
    %dma_start3A_362 = arith.constant 4 : i32
    %dma_start3A_363 = arith.constant 4 : i32
    %dma_start3A_364 = arith.constant 0 : i32
    %dma_start3A_365 = tpu.memref_slice %arg10[%dma_start3A_363, %dma_start3A_364] : memref<112x128xf32, #tpu.memory_space<vmem>> -> memref<1x128xf32, #tpu.memory_space<vmem>>
    %dma_start3A_366 = tpu.memref_squeeze %dma_start3A_365 : memref<1x128xf32, #tpu.memory_space<vmem>> -> memref<128xf32, #tpu.memory_space<vmem>>
    %dma_start3A_367 = arith.constant 0 : i32
    %dma_start3A_368 = tpu.memref_slice %arg8[%dma_start3A_362, %dma_start3A_367] : memref<112x128xi32, #tpu.memory_space<vmem>> -> memref<1x128xi32, #tpu.memory_space<vmem>>
    %dma_start3A_369 = tpu.memref_squeeze %dma_start3A_368 : memref<1x128xi32, #tpu.memory_space<vmem>> -> memref<128xi32, #tpu.memory_space<vmem>>
    %dma_start3A_370 = arith.constant 0 : i32
    %dma_start3A_371 = tpu.memref_slice %arg19[%dma_start3A_370] : memref<10240xf32, #tpu.memory_space<vmem_shared>> -> memref<10240xf32, #tpu.memory_space<vmem_shared>>
    tpu.enqueue_indirect_dma source(%dma_start3A_371 : memref<10240xf32, #tpu.memory_space<vmem_shared>>) target(%dma_start3A_366 : memref<128xf32, #tpu.memory_space<vmem>>) offsets(%dma_start3A_369 : memref<128xi32, #tpu.memory_space<vmem>>) semaphore(%arg22 : memref<!tpu.dma_semaphore, #tpu.memory_space<semaphore_mem>>)
    %dma_start3A_372 = arith.constant 4 : i32
    %dma_start3A_373 = arith.constant 0 : i32
    %dma_start3A_374 = tpu.memref_slice %arg9[%dma_start3A_372, %dma_start3A_373] : memref<112x128xi32, #tpu.memory_space<vmem>> -> memref<1x128xi32, #tpu.memory_space<vmem>>
    %dma_start3A_375 = tpu.memref_squeeze %dma_start3A_374 : memref<1x128xi32, #tpu.memory_space<vmem>> -> memref<128xi32, #tpu.memory_space<vmem>>
    %dma_start3A_376 = arith.constant 0 : i32
    %dma_start3A_377 = tpu.memref_slice %arg21[%dma_start3A_376] : memref<10240xf32, #tpu.memory_space<vmem_shared>> -> memref<10240xf32, #tpu.memory_space<vmem_shared>>
    tpu.enqueue_indirect_dma source(%arg11 : memref<128xf32, #tpu.memory_space<vmem>>) target(%dma_start3A_377 : memref<10240xf32, #tpu.memory_space<vmem_shared>>) offsets(%dma_start3A_375 : memref<128xi32, #tpu.memory_space<vmem>>) semaphore(%arg23 : memref<!tpu.dma_semaphore, #tpu.memory_space<semaphore_mem>>) {add = true}
    %dma_start3A_378 = arith.constant 5 : i32
    %dma_start3A_379 = arith.constant 5 : i32
    %dma_start3A_380 = arith.constant 0 : i32
    %dma_start3A_381 = tpu.memref_slice %arg10[%dma_start3A_379, %dma_start3A_380] : memref<112x128xf32, #tpu.memory_space<vmem>> -> memref<1x128xf32, #tpu.memory_space<vmem>>
    %dma_start3A_382 = tpu.memref_squeeze %dma_start3A_381 : memref<1x128xf32, #tpu.memory_space<vmem>> -> memref<128xf32, #tpu.memory_space<vmem>>
    %dma_start3A_383 = arith.constant 0 : i32
    %dma_start3A_384 = tpu.memref_slice %arg8[%dma_start3A_378, %dma_start3A_383] : memref<112x128xi32, #tpu.memory_space<vmem>> -> memref<1x128xi32, #tpu.memory_space<vmem>>
    %dma_start3A_385 = tpu.memref_squeeze %dma_start3A_384 : memref<1x128xi32, #tpu.memory_space<vmem>> -> memref<128xi32, #tpu.memory_space<vmem>>
    %dma_start3A_386 = arith.constant 0 : i32
    %dma_start3A_387 = tpu.memref_slice %arg19[%dma_start3A_386] : memref<10240xf32, #tpu.memory_space<vmem_shared>> -> memref<10240xf32, #tpu.memory_space<vmem_shared>>
    tpu.enqueue_indirect_dma source(%dma_start3A_387 : memref<10240xf32, #tpu.memory_space<vmem_shared>>) target(%dma_start3A_382 : memref<128xf32, #tpu.memory_space<vmem>>) offsets(%dma_start3A_385 : memref<128xi32, #tpu.memory_space<vmem>>) semaphore(%arg22 : memref<!tpu.dma_semaphore, #tpu.memory_space<semaphore_mem>>)
    %dma_start3A_388 = arith.constant 5 : i32
    %dma_start3A_389 = arith.constant 0 : i32
    %dma_start3A_390 = tpu.memref_slice %arg9[%dma_start3A_388, %dma_start3A_389] : memref<112x128xi32, #tpu.memory_space<vmem>> -> memref<1x128xi32, #tpu.memory_space<vmem>>
    %dma_start3A_391 = tpu.memref_squeeze %dma_start3A_390 : memref<1x128xi32, #tpu.memory_space<vmem>> -> memref<128xi32, #tpu.memory_space<vmem>>
    %dma_start3A_392 = arith.constant 0 : i32
    %dma_start3A_393 = tpu.memref_slice %arg21[%dma_start3A_392] : memref<10240xf32, #tpu.memory_space<vmem_shared>> -> memref<10240xf32, #tpu.memory_space<vmem_shared>>
    tpu.enqueue_indirect_dma source(%arg11 : memref<128xf32, #tpu.memory_space<vmem>>) target(%dma_start3A_393 : memref<10240xf32, #tpu.memory_space<vmem_shared>>) offsets(%dma_start3A_391 : memref<128xi32, #tpu.memory_space<vmem>>) semaphore(%arg23 : memref<!tpu.dma_semaphore, #tpu.memory_space<semaphore_mem>>) {add = true}
    %dma_start3A_394 = arith.constant 6 : i32
    %dma_start3A_395 = arith.constant 6 : i32
    %dma_start3A_396 = arith.constant 0 : i32
    %dma_start3A_397 = tpu.memref_slice %arg10[%dma_start3A_395, %dma_start3A_396] : memref<112x128xf32, #tpu.memory_space<vmem>> -> memref<1x128xf32, #tpu.memory_space<vmem>>
    %dma_start3A_398 = tpu.memref_squeeze %dma_start3A_397 : memref<1x128xf32, #tpu.memory_space<vmem>> -> memref<128xf32, #tpu.memory_space<vmem>>
    %dma_start3A_399 = arith.constant 0 : i32
    %dma_start3A_400 = tpu.memref_slice %arg8[%dma_start3A_394, %dma_start3A_399] : memref<112x128xi32, #tpu.memory_space<vmem>> -> memref<1x128xi32, #tpu.memory_space<vmem>>
    %dma_start3A_401 = tpu.memref_squeeze %dma_start3A_400 : memref<1x128xi32, #tpu.memory_space<vmem>> -> memref<128xi32, #tpu.memory_space<vmem>>
    %dma_start3A_402 = arith.constant 0 : i32
    %dma_start3A_403 = tpu.memref_slice %arg19[%dma_start3A_402] : memref<10240xf32, #tpu.memory_space<vmem_shared>> -> memref<10240xf32, #tpu.memory_space<vmem_shared>>
    tpu.enqueue_indirect_dma source(%dma_start3A_403 : memref<10240xf32, #tpu.memory_space<vmem_shared>>) target(%dma_start3A_398 : memref<128xf32, #tpu.memory_space<vmem>>) offsets(%dma_start3A_401 : memref<128xi32, #tpu.memory_space<vmem>>) semaphore(%arg22 : memref<!tpu.dma_semaphore, #tpu.memory_space<semaphore_mem>>)
    %dma_start3A_404 = arith.constant 6 : i32
    %dma_start3A_405 = arith.constant 0 : i32
    %dma_start3A_406 = tpu.memref_slice %arg9[%dma_start3A_404, %dma_start3A_405] : memref<112x128xi32, #tpu.memory_space<vmem>> -> memref<1x128xi32, #tpu.memory_space<vmem>>
    %dma_start3A_407 = tpu.memref_squeeze %dma_start3A_406 : memref<1x128xi32, #tpu.memory_space<vmem>> -> memref<128xi32, #tpu.memory_space<vmem>>
    %dma_start3A_408 = arith.constant 0 : i32
    %dma_start3A_409 = tpu.memref_slice %arg21[%dma_start3A_408] : memref<10240xf32, #tpu.memory_space<vmem_shared>> -> memref<10240xf32, #tpu.memory_space<vmem_shared>>
    tpu.enqueue_indirect_dma source(%arg11 : memref<128xf32, #tpu.memory_space<vmem>>) target(%dma_start3A_409 : memref<10240xf32, #tpu.memory_space<vmem_shared>>) offsets(%dma_start3A_407 : memref<128xi32, #tpu.memory_space<vmem>>) semaphore(%arg23 : memref<!tpu.dma_semaphore, #tpu.memory_space<semaphore_mem>>) {add = true}
    %dma_start3A_410 = arith.constant 7 : i32
    %dma_start3A_411 = arith.constant 7 : i32
    %dma_start3A_412 = arith.constant 0 : i32
    %dma_start3A_413 = tpu.memref_slice %arg10[%dma_start3A_411, %dma_start3A_412] : memref<112x128xf32, #tpu.memory_space<vmem>> -> memref<1x128xf32, #tpu.memory_space<vmem>>
    %dma_start3A_414 = tpu.memref_squeeze %dma_start3A_413 : memref<1x128xf32, #tpu.memory_space<vmem>> -> memref<128xf32, #tpu.memory_space<vmem>>
    %dma_start3A_415 = arith.constant 0 : i32
    %dma_start3A_416 = tpu.memref_slice %arg8[%dma_start3A_410, %dma_start3A_415] : memref<112x128xi32, #tpu.memory_space<vmem>> -> memref<1x128xi32, #tpu.memory_space<vmem>>
    %dma_start3A_417 = tpu.memref_squeeze %dma_start3A_416 : memref<1x128xi32, #tpu.memory_space<vmem>> -> memref<128xi32, #tpu.memory_space<vmem>>
    %dma_start3A_418 = arith.constant 0 : i32
    %dma_start3A_419 = tpu.memref_slice %arg19[%dma_start3A_418] : memref<10240xf32, #tpu.memory_space<vmem_shared>> -> memref<10240xf32, #tpu.memory_space<vmem_shared>>
    tpu.enqueue_indirect_dma source(%dma_start3A_419 : memref<10240xf32, #tpu.memory_space<vmem_shared>>) target(%dma_start3A_414 : memref<128xf32, #tpu.memory_space<vmem>>) offsets(%dma_start3A_417 : memref<128xi32, #tpu.memory_space<vmem>>) semaphore(%arg22 : memref<!tpu.dma_semaphore, #tpu.memory_space<semaphore_mem>>)
    %dma_start3A_420 = arith.constant 7 : i32
    %dma_start3A_421 = arith.constant 0 : i32
    %dma_start3A_422 = tpu.memref_slice %arg9[%dma_start3A_420, %dma_start3A_421] : memref<112x128xi32, #tpu.memory_space<vmem>> -> memref<1x128xi32, #tpu.memory_space<vmem>>
    %dma_start3A_423 = tpu.memref_squeeze %dma_start3A_422 : memref<1x128xi32, #tpu.memory_space<vmem>> -> memref<128xi32, #tpu.memory_space<vmem>>
    %dma_start3A_424 = arith.constant 0 : i32
    %dma_start3A_425 = tpu.memref_slice %arg21[%dma_start3A_424] : memref<10240xf32, #tpu.memory_space<vmem_shared>> -> memref<10240xf32, #tpu.memory_space<vmem_shared>>
    tpu.enqueue_indirect_dma source(%arg11 : memref<128xf32, #tpu.memory_space<vmem>>) target(%dma_start3A_425 : memref<10240xf32, #tpu.memory_space<vmem_shared>>) offsets(%dma_start3A_423 : memref<128xi32, #tpu.memory_space<vmem>>) semaphore(%arg23 : memref<!tpu.dma_semaphore, #tpu.memory_space<semaphore_mem>>) {add = true}
    %dma_start3A_426 = arith.constant 8 : i32
    %dma_start3A_427 = arith.constant 8 : i32
    %dma_start3A_428 = arith.constant 0 : i32
    %dma_start3A_429 = tpu.memref_slice %arg10[%dma_start3A_427, %dma_start3A_428] : memref<112x128xf32, #tpu.memory_space<vmem>> -> memref<1x128xf32, #tpu.memory_space<vmem>>
    %dma_start3A_430 = tpu.memref_squeeze %dma_start3A_429 : memref<1x128xf32, #tpu.memory_space<vmem>> -> memref<128xf32, #tpu.memory_space<vmem>>
    %dma_start3A_431 = arith.constant 0 : i32
    %dma_start3A_432 = tpu.memref_slice %arg8[%dma_start3A_426, %dma_start3A_431] : memref<112x128xi32, #tpu.memory_space<vmem>> -> memref<1x128xi32, #tpu.memory_space<vmem>>
    %dma_start3A_433 = tpu.memref_squeeze %dma_start3A_432 : memref<1x128xi32, #tpu.memory_space<vmem>> -> memref<128xi32, #tpu.memory_space<vmem>>
    %dma_start3A_434 = arith.constant 0 : i32
    %dma_start3A_435 = tpu.memref_slice %arg19[%dma_start3A_434] : memref<10240xf32, #tpu.memory_space<vmem_shared>> -> memref<10240xf32, #tpu.memory_space<vmem_shared>>
    tpu.enqueue_indirect_dma source(%dma_start3A_435 : memref<10240xf32, #tpu.memory_space<vmem_shared>>) target(%dma_start3A_430 : memref<128xf32, #tpu.memory_space<vmem>>) offsets(%dma_start3A_433 : memref<128xi32, #tpu.memory_space<vmem>>) semaphore(%arg22 : memref<!tpu.dma_semaphore, #tpu.memory_space<semaphore_mem>>)
    %dma_start3A_436 = arith.constant 8 : i32
    %dma_start3A_437 = arith.constant 0 : i32
    %dma_start3A_438 = tpu.memref_slice %arg9[%dma_start3A_436, %dma_start3A_437] : memref<112x128xi32, #tpu.memory_space<vmem>> -> memref<1x128xi32, #tpu.memory_space<vmem>>
    %dma_start3A_439 = tpu.memref_squeeze %dma_start3A_438 : memref<1x128xi32, #tpu.memory_space<vmem>> -> memref<128xi32, #tpu.memory_space<vmem>>
    %dma_start3A_440 = arith.constant 0 : i32
    %dma_start3A_441 = tpu.memref_slice %arg21[%dma_start3A_440] : memref<10240xf32, #tpu.memory_space<vmem_shared>> -> memref<10240xf32, #tpu.memory_space<vmem_shared>>
    tpu.enqueue_indirect_dma source(%arg11 : memref<128xf32, #tpu.memory_space<vmem>>) target(%dma_start3A_441 : memref<10240xf32, #tpu.memory_space<vmem_shared>>) offsets(%dma_start3A_439 : memref<128xi32, #tpu.memory_space<vmem>>) semaphore(%arg23 : memref<!tpu.dma_semaphore, #tpu.memory_space<semaphore_mem>>) {add = true}
    %dma_start3A_442 = arith.constant 9 : i32
    %dma_start3A_443 = arith.constant 9 : i32
    %dma_start3A_444 = arith.constant 0 : i32
    %dma_start3A_445 = tpu.memref_slice %arg10[%dma_start3A_443, %dma_start3A_444] : memref<112x128xf32, #tpu.memory_space<vmem>> -> memref<1x128xf32, #tpu.memory_space<vmem>>
    %dma_start3A_446 = tpu.memref_squeeze %dma_start3A_445 : memref<1x128xf32, #tpu.memory_space<vmem>> -> memref<128xf32, #tpu.memory_space<vmem>>
    %dma_start3A_447 = arith.constant 0 : i32
    %dma_start3A_448 = tpu.memref_slice %arg8[%dma_start3A_442, %dma_start3A_447] : memref<112x128xi32, #tpu.memory_space<vmem>> -> memref<1x128xi32, #tpu.memory_space<vmem>>
    %dma_start3A_449 = tpu.memref_squeeze %dma_start3A_448 : memref<1x128xi32, #tpu.memory_space<vmem>> -> memref<128xi32, #tpu.memory_space<vmem>>
    %dma_start3A_450 = arith.constant 0 : i32
    %dma_start3A_451 = tpu.memref_slice %arg19[%dma_start3A_450] : memref<10240xf32, #tpu.memory_space<vmem_shared>> -> memref<10240xf32, #tpu.memory_space<vmem_shared>>
    tpu.enqueue_indirect_dma source(%dma_start3A_451 : memref<10240xf32, #tpu.memory_space<vmem_shared>>) target(%dma_start3A_446 : memref<128xf32, #tpu.memory_space<vmem>>) offsets(%dma_start3A_449 : memref<128xi32, #tpu.memory_space<vmem>>) semaphore(%arg22 : memref<!tpu.dma_semaphore, #tpu.memory_space<semaphore_mem>>)
    %dma_start3A_452 = arith.constant 9 : i32
    %dma_start3A_453 = arith.constant 0 : i32
    %dma_start3A_454 = tpu.memref_slice %arg9[%dma_start3A_452, %dma_start3A_453] : memref<112x128xi32, #tpu.memory_space<vmem>> -> memref<1x128xi32, #tpu.memory_space<vmem>>
    %dma_start3A_455 = tpu.memref_squeeze %dma_start3A_454 : memref<1x128xi32, #tpu.memory_space<vmem>> -> memref<128xi32, #tpu.memory_space<vmem>>
    %dma_start3A_456 = arith.constant 0 : i32
    %dma_start3A_457 = tpu.memref_slice %arg21[%dma_start3A_456] : memref<10240xf32, #tpu.memory_space<vmem_shared>> -> memref<10240xf32, #tpu.memory_space<vmem_shared>>
    tpu.enqueue_indirect_dma source(%arg11 : memref<128xf32, #tpu.memory_space<vmem>>) target(%dma_start3A_457 : memref<10240xf32, #tpu.memory_space<vmem_shared>>) offsets(%dma_start3A_455 : memref<128xi32, #tpu.memory_space<vmem>>) semaphore(%arg23 : memref<!tpu.dma_semaphore, #tpu.memory_space<semaphore_mem>>) {add = true}
    %dma_start3A_458 = arith.constant 10 : i32
    %dma_start3A_459 = arith.constant 10 : i32
    %dma_start3A_460 = arith.constant 0 : i32
    %dma_start3A_461 = tpu.memref_slice %arg10[%dma_start3A_459, %dma_start3A_460] : memref<112x128xf32, #tpu.memory_space<vmem>> -> memref<1x128xf32, #tpu.memory_space<vmem>>
    %dma_start3A_462 = tpu.memref_squeeze %dma_start3A_461 : memref<1x128xf32, #tpu.memory_space<vmem>> -> memref<128xf32, #tpu.memory_space<vmem>>
    %dma_start3A_463 = arith.constant 0 : i32
    %dma_start3A_464 = tpu.memref_slice %arg8[%dma_start3A_458, %dma_start3A_463] : memref<112x128xi32, #tpu.memory_space<vmem>> -> memref<1x128xi32, #tpu.memory_space<vmem>>
    %dma_start3A_465 = tpu.memref_squeeze %dma_start3A_464 : memref<1x128xi32, #tpu.memory_space<vmem>> -> memref<128xi32, #tpu.memory_space<vmem>>
    %dma_start3A_466 = arith.constant 0 : i32
    %dma_start3A_467 = tpu.memref_slice %arg19[%dma_start3A_466] : memref<10240xf32, #tpu.memory_space<vmem_shared>> -> memref<10240xf32, #tpu.memory_space<vmem_shared>>
    tpu.enqueue_indirect_dma source(%dma_start3A_467 : memref<10240xf32, #tpu.memory_space<vmem_shared>>) target(%dma_start3A_462 : memref<128xf32, #tpu.memory_space<vmem>>) offsets(%dma_start3A_465 : memref<128xi32, #tpu.memory_space<vmem>>) semaphore(%arg22 : memref<!tpu.dma_semaphore, #tpu.memory_space<semaphore_mem>>)
    %dma_start3A_468 = arith.constant 10 : i32
    %dma_start3A_469 = arith.constant 0 : i32
    %dma_start3A_470 = tpu.memref_slice %arg9[%dma_start3A_468, %dma_start3A_469] : memref<112x128xi32, #tpu.memory_space<vmem>> -> memref<1x128xi32, #tpu.memory_space<vmem>>
    %dma_start3A_471 = tpu.memref_squeeze %dma_start3A_470 : memref<1x128xi32, #tpu.memory_space<vmem>> -> memref<128xi32, #tpu.memory_space<vmem>>
    %dma_start3A_472 = arith.constant 0 : i32
    %dma_start3A_473 = tpu.memref_slice %arg21[%dma_start3A_472] : memref<10240xf32, #tpu.memory_space<vmem_shared>> -> memref<10240xf32, #tpu.memory_space<vmem_shared>>
    tpu.enqueue_indirect_dma source(%arg11 : memref<128xf32, #tpu.memory_space<vmem>>) target(%dma_start3A_473 : memref<10240xf32, #tpu.memory_space<vmem_shared>>) offsets(%dma_start3A_471 : memref<128xi32, #tpu.memory_space<vmem>>) semaphore(%arg23 : memref<!tpu.dma_semaphore, #tpu.memory_space<semaphore_mem>>) {add = true}
    %dma_start3A_474 = arith.constant 11 : i32
    %dma_start3A_475 = arith.constant 11 : i32
    %dma_start3A_476 = arith.constant 0 : i32
    %dma_start3A_477 = tpu.memref_slice %arg10[%dma_start3A_475, %dma_start3A_476] : memref<112x128xf32, #tpu.memory_space<vmem>> -> memref<1x128xf32, #tpu.memory_space<vmem>>
    %dma_start3A_478 = tpu.memref_squeeze %dma_start3A_477 : memref<1x128xf32, #tpu.memory_space<vmem>> -> memref<128xf32, #tpu.memory_space<vmem>>
    %dma_start3A_479 = arith.constant 0 : i32
    %dma_start3A_480 = tpu.memref_slice %arg8[%dma_start3A_474, %dma_start3A_479] : memref<112x128xi32, #tpu.memory_space<vmem>> -> memref<1x128xi32, #tpu.memory_space<vmem>>
    %dma_start3A_481 = tpu.memref_squeeze %dma_start3A_480 : memref<1x128xi32, #tpu.memory_space<vmem>> -> memref<128xi32, #tpu.memory_space<vmem>>
    %dma_start3A_482 = arith.constant 0 : i32
    %dma_start3A_483 = tpu.memref_slice %arg19[%dma_start3A_482] : memref<10240xf32, #tpu.memory_space<vmem_shared>> -> memref<10240xf32, #tpu.memory_space<vmem_shared>>
    tpu.enqueue_indirect_dma source(%dma_start3A_483 : memref<10240xf32, #tpu.memory_space<vmem_shared>>) target(%dma_start3A_478 : memref<128xf32, #tpu.memory_space<vmem>>) offsets(%dma_start3A_481 : memref<128xi32, #tpu.memory_space<vmem>>) semaphore(%arg22 : memref<!tpu.dma_semaphore, #tpu.memory_space<semaphore_mem>>)
    %dma_start3A_484 = arith.constant 11 : i32
    %dma_start3A_485 = arith.constant 0 : i32
    %dma_start3A_486 = tpu.memref_slice %arg9[%dma_start3A_484, %dma_start3A_485] : memref<112x128xi32, #tpu.memory_space<vmem>> -> memref<1x128xi32, #tpu.memory_space<vmem>>
    %dma_start3A_487 = tpu.memref_squeeze %dma_start3A_486 : memref<1x128xi32, #tpu.memory_space<vmem>> -> memref<128xi32, #tpu.memory_space<vmem>>
    %dma_start3A_488 = arith.constant 0 : i32
    %dma_start3A_489 = tpu.memref_slice %arg21[%dma_start3A_488] : memref<10240xf32, #tpu.memory_space<vmem_shared>> -> memref<10240xf32, #tpu.memory_space<vmem_shared>>
    tpu.enqueue_indirect_dma source(%arg11 : memref<128xf32, #tpu.memory_space<vmem>>) target(%dma_start3A_489 : memref<10240xf32, #tpu.memory_space<vmem_shared>>) offsets(%dma_start3A_487 : memref<128xi32, #tpu.memory_space<vmem>>) semaphore(%arg23 : memref<!tpu.dma_semaphore, #tpu.memory_space<semaphore_mem>>) {add = true}
    %dma_start3A_490 = arith.constant 12 : i32
    %dma_start3A_491 = arith.constant 12 : i32
    %dma_start3A_492 = arith.constant 0 : i32
    %dma_start3A_493 = tpu.memref_slice %arg10[%dma_start3A_491, %dma_start3A_492] : memref<112x128xf32, #tpu.memory_space<vmem>> -> memref<1x128xf32, #tpu.memory_space<vmem>>
    %dma_start3A_494 = tpu.memref_squeeze %dma_start3A_493 : memref<1x128xf32, #tpu.memory_space<vmem>> -> memref<128xf32, #tpu.memory_space<vmem>>
    %dma_start3A_495 = arith.constant 0 : i32
    %dma_start3A_496 = tpu.memref_slice %arg8[%dma_start3A_490, %dma_start3A_495] : memref<112x128xi32, #tpu.memory_space<vmem>> -> memref<1x128xi32, #tpu.memory_space<vmem>>
    %dma_start3A_497 = tpu.memref_squeeze %dma_start3A_496 : memref<1x128xi32, #tpu.memory_space<vmem>> -> memref<128xi32, #tpu.memory_space<vmem>>
    %dma_start3A_498 = arith.constant 0 : i32
    %dma_start3A_499 = tpu.memref_slice %arg19[%dma_start3A_498] : memref<10240xf32, #tpu.memory_space<vmem_shared>> -> memref<10240xf32, #tpu.memory_space<vmem_shared>>
    tpu.enqueue_indirect_dma source(%dma_start3A_499 : memref<10240xf32, #tpu.memory_space<vmem_shared>>) target(%dma_start3A_494 : memref<128xf32, #tpu.memory_space<vmem>>) offsets(%dma_start3A_497 : memref<128xi32, #tpu.memory_space<vmem>>) semaphore(%arg22 : memref<!tpu.dma_semaphore, #tpu.memory_space<semaphore_mem>>)
    %dma_start3A_500 = arith.constant 12 : i32
    %dma_start3A_501 = arith.constant 0 : i32
    %dma_start3A_502 = tpu.memref_slice %arg9[%dma_start3A_500, %dma_start3A_501] : memref<112x128xi32, #tpu.memory_space<vmem>> -> memref<1x128xi32, #tpu.memory_space<vmem>>
    %dma_start3A_503 = tpu.memref_squeeze %dma_start3A_502 : memref<1x128xi32, #tpu.memory_space<vmem>> -> memref<128xi32, #tpu.memory_space<vmem>>
    %dma_start3A_504 = arith.constant 0 : i32
    %dma_start3A_505 = tpu.memref_slice %arg21[%dma_start3A_504] : memref<10240xf32, #tpu.memory_space<vmem_shared>> -> memref<10240xf32, #tpu.memory_space<vmem_shared>>
    tpu.enqueue_indirect_dma source(%arg11 : memref<128xf32, #tpu.memory_space<vmem>>) target(%dma_start3A_505 : memref<10240xf32, #tpu.memory_space<vmem_shared>>) offsets(%dma_start3A_503 : memref<128xi32, #tpu.memory_space<vmem>>) semaphore(%arg23 : memref<!tpu.dma_semaphore, #tpu.memory_space<semaphore_mem>>) {add = true}
    %dma_start3A_506 = arith.constant 13 : i32
    %dma_start3A_507 = arith.constant 13 : i32
    %dma_start3A_508 = arith.constant 0 : i32
    %dma_start3A_509 = tpu.memref_slice %arg10[%dma_start3A_507, %dma_start3A_508] : memref<112x128xf32, #tpu.memory_space<vmem>> -> memref<1x128xf32, #tpu.memory_space<vmem>>
    %dma_start3A_510 = tpu.memref_squeeze %dma_start3A_509 : memref<1x128xf32, #tpu.memory_space<vmem>> -> memref<128xf32, #tpu.memory_space<vmem>>
    %dma_start3A_511 = arith.constant 0 : i32
    %dma_start3A_512 = tpu.memref_slice %arg8[%dma_start3A_506, %dma_start3A_511] : memref<112x128xi32, #tpu.memory_space<vmem>> -> memref<1x128xi32, #tpu.memory_space<vmem>>
    %dma_start3A_513 = tpu.memref_squeeze %dma_start3A_512 : memref<1x128xi32, #tpu.memory_space<vmem>> -> memref<128xi32, #tpu.memory_space<vmem>>
    %dma_start3A_514 = arith.constant 0 : i32
    %dma_start3A_515 = tpu.memref_slice %arg19[%dma_start3A_514] : memref<10240xf32, #tpu.memory_space<vmem_shared>> -> memref<10240xf32, #tpu.memory_space<vmem_shared>>
    tpu.enqueue_indirect_dma source(%dma_start3A_515 : memref<10240xf32, #tpu.memory_space<vmem_shared>>) target(%dma_start3A_510 : memref<128xf32, #tpu.memory_space<vmem>>) offsets(%dma_start3A_513 : memref<128xi32, #tpu.memory_space<vmem>>) semaphore(%arg22 : memref<!tpu.dma_semaphore, #tpu.memory_space<semaphore_mem>>)
    %dma_start3A_516 = arith.constant 13 : i32
    %dma_start3A_517 = arith.constant 0 : i32
    %dma_start3A_518 = tpu.memref_slice %arg9[%dma_start3A_516, %dma_start3A_517] : memref<112x128xi32, #tpu.memory_space<vmem>> -> memref<1x128xi32, #tpu.memory_space<vmem>>
    %dma_start3A_519 = tpu.memref_squeeze %dma_start3A_518 : memref<1x128xi32, #tpu.memory_space<vmem>> -> memref<128xi32, #tpu.memory_space<vmem>>
    %dma_start3A_520 = arith.constant 0 : i32
    %dma_start3A_521 = tpu.memref_slice %arg21[%dma_start3A_520] : memref<10240xf32, #tpu.memory_space<vmem_shared>> -> memref<10240xf32, #tpu.memory_space<vmem_shared>>
    tpu.enqueue_indirect_dma source(%arg11 : memref<128xf32, #tpu.memory_space<vmem>>) target(%dma_start3A_521 : memref<10240xf32, #tpu.memory_space<vmem_shared>>) offsets(%dma_start3A_519 : memref<128xi32, #tpu.memory_space<vmem>>) semaphore(%arg23 : memref<!tpu.dma_semaphore, #tpu.memory_space<semaphore_mem>>) {add = true}
    %dma_start3A_522 = arith.constant 14 : i32
    %dma_start3A_523 = arith.constant 14 : i32
    %dma_start3A_524 = arith.constant 0 : i32
    %dma_start3A_525 = tpu.memref_slice %arg10[%dma_start3A_523, %dma_start3A_524] : memref<112x128xf32, #tpu.memory_space<vmem>> -> memref<1x128xf32, #tpu.memory_space<vmem>>
    %dma_start3A_526 = tpu.memref_squeeze %dma_start3A_525 : memref<1x128xf32, #tpu.memory_space<vmem>> -> memref<128xf32, #tpu.memory_space<vmem>>
    %dma_start3A_527 = arith.constant 0 : i32
    %dma_start3A_528 = tpu.memref_slice %arg8[%dma_start3A_522, %dma_start3A_527] : memref<112x128xi32, #tpu.memory_space<vmem>> -> memref<1x128xi32, #tpu.memory_space<vmem>>
    %dma_start3A_529 = tpu.memref_squeeze %dma_start3A_528 : memref<1x128xi32, #tpu.memory_space<vmem>> -> memref<128xi32, #tpu.memory_space<vmem>>
    %dma_start3A_530 = arith.constant 0 : i32
    %dma_start3A_531 = tpu.memref_slice %arg19[%dma_start3A_530] : memref<10240xf32, #tpu.memory_space<vmem_shared>> -> memref<10240xf32, #tpu.memory_space<vmem_shared>>
    tpu.enqueue_indirect_dma source(%dma_start3A_531 : memref<10240xf32, #tpu.memory_space<vmem_shared>>) target(%dma_start3A_526 : memref<128xf32, #tpu.memory_space<vmem>>) offsets(%dma_start3A_529 : memref<128xi32, #tpu.memory_space<vmem>>) semaphore(%arg22 : memref<!tpu.dma_semaphore, #tpu.memory_space<semaphore_mem>>)
    %dma_start3A_532 = arith.constant 14 : i32
    %dma_start3A_533 = arith.constant 0 : i32
    %dma_start3A_534 = tpu.memref_slice %arg9[%dma_start3A_532, %dma_start3A_533] : memref<112x128xi32, #tpu.memory_space<vmem>> -> memref<1x128xi32, #tpu.memory_space<vmem>>
    %dma_start3A_535 = tpu.memref_squeeze %dma_start3A_534 : memref<1x128xi32, #tpu.memory_space<vmem>> -> memref<128xi32, #tpu.memory_space<vmem>>
    %dma_start3A_536 = arith.constant 0 : i32
    %dma_start3A_537 = tpu.memref_slice %arg21[%dma_start3A_536] : memref<10240xf32, #tpu.memory_space<vmem_shared>> -> memref<10240xf32, #tpu.memory_space<vmem_shared>>
    tpu.enqueue_indirect_dma source(%arg11 : memref<128xf32, #tpu.memory_space<vmem>>) target(%dma_start3A_537 : memref<10240xf32, #tpu.memory_space<vmem_shared>>) offsets(%dma_start3A_535 : memref<128xi32, #tpu.memory_space<vmem>>) semaphore(%arg23 : memref<!tpu.dma_semaphore, #tpu.memory_space<semaphore_mem>>) {add = true}
    %dma_start3A_538 = arith.constant 15 : i32
    %dma_start3A_539 = arith.constant 15 : i32
    %dma_start3A_540 = arith.constant 0 : i32
    %dma_start3A_541 = tpu.memref_slice %arg10[%dma_start3A_539, %dma_start3A_540] : memref<112x128xf32, #tpu.memory_space<vmem>> -> memref<1x128xf32, #tpu.memory_space<vmem>>
    %dma_start3A_542 = tpu.memref_squeeze %dma_start3A_541 : memref<1x128xf32, #tpu.memory_space<vmem>> -> memref<128xf32, #tpu.memory_space<vmem>>
    %dma_start3A_543 = arith.constant 0 : i32
    %dma_start3A_544 = tpu.memref_slice %arg8[%dma_start3A_538, %dma_start3A_543] : memref<112x128xi32, #tpu.memory_space<vmem>> -> memref<1x128xi32, #tpu.memory_space<vmem>>
    %dma_start3A_545 = tpu.memref_squeeze %dma_start3A_544 : memref<1x128xi32, #tpu.memory_space<vmem>> -> memref<128xi32, #tpu.memory_space<vmem>>
    %dma_start3A_546 = arith.constant 0 : i32
    %dma_start3A_547 = tpu.memref_slice %arg19[%dma_start3A_546] : memref<10240xf32, #tpu.memory_space<vmem_shared>> -> memref<10240xf32, #tpu.memory_space<vmem_shared>>
    tpu.enqueue_indirect_dma source(%dma_start3A_547 : memref<10240xf32, #tpu.memory_space<vmem_shared>>) target(%dma_start3A_542 : memref<128xf32, #tpu.memory_space<vmem>>) offsets(%dma_start3A_545 : memref<128xi32, #tpu.memory_space<vmem>>) semaphore(%arg22 : memref<!tpu.dma_semaphore, #tpu.memory_space<semaphore_mem>>)
    %dma_start3A_548 = arith.constant 15 : i32
    %dma_start3A_549 = arith.constant 0 : i32
    %dma_start3A_550 = tpu.memref_slice %arg9[%dma_start3A_548, %dma_start3A_549] : memref<112x128xi32, #tpu.memory_space<vmem>> -> memref<1x128xi32, #tpu.memory_space<vmem>>
    %dma_start3A_551 = tpu.memref_squeeze %dma_start3A_550 : memref<1x128xi32, #tpu.memory_space<vmem>> -> memref<128xi32, #tpu.memory_space<vmem>>
    %dma_start3A_552 = arith.constant 0 : i32
    %dma_start3A_553 = tpu.memref_slice %arg21[%dma_start3A_552] : memref<10240xf32, #tpu.memory_space<vmem_shared>> -> memref<10240xf32, #tpu.memory_space<vmem_shared>>
    tpu.enqueue_indirect_dma source(%arg11 : memref<128xf32, #tpu.memory_space<vmem>>) target(%dma_start3A_553 : memref<10240xf32, #tpu.memory_space<vmem_shared>>) offsets(%dma_start3A_551 : memref<128xi32, #tpu.memory_space<vmem>>) semaphore(%arg23 : memref<!tpu.dma_semaphore, #tpu.memory_space<semaphore_mem>>) {add = true}
    %while3A = arith.constant 0 : i32
    %while3A_554 = arith.constant 0 : i32
    %while3A_555 = arith.subi %select_n3A_9, %while3A_554 : i32
    %while3A_556 = arith.addi %while3A_554, %while3A_555 : i32
    %while3A_557 = arith.constant 1 : i32
    %while3A_558 = arith.divsi %while3A_555, %while3A_557 : i32
    %while3A_559 = arith.muli %while3A_558, %while3A_557 : i32
    %while3A_560 = arith.addi %while3A_554, %while3A_559 : i32
    %while3A_561 = arith.constant 1 : i32
    scf.for %while3A_1396 = %while3A_554 to %while3A_560 step %while3A_561  : i32 {
      %add3A_1397 = arith.constant 1 : i32
      %add3A_1398 = arith.addi %while3A_1396, %add3A_1397 : i32
      %lt3A = arith.cmpi slt, %add3A_1398, %select_n3A_9 : i32
      %convert_element_type3A_1399 = arith.extui %lt3A : i1 to i32
      %cond3A_1400 = arith.constant 0 : i32
      %cond3A_1401 = arith.cmpi ne, %convert_element_type3A_1399, %cond3A_1400 : i32
      scf.if %cond3A_1401 {
        %add3A_1774 = arith.constant 1 : i32
        %add3A_1775 = arith.addi %while3A_1396, %add3A_1774 : i32
        %mul3A_1776 = arith.constant 16 : i32
        %mul3A_1777 = arith.muli %add3A_1775, %mul3A_1776 : i32
        %add3A_1778 = arith.constant 0 : i32
        %add3A_1779 = arith.addi %mul3A_1777, %add3A_1778 : i32
        %dma_start3A_1780 = arith.constant 0 : i32
        %dma_start3A_1781 = tpu.memref_slice %arg10[%add3A_1779, %dma_start3A_1780] : memref<112x128xf32, #tpu.memory_space<vmem>> -> memref<1x128xf32, #tpu.memory_space<vmem>>
        %dma_start3A_1782 = tpu.memref_squeeze %dma_start3A_1781 : memref<1x128xf32, #tpu.memory_space<vmem>> -> memref<128xf32, #tpu.memory_space<vmem>>
        %dma_start3A_1783 = arith.constant 0 : i32
        %dma_start3A_1784 = tpu.memref_slice %arg8[%add3A_1779, %dma_start3A_1783] : memref<112x128xi32, #tpu.memory_space<vmem>> -> memref<1x128xi32, #tpu.memory_space<vmem>>
        %dma_start3A_1785 = tpu.memref_squeeze %dma_start3A_1784 : memref<1x128xi32, #tpu.memory_space<vmem>> -> memref<128xi32, #tpu.memory_space<vmem>>
        %dma_start3A_1786 = arith.constant 0 : i32
        %dma_start3A_1787 = tpu.memref_slice %arg19[%dma_start3A_1786] : memref<10240xf32, #tpu.memory_space<vmem_shared>> -> memref<10240xf32, #tpu.memory_space<vmem_shared>>
        tpu.enqueue_indirect_dma source(%dma_start3A_1787 : memref<10240xf32, #tpu.memory_space<vmem_shared>>) target(%dma_start3A_1782 : memref<128xf32, #tpu.memory_space<vmem>>) offsets(%dma_start3A_1785 : memref<128xi32, #tpu.memory_space<vmem>>) semaphore(%arg22 : memref<!tpu.dma_semaphore, #tpu.memory_space<semaphore_mem>>)
        %add3A_1788 = arith.constant 1 : i32
        %add3A_1789 = arith.addi %while3A_1396, %add3A_1788 : i32
        %mul3A_1790 = arith.constant 16 : i32
        %mul3A_1791 = arith.muli %add3A_1789, %mul3A_1790 : i32
        %add3A_1792 = arith.constant 0 : i32
        %add3A_1793 = arith.addi %mul3A_1791, %add3A_1792 : i32
        %dma_start3A_1794 = arith.constant 0 : i32
        %dma_start3A_1795 = tpu.memref_slice %arg9[%add3A_1793, %dma_start3A_1794] : memref<112x128xi32, #tpu.memory_space<vmem>> -> memref<1x128xi32, #tpu.memory_space<vmem>>
        %dma_start3A_1796 = tpu.memref_squeeze %dma_start3A_1795 : memref<1x128xi32, #tpu.memory_space<vmem>> -> memref<128xi32, #tpu.memory_space<vmem>>
        %dma_start3A_1797 = arith.constant 0 : i32
        %dma_start3A_1798 = tpu.memref_slice %arg21[%dma_start3A_1797] : memref<10240xf32, #tpu.memory_space<vmem_shared>> -> memref<10240xf32, #tpu.memory_space<vmem_shared>>
        tpu.enqueue_indirect_dma source(%arg11 : memref<128xf32, #tpu.memory_space<vmem>>) target(%dma_start3A_1798 : memref<10240xf32, #tpu.memory_space<vmem_shared>>) offsets(%dma_start3A_1796 : memref<128xi32, #tpu.memory_space<vmem>>) semaphore(%arg23 : memref<!tpu.dma_semaphore, #tpu.memory_space<semaphore_mem>>) {add = true}
        %add3A_1799 = arith.constant 1 : i32
        %add3A_1800 = arith.addi %while3A_1396, %add3A_1799 : i32
        %mul3A_1801 = arith.constant 16 : i32
        %mul3A_1802 = arith.muli %add3A_1800, %mul3A_1801 : i32
        %add3A_1803 = arith.constant 1 : i32
        %add3A_1804 = arith.addi %mul3A_1802, %add3A_1803 : i32
        %dma_start3A_1805 = arith.constant 0 : i32
        %dma_start3A_1806 = tpu.memref_slice %arg10[%add3A_1804, %dma_start3A_1805] : memref<112x128xf32, #tpu.memory_space<vmem>> -> memref<1x128xf32, #tpu.memory_space<vmem>>
        %dma_start3A_1807 = tpu.memref_squeeze %dma_start3A_1806 : memref<1x128xf32, #tpu.memory_space<vmem>> -> memref<128xf32, #tpu.memory_space<vmem>>
        %dma_start3A_1808 = arith.constant 0 : i32
        %dma_start3A_1809 = tpu.memref_slice %arg8[%add3A_1804, %dma_start3A_1808] : memref<112x128xi32, #tpu.memory_space<vmem>> -> memref<1x128xi32, #tpu.memory_space<vmem>>
        %dma_start3A_1810 = tpu.memref_squeeze %dma_start3A_1809 : memref<1x128xi32, #tpu.memory_space<vmem>> -> memref<128xi32, #tpu.memory_space<vmem>>
        %dma_start3A_1811 = arith.constant 0 : i32
        %dma_start3A_1812 = tpu.memref_slice %arg19[%dma_start3A_1811] : memref<10240xf32, #tpu.memory_space<vmem_shared>> -> memref<10240xf32, #tpu.memory_space<vmem_shared>>
        tpu.enqueue_indirect_dma source(%dma_start3A_1812 : memref<10240xf32, #tpu.memory_space<vmem_shared>>) target(%dma_start3A_1807 : memref<128xf32, #tpu.memory_space<vmem>>) offsets(%dma_start3A_1810 : memref<128xi32, #tpu.memory_space<vmem>>) semaphore(%arg22 : memref<!tpu.dma_semaphore, #tpu.memory_space<semaphore_mem>>)
        %add3A_1813 = arith.constant 1 : i32
        %add3A_1814 = arith.addi %while3A_1396, %add3A_1813 : i32
        %mul3A_1815 = arith.constant 16 : i32
        %mul3A_1816 = arith.muli %add3A_1814, %mul3A_1815 : i32
        %add3A_1817 = arith.constant 1 : i32
        %add3A_1818 = arith.addi %mul3A_1816, %add3A_1817 : i32
        %dma_start3A_1819 = arith.constant 0 : i32
        %dma_start3A_1820 = tpu.memref_slice %arg9[%add3A_1818, %dma_start3A_1819] : memref<112x128xi32, #tpu.memory_space<vmem>> -> memref<1x128xi32, #tpu.memory_space<vmem>>
        %dma_start3A_1821 = tpu.memref_squeeze %dma_start3A_1820 : memref<1x128xi32, #tpu.memory_space<vmem>> -> memref<128xi32, #tpu.memory_space<vmem>>
        %dma_start3A_1822 = arith.constant 0 : i32
        %dma_start3A_1823 = tpu.memref_slice %arg21[%dma_start3A_1822] : memref<10240xf32, #tpu.memory_space<vmem_shared>> -> memref<10240xf32, #tpu.memory_space<vmem_shared>>
        tpu.enqueue_indirect_dma source(%arg11 : memref<128xf32, #tpu.memory_space<vmem>>) target(%dma_start3A_1823 : memref<10240xf32, #tpu.memory_space<vmem_shared>>) offsets(%dma_start3A_1821 : memref<128xi32, #tpu.memory_space<vmem>>) semaphore(%arg23 : memref<!tpu.dma_semaphore, #tpu.memory_space<semaphore_mem>>) {add = true}
        %add3A_1824 = arith.constant 1 : i32
        %add3A_1825 = arith.addi %while3A_1396, %add3A_1824 : i32
        %mul3A_1826 = arith.constant 16 : i32
        %mul3A_1827 = arith.muli %add3A_1825, %mul3A_1826 : i32
        %add3A_1828 = arith.constant 2 : i32
        %add3A_1829 = arith.addi %mul3A_1827, %add3A_1828 : i32
        %dma_start3A_1830 = arith.constant 0 : i32
        %dma_start3A_1831 = tpu.memref_slice %arg10[%add3A_1829, %dma_start3A_1830] : memref<112x128xf32, #tpu.memory_space<vmem>> -> memref<1x128xf32, #tpu.memory_space<vmem>>
        %dma_start3A_1832 = tpu.memref_squeeze %dma_start3A_1831 : memref<1x128xf32, #tpu.memory_space<vmem>> -> memref<128xf32, #tpu.memory_space<vmem>>
        %dma_start3A_1833 = arith.constant 0 : i32
        %dma_start3A_1834 = tpu.memref_slice %arg8[%add3A_1829, %dma_start3A_1833] : memref<112x128xi32, #tpu.memory_space<vmem>> -> memref<1x128xi32, #tpu.memory_space<vmem>>
        %dma_start3A_1835 = tpu.memref_squeeze %dma_start3A_1834 : memref<1x128xi32, #tpu.memory_space<vmem>> -> memref<128xi32, #tpu.memory_space<vmem>>
        %dma_start3A_1836 = arith.constant 0 : i32
        %dma_start3A_1837 = tpu.memref_slice %arg19[%dma_start3A_1836] : memref<10240xf32, #tpu.memory_space<vmem_shared>> -> memref<10240xf32, #tpu.memory_space<vmem_shared>>
        tpu.enqueue_indirect_dma source(%dma_start3A_1837 : memref<10240xf32, #tpu.memory_space<vmem_shared>>) target(%dma_start3A_1832 : memref<128xf32, #tpu.memory_space<vmem>>) offsets(%dma_start3A_1835 : memref<128xi32, #tpu.memory_space<vmem>>) semaphore(%arg22 : memref<!tpu.dma_semaphore, #tpu.memory_space<semaphore_mem>>)
        %add3A_1838 = arith.constant 1 : i32
        %add3A_1839 = arith.addi %while3A_1396, %add3A_1838 : i32
        %mul3A_1840 = arith.constant 16 : i32
        %mul3A_1841 = arith.muli %add3A_1839, %mul3A_1840 : i32
        %add3A_1842 = arith.constant 2 : i32
        %add3A_1843 = arith.addi %mul3A_1841, %add3A_1842 : i32
        %dma_start3A_1844 = arith.constant 0 : i32
        %dma_start3A_1845 = tpu.memref_slice %arg9[%add3A_1843, %dma_start3A_1844] : memref<112x128xi32, #tpu.memory_space<vmem>> -> memref<1x128xi32, #tpu.memory_space<vmem>>
        %dma_start3A_1846 = tpu.memref_squeeze %dma_start3A_1845 : memref<1x128xi32, #tpu.memory_space<vmem>> -> memref<128xi32, #tpu.memory_space<vmem>>
        %dma_start3A_1847 = arith.constant 0 : i32
        %dma_start3A_1848 = tpu.memref_slice %arg21[%dma_start3A_1847] : memref<10240xf32, #tpu.memory_space<vmem_shared>> -> memref<10240xf32, #tpu.memory_space<vmem_shared>>
        tpu.enqueue_indirect_dma source(%arg11 : memref<128xf32, #tpu.memory_space<vmem>>) target(%dma_start3A_1848 : memref<10240xf32, #tpu.memory_space<vmem_shared>>) offsets(%dma_start3A_1846 : memref<128xi32, #tpu.memory_space<vmem>>) semaphore(%arg23 : memref<!tpu.dma_semaphore, #tpu.memory_space<semaphore_mem>>) {add = true}
        %add3A_1849 = arith.constant 1 : i32
        %add3A_1850 = arith.addi %while3A_1396, %add3A_1849 : i32
        %mul3A_1851 = arith.constant 16 : i32
        %mul3A_1852 = arith.muli %add3A_1850, %mul3A_1851 : i32
        %add3A_1853 = arith.constant 3 : i32
        %add3A_1854 = arith.addi %mul3A_1852, %add3A_1853 : i32
        %dma_start3A_1855 = arith.constant 0 : i32
        %dma_start3A_1856 = tpu.memref_slice %arg10[%add3A_1854, %dma_start3A_1855] : memref<112x128xf32, #tpu.memory_space<vmem>> -> memref<1x128xf32, #tpu.memory_space<vmem>>
        %dma_start3A_1857 = tpu.memref_squeeze %dma_start3A_1856 : memref<1x128xf32, #tpu.memory_space<vmem>> -> memref<128xf32, #tpu.memory_space<vmem>>
        %dma_start3A_1858 = arith.constant 0 : i32
        %dma_start3A_1859 = tpu.memref_slice %arg8[%add3A_1854, %dma_start3A_1858] : memref<112x128xi32, #tpu.memory_space<vmem>> -> memref<1x128xi32, #tpu.memory_space<vmem>>
        %dma_start3A_1860 = tpu.memref_squeeze %dma_start3A_1859 : memref<1x128xi32, #tpu.memory_space<vmem>> -> memref<128xi32, #tpu.memory_space<vmem>>
        %dma_start3A_1861 = arith.constant 0 : i32
        %dma_start3A_1862 = tpu.memref_slice %arg19[%dma_start3A_1861] : memref<10240xf32, #tpu.memory_space<vmem_shared>> -> memref<10240xf32, #tpu.memory_space<vmem_shared>>
        tpu.enqueue_indirect_dma source(%dma_start3A_1862 : memref<10240xf32, #tpu.memory_space<vmem_shared>>) target(%dma_start3A_1857 : memref<128xf32, #tpu.memory_space<vmem>>) offsets(%dma_start3A_1860 : memref<128xi32, #tpu.memory_space<vmem>>) semaphore(%arg22 : memref<!tpu.dma_semaphore, #tpu.memory_space<semaphore_mem>>)
        %add3A_1863 = arith.constant 1 : i32
        %add3A_1864 = arith.addi %while3A_1396, %add3A_1863 : i32
        %mul3A_1865 = arith.constant 16 : i32
        %mul3A_1866 = arith.muli %add3A_1864, %mul3A_1865 : i32
        %add3A_1867 = arith.constant 3 : i32
        %add3A_1868 = arith.addi %mul3A_1866, %add3A_1867 : i32
        %dma_start3A_1869 = arith.constant 0 : i32
        %dma_start3A_1870 = tpu.memref_slice %arg9[%add3A_1868, %dma_start3A_1869] : memref<112x128xi32, #tpu.memory_space<vmem>> -> memref<1x128xi32, #tpu.memory_space<vmem>>
        %dma_start3A_1871 = tpu.memref_squeeze %dma_start3A_1870 : memref<1x128xi32, #tpu.memory_space<vmem>> -> memref<128xi32, #tpu.memory_space<vmem>>
        %dma_start3A_1872 = arith.constant 0 : i32
        %dma_start3A_1873 = tpu.memref_slice %arg21[%dma_start3A_1872] : memref<10240xf32, #tpu.memory_space<vmem_shared>> -> memref<10240xf32, #tpu.memory_space<vmem_shared>>
        tpu.enqueue_indirect_dma source(%arg11 : memref<128xf32, #tpu.memory_space<vmem>>) target(%dma_start3A_1873 : memref<10240xf32, #tpu.memory_space<vmem_shared>>) offsets(%dma_start3A_1871 : memref<128xi32, #tpu.memory_space<vmem>>) semaphore(%arg23 : memref<!tpu.dma_semaphore, #tpu.memory_space<semaphore_mem>>) {add = true}
        %add3A_1874 = arith.constant 1 : i32
        %add3A_1875 = arith.addi %while3A_1396, %add3A_1874 : i32
        %mul3A_1876 = arith.constant 16 : i32
        %mul3A_1877 = arith.muli %add3A_1875, %mul3A_1876 : i32
        %add3A_1878 = arith.constant 4 : i32
        %add3A_1879 = arith.addi %mul3A_1877, %add3A_1878 : i32
        %dma_start3A_1880 = arith.constant 0 : i32
        %dma_start3A_1881 = tpu.memref_slice %arg10[%add3A_1879, %dma_start3A_1880] : memref<112x128xf32, #tpu.memory_space<vmem>> -> memref<1x128xf32, #tpu.memory_space<vmem>>
        %dma_start3A_1882 = tpu.memref_squeeze %dma_start3A_1881 : memref<1x128xf32, #tpu.memory_space<vmem>> -> memref<128xf32, #tpu.memory_space<vmem>>
        %dma_start3A_1883 = arith.constant 0 : i32
        %dma_start3A_1884 = tpu.memref_slice %arg8[%add3A_1879, %dma_start3A_1883] : memref<112x128xi32, #tpu.memory_space<vmem>> -> memref<1x128xi32, #tpu.memory_space<vmem>>
        %dma_start3A_1885 = tpu.memref_squeeze %dma_start3A_1884 : memref<1x128xi32, #tpu.memory_space<vmem>> -> memref<128xi32, #tpu.memory_space<vmem>>
        %dma_start3A_1886 = arith.constant 0 : i32
        %dma_start3A_1887 = tpu.memref_slice %arg19[%dma_start3A_1886] : memref<10240xf32, #tpu.memory_space<vmem_shared>> -> memref<10240xf32, #tpu.memory_space<vmem_shared>>
        tpu.enqueue_indirect_dma source(%dma_start3A_1887 : memref<10240xf32, #tpu.memory_space<vmem_shared>>) target(%dma_start3A_1882 : memref<128xf32, #tpu.memory_space<vmem>>) offsets(%dma_start3A_1885 : memref<128xi32, #tpu.memory_space<vmem>>) semaphore(%arg22 : memref<!tpu.dma_semaphore, #tpu.memory_space<semaphore_mem>>)
        %add3A_1888 = arith.constant 1 : i32
        %add3A_1889 = arith.addi %while3A_1396, %add3A_1888 : i32
        %mul3A_1890 = arith.constant 16 : i32
        %mul3A_1891 = arith.muli %add3A_1889, %mul3A_1890 : i32
        %add3A_1892 = arith.constant 4 : i32
        %add3A_1893 = arith.addi %mul3A_1891, %add3A_1892 : i32
        %dma_start3A_1894 = arith.constant 0 : i32
        %dma_start3A_1895 = tpu.memref_slice %arg9[%add3A_1893, %dma_start3A_1894] : memref<112x128xi32, #tpu.memory_space<vmem>> -> memref<1x128xi32, #tpu.memory_space<vmem>>
        %dma_start3A_1896 = tpu.memref_squeeze %dma_start3A_1895 : memref<1x128xi32, #tpu.memory_space<vmem>> -> memref<128xi32, #tpu.memory_space<vmem>>
        %dma_start3A_1897 = arith.constant 0 : i32
        %dma_start3A_1898 = tpu.memref_slice %arg21[%dma_start3A_1897] : memref<10240xf32, #tpu.memory_space<vmem_shared>> -> memref<10240xf32, #tpu.memory_space<vmem_shared>>
        tpu.enqueue_indirect_dma source(%arg11 : memref<128xf32, #tpu.memory_space<vmem>>) target(%dma_start3A_1898 : memref<10240xf32, #tpu.memory_space<vmem_shared>>) offsets(%dma_start3A_1896 : memref<128xi32, #tpu.memory_space<vmem>>) semaphore(%arg23 : memref<!tpu.dma_semaphore, #tpu.memory_space<semaphore_mem>>) {add = true}
        %add3A_1899 = arith.constant 1 : i32
        %add3A_1900 = arith.addi %while3A_1396, %add3A_1899 : i32
        %mul3A_1901 = arith.constant 16 : i32
        %mul3A_1902 = arith.muli %add3A_1900, %mul3A_1901 : i32
        %add3A_1903 = arith.constant 5 : i32
        %add3A_1904 = arith.addi %mul3A_1902, %add3A_1903 : i32
        %dma_start3A_1905 = arith.constant 0 : i32
        %dma_start3A_1906 = tpu.memref_slice %arg10[%add3A_1904, %dma_start3A_1905] : memref<112x128xf32, #tpu.memory_space<vmem>> -> memref<1x128xf32, #tpu.memory_space<vmem>>
        %dma_start3A_1907 = tpu.memref_squeeze %dma_start3A_1906 : memref<1x128xf32, #tpu.memory_space<vmem>> -> memref<128xf32, #tpu.memory_space<vmem>>
        %dma_start3A_1908 = arith.constant 0 : i32
        %dma_start3A_1909 = tpu.memref_slice %arg8[%add3A_1904, %dma_start3A_1908] : memref<112x128xi32, #tpu.memory_space<vmem>> -> memref<1x128xi32, #tpu.memory_space<vmem>>
        %dma_start3A_1910 = tpu.memref_squeeze %dma_start3A_1909 : memref<1x128xi32, #tpu.memory_space<vmem>> -> memref<128xi32, #tpu.memory_space<vmem>>
        %dma_start3A_1911 = arith.constant 0 : i32
        %dma_start3A_1912 = tpu.memref_slice %arg19[%dma_start3A_1911] : memref<10240xf32, #tpu.memory_space<vmem_shared>> -> memref<10240xf32, #tpu.memory_space<vmem_shared>>
        tpu.enqueue_indirect_dma source(%dma_start3A_1912 : memref<10240xf32, #tpu.memory_space<vmem_shared>>) target(%dma_start3A_1907 : memref<128xf32, #tpu.memory_space<vmem>>) offsets(%dma_start3A_1910 : memref<128xi32, #tpu.memory_space<vmem>>) semaphore(%arg22 : memref<!tpu.dma_semaphore, #tpu.memory_space<semaphore_mem>>)
        %add3A_1913 = arith.constant 1 : i32
        %add3A_1914 = arith.addi %while3A_1396, %add3A_1913 : i32
        %mul3A_1915 = arith.constant 16 : i32
        %mul3A_1916 = arith.muli %add3A_1914, %mul3A_1915 : i32
        %add3A_1917 = arith.constant 5 : i32
        %add3A_1918 = arith.addi %mul3A_1916, %add3A_1917 : i32
        %dma_start3A_1919 = arith.constant 0 : i32
        %dma_start3A_1920 = tpu.memref_slice %arg9[%add3A_1918, %dma_start3A_1919] : memref<112x128xi32, #tpu.memory_space<vmem>> -> memref<1x128xi32, #tpu.memory_space<vmem>>
        %dma_start3A_1921 = tpu.memref_squeeze %dma_start3A_1920 : memref<1x128xi32, #tpu.memory_space<vmem>> -> memref<128xi32, #tpu.memory_space<vmem>>
        %dma_start3A_1922 = arith.constant 0 : i32
        %dma_start3A_1923 = tpu.memref_slice %arg21[%dma_start3A_1922] : memref<10240xf32, #tpu.memory_space<vmem_shared>> -> memref<10240xf32, #tpu.memory_space<vmem_shared>>
        tpu.enqueue_indirect_dma source(%arg11 : memref<128xf32, #tpu.memory_space<vmem>>) target(%dma_start3A_1923 : memref<10240xf32, #tpu.memory_space<vmem_shared>>) offsets(%dma_start3A_1921 : memref<128xi32, #tpu.memory_space<vmem>>) semaphore(%arg23 : memref<!tpu.dma_semaphore, #tpu.memory_space<semaphore_mem>>) {add = true}
        %add3A_1924 = arith.constant 1 : i32
        %add3A_1925 = arith.addi %while3A_1396, %add3A_1924 : i32
        %mul3A_1926 = arith.constant 16 : i32
        %mul3A_1927 = arith.muli %add3A_1925, %mul3A_1926 : i32
        %add3A_1928 = arith.constant 6 : i32
        %add3A_1929 = arith.addi %mul3A_1927, %add3A_1928 : i32
        %dma_start3A_1930 = arith.constant 0 : i32
        %dma_start3A_1931 = tpu.memref_slice %arg10[%add3A_1929, %dma_start3A_1930] : memref<112x128xf32, #tpu.memory_space<vmem>> -> memref<1x128xf32, #tpu.memory_space<vmem>>
        %dma_start3A_1932 = tpu.memref_squeeze %dma_start3A_1931 : memref<1x128xf32, #tpu.memory_space<vmem>> -> memref<128xf32, #tpu.memory_space<vmem>>
        %dma_start3A_1933 = arith.constant 0 : i32
        %dma_start3A_1934 = tpu.memref_slice %arg8[%add3A_1929, %dma_start3A_1933] : memref<112x128xi32, #tpu.memory_space<vmem>> -> memref<1x128xi32, #tpu.memory_space<vmem>>
        %dma_start3A_1935 = tpu.memref_squeeze %dma_start3A_1934 : memref<1x128xi32, #tpu.memory_space<vmem>> -> memref<128xi32, #tpu.memory_space<vmem>>
        %dma_start3A_1936 = arith.constant 0 : i32
        %dma_start3A_1937 = tpu.memref_slice %arg19[%dma_start3A_1936] : memref<10240xf32, #tpu.memory_space<vmem_shared>> -> memref<10240xf32, #tpu.memory_space<vmem_shared>>
        tpu.enqueue_indirect_dma source(%dma_start3A_1937 : memref<10240xf32, #tpu.memory_space<vmem_shared>>) target(%dma_start3A_1932 : memref<128xf32, #tpu.memory_space<vmem>>) offsets(%dma_start3A_1935 : memref<128xi32, #tpu.memory_space<vmem>>) semaphore(%arg22 : memref<!tpu.dma_semaphore, #tpu.memory_space<semaphore_mem>>)
        %add3A_1938 = arith.constant 1 : i32
        %add3A_1939 = arith.addi %while3A_1396, %add3A_1938 : i32
        %mul3A_1940 = arith.constant 16 : i32
        %mul3A_1941 = arith.muli %add3A_1939, %mul3A_1940 : i32
        %add3A_1942 = arith.constant 6 : i32
        %add3A_1943 = arith.addi %mul3A_1941, %add3A_1942 : i32
        %dma_start3A_1944 = arith.constant 0 : i32
        %dma_start3A_1945 = tpu.memref_slice %arg9[%add3A_1943, %dma_start3A_1944] : memref<112x128xi32, #tpu.memory_space<vmem>> -> memref<1x128xi32, #tpu.memory_space<vmem>>
        %dma_start3A_1946 = tpu.memref_squeeze %dma_start3A_1945 : memref<1x128xi32, #tpu.memory_space<vmem>> -> memref<128xi32, #tpu.memory_space<vmem>>
        %dma_start3A_1947 = arith.constant 0 : i32
        %dma_start3A_1948 = tpu.memref_slice %arg21[%dma_start3A_1947] : memref<10240xf32, #tpu.memory_space<vmem_shared>> -> memref<10240xf32, #tpu.memory_space<vmem_shared>>
        tpu.enqueue_indirect_dma source(%arg11 : memref<128xf32, #tpu.memory_space<vmem>>) target(%dma_start3A_1948 : memref<10240xf32, #tpu.memory_space<vmem_shared>>) offsets(%dma_start3A_1946 : memref<128xi32, #tpu.memory_space<vmem>>) semaphore(%arg23 : memref<!tpu.dma_semaphore, #tpu.memory_space<semaphore_mem>>) {add = true}
        %add3A_1949 = arith.constant 1 : i32
        %add3A_1950 = arith.addi %while3A_1396, %add3A_1949 : i32
        %mul3A_1951 = arith.constant 16 : i32
        %mul3A_1952 = arith.muli %add3A_1950, %mul3A_1951 : i32
        %add3A_1953 = arith.constant 7 : i32
        %add3A_1954 = arith.addi %mul3A_1952, %add3A_1953 : i32
        %dma_start3A_1955 = arith.constant 0 : i32
        %dma_start3A_1956 = tpu.memref_slice %arg10[%add3A_1954, %dma_start3A_1955] : memref<112x128xf32, #tpu.memory_space<vmem>> -> memref<1x128xf32, #tpu.memory_space<vmem>>
        %dma_start3A_1957 = tpu.memref_squeeze %dma_start3A_1956 : memref<1x128xf32, #tpu.memory_space<vmem>> -> memref<128xf32, #tpu.memory_space<vmem>>
        %dma_start3A_1958 = arith.constant 0 : i32
        %dma_start3A_1959 = tpu.memref_slice %arg8[%add3A_1954, %dma_start3A_1958] : memref<112x128xi32, #tpu.memory_space<vmem>> -> memref<1x128xi32, #tpu.memory_space<vmem>>
        %dma_start3A_1960 = tpu.memref_squeeze %dma_start3A_1959 : memref<1x128xi32, #tpu.memory_space<vmem>> -> memref<128xi32, #tpu.memory_space<vmem>>
        %dma_start3A_1961 = arith.constant 0 : i32
        %dma_start3A_1962 = tpu.memref_slice %arg19[%dma_start3A_1961] : memref<10240xf32, #tpu.memory_space<vmem_shared>> -> memref<10240xf32, #tpu.memory_space<vmem_shared>>
        tpu.enqueue_indirect_dma source(%dma_start3A_1962 : memref<10240xf32, #tpu.memory_space<vmem_shared>>) target(%dma_start3A_1957 : memref<128xf32, #tpu.memory_space<vmem>>) offsets(%dma_start3A_1960 : memref<128xi32, #tpu.memory_space<vmem>>) semaphore(%arg22 : memref<!tpu.dma_semaphore, #tpu.memory_space<semaphore_mem>>)
        %add3A_1963 = arith.constant 1 : i32
        %add3A_1964 = arith.addi %while3A_1396, %add3A_1963 : i32
        %mul3A_1965 = arith.constant 16 : i32
        %mul3A_1966 = arith.muli %add3A_1964, %mul3A_1965 : i32
        %add3A_1967 = arith.constant 7 : i32
        %add3A_1968 = arith.addi %mul3A_1966, %add3A_1967 : i32
        %dma_start3A_1969 = arith.constant 0 : i32
        %dma_start3A_1970 = tpu.memref_slice %arg9[%add3A_1968, %dma_start3A_1969] : memref<112x128xi32, #tpu.memory_space<vmem>> -> memref<1x128xi32, #tpu.memory_space<vmem>>
        %dma_start3A_1971 = tpu.memref_squeeze %dma_start3A_1970 : memref<1x128xi32, #tpu.memory_space<vmem>> -> memref<128xi32, #tpu.memory_space<vmem>>
        %dma_start3A_1972 = arith.constant 0 : i32
        %dma_start3A_1973 = tpu.memref_slice %arg21[%dma_start3A_1972] : memref<10240xf32, #tpu.memory_space<vmem_shared>> -> memref<10240xf32, #tpu.memory_space<vmem_shared>>
        tpu.enqueue_indirect_dma source(%arg11 : memref<128xf32, #tpu.memory_space<vmem>>) target(%dma_start3A_1973 : memref<10240xf32, #tpu.memory_space<vmem_shared>>) offsets(%dma_start3A_1971 : memref<128xi32, #tpu.memory_space<vmem>>) semaphore(%arg23 : memref<!tpu.dma_semaphore, #tpu.memory_space<semaphore_mem>>) {add = true}
        %add3A_1974 = arith.constant 1 : i32
        %add3A_1975 = arith.addi %while3A_1396, %add3A_1974 : i32
        %mul3A_1976 = arith.constant 16 : i32
        %mul3A_1977 = arith.muli %add3A_1975, %mul3A_1976 : i32
        %add3A_1978 = arith.constant 8 : i32
        %add3A_1979 = arith.addi %mul3A_1977, %add3A_1978 : i32
        %dma_start3A_1980 = arith.constant 0 : i32
        %dma_start3A_1981 = tpu.memref_slice %arg10[%add3A_1979, %dma_start3A_1980] : memref<112x128xf32, #tpu.memory_space<vmem>> -> memref<1x128xf32, #tpu.memory_space<vmem>>
        %dma_start3A_1982 = tpu.memref_squeeze %dma_start3A_1981 : memref<1x128xf32, #tpu.memory_space<vmem>> -> memref<128xf32, #tpu.memory_space<vmem>>
        %dma_start3A_1983 = arith.constant 0 : i32
        %dma_start3A_1984 = tpu.memref_slice %arg8[%add3A_1979, %dma_start3A_1983] : memref<112x128xi32, #tpu.memory_space<vmem>> -> memref<1x128xi32, #tpu.memory_space<vmem>>
        %dma_start3A_1985 = tpu.memref_squeeze %dma_start3A_1984 : memref<1x128xi32, #tpu.memory_space<vmem>> -> memref<128xi32, #tpu.memory_space<vmem>>
        %dma_start3A_1986 = arith.constant 0 : i32
        %dma_start3A_1987 = tpu.memref_slice %arg19[%dma_start3A_1986] : memref<10240xf32, #tpu.memory_space<vmem_shared>> -> memref<10240xf32, #tpu.memory_space<vmem_shared>>
        tpu.enqueue_indirect_dma source(%dma_start3A_1987 : memref<10240xf32, #tpu.memory_space<vmem_shared>>) target(%dma_start3A_1982 : memref<128xf32, #tpu.memory_space<vmem>>) offsets(%dma_start3A_1985 : memref<128xi32, #tpu.memory_space<vmem>>) semaphore(%arg22 : memref<!tpu.dma_semaphore, #tpu.memory_space<semaphore_mem>>)
        %add3A_1988 = arith.constant 1 : i32
        %add3A_1989 = arith.addi %while3A_1396, %add3A_1988 : i32
        %mul3A_1990 = arith.constant 16 : i32
        %mul3A_1991 = arith.muli %add3A_1989, %mul3A_1990 : i32
        %add3A_1992 = arith.constant 8 : i32
        %add3A_1993 = arith.addi %mul3A_1991, %add3A_1992 : i32
        %dma_start3A_1994 = arith.constant 0 : i32
        %dma_start3A_1995 = tpu.memref_slice %arg9[%add3A_1993, %dma_start3A_1994] : memref<112x128xi32, #tpu.memory_space<vmem>> -> memref<1x128xi32, #tpu.memory_space<vmem>>
        %dma_start3A_1996 = tpu.memref_squeeze %dma_start3A_1995 : memref<1x128xi32, #tpu.memory_space<vmem>> -> memref<128xi32, #tpu.memory_space<vmem>>
        %dma_start3A_1997 = arith.constant 0 : i32
        %dma_start3A_1998 = tpu.memref_slice %arg21[%dma_start3A_1997] : memref<10240xf32, #tpu.memory_space<vmem_shared>> -> memref<10240xf32, #tpu.memory_space<vmem_shared>>
        tpu.enqueue_indirect_dma source(%arg11 : memref<128xf32, #tpu.memory_space<vmem>>) target(%dma_start3A_1998 : memref<10240xf32, #tpu.memory_space<vmem_shared>>) offsets(%dma_start3A_1996 : memref<128xi32, #tpu.memory_space<vmem>>) semaphore(%arg23 : memref<!tpu.dma_semaphore, #tpu.memory_space<semaphore_mem>>) {add = true}
        %add3A_1999 = arith.constant 1 : i32
        %add3A_2000 = arith.addi %while3A_1396, %add3A_1999 : i32
        %mul3A_2001 = arith.constant 16 : i32
        %mul3A_2002 = arith.muli %add3A_2000, %mul3A_2001 : i32
        %add3A_2003 = arith.constant 9 : i32
        %add3A_2004 = arith.addi %mul3A_2002, %add3A_2003 : i32
        %dma_start3A_2005 = arith.constant 0 : i32
        %dma_start3A_2006 = tpu.memref_slice %arg10[%add3A_2004, %dma_start3A_2005] : memref<112x128xf32, #tpu.memory_space<vmem>> -> memref<1x128xf32, #tpu.memory_space<vmem>>
        %dma_start3A_2007 = tpu.memref_squeeze %dma_start3A_2006 : memref<1x128xf32, #tpu.memory_space<vmem>> -> memref<128xf32, #tpu.memory_space<vmem>>
        %dma_start3A_2008 = arith.constant 0 : i32
        %dma_start3A_2009 = tpu.memref_slice %arg8[%add3A_2004, %dma_start3A_2008] : memref<112x128xi32, #tpu.memory_space<vmem>> -> memref<1x128xi32, #tpu.memory_space<vmem>>
        %dma_start3A_2010 = tpu.memref_squeeze %dma_start3A_2009 : memref<1x128xi32, #tpu.memory_space<vmem>> -> memref<128xi32, #tpu.memory_space<vmem>>
        %dma_start3A_2011 = arith.constant 0 : i32
        %dma_start3A_2012 = tpu.memref_slice %arg19[%dma_start3A_2011] : memref<10240xf32, #tpu.memory_space<vmem_shared>> -> memref<10240xf32, #tpu.memory_space<vmem_shared>>
        tpu.enqueue_indirect_dma source(%dma_start3A_2012 : memref<10240xf32, #tpu.memory_space<vmem_shared>>) target(%dma_start3A_2007 : memref<128xf32, #tpu.memory_space<vmem>>) offsets(%dma_start3A_2010 : memref<128xi32, #tpu.memory_space<vmem>>) semaphore(%arg22 : memref<!tpu.dma_semaphore, #tpu.memory_space<semaphore_mem>>)
        %add3A_2013 = arith.constant 1 : i32
        %add3A_2014 = arith.addi %while3A_1396, %add3A_2013 : i32
        %mul3A_2015 = arith.constant 16 : i32
        %mul3A_2016 = arith.muli %add3A_2014, %mul3A_2015 : i32
        %add3A_2017 = arith.constant 9 : i32
        %add3A_2018 = arith.addi %mul3A_2016, %add3A_2017 : i32
        %dma_start3A_2019 = arith.constant 0 : i32
        %dma_start3A_2020 = tpu.memref_slice %arg9[%add3A_2018, %dma_start3A_2019] : memref<112x128xi32, #tpu.memory_space<vmem>> -> memref<1x128xi32, #tpu.memory_space<vmem>>
        %dma_start3A_2021 = tpu.memref_squeeze %dma_start3A_2020 : memref<1x128xi32, #tpu.memory_space<vmem>> -> memref<128xi32, #tpu.memory_space<vmem>>
        %dma_start3A_2022 = arith.constant 0 : i32
        %dma_start3A_2023 = tpu.memref_slice %arg21[%dma_start3A_2022] : memref<10240xf32, #tpu.memory_space<vmem_shared>> -> memref<10240xf32, #tpu.memory_space<vmem_shared>>
        tpu.enqueue_indirect_dma source(%arg11 : memref<128xf32, #tpu.memory_space<vmem>>) target(%dma_start3A_2023 : memref<10240xf32, #tpu.memory_space<vmem_shared>>) offsets(%dma_start3A_2021 : memref<128xi32, #tpu.memory_space<vmem>>) semaphore(%arg23 : memref<!tpu.dma_semaphore, #tpu.memory_space<semaphore_mem>>) {add = true}
        %add3A_2024 = arith.constant 1 : i32
        %add3A_2025 = arith.addi %while3A_1396, %add3A_2024 : i32
        %mul3A_2026 = arith.constant 16 : i32
        %mul3A_2027 = arith.muli %add3A_2025, %mul3A_2026 : i32
        %add3A_2028 = arith.constant 10 : i32
        %add3A_2029 = arith.addi %mul3A_2027, %add3A_2028 : i32
        %dma_start3A_2030 = arith.constant 0 : i32
        %dma_start3A_2031 = tpu.memref_slice %arg10[%add3A_2029, %dma_start3A_2030] : memref<112x128xf32, #tpu.memory_space<vmem>> -> memref<1x128xf32, #tpu.memory_space<vmem>>
        %dma_start3A_2032 = tpu.memref_squeeze %dma_start3A_2031 : memref<1x128xf32, #tpu.memory_space<vmem>> -> memref<128xf32, #tpu.memory_space<vmem>>
        %dma_start3A_2033 = arith.constant 0 : i32
        %dma_start3A_2034 = tpu.memref_slice %arg8[%add3A_2029, %dma_start3A_2033] : memref<112x128xi32, #tpu.memory_space<vmem>> -> memref<1x128xi32, #tpu.memory_space<vmem>>
        %dma_start3A_2035 = tpu.memref_squeeze %dma_start3A_2034 : memref<1x128xi32, #tpu.memory_space<vmem>> -> memref<128xi32, #tpu.memory_space<vmem>>
        %dma_start3A_2036 = arith.constant 0 : i32
        %dma_start3A_2037 = tpu.memref_slice %arg19[%dma_start3A_2036] : memref<10240xf32, #tpu.memory_space<vmem_shared>> -> memref<10240xf32, #tpu.memory_space<vmem_shared>>
        tpu.enqueue_indirect_dma source(%dma_start3A_2037 : memref<10240xf32, #tpu.memory_space<vmem_shared>>) target(%dma_start3A_2032 : memref<128xf32, #tpu.memory_space<vmem>>) offsets(%dma_start3A_2035 : memref<128xi32, #tpu.memory_space<vmem>>) semaphore(%arg22 : memref<!tpu.dma_semaphore, #tpu.memory_space<semaphore_mem>>)
        %add3A_2038 = arith.constant 1 : i32
        %add3A_2039 = arith.addi %while3A_1396, %add3A_2038 : i32
        %mul3A_2040 = arith.constant 16 : i32
        %mul3A_2041 = arith.muli %add3A_2039, %mul3A_2040 : i32
        %add3A_2042 = arith.constant 10 : i32
        %add3A_2043 = arith.addi %mul3A_2041, %add3A_2042 : i32
        %dma_start3A_2044 = arith.constant 0 : i32
        %dma_start3A_2045 = tpu.memref_slice %arg9[%add3A_2043, %dma_start3A_2044] : memref<112x128xi32, #tpu.memory_space<vmem>> -> memref<1x128xi32, #tpu.memory_space<vmem>>
        %dma_start3A_2046 = tpu.memref_squeeze %dma_start3A_2045 : memref<1x128xi32, #tpu.memory_space<vmem>> -> memref<128xi32, #tpu.memory_space<vmem>>
        %dma_start3A_2047 = arith.constant 0 : i32
        %dma_start3A_2048 = tpu.memref_slice %arg21[%dma_start3A_2047] : memref<10240xf32, #tpu.memory_space<vmem_shared>> -> memref<10240xf32, #tpu.memory_space<vmem_shared>>
        tpu.enqueue_indirect_dma source(%arg11 : memref<128xf32, #tpu.memory_space<vmem>>) target(%dma_start3A_2048 : memref<10240xf32, #tpu.memory_space<vmem_shared>>) offsets(%dma_start3A_2046 : memref<128xi32, #tpu.memory_space<vmem>>) semaphore(%arg23 : memref<!tpu.dma_semaphore, #tpu.memory_space<semaphore_mem>>) {add = true}
        %add3A_2049 = arith.constant 1 : i32
        %add3A_2050 = arith.addi %while3A_1396, %add3A_2049 : i32
        %mul3A_2051 = arith.constant 16 : i32
        %mul3A_2052 = arith.muli %add3A_2050, %mul3A_2051 : i32
        %add3A_2053 = arith.constant 11 : i32
        %add3A_2054 = arith.addi %mul3A_2052, %add3A_2053 : i32
        %dma_start3A_2055 = arith.constant 0 : i32
        %dma_start3A_2056 = tpu.memref_slice %arg10[%add3A_2054, %dma_start3A_2055] : memref<112x128xf32, #tpu.memory_space<vmem>> -> memref<1x128xf32, #tpu.memory_space<vmem>>
        %dma_start3A_2057 = tpu.memref_squeeze %dma_start3A_2056 : memref<1x128xf32, #tpu.memory_space<vmem>> -> memref<128xf32, #tpu.memory_space<vmem>>
        %dma_start3A_2058 = arith.constant 0 : i32
        %dma_start3A_2059 = tpu.memref_slice %arg8[%add3A_2054, %dma_start3A_2058] : memref<112x128xi32, #tpu.memory_space<vmem>> -> memref<1x128xi32, #tpu.memory_space<vmem>>
        %dma_start3A_2060 = tpu.memref_squeeze %dma_start3A_2059 : memref<1x128xi32, #tpu.memory_space<vmem>> -> memref<128xi32, #tpu.memory_space<vmem>>
        %dma_start3A_2061 = arith.constant 0 : i32
        %dma_start3A_2062 = tpu.memref_slice %arg19[%dma_start3A_2061] : memref<10240xf32, #tpu.memory_space<vmem_shared>> -> memref<10240xf32, #tpu.memory_space<vmem_shared>>
        tpu.enqueue_indirect_dma source(%dma_start3A_2062 : memref<10240xf32, #tpu.memory_space<vmem_shared>>) target(%dma_start3A_2057 : memref<128xf32, #tpu.memory_space<vmem>>) offsets(%dma_start3A_2060 : memref<128xi32, #tpu.memory_space<vmem>>) semaphore(%arg22 : memref<!tpu.dma_semaphore, #tpu.memory_space<semaphore_mem>>)
        %add3A_2063 = arith.constant 1 : i32
        %add3A_2064 = arith.addi %while3A_1396, %add3A_2063 : i32
        %mul3A_2065 = arith.constant 16 : i32
        %mul3A_2066 = arith.muli %add3A_2064, %mul3A_2065 : i32
        %add3A_2067 = arith.constant 11 : i32
        %add3A_2068 = arith.addi %mul3A_2066, %add3A_2067 : i32
        %dma_start3A_2069 = arith.constant 0 : i32
        %dma_start3A_2070 = tpu.memref_slice %arg9[%add3A_2068, %dma_start3A_2069] : memref<112x128xi32, #tpu.memory_space<vmem>> -> memref<1x128xi32, #tpu.memory_space<vmem>>
        %dma_start3A_2071 = tpu.memref_squeeze %dma_start3A_2070 : memref<1x128xi32, #tpu.memory_space<vmem>> -> memref<128xi32, #tpu.memory_space<vmem>>
        %dma_start3A_2072 = arith.constant 0 : i32
        %dma_start3A_2073 = tpu.memref_slice %arg21[%dma_start3A_2072] : memref<10240xf32, #tpu.memory_space<vmem_shared>> -> memref<10240xf32, #tpu.memory_space<vmem_shared>>
        tpu.enqueue_indirect_dma source(%arg11 : memref<128xf32, #tpu.memory_space<vmem>>) target(%dma_start3A_2073 : memref<10240xf32, #tpu.memory_space<vmem_shared>>) offsets(%dma_start3A_2071 : memref<128xi32, #tpu.memory_space<vmem>>) semaphore(%arg23 : memref<!tpu.dma_semaphore, #tpu.memory_space<semaphore_mem>>) {add = true}
        %add3A_2074 = arith.constant 1 : i32
        %add3A_2075 = arith.addi %while3A_1396, %add3A_2074 : i32
        %mul3A_2076 = arith.constant 16 : i32
        %mul3A_2077 = arith.muli %add3A_2075, %mul3A_2076 : i32
        %add3A_2078 = arith.constant 12 : i32
        %add3A_2079 = arith.addi %mul3A_2077, %add3A_2078 : i32
        %dma_start3A_2080 = arith.constant 0 : i32
        %dma_start3A_2081 = tpu.memref_slice %arg10[%add3A_2079, %dma_start3A_2080] : memref<112x128xf32, #tpu.memory_space<vmem>> -> memref<1x128xf32, #tpu.memory_space<vmem>>
        %dma_start3A_2082 = tpu.memref_squeeze %dma_start3A_2081 : memref<1x128xf32, #tpu.memory_space<vmem>> -> memref<128xf32, #tpu.memory_space<vmem>>
        %dma_start3A_2083 = arith.constant 0 : i32
        %dma_start3A_2084 = tpu.memref_slice %arg8[%add3A_2079, %dma_start3A_2083] : memref<112x128xi32, #tpu.memory_space<vmem>> -> memref<1x128xi32, #tpu.memory_space<vmem>>
        %dma_start3A_2085 = tpu.memref_squeeze %dma_start3A_2084 : memref<1x128xi32, #tpu.memory_space<vmem>> -> memref<128xi32, #tpu.memory_space<vmem>>
        %dma_start3A_2086 = arith.constant 0 : i32
        %dma_start3A_2087 = tpu.memref_slice %arg19[%dma_start3A_2086] : memref<10240xf32, #tpu.memory_space<vmem_shared>> -> memref<10240xf32, #tpu.memory_space<vmem_shared>>
        tpu.enqueue_indirect_dma source(%dma_start3A_2087 : memref<10240xf32, #tpu.memory_space<vmem_shared>>) target(%dma_start3A_2082 : memref<128xf32, #tpu.memory_space<vmem>>) offsets(%dma_start3A_2085 : memref<128xi32, #tpu.memory_space<vmem>>) semaphore(%arg22 : memref<!tpu.dma_semaphore, #tpu.memory_space<semaphore_mem>>)
        %add3A_2088 = arith.constant 1 : i32
        %add3A_2089 = arith.addi %while3A_1396, %add3A_2088 : i32
        %mul3A_2090 = arith.constant 16 : i32
        %mul3A_2091 = arith.muli %add3A_2089, %mul3A_2090 : i32
        %add3A_2092 = arith.constant 12 : i32
        %add3A_2093 = arith.addi %mul3A_2091, %add3A_2092 : i32
        %dma_start3A_2094 = arith.constant 0 : i32
        %dma_start3A_2095 = tpu.memref_slice %arg9[%add3A_2093, %dma_start3A_2094] : memref<112x128xi32, #tpu.memory_space<vmem>> -> memref<1x128xi32, #tpu.memory_space<vmem>>
        %dma_start3A_2096 = tpu.memref_squeeze %dma_start3A_2095 : memref<1x128xi32, #tpu.memory_space<vmem>> -> memref<128xi32, #tpu.memory_space<vmem>>
        %dma_start3A_2097 = arith.constant 0 : i32
        %dma_start3A_2098 = tpu.memref_slice %arg21[%dma_start3A_2097] : memref<10240xf32, #tpu.memory_space<vmem_shared>> -> memref<10240xf32, #tpu.memory_space<vmem_shared>>
        tpu.enqueue_indirect_dma source(%arg11 : memref<128xf32, #tpu.memory_space<vmem>>) target(%dma_start3A_2098 : memref<10240xf32, #tpu.memory_space<vmem_shared>>) offsets(%dma_start3A_2096 : memref<128xi32, #tpu.memory_space<vmem>>) semaphore(%arg23 : memref<!tpu.dma_semaphore, #tpu.memory_space<semaphore_mem>>) {add = true}
        %add3A_2099 = arith.constant 1 : i32
        %add3A_2100 = arith.addi %while3A_1396, %add3A_2099 : i32
        %mul3A_2101 = arith.constant 16 : i32
        %mul3A_2102 = arith.muli %add3A_2100, %mul3A_2101 : i32
        %add3A_2103 = arith.constant 13 : i32
        %add3A_2104 = arith.addi %mul3A_2102, %add3A_2103 : i32
        %dma_start3A_2105 = arith.constant 0 : i32
        %dma_start3A_2106 = tpu.memref_slice %arg10[%add3A_2104, %dma_start3A_2105] : memref<112x128xf32, #tpu.memory_space<vmem>> -> memref<1x128xf32, #tpu.memory_space<vmem>>
        %dma_start3A_2107 = tpu.memref_squeeze %dma_start3A_2106 : memref<1x128xf32, #tpu.memory_space<vmem>> -> memref<128xf32, #tpu.memory_space<vmem>>
        %dma_start3A_2108 = arith.constant 0 : i32
        %dma_start3A_2109 = tpu.memref_slice %arg8[%add3A_2104, %dma_start3A_2108] : memref<112x128xi32, #tpu.memory_space<vmem>> -> memref<1x128xi32, #tpu.memory_space<vmem>>
        %dma_start3A_2110 = tpu.memref_squeeze %dma_start3A_2109 : memref<1x128xi32, #tpu.memory_space<vmem>> -> memref<128xi32, #tpu.memory_space<vmem>>
        %dma_start3A_2111 = arith.constant 0 : i32
        %dma_start3A_2112 = tpu.memref_slice %arg19[%dma_start3A_2111] : memref<10240xf32, #tpu.memory_space<vmem_shared>> -> memref<10240xf32, #tpu.memory_space<vmem_shared>>
        tpu.enqueue_indirect_dma source(%dma_start3A_2112 : memref<10240xf32, #tpu.memory_space<vmem_shared>>) target(%dma_start3A_2107 : memref<128xf32, #tpu.memory_space<vmem>>) offsets(%dma_start3A_2110 : memref<128xi32, #tpu.memory_space<vmem>>) semaphore(%arg22 : memref<!tpu.dma_semaphore, #tpu.memory_space<semaphore_mem>>)
        %add3A_2113 = arith.constant 1 : i32
        %add3A_2114 = arith.addi %while3A_1396, %add3A_2113 : i32
        %mul3A_2115 = arith.constant 16 : i32
        %mul3A_2116 = arith.muli %add3A_2114, %mul3A_2115 : i32
        %add3A_2117 = arith.constant 13 : i32
        %add3A_2118 = arith.addi %mul3A_2116, %add3A_2117 : i32
        %dma_start3A_2119 = arith.constant 0 : i32
        %dma_start3A_2120 = tpu.memref_slice %arg9[%add3A_2118, %dma_start3A_2119] : memref<112x128xi32, #tpu.memory_space<vmem>> -> memref<1x128xi32, #tpu.memory_space<vmem>>
        %dma_start3A_2121 = tpu.memref_squeeze %dma_start3A_2120 : memref<1x128xi32, #tpu.memory_space<vmem>> -> memref<128xi32, #tpu.memory_space<vmem>>
        %dma_start3A_2122 = arith.constant 0 : i32
        %dma_start3A_2123 = tpu.memref_slice %arg21[%dma_start3A_2122] : memref<10240xf32, #tpu.memory_space<vmem_shared>> -> memref<10240xf32, #tpu.memory_space<vmem_shared>>
        tpu.enqueue_indirect_dma source(%arg11 : memref<128xf32, #tpu.memory_space<vmem>>) target(%dma_start3A_2123 : memref<10240xf32, #tpu.memory_space<vmem_shared>>) offsets(%dma_start3A_2121 : memref<128xi32, #tpu.memory_space<vmem>>) semaphore(%arg23 : memref<!tpu.dma_semaphore, #tpu.memory_space<semaphore_mem>>) {add = true}
        %add3A_2124 = arith.constant 1 : i32
        %add3A_2125 = arith.addi %while3A_1396, %add3A_2124 : i32
        %mul3A_2126 = arith.constant 16 : i32
        %mul3A_2127 = arith.muli %add3A_2125, %mul3A_2126 : i32
        %add3A_2128 = arith.constant 14 : i32
        %add3A_2129 = arith.addi %mul3A_2127, %add3A_2128 : i32
        %dma_start3A_2130 = arith.constant 0 : i32
        %dma_start3A_2131 = tpu.memref_slice %arg10[%add3A_2129, %dma_start3A_2130] : memref<112x128xf32, #tpu.memory_space<vmem>> -> memref<1x128xf32, #tpu.memory_space<vmem>>
        %dma_start3A_2132 = tpu.memref_squeeze %dma_start3A_2131 : memref<1x128xf32, #tpu.memory_space<vmem>> -> memref<128xf32, #tpu.memory_space<vmem>>
        %dma_start3A_2133 = arith.constant 0 : i32
        %dma_start3A_2134 = tpu.memref_slice %arg8[%add3A_2129, %dma_start3A_2133] : memref<112x128xi32, #tpu.memory_space<vmem>> -> memref<1x128xi32, #tpu.memory_space<vmem>>
        %dma_start3A_2135 = tpu.memref_squeeze %dma_start3A_2134 : memref<1x128xi32, #tpu.memory_space<vmem>> -> memref<128xi32, #tpu.memory_space<vmem>>
        %dma_start3A_2136 = arith.constant 0 : i32
        %dma_start3A_2137 = tpu.memref_slice %arg19[%dma_start3A_2136] : memref<10240xf32, #tpu.memory_space<vmem_shared>> -> memref<10240xf32, #tpu.memory_space<vmem_shared>>
        tpu.enqueue_indirect_dma source(%dma_start3A_2137 : memref<10240xf32, #tpu.memory_space<vmem_shared>>) target(%dma_start3A_2132 : memref<128xf32, #tpu.memory_space<vmem>>) offsets(%dma_start3A_2135 : memref<128xi32, #tpu.memory_space<vmem>>) semaphore(%arg22 : memref<!tpu.dma_semaphore, #tpu.memory_space<semaphore_mem>>)
        %add3A_2138 = arith.constant 1 : i32
        %add3A_2139 = arith.addi %while3A_1396, %add3A_2138 : i32
        %mul3A_2140 = arith.constant 16 : i32
        %mul3A_2141 = arith.muli %add3A_2139, %mul3A_2140 : i32
        %add3A_2142 = arith.constant 14 : i32
        %add3A_2143 = arith.addi %mul3A_2141, %add3A_2142 : i32
        %dma_start3A_2144 = arith.constant 0 : i32
        %dma_start3A_2145 = tpu.memref_slice %arg9[%add3A_2143, %dma_start3A_2144] : memref<112x128xi32, #tpu.memory_space<vmem>> -> memref<1x128xi32, #tpu.memory_space<vmem>>
        %dma_start3A_2146 = tpu.memref_squeeze %dma_start3A_2145 : memref<1x128xi32, #tpu.memory_space<vmem>> -> memref<128xi32, #tpu.memory_space<vmem>>
        %dma_start3A_2147 = arith.constant 0 : i32
        %dma_start3A_2148 = tpu.memref_slice %arg21[%dma_start3A_2147] : memref<10240xf32, #tpu.memory_space<vmem_shared>> -> memref<10240xf32, #tpu.memory_space<vmem_shared>>
        tpu.enqueue_indirect_dma source(%arg11 : memref<128xf32, #tpu.memory_space<vmem>>) target(%dma_start3A_2148 : memref<10240xf32, #tpu.memory_space<vmem_shared>>) offsets(%dma_start3A_2146 : memref<128xi32, #tpu.memory_space<vmem>>) semaphore(%arg23 : memref<!tpu.dma_semaphore, #tpu.memory_space<semaphore_mem>>) {add = true}
        %add3A_2149 = arith.constant 1 : i32
        %add3A_2150 = arith.addi %while3A_1396, %add3A_2149 : i32
        %mul3A_2151 = arith.constant 16 : i32
        %mul3A_2152 = arith.muli %add3A_2150, %mul3A_2151 : i32
        %add3A_2153 = arith.constant 15 : i32
        %add3A_2154 = arith.addi %mul3A_2152, %add3A_2153 : i32
        %dma_start3A_2155 = arith.constant 0 : i32
        %dma_start3A_2156 = tpu.memref_slice %arg10[%add3A_2154, %dma_start3A_2155] : memref<112x128xf32, #tpu.memory_space<vmem>> -> memref<1x128xf32, #tpu.memory_space<vmem>>
        %dma_start3A_2157 = tpu.memref_squeeze %dma_start3A_2156 : memref<1x128xf32, #tpu.memory_space<vmem>> -> memref<128xf32, #tpu.memory_space<vmem>>
        %dma_start3A_2158 = arith.constant 0 : i32
        %dma_start3A_2159 = tpu.memref_slice %arg8[%add3A_2154, %dma_start3A_2158] : memref<112x128xi32, #tpu.memory_space<vmem>> -> memref<1x128xi32, #tpu.memory_space<vmem>>
        %dma_start3A_2160 = tpu.memref_squeeze %dma_start3A_2159 : memref<1x128xi32, #tpu.memory_space<vmem>> -> memref<128xi32, #tpu.memory_space<vmem>>
        %dma_start3A_2161 = arith.constant 0 : i32
        %dma_start3A_2162 = tpu.memref_slice %arg19[%dma_start3A_2161] : memref<10240xf32, #tpu.memory_space<vmem_shared>> -> memref<10240xf32, #tpu.memory_space<vmem_shared>>
        tpu.enqueue_indirect_dma source(%dma_start3A_2162 : memref<10240xf32, #tpu.memory_space<vmem_shared>>) target(%dma_start3A_2157 : memref<128xf32, #tpu.memory_space<vmem>>) offsets(%dma_start3A_2160 : memref<128xi32, #tpu.memory_space<vmem>>) semaphore(%arg22 : memref<!tpu.dma_semaphore, #tpu.memory_space<semaphore_mem>>)
        %add3A_2163 = arith.constant 1 : i32
        %add3A_2164 = arith.addi %while3A_1396, %add3A_2163 : i32
        %mul3A_2165 = arith.constant 16 : i32
        %mul3A_2166 = arith.muli %add3A_2164, %mul3A_2165 : i32
        %add3A_2167 = arith.constant 15 : i32
        %add3A_2168 = arith.addi %mul3A_2166, %add3A_2167 : i32
        %dma_start3A_2169 = arith.constant 0 : i32
        %dma_start3A_2170 = tpu.memref_slice %arg9[%add3A_2168, %dma_start3A_2169] : memref<112x128xi32, #tpu.memory_space<vmem>> -> memref<1x128xi32, #tpu.memory_space<vmem>>
        %dma_start3A_2171 = tpu.memref_squeeze %dma_start3A_2170 : memref<1x128xi32, #tpu.memory_space<vmem>> -> memref<128xi32, #tpu.memory_space<vmem>>
        %dma_start3A_2172 = arith.constant 0 : i32
        %dma_start3A_2173 = tpu.memref_slice %arg21[%dma_start3A_2172] : memref<10240xf32, #tpu.memory_space<vmem_shared>> -> memref<10240xf32, #tpu.memory_space<vmem_shared>>
        tpu.enqueue_indirect_dma source(%arg11 : memref<128xf32, #tpu.memory_space<vmem>>) target(%dma_start3A_2173 : memref<10240xf32, #tpu.memory_space<vmem_shared>>) offsets(%dma_start3A_2171 : memref<128xi32, #tpu.memory_space<vmem>>) semaphore(%arg23 : memref<!tpu.dma_semaphore, #tpu.memory_space<semaphore_mem>>) {add = true}
      } else {
      }
      %dma_wait3A_1402 = arith.constant 0 : i32
      %dma_wait3A_1403 = arith.constant 0 : i32
      %dma_wait3A_1404 = tpu.memref_slice %arg10[%dma_wait3A_1402, %dma_wait3A_1403] : memref<112x128xf32, #tpu.memory_space<vmem>> -> memref<1x128xf32, #tpu.memory_space<vmem>>
      %dma_wait3A_1405 = tpu.memref_squeeze %dma_wait3A_1404 : memref<1x128xf32, #tpu.memory_space<vmem>> -> memref<128xf32, #tpu.memory_space<vmem>>
      %dma_wait3A_1406 = arith.constant 0 : i32
      %dma_wait3A_1407 = tpu.memref_slice %arg2[%dma_wait3A_1406] : memref<10240xf32, #tpu.memory_space<hbm>> -> memref<128xf32, #tpu.memory_space<hbm>>
      %dma_wait3A_1408 = arith.constant 0 : i32
      %dma_wait3A_1409 = tpu.memref_slice %arg10[%dma_wait3A_1402, %dma_wait3A_1408] : memref<112x128xf32, #tpu.memory_space<vmem>> -> memref<1x128xf32, #tpu.memory_space<vmem>>
      %dma_wait3A_1410 = tpu.memref_squeeze %dma_wait3A_1409 : memref<1x128xf32, #tpu.memory_space<vmem>> -> memref<128xf32, #tpu.memory_space<vmem>>
      %dma_wait3A_1411 = arith.constant 0 : i32
      %dma_wait3A_1412 = tpu.memref_slice %arg2[%dma_wait3A_1411] : memref<10240xf32, #tpu.memory_space<hbm>> -> memref<128xf32, #tpu.memory_space<hbm>>
      tpu.wait_dma2 semaphore(%arg22 : memref<!tpu.dma_semaphore, #tpu.memory_space<semaphore_mem>>) src(%dma_wait3A_1412 : memref<128xf32, #tpu.memory_space<hbm>>) dst(%dma_wait3A_1410 : memref<128xf32, #tpu.memory_space<vmem>>)
      %dma_wait3A_1413 = arith.constant 0 : i32
      %dma_wait3A_1414 = arith.constant 0 : i32
      %dma_wait3A_1415 = tpu.memref_slice %arg10[%dma_wait3A_1413, %dma_wait3A_1414] : memref<112x128xf32, #tpu.memory_space<vmem>> -> memref<1x128xf32, #tpu.memory_space<vmem>>
      %dma_wait3A_1416 = tpu.memref_squeeze %dma_wait3A_1415 : memref<1x128xf32, #tpu.memory_space<vmem>> -> memref<128xf32, #tpu.memory_space<vmem>>
      %dma_wait3A_1417 = arith.constant 0 : i32
      %dma_wait3A_1418 = tpu.memref_slice %arg2[%dma_wait3A_1417] : memref<10240xf32, #tpu.memory_space<hbm>> -> memref<128xf32, #tpu.memory_space<hbm>>
      %dma_wait3A_1419 = arith.constant 0 : i32
      %dma_wait3A_1420 = tpu.memref_slice %arg10[%dma_wait3A_1413, %dma_wait3A_1419] : memref<112x128xf32, #tpu.memory_space<vmem>> -> memref<1x128xf32, #tpu.memory_space<vmem>>
      %dma_wait3A_1421 = tpu.memref_squeeze %dma_wait3A_1420 : memref<1x128xf32, #tpu.memory_space<vmem>> -> memref<128xf32, #tpu.memory_space<vmem>>
      %dma_wait3A_1422 = arith.constant 0 : i32
      %dma_wait3A_1423 = tpu.memref_slice %arg2[%dma_wait3A_1422] : memref<10240xf32, #tpu.memory_space<hbm>> -> memref<128xf32, #tpu.memory_space<hbm>>
      tpu.wait_dma2 semaphore(%arg22 : memref<!tpu.dma_semaphore, #tpu.memory_space<semaphore_mem>>) src(%dma_wait3A_1423 : memref<128xf32, #tpu.memory_space<hbm>>) dst(%dma_wait3A_1421 : memref<128xf32, #tpu.memory_space<vmem>>)
      %dma_wait3A_1424 = arith.constant 0 : i32
      %dma_wait3A_1425 = arith.constant 0 : i32
      %dma_wait3A_1426 = tpu.memref_slice %arg10[%dma_wait3A_1424, %dma_wait3A_1425] : memref<112x128xf32, #tpu.memory_space<vmem>> -> memref<1x128xf32, #tpu.memory_space<vmem>>
      %dma_wait3A_1427 = tpu.memref_squeeze %dma_wait3A_1426 : memref<1x128xf32, #tpu.memory_space<vmem>> -> memref<128xf32, #tpu.memory_space<vmem>>
      %dma_wait3A_1428 = arith.constant 0 : i32
      %dma_wait3A_1429 = tpu.memref_slice %arg2[%dma_wait3A_1428] : memref<10240xf32, #tpu.memory_space<hbm>> -> memref<128xf32, #tpu.memory_space<hbm>>
      %dma_wait3A_1430 = arith.constant 0 : i32
      %dma_wait3A_1431 = tpu.memref_slice %arg10[%dma_wait3A_1424, %dma_wait3A_1430] : memref<112x128xf32, #tpu.memory_space<vmem>> -> memref<1x128xf32, #tpu.memory_space<vmem>>
      %dma_wait3A_1432 = tpu.memref_squeeze %dma_wait3A_1431 : memref<1x128xf32, #tpu.memory_space<vmem>> -> memref<128xf32, #tpu.memory_space<vmem>>
      %dma_wait3A_1433 = arith.constant 0 : i32
      %dma_wait3A_1434 = tpu.memref_slice %arg2[%dma_wait3A_1433] : memref<10240xf32, #tpu.memory_space<hbm>> -> memref<128xf32, #tpu.memory_space<hbm>>
      tpu.wait_dma2 semaphore(%arg22 : memref<!tpu.dma_semaphore, #tpu.memory_space<semaphore_mem>>) src(%dma_wait3A_1434 : memref<128xf32, #tpu.memory_space<hbm>>) dst(%dma_wait3A_1432 : memref<128xf32, #tpu.memory_space<vmem>>)
      %dma_wait3A_1435 = arith.constant 0 : i32
      %dma_wait3A_1436 = arith.constant 0 : i32
      %dma_wait3A_1437 = tpu.memref_slice %arg10[%dma_wait3A_1435, %dma_wait3A_1436] : memref<112x128xf32, #tpu.memory_space<vmem>> -> memref<1x128xf32, #tpu.memory_space<vmem>>
      %dma_wait3A_1438 = tpu.memref_squeeze %dma_wait3A_1437 : memref<1x128xf32, #tpu.memory_space<vmem>> -> memref<128xf32, #tpu.memory_space<vmem>>
      %dma_wait3A_1439 = arith.constant 0 : i32
      %dma_wait3A_1440 = tpu.memref_slice %arg2[%dma_wait3A_1439] : memref<10240xf32, #tpu.memory_space<hbm>> -> memref<128xf32, #tpu.memory_space<hbm>>
      %dma_wait3A_1441 = arith.constant 0 : i32
      %dma_wait3A_1442 = tpu.memref_slice %arg10[%dma_wait3A_1435, %dma_wait3A_1441] : memref<112x128xf32, #tpu.memory_space<vmem>> -> memref<1x128xf32, #tpu.memory_space<vmem>>
      %dma_wait3A_1443 = tpu.memref_squeeze %dma_wait3A_1442 : memref<1x128xf32, #tpu.memory_space<vmem>> -> memref<128xf32, #tpu.memory_space<vmem>>
      %dma_wait3A_1444 = arith.constant 0 : i32
      %dma_wait3A_1445 = tpu.memref_slice %arg2[%dma_wait3A_1444] : memref<10240xf32, #tpu.memory_space<hbm>> -> memref<128xf32, #tpu.memory_space<hbm>>
      tpu.wait_dma2 semaphore(%arg22 : memref<!tpu.dma_semaphore, #tpu.memory_space<semaphore_mem>>) src(%dma_wait3A_1445 : memref<128xf32, #tpu.memory_space<hbm>>) dst(%dma_wait3A_1443 : memref<128xf32, #tpu.memory_space<vmem>>)
      %dma_wait3A_1446 = arith.constant 0 : i32
      %dma_wait3A_1447 = arith.constant 0 : i32
      %dma_wait3A_1448 = tpu.memref_slice %arg10[%dma_wait3A_1446, %dma_wait3A_1447] : memref<112x128xf32, #tpu.memory_space<vmem>> -> memref<1x128xf32, #tpu.memory_space<vmem>>
      %dma_wait3A_1449 = tpu.memref_squeeze %dma_wait3A_1448 : memref<1x128xf32, #tpu.memory_space<vmem>> -> memref<128xf32, #tpu.memory_space<vmem>>
      %dma_wait3A_1450 = arith.constant 0 : i32
      %dma_wait3A_1451 = tpu.memref_slice %arg2[%dma_wait3A_1450] : memref<10240xf32, #tpu.memory_space<hbm>> -> memref<128xf32, #tpu.memory_space<hbm>>
      %dma_wait3A_1452 = arith.constant 0 : i32
      %dma_wait3A_1453 = tpu.memref_slice %arg10[%dma_wait3A_1446, %dma_wait3A_1452] : memref<112x128xf32, #tpu.memory_space<vmem>> -> memref<1x128xf32, #tpu.memory_space<vmem>>
      %dma_wait3A_1454 = tpu.memref_squeeze %dma_wait3A_1453 : memref<1x128xf32, #tpu.memory_space<vmem>> -> memref<128xf32, #tpu.memory_space<vmem>>
      %dma_wait3A_1455 = arith.constant 0 : i32
      %dma_wait3A_1456 = tpu.memref_slice %arg2[%dma_wait3A_1455] : memref<10240xf32, #tpu.memory_space<hbm>> -> memref<128xf32, #tpu.memory_space<hbm>>
      tpu.wait_dma2 semaphore(%arg22 : memref<!tpu.dma_semaphore, #tpu.memory_space<semaphore_mem>>) src(%dma_wait3A_1456 : memref<128xf32, #tpu.memory_space<hbm>>) dst(%dma_wait3A_1454 : memref<128xf32, #tpu.memory_space<vmem>>)
      %dma_wait3A_1457 = arith.constant 0 : i32
      %dma_wait3A_1458 = arith.constant 0 : i32
      %dma_wait3A_1459 = tpu.memref_slice %arg10[%dma_wait3A_1457, %dma_wait3A_1458] : memref<112x128xf32, #tpu.memory_space<vmem>> -> memref<1x128xf32, #tpu.memory_space<vmem>>
      %dma_wait3A_1460 = tpu.memref_squeeze %dma_wait3A_1459 : memref<1x128xf32, #tpu.memory_space<vmem>> -> memref<128xf32, #tpu.memory_space<vmem>>
      %dma_wait3A_1461 = arith.constant 0 : i32
      %dma_wait3A_1462 = tpu.memref_slice %arg2[%dma_wait3A_1461] : memref<10240xf32, #tpu.memory_space<hbm>> -> memref<128xf32, #tpu.memory_space<hbm>>
      %dma_wait3A_1463 = arith.constant 0 : i32
      %dma_wait3A_1464 = tpu.memref_slice %arg10[%dma_wait3A_1457, %dma_wait3A_1463] : memref<112x128xf32, #tpu.memory_space<vmem>> -> memref<1x128xf32, #tpu.memory_space<vmem>>
      %dma_wait3A_1465 = tpu.memref_squeeze %dma_wait3A_1464 : memref<1x128xf32, #tpu.memory_space<vmem>> -> memref<128xf32, #tpu.memory_space<vmem>>
      %dma_wait3A_1466 = arith.constant 0 : i32
      %dma_wait3A_1467 = tpu.memref_slice %arg2[%dma_wait3A_1466] : memref<10240xf32, #tpu.memory_space<hbm>> -> memref<128xf32, #tpu.memory_space<hbm>>
      tpu.wait_dma2 semaphore(%arg22 : memref<!tpu.dma_semaphore, #tpu.memory_space<semaphore_mem>>) src(%dma_wait3A_1467 : memref<128xf32, #tpu.memory_space<hbm>>) dst(%dma_wait3A_1465 : memref<128xf32, #tpu.memory_space<vmem>>)
      %dma_wait3A_1468 = arith.constant 0 : i32
      %dma_wait3A_1469 = arith.constant 0 : i32
      %dma_wait3A_1470 = tpu.memref_slice %arg10[%dma_wait3A_1468, %dma_wait3A_1469] : memref<112x128xf32, #tpu.memory_space<vmem>> -> memref<1x128xf32, #tpu.memory_space<vmem>>
      %dma_wait3A_1471 = tpu.memref_squeeze %dma_wait3A_1470 : memref<1x128xf32, #tpu.memory_space<vmem>> -> memref<128xf32, #tpu.memory_space<vmem>>
      %dma_wait3A_1472 = arith.constant 0 : i32
      %dma_wait3A_1473 = tpu.memref_slice %arg2[%dma_wait3A_1472] : memref<10240xf32, #tpu.memory_space<hbm>> -> memref<128xf32, #tpu.memory_space<hbm>>
      %dma_wait3A_1474 = arith.constant 0 : i32
      %dma_wait3A_1475 = tpu.memref_slice %arg10[%dma_wait3A_1468, %dma_wait3A_1474] : memref<112x128xf32, #tpu.memory_space<vmem>> -> memref<1x128xf32, #tpu.memory_space<vmem>>
      %dma_wait3A_1476 = tpu.memref_squeeze %dma_wait3A_1475 : memref<1x128xf32, #tpu.memory_space<vmem>> -> memref<128xf32, #tpu.memory_space<vmem>>
      %dma_wait3A_1477 = arith.constant 0 : i32
      %dma_wait3A_1478 = tpu.memref_slice %arg2[%dma_wait3A_1477] : memref<10240xf32, #tpu.memory_space<hbm>> -> memref<128xf32, #tpu.memory_space<hbm>>
      tpu.wait_dma2 semaphore(%arg22 : memref<!tpu.dma_semaphore, #tpu.memory_space<semaphore_mem>>) src(%dma_wait3A_1478 : memref<128xf32, #tpu.memory_space<hbm>>) dst(%dma_wait3A_1476 : memref<128xf32, #tpu.memory_space<vmem>>)
      %dma_wait3A_1479 = arith.constant 0 : i32
      %dma_wait3A_1480 = arith.constant 0 : i32
      %dma_wait3A_1481 = tpu.memref_slice %arg10[%dma_wait3A_1479, %dma_wait3A_1480] : memref<112x128xf32, #tpu.memory_space<vmem>> -> memref<1x128xf32, #tpu.memory_space<vmem>>
      %dma_wait3A_1482 = tpu.memref_squeeze %dma_wait3A_1481 : memref<1x128xf32, #tpu.memory_space<vmem>> -> memref<128xf32, #tpu.memory_space<vmem>>
      %dma_wait3A_1483 = arith.constant 0 : i32
      %dma_wait3A_1484 = tpu.memref_slice %arg2[%dma_wait3A_1483] : memref<10240xf32, #tpu.memory_space<hbm>> -> memref<128xf32, #tpu.memory_space<hbm>>
      %dma_wait3A_1485 = arith.constant 0 : i32
      %dma_wait3A_1486 = tpu.memref_slice %arg10[%dma_wait3A_1479, %dma_wait3A_1485] : memref<112x128xf32, #tpu.memory_space<vmem>> -> memref<1x128xf32, #tpu.memory_space<vmem>>
      %dma_wait3A_1487 = tpu.memref_squeeze %dma_wait3A_1486 : memref<1x128xf32, #tpu.memory_space<vmem>> -> memref<128xf32, #tpu.memory_space<vmem>>
      %dma_wait3A_1488 = arith.constant 0 : i32
      %dma_wait3A_1489 = tpu.memref_slice %arg2[%dma_wait3A_1488] : memref<10240xf32, #tpu.memory_space<hbm>> -> memref<128xf32, #tpu.memory_space<hbm>>
      tpu.wait_dma2 semaphore(%arg22 : memref<!tpu.dma_semaphore, #tpu.memory_space<semaphore_mem>>) src(%dma_wait3A_1489 : memref<128xf32, #tpu.memory_space<hbm>>) dst(%dma_wait3A_1487 : memref<128xf32, #tpu.memory_space<vmem>>)
      %dma_wait3A_1490 = arith.constant 0 : i32
      %dma_wait3A_1491 = arith.constant 0 : i32
      %dma_wait3A_1492 = tpu.memref_slice %arg10[%dma_wait3A_1490, %dma_wait3A_1491] : memref<112x128xf32, #tpu.memory_space<vmem>> -> memref<1x128xf32, #tpu.memory_space<vmem>>
      %dma_wait3A_1493 = tpu.memref_squeeze %dma_wait3A_1492 : memref<1x128xf32, #tpu.memory_space<vmem>> -> memref<128xf32, #tpu.memory_space<vmem>>
      %dma_wait3A_1494 = arith.constant 0 : i32
      %dma_wait3A_1495 = tpu.memref_slice %arg2[%dma_wait3A_1494] : memref<10240xf32, #tpu.memory_space<hbm>> -> memref<128xf32, #tpu.memory_space<hbm>>
      %dma_wait3A_1496 = arith.constant 0 : i32
      %dma_wait3A_1497 = tpu.memref_slice %arg10[%dma_wait3A_1490, %dma_wait3A_1496] : memref<112x128xf32, #tpu.memory_space<vmem>> -> memref<1x128xf32, #tpu.memory_space<vmem>>
      %dma_wait3A_1498 = tpu.memref_squeeze %dma_wait3A_1497 : memref<1x128xf32, #tpu.memory_space<vmem>> -> memref<128xf32, #tpu.memory_space<vmem>>
      %dma_wait3A_1499 = arith.constant 0 : i32
      %dma_wait3A_1500 = tpu.memref_slice %arg2[%dma_wait3A_1499] : memref<10240xf32, #tpu.memory_space<hbm>> -> memref<128xf32, #tpu.memory_space<hbm>>
      tpu.wait_dma2 semaphore(%arg22 : memref<!tpu.dma_semaphore, #tpu.memory_space<semaphore_mem>>) src(%dma_wait3A_1500 : memref<128xf32, #tpu.memory_space<hbm>>) dst(%dma_wait3A_1498 : memref<128xf32, #tpu.memory_space<vmem>>)
      %dma_wait3A_1501 = arith.constant 0 : i32
      %dma_wait3A_1502 = arith.constant 0 : i32
      %dma_wait3A_1503 = tpu.memref_slice %arg10[%dma_wait3A_1501, %dma_wait3A_1502] : memref<112x128xf32, #tpu.memory_space<vmem>> -> memref<1x128xf32, #tpu.memory_space<vmem>>
      %dma_wait3A_1504 = tpu.memref_squeeze %dma_wait3A_1503 : memref<1x128xf32, #tpu.memory_space<vmem>> -> memref<128xf32, #tpu.memory_space<vmem>>
      %dma_wait3A_1505 = arith.constant 0 : i32
      %dma_wait3A_1506 = tpu.memref_slice %arg2[%dma_wait3A_1505] : memref<10240xf32, #tpu.memory_space<hbm>> -> memref<128xf32, #tpu.memory_space<hbm>>
      %dma_wait3A_1507 = arith.constant 0 : i32
      %dma_wait3A_1508 = tpu.memref_slice %arg10[%dma_wait3A_1501, %dma_wait3A_1507] : memref<112x128xf32, #tpu.memory_space<vmem>> -> memref<1x128xf32, #tpu.memory_space<vmem>>
      %dma_wait3A_1509 = tpu.memref_squeeze %dma_wait3A_1508 : memref<1x128xf32, #tpu.memory_space<vmem>> -> memref<128xf32, #tpu.memory_space<vmem>>
      %dma_wait3A_1510 = arith.constant 0 : i32
      %dma_wait3A_1511 = tpu.memref_slice %arg2[%dma_wait3A_1510] : memref<10240xf32, #tpu.memory_space<hbm>> -> memref<128xf32, #tpu.memory_space<hbm>>
      tpu.wait_dma2 semaphore(%arg22 : memref<!tpu.dma_semaphore, #tpu.memory_space<semaphore_mem>>) src(%dma_wait3A_1511 : memref<128xf32, #tpu.memory_space<hbm>>) dst(%dma_wait3A_1509 : memref<128xf32, #tpu.memory_space<vmem>>)
      %dma_wait3A_1512 = arith.constant 0 : i32
      %dma_wait3A_1513 = arith.constant 0 : i32
      %dma_wait3A_1514 = tpu.memref_slice %arg10[%dma_wait3A_1512, %dma_wait3A_1513] : memref<112x128xf32, #tpu.memory_space<vmem>> -> memref<1x128xf32, #tpu.memory_space<vmem>>
      %dma_wait3A_1515 = tpu.memref_squeeze %dma_wait3A_1514 : memref<1x128xf32, #tpu.memory_space<vmem>> -> memref<128xf32, #tpu.memory_space<vmem>>
      %dma_wait3A_1516 = arith.constant 0 : i32
      %dma_wait3A_1517 = tpu.memref_slice %arg2[%dma_wait3A_1516] : memref<10240xf32, #tpu.memory_space<hbm>> -> memref<128xf32, #tpu.memory_space<hbm>>
      %dma_wait3A_1518 = arith.constant 0 : i32
      %dma_wait3A_1519 = tpu.memref_slice %arg10[%dma_wait3A_1512, %dma_wait3A_1518] : memref<112x128xf32, #tpu.memory_space<vmem>> -> memref<1x128xf32, #tpu.memory_space<vmem>>
      %dma_wait3A_1520 = tpu.memref_squeeze %dma_wait3A_1519 : memref<1x128xf32, #tpu.memory_space<vmem>> -> memref<128xf32, #tpu.memory_space<vmem>>
      %dma_wait3A_1521 = arith.constant 0 : i32
      %dma_wait3A_1522 = tpu.memref_slice %arg2[%dma_wait3A_1521] : memref<10240xf32, #tpu.memory_space<hbm>> -> memref<128xf32, #tpu.memory_space<hbm>>
      tpu.wait_dma2 semaphore(%arg22 : memref<!tpu.dma_semaphore, #tpu.memory_space<semaphore_mem>>) src(%dma_wait3A_1522 : memref<128xf32, #tpu.memory_space<hbm>>) dst(%dma_wait3A_1520 : memref<128xf32, #tpu.memory_space<vmem>>)
      %dma_wait3A_1523 = arith.constant 0 : i32
      %dma_wait3A_1524 = arith.constant 0 : i32
      %dma_wait3A_1525 = tpu.memref_slice %arg10[%dma_wait3A_1523, %dma_wait3A_1524] : memref<112x128xf32, #tpu.memory_space<vmem>> -> memref<1x128xf32, #tpu.memory_space<vmem>>
      %dma_wait3A_1526 = tpu.memref_squeeze %dma_wait3A_1525 : memref<1x128xf32, #tpu.memory_space<vmem>> -> memref<128xf32, #tpu.memory_space<vmem>>
      %dma_wait3A_1527 = arith.constant 0 : i32
      %dma_wait3A_1528 = tpu.memref_slice %arg2[%dma_wait3A_1527] : memref<10240xf32, #tpu.memory_space<hbm>> -> memref<128xf32, #tpu.memory_space<hbm>>
      %dma_wait3A_1529 = arith.constant 0 : i32
      %dma_wait3A_1530 = tpu.memref_slice %arg10[%dma_wait3A_1523, %dma_wait3A_1529] : memref<112x128xf32, #tpu.memory_space<vmem>> -> memref<1x128xf32, #tpu.memory_space<vmem>>
      %dma_wait3A_1531 = tpu.memref_squeeze %dma_wait3A_1530 : memref<1x128xf32, #tpu.memory_space<vmem>> -> memref<128xf32, #tpu.memory_space<vmem>>
      %dma_wait3A_1532 = arith.constant 0 : i32
      %dma_wait3A_1533 = tpu.memref_slice %arg2[%dma_wait3A_1532] : memref<10240xf32, #tpu.memory_space<hbm>> -> memref<128xf32, #tpu.memory_space<hbm>>
      tpu.wait_dma2 semaphore(%arg22 : memref<!tpu.dma_semaphore, #tpu.memory_space<semaphore_mem>>) src(%dma_wait3A_1533 : memref<128xf32, #tpu.memory_space<hbm>>) dst(%dma_wait3A_1531 : memref<128xf32, #tpu.memory_space<vmem>>)
      %dma_wait3A_1534 = arith.constant 0 : i32
      %dma_wait3A_1535 = arith.constant 0 : i32
      %dma_wait3A_1536 = tpu.memref_slice %arg10[%dma_wait3A_1534, %dma_wait3A_1535] : memref<112x128xf32, #tpu.memory_space<vmem>> -> memref<1x128xf32, #tpu.memory_space<vmem>>
      %dma_wait3A_1537 = tpu.memref_squeeze %dma_wait3A_1536 : memref<1x128xf32, #tpu.memory_space<vmem>> -> memref<128xf32, #tpu.memory_space<vmem>>
      %dma_wait3A_1538 = arith.constant 0 : i32
      %dma_wait3A_1539 = tpu.memref_slice %arg2[%dma_wait3A_1538] : memref<10240xf32, #tpu.memory_space<hbm>> -> memref<128xf32, #tpu.memory_space<hbm>>
      %dma_wait3A_1540 = arith.constant 0 : i32
      %dma_wait3A_1541 = tpu.memref_slice %arg10[%dma_wait3A_1534, %dma_wait3A_1540] : memref<112x128xf32, #tpu.memory_space<vmem>> -> memref<1x128xf32, #tpu.memory_space<vmem>>
      %dma_wait3A_1542 = tpu.memref_squeeze %dma_wait3A_1541 : memref<1x128xf32, #tpu.memory_space<vmem>> -> memref<128xf32, #tpu.memory_space<vmem>>
      %dma_wait3A_1543 = arith.constant 0 : i32
      %dma_wait3A_1544 = tpu.memref_slice %arg2[%dma_wait3A_1543] : memref<10240xf32, #tpu.memory_space<hbm>> -> memref<128xf32, #tpu.memory_space<hbm>>
      tpu.wait_dma2 semaphore(%arg22 : memref<!tpu.dma_semaphore, #tpu.memory_space<semaphore_mem>>) src(%dma_wait3A_1544 : memref<128xf32, #tpu.memory_space<hbm>>) dst(%dma_wait3A_1542 : memref<128xf32, #tpu.memory_space<vmem>>)
      %dma_wait3A_1545 = arith.constant 0 : i32
      %dma_wait3A_1546 = arith.constant 0 : i32
      %dma_wait3A_1547 = tpu.memref_slice %arg10[%dma_wait3A_1545, %dma_wait3A_1546] : memref<112x128xf32, #tpu.memory_space<vmem>> -> memref<1x128xf32, #tpu.memory_space<vmem>>
      %dma_wait3A_1548 = tpu.memref_squeeze %dma_wait3A_1547 : memref<1x128xf32, #tpu.memory_space<vmem>> -> memref<128xf32, #tpu.memory_space<vmem>>
      %dma_wait3A_1549 = arith.constant 0 : i32
      %dma_wait3A_1550 = tpu.memref_slice %arg2[%dma_wait3A_1549] : memref<10240xf32, #tpu.memory_space<hbm>> -> memref<128xf32, #tpu.memory_space<hbm>>
      %dma_wait3A_1551 = arith.constant 0 : i32
      %dma_wait3A_1552 = tpu.memref_slice %arg10[%dma_wait3A_1545, %dma_wait3A_1551] : memref<112x128xf32, #tpu.memory_space<vmem>> -> memref<1x128xf32, #tpu.memory_space<vmem>>
      %dma_wait3A_1553 = tpu.memref_squeeze %dma_wait3A_1552 : memref<1x128xf32, #tpu.memory_space<vmem>> -> memref<128xf32, #tpu.memory_space<vmem>>
      %dma_wait3A_1554 = arith.constant 0 : i32
      %dma_wait3A_1555 = tpu.memref_slice %arg2[%dma_wait3A_1554] : memref<10240xf32, #tpu.memory_space<hbm>> -> memref<128xf32, #tpu.memory_space<hbm>>
      tpu.wait_dma2 semaphore(%arg22 : memref<!tpu.dma_semaphore, #tpu.memory_space<semaphore_mem>>) src(%dma_wait3A_1555 : memref<128xf32, #tpu.memory_space<hbm>>) dst(%dma_wait3A_1553 : memref<128xf32, #tpu.memory_space<vmem>>)
      %dma_wait3A_1556 = arith.constant 0 : i32
      %dma_wait3A_1557 = arith.constant 0 : i32
      %dma_wait3A_1558 = tpu.memref_slice %arg10[%dma_wait3A_1556, %dma_wait3A_1557] : memref<112x128xf32, #tpu.memory_space<vmem>> -> memref<1x128xf32, #tpu.memory_space<vmem>>
      %dma_wait3A_1559 = tpu.memref_squeeze %dma_wait3A_1558 : memref<1x128xf32, #tpu.memory_space<vmem>> -> memref<128xf32, #tpu.memory_space<vmem>>
      %dma_wait3A_1560 = arith.constant 0 : i32
      %dma_wait3A_1561 = tpu.memref_slice %arg2[%dma_wait3A_1560] : memref<10240xf32, #tpu.memory_space<hbm>> -> memref<128xf32, #tpu.memory_space<hbm>>
      %dma_wait3A_1562 = arith.constant 0 : i32
      %dma_wait3A_1563 = tpu.memref_slice %arg10[%dma_wait3A_1556, %dma_wait3A_1562] : memref<112x128xf32, #tpu.memory_space<vmem>> -> memref<1x128xf32, #tpu.memory_space<vmem>>
      %dma_wait3A_1564 = tpu.memref_squeeze %dma_wait3A_1563 : memref<1x128xf32, #tpu.memory_space<vmem>> -> memref<128xf32, #tpu.memory_space<vmem>>
      %dma_wait3A_1565 = arith.constant 0 : i32
      %dma_wait3A_1566 = tpu.memref_slice %arg2[%dma_wait3A_1565] : memref<10240xf32, #tpu.memory_space<hbm>> -> memref<128xf32, #tpu.memory_space<hbm>>
      tpu.wait_dma2 semaphore(%arg22 : memref<!tpu.dma_semaphore, #tpu.memory_space<semaphore_mem>>) src(%dma_wait3A_1566 : memref<128xf32, #tpu.memory_space<hbm>>) dst(%dma_wait3A_1564 : memref<128xf32, #tpu.memory_space<vmem>>)
      %dma_wait3A_1567 = arith.constant 0 : i32
      %dma_wait3A_1568 = arith.constant 0 : i32
      %dma_wait3A_1569 = tpu.memref_slice %arg10[%dma_wait3A_1567, %dma_wait3A_1568] : memref<112x128xf32, #tpu.memory_space<vmem>> -> memref<1x128xf32, #tpu.memory_space<vmem>>
      %dma_wait3A_1570 = tpu.memref_squeeze %dma_wait3A_1569 : memref<1x128xf32, #tpu.memory_space<vmem>> -> memref<128xf32, #tpu.memory_space<vmem>>
      %dma_wait3A_1571 = arith.constant 0 : i32
      %dma_wait3A_1572 = tpu.memref_slice %arg2[%dma_wait3A_1571] : memref<10240xf32, #tpu.memory_space<hbm>> -> memref<128xf32, #tpu.memory_space<hbm>>
      %dma_wait3A_1573 = arith.constant 0 : i32
      %dma_wait3A_1574 = tpu.memref_slice %arg10[%dma_wait3A_1567, %dma_wait3A_1573] : memref<112x128xf32, #tpu.memory_space<vmem>> -> memref<1x128xf32, #tpu.memory_space<vmem>>
      %dma_wait3A_1575 = tpu.memref_squeeze %dma_wait3A_1574 : memref<1x128xf32, #tpu.memory_space<vmem>> -> memref<128xf32, #tpu.memory_space<vmem>>
      %dma_wait3A_1576 = arith.constant 0 : i32
      %dma_wait3A_1577 = tpu.memref_slice %arg2[%dma_wait3A_1576] : memref<10240xf32, #tpu.memory_space<hbm>> -> memref<128xf32, #tpu.memory_space<hbm>>
      tpu.wait_dma2 semaphore(%arg22 : memref<!tpu.dma_semaphore, #tpu.memory_space<semaphore_mem>>) src(%dma_wait3A_1577 : memref<128xf32, #tpu.memory_space<hbm>>) dst(%dma_wait3A_1575 : memref<128xf32, #tpu.memory_space<vmem>>)
      %mul3A_1578 = arith.constant 16 : i32
      %mul3A_1579 = arith.muli %while3A_1396, %mul3A_1578 : i32
      %add3A_1580 = arith.constant 0 : i32
      %add3A_1581 = arith.addi %mul3A_1579, %add3A_1580 : i32
      %dma_start3A_1582 = arith.constant 0 : i32
      %dma_start3A_1583 = tpu.memref_slice %arg10[%add3A_1581, %dma_start3A_1582] : memref<112x128xf32, #tpu.memory_space<vmem>> -> memref<1x128xf32, #tpu.memory_space<vmem>>
      %dma_start3A_1584 = tpu.memref_squeeze %dma_start3A_1583 : memref<1x128xf32, #tpu.memory_space<vmem>> -> memref<128xf32, #tpu.memory_space<vmem>>
      %dma_start3A_1585 = arith.constant 0 : i32
      %dma_start3A_1586 = tpu.memref_slice %arg9[%add3A_1581, %dma_start3A_1585] : memref<112x128xi32, #tpu.memory_space<vmem>> -> memref<1x128xi32, #tpu.memory_space<vmem>>
      %dma_start3A_1587 = tpu.memref_squeeze %dma_start3A_1586 : memref<1x128xi32, #tpu.memory_space<vmem>> -> memref<128xi32, #tpu.memory_space<vmem>>
      %dma_start3A_1588 = arith.constant 0 : i32
      %dma_start3A_1589 = tpu.memref_slice %arg20[%dma_start3A_1588] : memref<10240xf32, #tpu.memory_space<vmem_shared>> -> memref<10240xf32, #tpu.memory_space<vmem_shared>>
      tpu.enqueue_indirect_dma source(%dma_start3A_1584 : memref<128xf32, #tpu.memory_space<vmem>>) target(%dma_start3A_1589 : memref<10240xf32, #tpu.memory_space<vmem_shared>>) offsets(%dma_start3A_1587 : memref<128xi32, #tpu.memory_space<vmem>>) semaphore(%arg23 : memref<!tpu.dma_semaphore, #tpu.memory_space<semaphore_mem>>) {add = true}
      %mul3A_1590 = arith.constant 16 : i32
      %mul3A_1591 = arith.muli %while3A_1396, %mul3A_1590 : i32
      %add3A_1592 = arith.constant 1 : i32
      %add3A_1593 = arith.addi %mul3A_1591, %add3A_1592 : i32
      %dma_start3A_1594 = arith.constant 0 : i32
      %dma_start3A_1595 = tpu.memref_slice %arg10[%add3A_1593, %dma_start3A_1594] : memref<112x128xf32, #tpu.memory_space<vmem>> -> memref<1x128xf32, #tpu.memory_space<vmem>>
      %dma_start3A_1596 = tpu.memref_squeeze %dma_start3A_1595 : memref<1x128xf32, #tpu.memory_space<vmem>> -> memref<128xf32, #tpu.memory_space<vmem>>
      %dma_start3A_1597 = arith.constant 0 : i32
      %dma_start3A_1598 = tpu.memref_slice %arg9[%add3A_1593, %dma_start3A_1597] : memref<112x128xi32, #tpu.memory_space<vmem>> -> memref<1x128xi32, #tpu.memory_space<vmem>>
      %dma_start3A_1599 = tpu.memref_squeeze %dma_start3A_1598 : memref<1x128xi32, #tpu.memory_space<vmem>> -> memref<128xi32, #tpu.memory_space<vmem>>
      %dma_start3A_1600 = arith.constant 0 : i32
      %dma_start3A_1601 = tpu.memref_slice %arg20[%dma_start3A_1600] : memref<10240xf32, #tpu.memory_space<vmem_shared>> -> memref<10240xf32, #tpu.memory_space<vmem_shared>>
      tpu.enqueue_indirect_dma source(%dma_start3A_1596 : memref<128xf32, #tpu.memory_space<vmem>>) target(%dma_start3A_1601 : memref<10240xf32, #tpu.memory_space<vmem_shared>>) offsets(%dma_start3A_1599 : memref<128xi32, #tpu.memory_space<vmem>>) semaphore(%arg23 : memref<!tpu.dma_semaphore, #tpu.memory_space<semaphore_mem>>) {add = true}
      %mul3A_1602 = arith.constant 16 : i32
      %mul3A_1603 = arith.muli %while3A_1396, %mul3A_1602 : i32
      %add3A_1604 = arith.constant 2 : i32
      %add3A_1605 = arith.addi %mul3A_1603, %add3A_1604 : i32
      %dma_start3A_1606 = arith.constant 0 : i32
      %dma_start3A_1607 = tpu.memref_slice %arg10[%add3A_1605, %dma_start3A_1606] : memref<112x128xf32, #tpu.memory_space<vmem>> -> memref<1x128xf32, #tpu.memory_space<vmem>>
      %dma_start3A_1608 = tpu.memref_squeeze %dma_start3A_1607 : memref<1x128xf32, #tpu.memory_space<vmem>> -> memref<128xf32, #tpu.memory_space<vmem>>
      %dma_start3A_1609 = arith.constant 0 : i32
      %dma_start3A_1610 = tpu.memref_slice %arg9[%add3A_1605, %dma_start3A_1609] : memref<112x128xi32, #tpu.memory_space<vmem>> -> memref<1x128xi32, #tpu.memory_space<vmem>>
      %dma_start3A_1611 = tpu.memref_squeeze %dma_start3A_1610 : memref<1x128xi32, #tpu.memory_space<vmem>> -> memref<128xi32, #tpu.memory_space<vmem>>
      %dma_start3A_1612 = arith.constant 0 : i32
      %dma_start3A_1613 = tpu.memref_slice %arg20[%dma_start3A_1612] : memref<10240xf32, #tpu.memory_space<vmem_shared>> -> memref<10240xf32, #tpu.memory_space<vmem_shared>>
      tpu.enqueue_indirect_dma source(%dma_start3A_1608 : memref<128xf32, #tpu.memory_space<vmem>>) target(%dma_start3A_1613 : memref<10240xf32, #tpu.memory_space<vmem_shared>>) offsets(%dma_start3A_1611 : memref<128xi32, #tpu.memory_space<vmem>>) semaphore(%arg23 : memref<!tpu.dma_semaphore, #tpu.memory_space<semaphore_mem>>) {add = true}
      %mul3A_1614 = arith.constant 16 : i32
      %mul3A_1615 = arith.muli %while3A_1396, %mul3A_1614 : i32
      %add3A_1616 = arith.constant 3 : i32
      %add3A_1617 = arith.addi %mul3A_1615, %add3A_1616 : i32
      %dma_start3A_1618 = arith.constant 0 : i32
      %dma_start3A_1619 = tpu.memref_slice %arg10[%add3A_1617, %dma_start3A_1618] : memref<112x128xf32, #tpu.memory_space<vmem>> -> memref<1x128xf32, #tpu.memory_space<vmem>>
      %dma_start3A_1620 = tpu.memref_squeeze %dma_start3A_1619 : memref<1x128xf32, #tpu.memory_space<vmem>> -> memref<128xf32, #tpu.memory_space<vmem>>
      %dma_start3A_1621 = arith.constant 0 : i32
      %dma_start3A_1622 = tpu.memref_slice %arg9[%add3A_1617, %dma_start3A_1621] : memref<112x128xi32, #tpu.memory_space<vmem>> -> memref<1x128xi32, #tpu.memory_space<vmem>>
      %dma_start3A_1623 = tpu.memref_squeeze %dma_start3A_1622 : memref<1x128xi32, #tpu.memory_space<vmem>> -> memref<128xi32, #tpu.memory_space<vmem>>
      %dma_start3A_1624 = arith.constant 0 : i32
      %dma_start3A_1625 = tpu.memref_slice %arg20[%dma_start3A_1624] : memref<10240xf32, #tpu.memory_space<vmem_shared>> -> memref<10240xf32, #tpu.memory_space<vmem_shared>>
      tpu.enqueue_indirect_dma source(%dma_start3A_1620 : memref<128xf32, #tpu.memory_space<vmem>>) target(%dma_start3A_1625 : memref<10240xf32, #tpu.memory_space<vmem_shared>>) offsets(%dma_start3A_1623 : memref<128xi32, #tpu.memory_space<vmem>>) semaphore(%arg23 : memref<!tpu.dma_semaphore, #tpu.memory_space<semaphore_mem>>) {add = true}
      %mul3A_1626 = arith.constant 16 : i32
      %mul3A_1627 = arith.muli %while3A_1396, %mul3A_1626 : i32
      %add3A_1628 = arith.constant 4 : i32
      %add3A_1629 = arith.addi %mul3A_1627, %add3A_1628 : i32
      %dma_start3A_1630 = arith.constant 0 : i32
      %dma_start3A_1631 = tpu.memref_slice %arg10[%add3A_1629, %dma_start3A_1630] : memref<112x128xf32, #tpu.memory_space<vmem>> -> memref<1x128xf32, #tpu.memory_space<vmem>>
      %dma_start3A_1632 = tpu.memref_squeeze %dma_start3A_1631 : memref<1x128xf32, #tpu.memory_space<vmem>> -> memref<128xf32, #tpu.memory_space<vmem>>
      %dma_start3A_1633 = arith.constant 0 : i32
      %dma_start3A_1634 = tpu.memref_slice %arg9[%add3A_1629, %dma_start3A_1633] : memref<112x128xi32, #tpu.memory_space<vmem>> -> memref<1x128xi32, #tpu.memory_space<vmem>>
      %dma_start3A_1635 = tpu.memref_squeeze %dma_start3A_1634 : memref<1x128xi32, #tpu.memory_space<vmem>> -> memref<128xi32, #tpu.memory_space<vmem>>
      %dma_start3A_1636 = arith.constant 0 : i32
      %dma_start3A_1637 = tpu.memref_slice %arg20[%dma_start3A_1636] : memref<10240xf32, #tpu.memory_space<vmem_shared>> -> memref<10240xf32, #tpu.memory_space<vmem_shared>>
      tpu.enqueue_indirect_dma source(%dma_start3A_1632 : memref<128xf32, #tpu.memory_space<vmem>>) target(%dma_start3A_1637 : memref<10240xf32, #tpu.memory_space<vmem_shared>>) offsets(%dma_start3A_1635 : memref<128xi32, #tpu.memory_space<vmem>>) semaphore(%arg23 : memref<!tpu.dma_semaphore, #tpu.memory_space<semaphore_mem>>) {add = true}
      %mul3A_1638 = arith.constant 16 : i32
      %mul3A_1639 = arith.muli %while3A_1396, %mul3A_1638 : i32
      %add3A_1640 = arith.constant 5 : i32
      %add3A_1641 = arith.addi %mul3A_1639, %add3A_1640 : i32
      %dma_start3A_1642 = arith.constant 0 : i32
      %dma_start3A_1643 = tpu.memref_slice %arg10[%add3A_1641, %dma_start3A_1642] : memref<112x128xf32, #tpu.memory_space<vmem>> -> memref<1x128xf32, #tpu.memory_space<vmem>>
      %dma_start3A_1644 = tpu.memref_squeeze %dma_start3A_1643 : memref<1x128xf32, #tpu.memory_space<vmem>> -> memref<128xf32, #tpu.memory_space<vmem>>
      %dma_start3A_1645 = arith.constant 0 : i32
      %dma_start3A_1646 = tpu.memref_slice %arg9[%add3A_1641, %dma_start3A_1645] : memref<112x128xi32, #tpu.memory_space<vmem>> -> memref<1x128xi32, #tpu.memory_space<vmem>>
      %dma_start3A_1647 = tpu.memref_squeeze %dma_start3A_1646 : memref<1x128xi32, #tpu.memory_space<vmem>> -> memref<128xi32, #tpu.memory_space<vmem>>
      %dma_start3A_1648 = arith.constant 0 : i32
      %dma_start3A_1649 = tpu.memref_slice %arg20[%dma_start3A_1648] : memref<10240xf32, #tpu.memory_space<vmem_shared>> -> memref<10240xf32, #tpu.memory_space<vmem_shared>>
      tpu.enqueue_indirect_dma source(%dma_start3A_1644 : memref<128xf32, #tpu.memory_space<vmem>>) target(%dma_start3A_1649 : memref<10240xf32, #tpu.memory_space<vmem_shared>>) offsets(%dma_start3A_1647 : memref<128xi32, #tpu.memory_space<vmem>>) semaphore(%arg23 : memref<!tpu.dma_semaphore, #tpu.memory_space<semaphore_mem>>) {add = true}
      %mul3A_1650 = arith.constant 16 : i32
      %mul3A_1651 = arith.muli %while3A_1396, %mul3A_1650 : i32
      %add3A_1652 = arith.constant 6 : i32
      %add3A_1653 = arith.addi %mul3A_1651, %add3A_1652 : i32
      %dma_start3A_1654 = arith.constant 0 : i32
      %dma_start3A_1655 = tpu.memref_slice %arg10[%add3A_1653, %dma_start3A_1654] : memref<112x128xf32, #tpu.memory_space<vmem>> -> memref<1x128xf32, #tpu.memory_space<vmem>>
      %dma_start3A_1656 = tpu.memref_squeeze %dma_start3A_1655 : memref<1x128xf32, #tpu.memory_space<vmem>> -> memref<128xf32, #tpu.memory_space<vmem>>
      %dma_start3A_1657 = arith.constant 0 : i32
      %dma_start3A_1658 = tpu.memref_slice %arg9[%add3A_1653, %dma_start3A_1657] : memref<112x128xi32, #tpu.memory_space<vmem>> -> memref<1x128xi32, #tpu.memory_space<vmem>>
      %dma_start3A_1659 = tpu.memref_squeeze %dma_start3A_1658 : memref<1x128xi32, #tpu.memory_space<vmem>> -> memref<128xi32, #tpu.memory_space<vmem>>
      %dma_start3A_1660 = arith.constant 0 : i32
      %dma_start3A_1661 = tpu.memref_slice %arg20[%dma_start3A_1660] : memref<10240xf32, #tpu.memory_space<vmem_shared>> -> memref<10240xf32, #tpu.memory_space<vmem_shared>>
      tpu.enqueue_indirect_dma source(%dma_start3A_1656 : memref<128xf32, #tpu.memory_space<vmem>>) target(%dma_start3A_1661 : memref<10240xf32, #tpu.memory_space<vmem_shared>>) offsets(%dma_start3A_1659 : memref<128xi32, #tpu.memory_space<vmem>>) semaphore(%arg23 : memref<!tpu.dma_semaphore, #tpu.memory_space<semaphore_mem>>) {add = true}
      %mul3A_1662 = arith.constant 16 : i32
      %mul3A_1663 = arith.muli %while3A_1396, %mul3A_1662 : i32
      %add3A_1664 = arith.constant 7 : i32
      %add3A_1665 = arith.addi %mul3A_1663, %add3A_1664 : i32
      %dma_start3A_1666 = arith.constant 0 : i32
      %dma_start3A_1667 = tpu.memref_slice %arg10[%add3A_1665, %dma_start3A_1666] : memref<112x128xf32, #tpu.memory_space<vmem>> -> memref<1x128xf32, #tpu.memory_space<vmem>>
      %dma_start3A_1668 = tpu.memref_squeeze %dma_start3A_1667 : memref<1x128xf32, #tpu.memory_space<vmem>> -> memref<128xf32, #tpu.memory_space<vmem>>
      %dma_start3A_1669 = arith.constant 0 : i32
      %dma_start3A_1670 = tpu.memref_slice %arg9[%add3A_1665, %dma_start3A_1669] : memref<112x128xi32, #tpu.memory_space<vmem>> -> memref<1x128xi32, #tpu.memory_space<vmem>>
      %dma_start3A_1671 = tpu.memref_squeeze %dma_start3A_1670 : memref<1x128xi32, #tpu.memory_space<vmem>> -> memref<128xi32, #tpu.memory_space<vmem>>
      %dma_start3A_1672 = arith.constant 0 : i32
      %dma_start3A_1673 = tpu.memref_slice %arg20[%dma_start3A_1672] : memref<10240xf32, #tpu.memory_space<vmem_shared>> -> memref<10240xf32, #tpu.memory_space<vmem_shared>>
      tpu.enqueue_indirect_dma source(%dma_start3A_1668 : memref<128xf32, #tpu.memory_space<vmem>>) target(%dma_start3A_1673 : memref<10240xf32, #tpu.memory_space<vmem_shared>>) offsets(%dma_start3A_1671 : memref<128xi32, #tpu.memory_space<vmem>>) semaphore(%arg23 : memref<!tpu.dma_semaphore, #tpu.memory_space<semaphore_mem>>) {add = true}
      %mul3A_1674 = arith.constant 16 : i32
      %mul3A_1675 = arith.muli %while3A_1396, %mul3A_1674 : i32
      %add3A_1676 = arith.constant 8 : i32
      %add3A_1677 = arith.addi %mul3A_1675, %add3A_1676 : i32
      %dma_start3A_1678 = arith.constant 0 : i32
      %dma_start3A_1679 = tpu.memref_slice %arg10[%add3A_1677, %dma_start3A_1678] : memref<112x128xf32, #tpu.memory_space<vmem>> -> memref<1x128xf32, #tpu.memory_space<vmem>>
      %dma_start3A_1680 = tpu.memref_squeeze %dma_start3A_1679 : memref<1x128xf32, #tpu.memory_space<vmem>> -> memref<128xf32, #tpu.memory_space<vmem>>
      %dma_start3A_1681 = arith.constant 0 : i32
      %dma_start3A_1682 = tpu.memref_slice %arg9[%add3A_1677, %dma_start3A_1681] : memref<112x128xi32, #tpu.memory_space<vmem>> -> memref<1x128xi32, #tpu.memory_space<vmem>>
      %dma_start3A_1683 = tpu.memref_squeeze %dma_start3A_1682 : memref<1x128xi32, #tpu.memory_space<vmem>> -> memref<128xi32, #tpu.memory_space<vmem>>
      %dma_start3A_1684 = arith.constant 0 : i32
      %dma_start3A_1685 = tpu.memref_slice %arg20[%dma_start3A_1684] : memref<10240xf32, #tpu.memory_space<vmem_shared>> -> memref<10240xf32, #tpu.memory_space<vmem_shared>>
      tpu.enqueue_indirect_dma source(%dma_start3A_1680 : memref<128xf32, #tpu.memory_space<vmem>>) target(%dma_start3A_1685 : memref<10240xf32, #tpu.memory_space<vmem_shared>>) offsets(%dma_start3A_1683 : memref<128xi32, #tpu.memory_space<vmem>>) semaphore(%arg23 : memref<!tpu.dma_semaphore, #tpu.memory_space<semaphore_mem>>) {add = true}
      %mul3A_1686 = arith.constant 16 : i32
      %mul3A_1687 = arith.muli %while3A_1396, %mul3A_1686 : i32
      %add3A_1688 = arith.constant 9 : i32
      %add3A_1689 = arith.addi %mul3A_1687, %add3A_1688 : i32
      %dma_start3A_1690 = arith.constant 0 : i32
      %dma_start3A_1691 = tpu.memref_slice %arg10[%add3A_1689, %dma_start3A_1690] : memref<112x128xf32, #tpu.memory_space<vmem>> -> memref<1x128xf32, #tpu.memory_space<vmem>>
      %dma_start3A_1692 = tpu.memref_squeeze %dma_start3A_1691 : memref<1x128xf32, #tpu.memory_space<vmem>> -> memref<128xf32, #tpu.memory_space<vmem>>
      %dma_start3A_1693 = arith.constant 0 : i32
      %dma_start3A_1694 = tpu.memref_slice %arg9[%add3A_1689, %dma_start3A_1693] : memref<112x128xi32, #tpu.memory_space<vmem>> -> memref<1x128xi32, #tpu.memory_space<vmem>>
      %dma_start3A_1695 = tpu.memref_squeeze %dma_start3A_1694 : memref<1x128xi32, #tpu.memory_space<vmem>> -> memref<128xi32, #tpu.memory_space<vmem>>
      %dma_start3A_1696 = arith.constant 0 : i32
      %dma_start3A_1697 = tpu.memref_slice %arg20[%dma_start3A_1696] : memref<10240xf32, #tpu.memory_space<vmem_shared>> -> memref<10240xf32, #tpu.memory_space<vmem_shared>>
      tpu.enqueue_indirect_dma source(%dma_start3A_1692 : memref<128xf32, #tpu.memory_space<vmem>>) target(%dma_start3A_1697 : memref<10240xf32, #tpu.memory_space<vmem_shared>>) offsets(%dma_start3A_1695 : memref<128xi32, #tpu.memory_space<vmem>>) semaphore(%arg23 : memref<!tpu.dma_semaphore, #tpu.memory_space<semaphore_mem>>) {add = true}
      %mul3A_1698 = arith.constant 16 : i32
      %mul3A_1699 = arith.muli %while3A_1396, %mul3A_1698 : i32
      %add3A_1700 = arith.constant 10 : i32
      %add3A_1701 = arith.addi %mul3A_1699, %add3A_1700 : i32
      %dma_start3A_1702 = arith.constant 0 : i32
      %dma_start3A_1703 = tpu.memref_slice %arg10[%add3A_1701, %dma_start3A_1702] : memref<112x128xf32, #tpu.memory_space<vmem>> -> memref<1x128xf32, #tpu.memory_space<vmem>>
      %dma_start3A_1704 = tpu.memref_squeeze %dma_start3A_1703 : memref<1x128xf32, #tpu.memory_space<vmem>> -> memref<128xf32, #tpu.memory_space<vmem>>
      %dma_start3A_1705 = arith.constant 0 : i32
      %dma_start3A_1706 = tpu.memref_slice %arg9[%add3A_1701, %dma_start3A_1705] : memref<112x128xi32, #tpu.memory_space<vmem>> -> memref<1x128xi32, #tpu.memory_space<vmem>>
      %dma_start3A_1707 = tpu.memref_squeeze %dma_start3A_1706 : memref<1x128xi32, #tpu.memory_space<vmem>> -> memref<128xi32, #tpu.memory_space<vmem>>
      %dma_start3A_1708 = arith.constant 0 : i32
      %dma_start3A_1709 = tpu.memref_slice %arg20[%dma_start3A_1708] : memref<10240xf32, #tpu.memory_space<vmem_shared>> -> memref<10240xf32, #tpu.memory_space<vmem_shared>>
      tpu.enqueue_indirect_dma source(%dma_start3A_1704 : memref<128xf32, #tpu.memory_space<vmem>>) target(%dma_start3A_1709 : memref<10240xf32, #tpu.memory_space<vmem_shared>>) offsets(%dma_start3A_1707 : memref<128xi32, #tpu.memory_space<vmem>>) semaphore(%arg23 : memref<!tpu.dma_semaphore, #tpu.memory_space<semaphore_mem>>) {add = true}
      %mul3A_1710 = arith.constant 16 : i32
      %mul3A_1711 = arith.muli %while3A_1396, %mul3A_1710 : i32
      %add3A_1712 = arith.constant 11 : i32
      %add3A_1713 = arith.addi %mul3A_1711, %add3A_1712 : i32
      %dma_start3A_1714 = arith.constant 0 : i32
      %dma_start3A_1715 = tpu.memref_slice %arg10[%add3A_1713, %dma_start3A_1714] : memref<112x128xf32, #tpu.memory_space<vmem>> -> memref<1x128xf32, #tpu.memory_space<vmem>>
      %dma_start3A_1716 = tpu.memref_squeeze %dma_start3A_1715 : memref<1x128xf32, #tpu.memory_space<vmem>> -> memref<128xf32, #tpu.memory_space<vmem>>
      %dma_start3A_1717 = arith.constant 0 : i32
      %dma_start3A_1718 = tpu.memref_slice %arg9[%add3A_1713, %dma_start3A_1717] : memref<112x128xi32, #tpu.memory_space<vmem>> -> memref<1x128xi32, #tpu.memory_space<vmem>>
      %dma_start3A_1719 = tpu.memref_squeeze %dma_start3A_1718 : memref<1x128xi32, #tpu.memory_space<vmem>> -> memref<128xi32, #tpu.memory_space<vmem>>
      %dma_start3A_1720 = arith.constant 0 : i32
      %dma_start3A_1721 = tpu.memref_slice %arg20[%dma_start3A_1720] : memref<10240xf32, #tpu.memory_space<vmem_shared>> -> memref<10240xf32, #tpu.memory_space<vmem_shared>>
      tpu.enqueue_indirect_dma source(%dma_start3A_1716 : memref<128xf32, #tpu.memory_space<vmem>>) target(%dma_start3A_1721 : memref<10240xf32, #tpu.memory_space<vmem_shared>>) offsets(%dma_start3A_1719 : memref<128xi32, #tpu.memory_space<vmem>>) semaphore(%arg23 : memref<!tpu.dma_semaphore, #tpu.memory_space<semaphore_mem>>) {add = true}
      %mul3A_1722 = arith.constant 16 : i32
      %mul3A_1723 = arith.muli %while3A_1396, %mul3A_1722 : i32
      %add3A_1724 = arith.constant 12 : i32
      %add3A_1725 = arith.addi %mul3A_1723, %add3A_1724 : i32
      %dma_start3A_1726 = arith.constant 0 : i32
      %dma_start3A_1727 = tpu.memref_slice %arg10[%add3A_1725, %dma_start3A_1726] : memref<112x128xf32, #tpu.memory_space<vmem>> -> memref<1x128xf32, #tpu.memory_space<vmem>>
      %dma_start3A_1728 = tpu.memref_squeeze %dma_start3A_1727 : memref<1x128xf32, #tpu.memory_space<vmem>> -> memref<128xf32, #tpu.memory_space<vmem>>
      %dma_start3A_1729 = arith.constant 0 : i32
      %dma_start3A_1730 = tpu.memref_slice %arg9[%add3A_1725, %dma_start3A_1729] : memref<112x128xi32, #tpu.memory_space<vmem>> -> memref<1x128xi32, #tpu.memory_space<vmem>>
      %dma_start3A_1731 = tpu.memref_squeeze %dma_start3A_1730 : memref<1x128xi32, #tpu.memory_space<vmem>> -> memref<128xi32, #tpu.memory_space<vmem>>
      %dma_start3A_1732 = arith.constant 0 : i32
      %dma_start3A_1733 = tpu.memref_slice %arg20[%dma_start3A_1732] : memref<10240xf32, #tpu.memory_space<vmem_shared>> -> memref<10240xf32, #tpu.memory_space<vmem_shared>>
      tpu.enqueue_indirect_dma source(%dma_start3A_1728 : memref<128xf32, #tpu.memory_space<vmem>>) target(%dma_start3A_1733 : memref<10240xf32, #tpu.memory_space<vmem_shared>>) offsets(%dma_start3A_1731 : memref<128xi32, #tpu.memory_space<vmem>>) semaphore(%arg23 : memref<!tpu.dma_semaphore, #tpu.memory_space<semaphore_mem>>) {add = true}
      %mul3A_1734 = arith.constant 16 : i32
      %mul3A_1735 = arith.muli %while3A_1396, %mul3A_1734 : i32
      %add3A_1736 = arith.constant 13 : i32
      %add3A_1737 = arith.addi %mul3A_1735, %add3A_1736 : i32
      %dma_start3A_1738 = arith.constant 0 : i32
      %dma_start3A_1739 = tpu.memref_slice %arg10[%add3A_1737, %dma_start3A_1738] : memref<112x128xf32, #tpu.memory_space<vmem>> -> memref<1x128xf32, #tpu.memory_space<vmem>>
      %dma_start3A_1740 = tpu.memref_squeeze %dma_start3A_1739 : memref<1x128xf32, #tpu.memory_space<vmem>> -> memref<128xf32, #tpu.memory_space<vmem>>
      %dma_start3A_1741 = arith.constant 0 : i32
      %dma_start3A_1742 = tpu.memref_slice %arg9[%add3A_1737, %dma_start3A_1741] : memref<112x128xi32, #tpu.memory_space<vmem>> -> memref<1x128xi32, #tpu.memory_space<vmem>>
      %dma_start3A_1743 = tpu.memref_squeeze %dma_start3A_1742 : memref<1x128xi32, #tpu.memory_space<vmem>> -> memref<128xi32, #tpu.memory_space<vmem>>
      %dma_start3A_1744 = arith.constant 0 : i32
      %dma_start3A_1745 = tpu.memref_slice %arg20[%dma_start3A_1744] : memref<10240xf32, #tpu.memory_space<vmem_shared>> -> memref<10240xf32, #tpu.memory_space<vmem_shared>>
      tpu.enqueue_indirect_dma source(%dma_start3A_1740 : memref<128xf32, #tpu.memory_space<vmem>>) target(%dma_start3A_1745 : memref<10240xf32, #tpu.memory_space<vmem_shared>>) offsets(%dma_start3A_1743 : memref<128xi32, #tpu.memory_space<vmem>>) semaphore(%arg23 : memref<!tpu.dma_semaphore, #tpu.memory_space<semaphore_mem>>) {add = true}
      %mul3A_1746 = arith.constant 16 : i32
      %mul3A_1747 = arith.muli %while3A_1396, %mul3A_1746 : i32
      %add3A_1748 = arith.constant 14 : i32
      %add3A_1749 = arith.addi %mul3A_1747, %add3A_1748 : i32
      %dma_start3A_1750 = arith.constant 0 : i32
      %dma_start3A_1751 = tpu.memref_slice %arg10[%add3A_1749, %dma_start3A_1750] : memref<112x128xf32, #tpu.memory_space<vmem>> -> memref<1x128xf32, #tpu.memory_space<vmem>>
      %dma_start3A_1752 = tpu.memref_squeeze %dma_start3A_1751 : memref<1x128xf32, #tpu.memory_space<vmem>> -> memref<128xf32, #tpu.memory_space<vmem>>
      %dma_start3A_1753 = arith.constant 0 : i32
      %dma_start3A_1754 = tpu.memref_slice %arg9[%add3A_1749, %dma_start3A_1753] : memref<112x128xi32, #tpu.memory_space<vmem>> -> memref<1x128xi32, #tpu.memory_space<vmem>>
      %dma_start3A_1755 = tpu.memref_squeeze %dma_start3A_1754 : memref<1x128xi32, #tpu.memory_space<vmem>> -> memref<128xi32, #tpu.memory_space<vmem>>
      %dma_start3A_1756 = arith.constant 0 : i32
      %dma_start3A_1757 = tpu.memref_slice %arg20[%dma_start3A_1756] : memref<10240xf32, #tpu.memory_space<vmem_shared>> -> memref<10240xf32, #tpu.memory_space<vmem_shared>>
      tpu.enqueue_indirect_dma source(%dma_start3A_1752 : memref<128xf32, #tpu.memory_space<vmem>>) target(%dma_start3A_1757 : memref<10240xf32, #tpu.memory_space<vmem_shared>>) offsets(%dma_start3A_1755 : memref<128xi32, #tpu.memory_space<vmem>>) semaphore(%arg23 : memref<!tpu.dma_semaphore, #tpu.memory_space<semaphore_mem>>) {add = true}
      %mul3A_1758 = arith.constant 16 : i32
      %mul3A_1759 = arith.muli %while3A_1396, %mul3A_1758 : i32
      %add3A_1760 = arith.constant 15 : i32
      %add3A_1761 = arith.addi %mul3A_1759, %add3A_1760 : i32
      %dma_start3A_1762 = arith.constant 0 : i32
      %dma_start3A_1763 = tpu.memref_slice %arg10[%add3A_1761, %dma_start3A_1762] : memref<112x128xf32, #tpu.memory_space<vmem>> -> memref<1x128xf32, #tpu.memory_space<vmem>>
      %dma_start3A_1764 = tpu.memref_squeeze %dma_start3A_1763 : memref<1x128xf32, #tpu.memory_space<vmem>> -> memref<128xf32, #tpu.memory_space<vmem>>
      %dma_start3A_1765 = arith.constant 0 : i32
      %dma_start3A_1766 = tpu.memref_slice %arg9[%add3A_1761, %dma_start3A_1765] : memref<112x128xi32, #tpu.memory_space<vmem>> -> memref<1x128xi32, #tpu.memory_space<vmem>>
      %dma_start3A_1767 = tpu.memref_squeeze %dma_start3A_1766 : memref<1x128xi32, #tpu.memory_space<vmem>> -> memref<128xi32, #tpu.memory_space<vmem>>
      %dma_start3A_1768 = arith.constant 0 : i32
      %dma_start3A_1769 = tpu.memref_slice %arg20[%dma_start3A_1768] : memref<10240xf32, #tpu.memory_space<vmem_shared>> -> memref<10240xf32, #tpu.memory_space<vmem_shared>>
      tpu.enqueue_indirect_dma source(%dma_start3A_1764 : memref<128xf32, #tpu.memory_space<vmem>>) target(%dma_start3A_1769 : memref<10240xf32, #tpu.memory_space<vmem_shared>>) offsets(%dma_start3A_1767 : memref<128xi32, #tpu.memory_space<vmem>>) semaphore(%arg23 : memref<!tpu.dma_semaphore, #tpu.memory_space<semaphore_mem>>) {add = true}
      %gt3A = arith.constant 0 : i32
      %gt3A_1770 = arith.cmpi sgt, %while3A_1396, %gt3A : i32
      %convert_element_type3A_1771 = arith.extui %gt3A_1770 : i1 to i32
      %cond3A_1772 = arith.constant 0 : i32
      %cond3A_1773 = arith.cmpi ne, %convert_element_type3A_1771, %cond3A_1772 : i32
      scf.if %cond3A_1773 {
        %dma_wait3A_1774 = arith.constant 0 : i32
        %dma_wait3A_1775 = arith.constant 0 : i32
        %dma_wait3A_1776 = tpu.memref_slice %arg10[%dma_wait3A_1774, %dma_wait3A_1775] : memref<112x128xf32, #tpu.memory_space<vmem>> -> memref<1x128xf32, #tpu.memory_space<vmem>>
        %dma_wait3A_1777 = tpu.memref_squeeze %dma_wait3A_1776 : memref<1x128xf32, #tpu.memory_space<vmem>> -> memref<128xf32, #tpu.memory_space<vmem>>
        %dma_wait3A_1778 = arith.constant 0 : i32
        %dma_wait3A_1779 = tpu.memref_slice %arg2[%dma_wait3A_1778] : memref<10240xf32, #tpu.memory_space<hbm>> -> memref<128xf32, #tpu.memory_space<hbm>>
        %dma_wait3A_1780 = arith.constant 0 : i32
        %dma_wait3A_1781 = tpu.memref_slice %arg10[%dma_wait3A_1774, %dma_wait3A_1780] : memref<112x128xf32, #tpu.memory_space<vmem>> -> memref<1x128xf32, #tpu.memory_space<vmem>>
        %dma_wait3A_1782 = tpu.memref_squeeze %dma_wait3A_1781 : memref<1x128xf32, #tpu.memory_space<vmem>> -> memref<128xf32, #tpu.memory_space<vmem>>
        %dma_wait3A_1783 = arith.constant 0 : i32
        %dma_wait3A_1784 = tpu.memref_slice %arg2[%dma_wait3A_1783] : memref<10240xf32, #tpu.memory_space<hbm>> -> memref<128xf32, #tpu.memory_space<hbm>>
        tpu.wait_dma2 semaphore(%arg23 : memref<!tpu.dma_semaphore, #tpu.memory_space<semaphore_mem>>) src(%dma_wait3A_1784 : memref<128xf32, #tpu.memory_space<hbm>>) dst(%dma_wait3A_1782 : memref<128xf32, #tpu.memory_space<vmem>>)
        %dma_wait3A_1785 = arith.constant 0 : i32
        %dma_wait3A_1786 = arith.constant 0 : i32
        %dma_wait3A_1787 = tpu.memref_slice %arg10[%dma_wait3A_1785, %dma_wait3A_1786] : memref<112x128xf32, #tpu.memory_space<vmem>> -> memref<1x128xf32, #tpu.memory_space<vmem>>
        %dma_wait3A_1788 = tpu.memref_squeeze %dma_wait3A_1787 : memref<1x128xf32, #tpu.memory_space<vmem>> -> memref<128xf32, #tpu.memory_space<vmem>>
        %dma_wait3A_1789 = arith.constant 0 : i32
        %dma_wait3A_1790 = tpu.memref_slice %arg2[%dma_wait3A_1789] : memref<10240xf32, #tpu.memory_space<hbm>> -> memref<128xf32, #tpu.memory_space<hbm>>
        %dma_wait3A_1791 = arith.constant 0 : i32
        %dma_wait3A_1792 = tpu.memref_slice %arg10[%dma_wait3A_1785, %dma_wait3A_1791] : memref<112x128xf32, #tpu.memory_space<vmem>> -> memref<1x128xf32, #tpu.memory_space<vmem>>
        %dma_wait3A_1793 = tpu.memref_squeeze %dma_wait3A_1792 : memref<1x128xf32, #tpu.memory_space<vmem>> -> memref<128xf32, #tpu.memory_space<vmem>>
        %dma_wait3A_1794 = arith.constant 0 : i32
        %dma_wait3A_1795 = tpu.memref_slice %arg2[%dma_wait3A_1794] : memref<10240xf32, #tpu.memory_space<hbm>> -> memref<128xf32, #tpu.memory_space<hbm>>
        tpu.wait_dma2 semaphore(%arg23 : memref<!tpu.dma_semaphore, #tpu.memory_space<semaphore_mem>>) src(%dma_wait3A_1795 : memref<128xf32, #tpu.memory_space<hbm>>) dst(%dma_wait3A_1793 : memref<128xf32, #tpu.memory_space<vmem>>)
        %dma_wait3A_1796 = arith.constant 0 : i32
        %dma_wait3A_1797 = arith.constant 0 : i32
        %dma_wait3A_1798 = tpu.memref_slice %arg10[%dma_wait3A_1796, %dma_wait3A_1797] : memref<112x128xf32, #tpu.memory_space<vmem>> -> memref<1x128xf32, #tpu.memory_space<vmem>>
        %dma_wait3A_1799 = tpu.memref_squeeze %dma_wait3A_1798 : memref<1x128xf32, #tpu.memory_space<vmem>> -> memref<128xf32, #tpu.memory_space<vmem>>
        %dma_wait3A_1800 = arith.constant 0 : i32
        %dma_wait3A_1801 = tpu.memref_slice %arg2[%dma_wait3A_1800] : memref<10240xf32, #tpu.memory_space<hbm>> -> memref<128xf32, #tpu.memory_space<hbm>>
        %dma_wait3A_1802 = arith.constant 0 : i32
        %dma_wait3A_1803 = tpu.memref_slice %arg10[%dma_wait3A_1796, %dma_wait3A_1802] : memref<112x128xf32, #tpu.memory_space<vmem>> -> memref<1x128xf32, #tpu.memory_space<vmem>>
        %dma_wait3A_1804 = tpu.memref_squeeze %dma_wait3A_1803 : memref<1x128xf32, #tpu.memory_space<vmem>> -> memref<128xf32, #tpu.memory_space<vmem>>
        %dma_wait3A_1805 = arith.constant 0 : i32
        %dma_wait3A_1806 = tpu.memref_slice %arg2[%dma_wait3A_1805] : memref<10240xf32, #tpu.memory_space<hbm>> -> memref<128xf32, #tpu.memory_space<hbm>>
        tpu.wait_dma2 semaphore(%arg23 : memref<!tpu.dma_semaphore, #tpu.memory_space<semaphore_mem>>) src(%dma_wait3A_1806 : memref<128xf32, #tpu.memory_space<hbm>>) dst(%dma_wait3A_1804 : memref<128xf32, #tpu.memory_space<vmem>>)
        %dma_wait3A_1807 = arith.constant 0 : i32
        %dma_wait3A_1808 = arith.constant 0 : i32
        %dma_wait3A_1809 = tpu.memref_slice %arg10[%dma_wait3A_1807, %dma_wait3A_1808] : memref<112x128xf32, #tpu.memory_space<vmem>> -> memref<1x128xf32, #tpu.memory_space<vmem>>
        %dma_wait3A_1810 = tpu.memref_squeeze %dma_wait3A_1809 : memref<1x128xf32, #tpu.memory_space<vmem>> -> memref<128xf32, #tpu.memory_space<vmem>>
        %dma_wait3A_1811 = arith.constant 0 : i32
        %dma_wait3A_1812 = tpu.memref_slice %arg2[%dma_wait3A_1811] : memref<10240xf32, #tpu.memory_space<hbm>> -> memref<128xf32, #tpu.memory_space<hbm>>
        %dma_wait3A_1813 = arith.constant 0 : i32
        %dma_wait3A_1814 = tpu.memref_slice %arg10[%dma_wait3A_1807, %dma_wait3A_1813] : memref<112x128xf32, #tpu.memory_space<vmem>> -> memref<1x128xf32, #tpu.memory_space<vmem>>
        %dma_wait3A_1815 = tpu.memref_squeeze %dma_wait3A_1814 : memref<1x128xf32, #tpu.memory_space<vmem>> -> memref<128xf32, #tpu.memory_space<vmem>>
        %dma_wait3A_1816 = arith.constant 0 : i32
        %dma_wait3A_1817 = tpu.memref_slice %arg2[%dma_wait3A_1816] : memref<10240xf32, #tpu.memory_space<hbm>> -> memref<128xf32, #tpu.memory_space<hbm>>
        tpu.wait_dma2 semaphore(%arg23 : memref<!tpu.dma_semaphore, #tpu.memory_space<semaphore_mem>>) src(%dma_wait3A_1817 : memref<128xf32, #tpu.memory_space<hbm>>) dst(%dma_wait3A_1815 : memref<128xf32, #tpu.memory_space<vmem>>)
        %dma_wait3A_1818 = arith.constant 0 : i32
        %dma_wait3A_1819 = arith.constant 0 : i32
        %dma_wait3A_1820 = tpu.memref_slice %arg10[%dma_wait3A_1818, %dma_wait3A_1819] : memref<112x128xf32, #tpu.memory_space<vmem>> -> memref<1x128xf32, #tpu.memory_space<vmem>>
        %dma_wait3A_1821 = tpu.memref_squeeze %dma_wait3A_1820 : memref<1x128xf32, #tpu.memory_space<vmem>> -> memref<128xf32, #tpu.memory_space<vmem>>
        %dma_wait3A_1822 = arith.constant 0 : i32
        %dma_wait3A_1823 = tpu.memref_slice %arg2[%dma_wait3A_1822] : memref<10240xf32, #tpu.memory_space<hbm>> -> memref<128xf32, #tpu.memory_space<hbm>>
        %dma_wait3A_1824 = arith.constant 0 : i32
        %dma_wait3A_1825 = tpu.memref_slice %arg10[%dma_wait3A_1818, %dma_wait3A_1824] : memref<112x128xf32, #tpu.memory_space<vmem>> -> memref<1x128xf32, #tpu.memory_space<vmem>>
        %dma_wait3A_1826 = tpu.memref_squeeze %dma_wait3A_1825 : memref<1x128xf32, #tpu.memory_space<vmem>> -> memref<128xf32, #tpu.memory_space<vmem>>
        %dma_wait3A_1827 = arith.constant 0 : i32
        %dma_wait3A_1828 = tpu.memref_slice %arg2[%dma_wait3A_1827] : memref<10240xf32, #tpu.memory_space<hbm>> -> memref<128xf32, #tpu.memory_space<hbm>>
        tpu.wait_dma2 semaphore(%arg23 : memref<!tpu.dma_semaphore, #tpu.memory_space<semaphore_mem>>) src(%dma_wait3A_1828 : memref<128xf32, #tpu.memory_space<hbm>>) dst(%dma_wait3A_1826 : memref<128xf32, #tpu.memory_space<vmem>>)
        %dma_wait3A_1829 = arith.constant 0 : i32
        %dma_wait3A_1830 = arith.constant 0 : i32
        %dma_wait3A_1831 = tpu.memref_slice %arg10[%dma_wait3A_1829, %dma_wait3A_1830] : memref<112x128xf32, #tpu.memory_space<vmem>> -> memref<1x128xf32, #tpu.memory_space<vmem>>
        %dma_wait3A_1832 = tpu.memref_squeeze %dma_wait3A_1831 : memref<1x128xf32, #tpu.memory_space<vmem>> -> memref<128xf32, #tpu.memory_space<vmem>>
        %dma_wait3A_1833 = arith.constant 0 : i32
        %dma_wait3A_1834 = tpu.memref_slice %arg2[%dma_wait3A_1833] : memref<10240xf32, #tpu.memory_space<hbm>> -> memref<128xf32, #tpu.memory_space<hbm>>
        %dma_wait3A_1835 = arith.constant 0 : i32
        %dma_wait3A_1836 = tpu.memref_slice %arg10[%dma_wait3A_1829, %dma_wait3A_1835] : memref<112x128xf32, #tpu.memory_space<vmem>> -> memref<1x128xf32, #tpu.memory_space<vmem>>
        %dma_wait3A_1837 = tpu.memref_squeeze %dma_wait3A_1836 : memref<1x128xf32, #tpu.memory_space<vmem>> -> memref<128xf32, #tpu.memory_space<vmem>>
        %dma_wait3A_1838 = arith.constant 0 : i32
        %dma_wait3A_1839 = tpu.memref_slice %arg2[%dma_wait3A_1838] : memref<10240xf32, #tpu.memory_space<hbm>> -> memref<128xf32, #tpu.memory_space<hbm>>
        tpu.wait_dma2 semaphore(%arg23 : memref<!tpu.dma_semaphore, #tpu.memory_space<semaphore_mem>>) src(%dma_wait3A_1839 : memref<128xf32, #tpu.memory_space<hbm>>) dst(%dma_wait3A_1837 : memref<128xf32, #tpu.memory_space<vmem>>)
        %dma_wait3A_1840 = arith.constant 0 : i32
        %dma_wait3A_1841 = arith.constant 0 : i32
        %dma_wait3A_1842 = tpu.memref_slice %arg10[%dma_wait3A_1840, %dma_wait3A_1841] : memref<112x128xf32, #tpu.memory_space<vmem>> -> memref<1x128xf32, #tpu.memory_space<vmem>>
        %dma_wait3A_1843 = tpu.memref_squeeze %dma_wait3A_1842 : memref<1x128xf32, #tpu.memory_space<vmem>> -> memref<128xf32, #tpu.memory_space<vmem>>
        %dma_wait3A_1844 = arith.constant 0 : i32
        %dma_wait3A_1845 = tpu.memref_slice %arg2[%dma_wait3A_1844] : memref<10240xf32, #tpu.memory_space<hbm>> -> memref<128xf32, #tpu.memory_space<hbm>>
        %dma_wait3A_1846 = arith.constant 0 : i32
        %dma_wait3A_1847 = tpu.memref_slice %arg10[%dma_wait3A_1840, %dma_wait3A_1846] : memref<112x128xf32, #tpu.memory_space<vmem>> -> memref<1x128xf32, #tpu.memory_space<vmem>>
        %dma_wait3A_1848 = tpu.memref_squeeze %dma_wait3A_1847 : memref<1x128xf32, #tpu.memory_space<vmem>> -> memref<128xf32, #tpu.memory_space<vmem>>
        %dma_wait3A_1849 = arith.constant 0 : i32
        %dma_wait3A_1850 = tpu.memref_slice %arg2[%dma_wait3A_1849] : memref<10240xf32, #tpu.memory_space<hbm>> -> memref<128xf32, #tpu.memory_space<hbm>>
        tpu.wait_dma2 semaphore(%arg23 : memref<!tpu.dma_semaphore, #tpu.memory_space<semaphore_mem>>) src(%dma_wait3A_1850 : memref<128xf32, #tpu.memory_space<hbm>>) dst(%dma_wait3A_1848 : memref<128xf32, #tpu.memory_space<vmem>>)
        %dma_wait3A_1851 = arith.constant 0 : i32
        %dma_wait3A_1852 = arith.constant 0 : i32
        %dma_wait3A_1853 = tpu.memref_slice %arg10[%dma_wait3A_1851, %dma_wait3A_1852] : memref<112x128xf32, #tpu.memory_space<vmem>> -> memref<1x128xf32, #tpu.memory_space<vmem>>
        %dma_wait3A_1854 = tpu.memref_squeeze %dma_wait3A_1853 : memref<1x128xf32, #tpu.memory_space<vmem>> -> memref<128xf32, #tpu.memory_space<vmem>>
        %dma_wait3A_1855 = arith.constant 0 : i32
        %dma_wait3A_1856 = tpu.memref_slice %arg2[%dma_wait3A_1855] : memref<10240xf32, #tpu.memory_space<hbm>> -> memref<128xf32, #tpu.memory_space<hbm>>
        %dma_wait3A_1857 = arith.constant 0 : i32
        %dma_wait3A_1858 = tpu.memref_slice %arg10[%dma_wait3A_1851, %dma_wait3A_1857] : memref<112x128xf32, #tpu.memory_space<vmem>> -> memref<1x128xf32, #tpu.memory_space<vmem>>
        %dma_wait3A_1859 = tpu.memref_squeeze %dma_wait3A_1858 : memref<1x128xf32, #tpu.memory_space<vmem>> -> memref<128xf32, #tpu.memory_space<vmem>>
        %dma_wait3A_1860 = arith.constant 0 : i32
        %dma_wait3A_1861 = tpu.memref_slice %arg2[%dma_wait3A_1860] : memref<10240xf32, #tpu.memory_space<hbm>> -> memref<128xf32, #tpu.memory_space<hbm>>
        tpu.wait_dma2 semaphore(%arg23 : memref<!tpu.dma_semaphore, #tpu.memory_space<semaphore_mem>>) src(%dma_wait3A_1861 : memref<128xf32, #tpu.memory_space<hbm>>) dst(%dma_wait3A_1859 : memref<128xf32, #tpu.memory_space<vmem>>)
        %dma_wait3A_1862 = arith.constant 0 : i32
        %dma_wait3A_1863 = arith.constant 0 : i32
        %dma_wait3A_1864 = tpu.memref_slice %arg10[%dma_wait3A_1862, %dma_wait3A_1863] : memref<112x128xf32, #tpu.memory_space<vmem>> -> memref<1x128xf32, #tpu.memory_space<vmem>>
        %dma_wait3A_1865 = tpu.memref_squeeze %dma_wait3A_1864 : memref<1x128xf32, #tpu.memory_space<vmem>> -> memref<128xf32, #tpu.memory_space<vmem>>
        %dma_wait3A_1866 = arith.constant 0 : i32
        %dma_wait3A_1867 = tpu.memref_slice %arg2[%dma_wait3A_1866] : memref<10240xf32, #tpu.memory_space<hbm>> -> memref<128xf32, #tpu.memory_space<hbm>>
        %dma_wait3A_1868 = arith.constant 0 : i32
        %dma_wait3A_1869 = tpu.memref_slice %arg10[%dma_wait3A_1862, %dma_wait3A_1868] : memref<112x128xf32, #tpu.memory_space<vmem>> -> memref<1x128xf32, #tpu.memory_space<vmem>>
        %dma_wait3A_1870 = tpu.memref_squeeze %dma_wait3A_1869 : memref<1x128xf32, #tpu.memory_space<vmem>> -> memref<128xf32, #tpu.memory_space<vmem>>
        %dma_wait3A_1871 = arith.constant 0 : i32
        %dma_wait3A_1872 = tpu.memref_slice %arg2[%dma_wait3A_1871] : memref<10240xf32, #tpu.memory_space<hbm>> -> memref<128xf32, #tpu.memory_space<hbm>>
        tpu.wait_dma2 semaphore(%arg23 : memref<!tpu.dma_semaphore, #tpu.memory_space<semaphore_mem>>) src(%dma_wait3A_1872 : memref<128xf32, #tpu.memory_space<hbm>>) dst(%dma_wait3A_1870 : memref<128xf32, #tpu.memory_space<vmem>>)
        %dma_wait3A_1873 = arith.constant 0 : i32
        %dma_wait3A_1874 = arith.constant 0 : i32
        %dma_wait3A_1875 = tpu.memref_slice %arg10[%dma_wait3A_1873, %dma_wait3A_1874] : memref<112x128xf32, #tpu.memory_space<vmem>> -> memref<1x128xf32, #tpu.memory_space<vmem>>
        %dma_wait3A_1876 = tpu.memref_squeeze %dma_wait3A_1875 : memref<1x128xf32, #tpu.memory_space<vmem>> -> memref<128xf32, #tpu.memory_space<vmem>>
        %dma_wait3A_1877 = arith.constant 0 : i32
        %dma_wait3A_1878 = tpu.memref_slice %arg2[%dma_wait3A_1877] : memref<10240xf32, #tpu.memory_space<hbm>> -> memref<128xf32, #tpu.memory_space<hbm>>
        %dma_wait3A_1879 = arith.constant 0 : i32
        %dma_wait3A_1880 = tpu.memref_slice %arg10[%dma_wait3A_1873, %dma_wait3A_1879] : memref<112x128xf32, #tpu.memory_space<vmem>> -> memref<1x128xf32, #tpu.memory_space<vmem>>
        %dma_wait3A_1881 = tpu.memref_squeeze %dma_wait3A_1880 : memref<1x128xf32, #tpu.memory_space<vmem>> -> memref<128xf32, #tpu.memory_space<vmem>>
        %dma_wait3A_1882 = arith.constant 0 : i32
        %dma_wait3A_1883 = tpu.memref_slice %arg2[%dma_wait3A_1882] : memref<10240xf32, #tpu.memory_space<hbm>> -> memref<128xf32, #tpu.memory_space<hbm>>
        tpu.wait_dma2 semaphore(%arg23 : memref<!tpu.dma_semaphore, #tpu.memory_space<semaphore_mem>>) src(%dma_wait3A_1883 : memref<128xf32, #tpu.memory_space<hbm>>) dst(%dma_wait3A_1881 : memref<128xf32, #tpu.memory_space<vmem>>)
        %dma_wait3A_1884 = arith.constant 0 : i32
        %dma_wait3A_1885 = arith.constant 0 : i32
        %dma_wait3A_1886 = tpu.memref_slice %arg10[%dma_wait3A_1884, %dma_wait3A_1885] : memref<112x128xf32, #tpu.memory_space<vmem>> -> memref<1x128xf32, #tpu.memory_space<vmem>>
        %dma_wait3A_1887 = tpu.memref_squeeze %dma_wait3A_1886 : memref<1x128xf32, #tpu.memory_space<vmem>> -> memref<128xf32, #tpu.memory_space<vmem>>
        %dma_wait3A_1888 = arith.constant 0 : i32
        %dma_wait3A_1889 = tpu.memref_slice %arg2[%dma_wait3A_1888] : memref<10240xf32, #tpu.memory_space<hbm>> -> memref<128xf32, #tpu.memory_space<hbm>>
        %dma_wait3A_1890 = arith.constant 0 : i32
        %dma_wait3A_1891 = tpu.memref_slice %arg10[%dma_wait3A_1884, %dma_wait3A_1890] : memref<112x128xf32, #tpu.memory_space<vmem>> -> memref<1x128xf32, #tpu.memory_space<vmem>>
        %dma_wait3A_1892 = tpu.memref_squeeze %dma_wait3A_1891 : memref<1x128xf32, #tpu.memory_space<vmem>> -> memref<128xf32, #tpu.memory_space<vmem>>
        %dma_wait3A_1893 = arith.constant 0 : i32
        %dma_wait3A_1894 = tpu.memref_slice %arg2[%dma_wait3A_1893] : memref<10240xf32, #tpu.memory_space<hbm>> -> memref<128xf32, #tpu.memory_space<hbm>>
        tpu.wait_dma2 semaphore(%arg23 : memref<!tpu.dma_semaphore, #tpu.memory_space<semaphore_mem>>) src(%dma_wait3A_1894 : memref<128xf32, #tpu.memory_space<hbm>>) dst(%dma_wait3A_1892 : memref<128xf32, #tpu.memory_space<vmem>>)
        %dma_wait3A_1895 = arith.constant 0 : i32
        %dma_wait3A_1896 = arith.constant 0 : i32
        %dma_wait3A_1897 = tpu.memref_slice %arg10[%dma_wait3A_1895, %dma_wait3A_1896] : memref<112x128xf32, #tpu.memory_space<vmem>> -> memref<1x128xf32, #tpu.memory_space<vmem>>
        %dma_wait3A_1898 = tpu.memref_squeeze %dma_wait3A_1897 : memref<1x128xf32, #tpu.memory_space<vmem>> -> memref<128xf32, #tpu.memory_space<vmem>>
        %dma_wait3A_1899 = arith.constant 0 : i32
        %dma_wait3A_1900 = tpu.memref_slice %arg2[%dma_wait3A_1899] : memref<10240xf32, #tpu.memory_space<hbm>> -> memref<128xf32, #tpu.memory_space<hbm>>
        %dma_wait3A_1901 = arith.constant 0 : i32
        %dma_wait3A_1902 = tpu.memref_slice %arg10[%dma_wait3A_1895, %dma_wait3A_1901] : memref<112x128xf32, #tpu.memory_space<vmem>> -> memref<1x128xf32, #tpu.memory_space<vmem>>
        %dma_wait3A_1903 = tpu.memref_squeeze %dma_wait3A_1902 : memref<1x128xf32, #tpu.memory_space<vmem>> -> memref<128xf32, #tpu.memory_space<vmem>>
        %dma_wait3A_1904 = arith.constant 0 : i32
        %dma_wait3A_1905 = tpu.memref_slice %arg2[%dma_wait3A_1904] : memref<10240xf32, #tpu.memory_space<hbm>> -> memref<128xf32, #tpu.memory_space<hbm>>
        tpu.wait_dma2 semaphore(%arg23 : memref<!tpu.dma_semaphore, #tpu.memory_space<semaphore_mem>>) src(%dma_wait3A_1905 : memref<128xf32, #tpu.memory_space<hbm>>) dst(%dma_wait3A_1903 : memref<128xf32, #tpu.memory_space<vmem>>)
        %dma_wait3A_1906 = arith.constant 0 : i32
        %dma_wait3A_1907 = arith.constant 0 : i32
        %dma_wait3A_1908 = tpu.memref_slice %arg10[%dma_wait3A_1906, %dma_wait3A_1907] : memref<112x128xf32, #tpu.memory_space<vmem>> -> memref<1x128xf32, #tpu.memory_space<vmem>>
        %dma_wait3A_1909 = tpu.memref_squeeze %dma_wait3A_1908 : memref<1x128xf32, #tpu.memory_space<vmem>> -> memref<128xf32, #tpu.memory_space<vmem>>
        %dma_wait3A_1910 = arith.constant 0 : i32
        %dma_wait3A_1911 = tpu.memref_slice %arg2[%dma_wait3A_1910] : memref<10240xf32, #tpu.memory_space<hbm>> -> memref<128xf32, #tpu.memory_space<hbm>>
        %dma_wait3A_1912 = arith.constant 0 : i32
        %dma_wait3A_1913 = tpu.memref_slice %arg10[%dma_wait3A_1906, %dma_wait3A_1912] : memref<112x128xf32, #tpu.memory_space<vmem>> -> memref<1x128xf32, #tpu.memory_space<vmem>>
        %dma_wait3A_1914 = tpu.memref_squeeze %dma_wait3A_1913 : memref<1x128xf32, #tpu.memory_space<vmem>> -> memref<128xf32, #tpu.memory_space<vmem>>
        %dma_wait3A_1915 = arith.constant 0 : i32
        %dma_wait3A_1916 = tpu.memref_slice %arg2[%dma_wait3A_1915] : memref<10240xf32, #tpu.memory_space<hbm>> -> memref<128xf32, #tpu.memory_space<hbm>>
        tpu.wait_dma2 semaphore(%arg23 : memref<!tpu.dma_semaphore, #tpu.memory_space<semaphore_mem>>) src(%dma_wait3A_1916 : memref<128xf32, #tpu.memory_space<hbm>>) dst(%dma_wait3A_1914 : memref<128xf32, #tpu.memory_space<vmem>>)
        %dma_wait3A_1917 = arith.constant 0 : i32
        %dma_wait3A_1918 = arith.constant 0 : i32
        %dma_wait3A_1919 = tpu.memref_slice %arg10[%dma_wait3A_1917, %dma_wait3A_1918] : memref<112x128xf32, #tpu.memory_space<vmem>> -> memref<1x128xf32, #tpu.memory_space<vmem>>
        %dma_wait3A_1920 = tpu.memref_squeeze %dma_wait3A_1919 : memref<1x128xf32, #tpu.memory_space<vmem>> -> memref<128xf32, #tpu.memory_space<vmem>>
        %dma_wait3A_1921 = arith.constant 0 : i32
        %dma_wait3A_1922 = tpu.memref_slice %arg2[%dma_wait3A_1921] : memref<10240xf32, #tpu.memory_space<hbm>> -> memref<128xf32, #tpu.memory_space<hbm>>
        %dma_wait3A_1923 = arith.constant 0 : i32
        %dma_wait3A_1924 = tpu.memref_slice %arg10[%dma_wait3A_1917, %dma_wait3A_1923] : memref<112x128xf32, #tpu.memory_space<vmem>> -> memref<1x128xf32, #tpu.memory_space<vmem>>
        %dma_wait3A_1925 = tpu.memref_squeeze %dma_wait3A_1924 : memref<1x128xf32, #tpu.memory_space<vmem>> -> memref<128xf32, #tpu.memory_space<vmem>>
        %dma_wait3A_1926 = arith.constant 0 : i32
        %dma_wait3A_1927 = tpu.memref_slice %arg2[%dma_wait3A_1926] : memref<10240xf32, #tpu.memory_space<hbm>> -> memref<128xf32, #tpu.memory_space<hbm>>
        tpu.wait_dma2 semaphore(%arg23 : memref<!tpu.dma_semaphore, #tpu.memory_space<semaphore_mem>>) src(%dma_wait3A_1927 : memref<128xf32, #tpu.memory_space<hbm>>) dst(%dma_wait3A_1925 : memref<128xf32, #tpu.memory_space<vmem>>)
        %dma_wait3A_1928 = arith.constant 0 : i32
        %dma_wait3A_1929 = arith.constant 0 : i32
        %dma_wait3A_1930 = tpu.memref_slice %arg10[%dma_wait3A_1928, %dma_wait3A_1929] : memref<112x128xf32, #tpu.memory_space<vmem>> -> memref<1x128xf32, #tpu.memory_space<vmem>>
        %dma_wait3A_1931 = tpu.memref_squeeze %dma_wait3A_1930 : memref<1x128xf32, #tpu.memory_space<vmem>> -> memref<128xf32, #tpu.memory_space<vmem>>
        %dma_wait3A_1932 = arith.constant 0 : i32
        %dma_wait3A_1933 = tpu.memref_slice %arg2[%dma_wait3A_1932] : memref<10240xf32, #tpu.memory_space<hbm>> -> memref<128xf32, #tpu.memory_space<hbm>>
        %dma_wait3A_1934 = arith.constant 0 : i32
        %dma_wait3A_1935 = tpu.memref_slice %arg10[%dma_wait3A_1928, %dma_wait3A_1934] : memref<112x128xf32, #tpu.memory_space<vmem>> -> memref<1x128xf32, #tpu.memory_space<vmem>>
        %dma_wait3A_1936 = tpu.memref_squeeze %dma_wait3A_1935 : memref<1x128xf32, #tpu.memory_space<vmem>> -> memref<128xf32, #tpu.memory_space<vmem>>
        %dma_wait3A_1937 = arith.constant 0 : i32
        %dma_wait3A_1938 = tpu.memref_slice %arg2[%dma_wait3A_1937] : memref<10240xf32, #tpu.memory_space<hbm>> -> memref<128xf32, #tpu.memory_space<hbm>>
        tpu.wait_dma2 semaphore(%arg23 : memref<!tpu.dma_semaphore, #tpu.memory_space<semaphore_mem>>) src(%dma_wait3A_1938 : memref<128xf32, #tpu.memory_space<hbm>>) dst(%dma_wait3A_1936 : memref<128xf32, #tpu.memory_space<vmem>>)
        %dma_wait3A_1939 = arith.constant 0 : i32
        %dma_wait3A_1940 = arith.constant 0 : i32
        %dma_wait3A_1941 = tpu.memref_slice %arg10[%dma_wait3A_1939, %dma_wait3A_1940] : memref<112x128xf32, #tpu.memory_space<vmem>> -> memref<1x128xf32, #tpu.memory_space<vmem>>
        %dma_wait3A_1942 = tpu.memref_squeeze %dma_wait3A_1941 : memref<1x128xf32, #tpu.memory_space<vmem>> -> memref<128xf32, #tpu.memory_space<vmem>>
        %dma_wait3A_1943 = arith.constant 0 : i32
        %dma_wait3A_1944 = tpu.memref_slice %arg2[%dma_wait3A_1943] : memref<10240xf32, #tpu.memory_space<hbm>> -> memref<128xf32, #tpu.memory_space<hbm>>
        %dma_wait3A_1945 = arith.constant 0 : i32
        %dma_wait3A_1946 = tpu.memref_slice %arg10[%dma_wait3A_1939, %dma_wait3A_1945] : memref<112x128xf32, #tpu.memory_space<vmem>> -> memref<1x128xf32, #tpu.memory_space<vmem>>
        %dma_wait3A_1947 = tpu.memref_squeeze %dma_wait3A_1946 : memref<1x128xf32, #tpu.memory_space<vmem>> -> memref<128xf32, #tpu.memory_space<vmem>>
        %dma_wait3A_1948 = arith.constant 0 : i32
        %dma_wait3A_1949 = tpu.memref_slice %arg2[%dma_wait3A_1948] : memref<10240xf32, #tpu.memory_space<hbm>> -> memref<128xf32, #tpu.memory_space<hbm>>
        tpu.wait_dma2 semaphore(%arg23 : memref<!tpu.dma_semaphore, #tpu.memory_space<semaphore_mem>>) src(%dma_wait3A_1949 : memref<128xf32, #tpu.memory_space<hbm>>) dst(%dma_wait3A_1947 : memref<128xf32, #tpu.memory_space<vmem>>)
        %dma_wait3A_1950 = arith.constant 0 : i32
        %dma_wait3A_1951 = arith.constant 0 : i32
        %dma_wait3A_1952 = tpu.memref_slice %arg10[%dma_wait3A_1950, %dma_wait3A_1951] : memref<112x128xf32, #tpu.memory_space<vmem>> -> memref<1x128xf32, #tpu.memory_space<vmem>>
        %dma_wait3A_1953 = tpu.memref_squeeze %dma_wait3A_1952 : memref<1x128xf32, #tpu.memory_space<vmem>> -> memref<128xf32, #tpu.memory_space<vmem>>
        %dma_wait3A_1954 = arith.constant 0 : i32
        %dma_wait3A_1955 = tpu.memref_slice %arg2[%dma_wait3A_1954] : memref<10240xf32, #tpu.memory_space<hbm>> -> memref<128xf32, #tpu.memory_space<hbm>>
        %dma_wait3A_1956 = arith.constant 0 : i32
        %dma_wait3A_1957 = tpu.memref_slice %arg10[%dma_wait3A_1950, %dma_wait3A_1956] : memref<112x128xf32, #tpu.memory_space<vmem>> -> memref<1x128xf32, #tpu.memory_space<vmem>>
        %dma_wait3A_1958 = tpu.memref_squeeze %dma_wait3A_1957 : memref<1x128xf32, #tpu.memory_space<vmem>> -> memref<128xf32, #tpu.memory_space<vmem>>
        %dma_wait3A_1959 = arith.constant 0 : i32
        %dma_wait3A_1960 = tpu.memref_slice %arg2[%dma_wait3A_1959] : memref<10240xf32, #tpu.memory_space<hbm>> -> memref<128xf32, #tpu.memory_space<hbm>>
        tpu.wait_dma2 semaphore(%arg23 : memref<!tpu.dma_semaphore, #tpu.memory_space<semaphore_mem>>) src(%dma_wait3A_1960 : memref<128xf32, #tpu.memory_space<hbm>>) dst(%dma_wait3A_1958 : memref<128xf32, #tpu.memory_space<vmem>>)
        %dma_wait3A_1961 = arith.constant 0 : i32
        %dma_wait3A_1962 = arith.constant 0 : i32
        %dma_wait3A_1963 = tpu.memref_slice %arg10[%dma_wait3A_1961, %dma_wait3A_1962] : memref<112x128xf32, #tpu.memory_space<vmem>> -> memref<1x128xf32, #tpu.memory_space<vmem>>
        %dma_wait3A_1964 = tpu.memref_squeeze %dma_wait3A_1963 : memref<1x128xf32, #tpu.memory_space<vmem>> -> memref<128xf32, #tpu.memory_space<vmem>>
        %dma_wait3A_1965 = arith.constant 0 : i32
        %dma_wait3A_1966 = tpu.memref_slice %arg2[%dma_wait3A_1965] : memref<10240xf32, #tpu.memory_space<hbm>> -> memref<128xf32, #tpu.memory_space<hbm>>
        %dma_wait3A_1967 = arith.constant 0 : i32
        %dma_wait3A_1968 = tpu.memref_slice %arg10[%dma_wait3A_1961, %dma_wait3A_1967] : memref<112x128xf32, #tpu.memory_space<vmem>> -> memref<1x128xf32, #tpu.memory_space<vmem>>
        %dma_wait3A_1969 = tpu.memref_squeeze %dma_wait3A_1968 : memref<1x128xf32, #tpu.memory_space<vmem>> -> memref<128xf32, #tpu.memory_space<vmem>>
        %dma_wait3A_1970 = arith.constant 0 : i32
        %dma_wait3A_1971 = tpu.memref_slice %arg2[%dma_wait3A_1970] : memref<10240xf32, #tpu.memory_space<hbm>> -> memref<128xf32, #tpu.memory_space<hbm>>
        tpu.wait_dma2 semaphore(%arg23 : memref<!tpu.dma_semaphore, #tpu.memory_space<semaphore_mem>>) src(%dma_wait3A_1971 : memref<128xf32, #tpu.memory_space<hbm>>) dst(%dma_wait3A_1969 : memref<128xf32, #tpu.memory_space<vmem>>)
        %dma_wait3A_1972 = arith.constant 0 : i32
        %dma_wait3A_1973 = arith.constant 0 : i32
        %dma_wait3A_1974 = tpu.memref_slice %arg10[%dma_wait3A_1972, %dma_wait3A_1973] : memref<112x128xf32, #tpu.memory_space<vmem>> -> memref<1x128xf32, #tpu.memory_space<vmem>>
        %dma_wait3A_1975 = tpu.memref_squeeze %dma_wait3A_1974 : memref<1x128xf32, #tpu.memory_space<vmem>> -> memref<128xf32, #tpu.memory_space<vmem>>
        %dma_wait3A_1976 = arith.constant 0 : i32
        %dma_wait3A_1977 = tpu.memref_slice %arg2[%dma_wait3A_1976] : memref<10240xf32, #tpu.memory_space<hbm>> -> memref<128xf32, #tpu.memory_space<hbm>>
        %dma_wait3A_1978 = arith.constant 0 : i32
        %dma_wait3A_1979 = tpu.memref_slice %arg10[%dma_wait3A_1972, %dma_wait3A_1978] : memref<112x128xf32, #tpu.memory_space<vmem>> -> memref<1x128xf32, #tpu.memory_space<vmem>>
        %dma_wait3A_1980 = tpu.memref_squeeze %dma_wait3A_1979 : memref<1x128xf32, #tpu.memory_space<vmem>> -> memref<128xf32, #tpu.memory_space<vmem>>
        %dma_wait3A_1981 = arith.constant 0 : i32
        %dma_wait3A_1982 = tpu.memref_slice %arg2[%dma_wait3A_1981] : memref<10240xf32, #tpu.memory_space<hbm>> -> memref<128xf32, #tpu.memory_space<hbm>>
        tpu.wait_dma2 semaphore(%arg23 : memref<!tpu.dma_semaphore, #tpu.memory_space<semaphore_mem>>) src(%dma_wait3A_1982 : memref<128xf32, #tpu.memory_space<hbm>>) dst(%dma_wait3A_1980 : memref<128xf32, #tpu.memory_space<vmem>>)
        %dma_wait3A_1983 = arith.constant 0 : i32
        %dma_wait3A_1984 = arith.constant 0 : i32
        %dma_wait3A_1985 = tpu.memref_slice %arg10[%dma_wait3A_1983, %dma_wait3A_1984] : memref<112x128xf32, #tpu.memory_space<vmem>> -> memref<1x128xf32, #tpu.memory_space<vmem>>
        %dma_wait3A_1986 = tpu.memref_squeeze %dma_wait3A_1985 : memref<1x128xf32, #tpu.memory_space<vmem>> -> memref<128xf32, #tpu.memory_space<vmem>>
        %dma_wait3A_1987 = arith.constant 0 : i32
        %dma_wait3A_1988 = tpu.memref_slice %arg2[%dma_wait3A_1987] : memref<10240xf32, #tpu.memory_space<hbm>> -> memref<128xf32, #tpu.memory_space<hbm>>
        %dma_wait3A_1989 = arith.constant 0 : i32
        %dma_wait3A_1990 = tpu.memref_slice %arg10[%dma_wait3A_1983, %dma_wait3A_1989] : memref<112x128xf32, #tpu.memory_space<vmem>> -> memref<1x128xf32, #tpu.memory_space<vmem>>
        %dma_wait3A_1991 = tpu.memref_squeeze %dma_wait3A_1990 : memref<1x128xf32, #tpu.memory_space<vmem>> -> memref<128xf32, #tpu.memory_space<vmem>>
        %dma_wait3A_1992 = arith.constant 0 : i32
        %dma_wait3A_1993 = tpu.memref_slice %arg2[%dma_wait3A_1992] : memref<10240xf32, #tpu.memory_space<hbm>> -> memref<128xf32, #tpu.memory_space<hbm>>
        tpu.wait_dma2 semaphore(%arg23 : memref<!tpu.dma_semaphore, #tpu.memory_space<semaphore_mem>>) src(%dma_wait3A_1993 : memref<128xf32, #tpu.memory_space<hbm>>) dst(%dma_wait3A_1991 : memref<128xf32, #tpu.memory_space<vmem>>)
        %dma_wait3A_1994 = arith.constant 0 : i32
        %dma_wait3A_1995 = arith.constant 0 : i32
        %dma_wait3A_1996 = tpu.memref_slice %arg10[%dma_wait3A_1994, %dma_wait3A_1995] : memref<112x128xf32, #tpu.memory_space<vmem>> -> memref<1x128xf32, #tpu.memory_space<vmem>>
        %dma_wait3A_1997 = tpu.memref_squeeze %dma_wait3A_1996 : memref<1x128xf32, #tpu.memory_space<vmem>> -> memref<128xf32, #tpu.memory_space<vmem>>
        %dma_wait3A_1998 = arith.constant 0 : i32
        %dma_wait3A_1999 = tpu.memref_slice %arg2[%dma_wait3A_1998] : memref<10240xf32, #tpu.memory_space<hbm>> -> memref<128xf32, #tpu.memory_space<hbm>>
        %dma_wait3A_2000 = arith.constant 0 : i32
        %dma_wait3A_2001 = tpu.memref_slice %arg10[%dma_wait3A_1994, %dma_wait3A_2000] : memref<112x128xf32, #tpu.memory_space<vmem>> -> memref<1x128xf32, #tpu.memory_space<vmem>>
        %dma_wait3A_2002 = tpu.memref_squeeze %dma_wait3A_2001 : memref<1x128xf32, #tpu.memory_space<vmem>> -> memref<128xf32, #tpu.memory_space<vmem>>
        %dma_wait3A_2003 = arith.constant 0 : i32
        %dma_wait3A_2004 = tpu.memref_slice %arg2[%dma_wait3A_2003] : memref<10240xf32, #tpu.memory_space<hbm>> -> memref<128xf32, #tpu.memory_space<hbm>>
        tpu.wait_dma2 semaphore(%arg23 : memref<!tpu.dma_semaphore, #tpu.memory_space<semaphore_mem>>) src(%dma_wait3A_2004 : memref<128xf32, #tpu.memory_space<hbm>>) dst(%dma_wait3A_2002 : memref<128xf32, #tpu.memory_space<vmem>>)
        %dma_wait3A_2005 = arith.constant 0 : i32
        %dma_wait3A_2006 = arith.constant 0 : i32
        %dma_wait3A_2007 = tpu.memref_slice %arg10[%dma_wait3A_2005, %dma_wait3A_2006] : memref<112x128xf32, #tpu.memory_space<vmem>> -> memref<1x128xf32, #tpu.memory_space<vmem>>
        %dma_wait3A_2008 = tpu.memref_squeeze %dma_wait3A_2007 : memref<1x128xf32, #tpu.memory_space<vmem>> -> memref<128xf32, #tpu.memory_space<vmem>>
        %dma_wait3A_2009 = arith.constant 0 : i32
        %dma_wait3A_2010 = tpu.memref_slice %arg2[%dma_wait3A_2009] : memref<10240xf32, #tpu.memory_space<hbm>> -> memref<128xf32, #tpu.memory_space<hbm>>
        %dma_wait3A_2011 = arith.constant 0 : i32
        %dma_wait3A_2012 = tpu.memref_slice %arg10[%dma_wait3A_2005, %dma_wait3A_2011] : memref<112x128xf32, #tpu.memory_space<vmem>> -> memref<1x128xf32, #tpu.memory_space<vmem>>
        %dma_wait3A_2013 = tpu.memref_squeeze %dma_wait3A_2012 : memref<1x128xf32, #tpu.memory_space<vmem>> -> memref<128xf32, #tpu.memory_space<vmem>>
        %dma_wait3A_2014 = arith.constant 0 : i32
        %dma_wait3A_2015 = tpu.memref_slice %arg2[%dma_wait3A_2014] : memref<10240xf32, #tpu.memory_space<hbm>> -> memref<128xf32, #tpu.memory_space<hbm>>
        tpu.wait_dma2 semaphore(%arg23 : memref<!tpu.dma_semaphore, #tpu.memory_space<semaphore_mem>>) src(%dma_wait3A_2015 : memref<128xf32, #tpu.memory_space<hbm>>) dst(%dma_wait3A_2013 : memref<128xf32, #tpu.memory_space<vmem>>)
        %dma_wait3A_2016 = arith.constant 0 : i32
        %dma_wait3A_2017 = arith.constant 0 : i32
        %dma_wait3A_2018 = tpu.memref_slice %arg10[%dma_wait3A_2016, %dma_wait3A_2017] : memref<112x128xf32, #tpu.memory_space<vmem>> -> memref<1x128xf32, #tpu.memory_space<vmem>>
        %dma_wait3A_2019 = tpu.memref_squeeze %dma_wait3A_2018 : memref<1x128xf32, #tpu.memory_space<vmem>> -> memref<128xf32, #tpu.memory_space<vmem>>
        %dma_wait3A_2020 = arith.constant 0 : i32
        %dma_wait3A_2021 = tpu.memref_slice %arg2[%dma_wait3A_2020] : memref<10240xf32, #tpu.memory_space<hbm>> -> memref<128xf32, #tpu.memory_space<hbm>>
        %dma_wait3A_2022 = arith.constant 0 : i32
        %dma_wait3A_2023 = tpu.memref_slice %arg10[%dma_wait3A_2016, %dma_wait3A_2022] : memref<112x128xf32, #tpu.memory_space<vmem>> -> memref<1x128xf32, #tpu.memory_space<vmem>>
        %dma_wait3A_2024 = tpu.memref_squeeze %dma_wait3A_2023 : memref<1x128xf32, #tpu.memory_space<vmem>> -> memref<128xf32, #tpu.memory_space<vmem>>
        %dma_wait3A_2025 = arith.constant 0 : i32
        %dma_wait3A_2026 = tpu.memref_slice %arg2[%dma_wait3A_2025] : memref<10240xf32, #tpu.memory_space<hbm>> -> memref<128xf32, #tpu.memory_space<hbm>>
        tpu.wait_dma2 semaphore(%arg23 : memref<!tpu.dma_semaphore, #tpu.memory_space<semaphore_mem>>) src(%dma_wait3A_2026 : memref<128xf32, #tpu.memory_space<hbm>>) dst(%dma_wait3A_2024 : memref<128xf32, #tpu.memory_space<vmem>>)
        %dma_wait3A_2027 = arith.constant 0 : i32
        %dma_wait3A_2028 = arith.constant 0 : i32
        %dma_wait3A_2029 = tpu.memref_slice %arg10[%dma_wait3A_2027, %dma_wait3A_2028] : memref<112x128xf32, #tpu.memory_space<vmem>> -> memref<1x128xf32, #tpu.memory_space<vmem>>
        %dma_wait3A_2030 = tpu.memref_squeeze %dma_wait3A_2029 : memref<1x128xf32, #tpu.memory_space<vmem>> -> memref<128xf32, #tpu.memory_space<vmem>>
        %dma_wait3A_2031 = arith.constant 0 : i32
        %dma_wait3A_2032 = tpu.memref_slice %arg2[%dma_wait3A_2031] : memref<10240xf32, #tpu.memory_space<hbm>> -> memref<128xf32, #tpu.memory_space<hbm>>
        %dma_wait3A_2033 = arith.constant 0 : i32
        %dma_wait3A_2034 = tpu.memref_slice %arg10[%dma_wait3A_2027, %dma_wait3A_2033] : memref<112x128xf32, #tpu.memory_space<vmem>> -> memref<1x128xf32, #tpu.memory_space<vmem>>
        %dma_wait3A_2035 = tpu.memref_squeeze %dma_wait3A_2034 : memref<1x128xf32, #tpu.memory_space<vmem>> -> memref<128xf32, #tpu.memory_space<vmem>>
        %dma_wait3A_2036 = arith.constant 0 : i32
        %dma_wait3A_2037 = tpu.memref_slice %arg2[%dma_wait3A_2036] : memref<10240xf32, #tpu.memory_space<hbm>> -> memref<128xf32, #tpu.memory_space<hbm>>
        tpu.wait_dma2 semaphore(%arg23 : memref<!tpu.dma_semaphore, #tpu.memory_space<semaphore_mem>>) src(%dma_wait3A_2037 : memref<128xf32, #tpu.memory_space<hbm>>) dst(%dma_wait3A_2035 : memref<128xf32, #tpu.memory_space<vmem>>)
        %dma_wait3A_2038 = arith.constant 0 : i32
        %dma_wait3A_2039 = arith.constant 0 : i32
        %dma_wait3A_2040 = tpu.memref_slice %arg10[%dma_wait3A_2038, %dma_wait3A_2039] : memref<112x128xf32, #tpu.memory_space<vmem>> -> memref<1x128xf32, #tpu.memory_space<vmem>>
        %dma_wait3A_2041 = tpu.memref_squeeze %dma_wait3A_2040 : memref<1x128xf32, #tpu.memory_space<vmem>> -> memref<128xf32, #tpu.memory_space<vmem>>
        %dma_wait3A_2042 = arith.constant 0 : i32
        %dma_wait3A_2043 = tpu.memref_slice %arg2[%dma_wait3A_2042] : memref<10240xf32, #tpu.memory_space<hbm>> -> memref<128xf32, #tpu.memory_space<hbm>>
        %dma_wait3A_2044 = arith.constant 0 : i32
        %dma_wait3A_2045 = tpu.memref_slice %arg10[%dma_wait3A_2038, %dma_wait3A_2044] : memref<112x128xf32, #tpu.memory_space<vmem>> -> memref<1x128xf32, #tpu.memory_space<vmem>>
        %dma_wait3A_2046 = tpu.memref_squeeze %dma_wait3A_2045 : memref<1x128xf32, #tpu.memory_space<vmem>> -> memref<128xf32, #tpu.memory_space<vmem>>
        %dma_wait3A_2047 = arith.constant 0 : i32
        %dma_wait3A_2048 = tpu.memref_slice %arg2[%dma_wait3A_2047] : memref<10240xf32, #tpu.memory_space<hbm>> -> memref<128xf32, #tpu.memory_space<hbm>>
        tpu.wait_dma2 semaphore(%arg23 : memref<!tpu.dma_semaphore, #tpu.memory_space<semaphore_mem>>) src(%dma_wait3A_2048 : memref<128xf32, #tpu.memory_space<hbm>>) dst(%dma_wait3A_2046 : memref<128xf32, #tpu.memory_space<vmem>>)
        %dma_wait3A_2049 = arith.constant 0 : i32
        %dma_wait3A_2050 = arith.constant 0 : i32
        %dma_wait3A_2051 = tpu.memref_slice %arg10[%dma_wait3A_2049, %dma_wait3A_2050] : memref<112x128xf32, #tpu.memory_space<vmem>> -> memref<1x128xf32, #tpu.memory_space<vmem>>
        %dma_wait3A_2052 = tpu.memref_squeeze %dma_wait3A_2051 : memref<1x128xf32, #tpu.memory_space<vmem>> -> memref<128xf32, #tpu.memory_space<vmem>>
        %dma_wait3A_2053 = arith.constant 0 : i32
        %dma_wait3A_2054 = tpu.memref_slice %arg2[%dma_wait3A_2053] : memref<10240xf32, #tpu.memory_space<hbm>> -> memref<128xf32, #tpu.memory_space<hbm>>
        %dma_wait3A_2055 = arith.constant 0 : i32
        %dma_wait3A_2056 = tpu.memref_slice %arg10[%dma_wait3A_2049, %dma_wait3A_2055] : memref<112x128xf32, #tpu.memory_space<vmem>> -> memref<1x128xf32, #tpu.memory_space<vmem>>
        %dma_wait3A_2057 = tpu.memref_squeeze %dma_wait3A_2056 : memref<1x128xf32, #tpu.memory_space<vmem>> -> memref<128xf32, #tpu.memory_space<vmem>>
        %dma_wait3A_2058 = arith.constant 0 : i32
        %dma_wait3A_2059 = tpu.memref_slice %arg2[%dma_wait3A_2058] : memref<10240xf32, #tpu.memory_space<hbm>> -> memref<128xf32, #tpu.memory_space<hbm>>
        tpu.wait_dma2 semaphore(%arg23 : memref<!tpu.dma_semaphore, #tpu.memory_space<semaphore_mem>>) src(%dma_wait3A_2059 : memref<128xf32, #tpu.memory_space<hbm>>) dst(%dma_wait3A_2057 : memref<128xf32, #tpu.memory_space<vmem>>)
        %dma_wait3A_2060 = arith.constant 0 : i32
        %dma_wait3A_2061 = arith.constant 0 : i32
        %dma_wait3A_2062 = tpu.memref_slice %arg10[%dma_wait3A_2060, %dma_wait3A_2061] : memref<112x128xf32, #tpu.memory_space<vmem>> -> memref<1x128xf32, #tpu.memory_space<vmem>>
        %dma_wait3A_2063 = tpu.memref_squeeze %dma_wait3A_2062 : memref<1x128xf32, #tpu.memory_space<vmem>> -> memref<128xf32, #tpu.memory_space<vmem>>
        %dma_wait3A_2064 = arith.constant 0 : i32
        %dma_wait3A_2065 = tpu.memref_slice %arg2[%dma_wait3A_2064] : memref<10240xf32, #tpu.memory_space<hbm>> -> memref<128xf32, #tpu.memory_space<hbm>>
        %dma_wait3A_2066 = arith.constant 0 : i32
        %dma_wait3A_2067 = tpu.memref_slice %arg10[%dma_wait3A_2060, %dma_wait3A_2066] : memref<112x128xf32, #tpu.memory_space<vmem>> -> memref<1x128xf32, #tpu.memory_space<vmem>>
        %dma_wait3A_2068 = tpu.memref_squeeze %dma_wait3A_2067 : memref<1x128xf32, #tpu.memory_space<vmem>> -> memref<128xf32, #tpu.memory_space<vmem>>
        %dma_wait3A_2069 = arith.constant 0 : i32
        %dma_wait3A_2070 = tpu.memref_slice %arg2[%dma_wait3A_2069] : memref<10240xf32, #tpu.memory_space<hbm>> -> memref<128xf32, #tpu.memory_space<hbm>>
        tpu.wait_dma2 semaphore(%arg23 : memref<!tpu.dma_semaphore, #tpu.memory_space<semaphore_mem>>) src(%dma_wait3A_2070 : memref<128xf32, #tpu.memory_space<hbm>>) dst(%dma_wait3A_2068 : memref<128xf32, #tpu.memory_space<vmem>>)
        %dma_wait3A_2071 = arith.constant 0 : i32
        %dma_wait3A_2072 = arith.constant 0 : i32
        %dma_wait3A_2073 = tpu.memref_slice %arg10[%dma_wait3A_2071, %dma_wait3A_2072] : memref<112x128xf32, #tpu.memory_space<vmem>> -> memref<1x128xf32, #tpu.memory_space<vmem>>
        %dma_wait3A_2074 = tpu.memref_squeeze %dma_wait3A_2073 : memref<1x128xf32, #tpu.memory_space<vmem>> -> memref<128xf32, #tpu.memory_space<vmem>>
        %dma_wait3A_2075 = arith.constant 0 : i32
        %dma_wait3A_2076 = tpu.memref_slice %arg2[%dma_wait3A_2075] : memref<10240xf32, #tpu.memory_space<hbm>> -> memref<128xf32, #tpu.memory_space<hbm>>
        %dma_wait3A_2077 = arith.constant 0 : i32
        %dma_wait3A_2078 = tpu.memref_slice %arg10[%dma_wait3A_2071, %dma_wait3A_2077] : memref<112x128xf32, #tpu.memory_space<vmem>> -> memref<1x128xf32, #tpu.memory_space<vmem>>
        %dma_wait3A_2079 = tpu.memref_squeeze %dma_wait3A_2078 : memref<1x128xf32, #tpu.memory_space<vmem>> -> memref<128xf32, #tpu.memory_space<vmem>>
        %dma_wait3A_2080 = arith.constant 0 : i32
        %dma_wait3A_2081 = tpu.memref_slice %arg2[%dma_wait3A_2080] : memref<10240xf32, #tpu.memory_space<hbm>> -> memref<128xf32, #tpu.memory_space<hbm>>
        tpu.wait_dma2 semaphore(%arg23 : memref<!tpu.dma_semaphore, #tpu.memory_space<semaphore_mem>>) src(%dma_wait3A_2081 : memref<128xf32, #tpu.memory_space<hbm>>) dst(%dma_wait3A_2079 : memref<128xf32, #tpu.memory_space<vmem>>)
        %dma_wait3A_2082 = arith.constant 0 : i32
        %dma_wait3A_2083 = arith.constant 0 : i32
        %dma_wait3A_2084 = tpu.memref_slice %arg10[%dma_wait3A_2082, %dma_wait3A_2083] : memref<112x128xf32, #tpu.memory_space<vmem>> -> memref<1x128xf32, #tpu.memory_space<vmem>>
        %dma_wait3A_2085 = tpu.memref_squeeze %dma_wait3A_2084 : memref<1x128xf32, #tpu.memory_space<vmem>> -> memref<128xf32, #tpu.memory_space<vmem>>
        %dma_wait3A_2086 = arith.constant 0 : i32
        %dma_wait3A_2087 = tpu.memref_slice %arg2[%dma_wait3A_2086] : memref<10240xf32, #tpu.memory_space<hbm>> -> memref<128xf32, #tpu.memory_space<hbm>>
        %dma_wait3A_2088 = arith.constant 0 : i32
        %dma_wait3A_2089 = tpu.memref_slice %arg10[%dma_wait3A_2082, %dma_wait3A_2088] : memref<112x128xf32, #tpu.memory_space<vmem>> -> memref<1x128xf32, #tpu.memory_space<vmem>>
        %dma_wait3A_2090 = tpu.memref_squeeze %dma_wait3A_2089 : memref<1x128xf32, #tpu.memory_space<vmem>> -> memref<128xf32, #tpu.memory_space<vmem>>
        %dma_wait3A_2091 = arith.constant 0 : i32
        %dma_wait3A_2092 = tpu.memref_slice %arg2[%dma_wait3A_2091] : memref<10240xf32, #tpu.memory_space<hbm>> -> memref<128xf32, #tpu.memory_space<hbm>>
        tpu.wait_dma2 semaphore(%arg23 : memref<!tpu.dma_semaphore, #tpu.memory_space<semaphore_mem>>) src(%dma_wait3A_2092 : memref<128xf32, #tpu.memory_space<hbm>>) dst(%dma_wait3A_2090 : memref<128xf32, #tpu.memory_space<vmem>>)
        %dma_wait3A_2093 = arith.constant 0 : i32
        %dma_wait3A_2094 = arith.constant 0 : i32
        %dma_wait3A_2095 = tpu.memref_slice %arg10[%dma_wait3A_2093, %dma_wait3A_2094] : memref<112x128xf32, #tpu.memory_space<vmem>> -> memref<1x128xf32, #tpu.memory_space<vmem>>
        %dma_wait3A_2096 = tpu.memref_squeeze %dma_wait3A_2095 : memref<1x128xf32, #tpu.memory_space<vmem>> -> memref<128xf32, #tpu.memory_space<vmem>>
        %dma_wait3A_2097 = arith.constant 0 : i32
        %dma_wait3A_2098 = tpu.memref_slice %arg2[%dma_wait3A_2097] : memref<10240xf32, #tpu.memory_space<hbm>> -> memref<128xf32, #tpu.memory_space<hbm>>
        %dma_wait3A_2099 = arith.constant 0 : i32
        %dma_wait3A_2100 = tpu.memref_slice %arg10[%dma_wait3A_2093, %dma_wait3A_2099] : memref<112x128xf32, #tpu.memory_space<vmem>> -> memref<1x128xf32, #tpu.memory_space<vmem>>
        %dma_wait3A_2101 = tpu.memref_squeeze %dma_wait3A_2100 : memref<1x128xf32, #tpu.memory_space<vmem>> -> memref<128xf32, #tpu.memory_space<vmem>>
        %dma_wait3A_2102 = arith.constant 0 : i32
        %dma_wait3A_2103 = tpu.memref_slice %arg2[%dma_wait3A_2102] : memref<10240xf32, #tpu.memory_space<hbm>> -> memref<128xf32, #tpu.memory_space<hbm>>
        tpu.wait_dma2 semaphore(%arg23 : memref<!tpu.dma_semaphore, #tpu.memory_space<semaphore_mem>>) src(%dma_wait3A_2103 : memref<128xf32, #tpu.memory_space<hbm>>) dst(%dma_wait3A_2101 : memref<128xf32, #tpu.memory_space<vmem>>)
        %dma_wait3A_2104 = arith.constant 0 : i32
        %dma_wait3A_2105 = arith.constant 0 : i32
        %dma_wait3A_2106 = tpu.memref_slice %arg10[%dma_wait3A_2104, %dma_wait3A_2105] : memref<112x128xf32, #tpu.memory_space<vmem>> -> memref<1x128xf32, #tpu.memory_space<vmem>>
        %dma_wait3A_2107 = tpu.memref_squeeze %dma_wait3A_2106 : memref<1x128xf32, #tpu.memory_space<vmem>> -> memref<128xf32, #tpu.memory_space<vmem>>
        %dma_wait3A_2108 = arith.constant 0 : i32
        %dma_wait3A_2109 = tpu.memref_slice %arg2[%dma_wait3A_2108] : memref<10240xf32, #tpu.memory_space<hbm>> -> memref<128xf32, #tpu.memory_space<hbm>>
        %dma_wait3A_2110 = arith.constant 0 : i32
        %dma_wait3A_2111 = tpu.memref_slice %arg10[%dma_wait3A_2104, %dma_wait3A_2110] : memref<112x128xf32, #tpu.memory_space<vmem>> -> memref<1x128xf32, #tpu.memory_space<vmem>>
        %dma_wait3A_2112 = tpu.memref_squeeze %dma_wait3A_2111 : memref<1x128xf32, #tpu.memory_space<vmem>> -> memref<128xf32, #tpu.memory_space<vmem>>
        %dma_wait3A_2113 = arith.constant 0 : i32
        %dma_wait3A_2114 = tpu.memref_slice %arg2[%dma_wait3A_2113] : memref<10240xf32, #tpu.memory_space<hbm>> -> memref<128xf32, #tpu.memory_space<hbm>>
        tpu.wait_dma2 semaphore(%arg23 : memref<!tpu.dma_semaphore, #tpu.memory_space<semaphore_mem>>) src(%dma_wait3A_2114 : memref<128xf32, #tpu.memory_space<hbm>>) dst(%dma_wait3A_2112 : memref<128xf32, #tpu.memory_space<vmem>>)
        %dma_wait3A_2115 = arith.constant 0 : i32
        %dma_wait3A_2116 = arith.constant 0 : i32
        %dma_wait3A_2117 = tpu.memref_slice %arg10[%dma_wait3A_2115, %dma_wait3A_2116] : memref<112x128xf32, #tpu.memory_space<vmem>> -> memref<1x128xf32, #tpu.memory_space<vmem>>
        %dma_wait3A_2118 = tpu.memref_squeeze %dma_wait3A_2117 : memref<1x128xf32, #tpu.memory_space<vmem>> -> memref<128xf32, #tpu.memory_space<vmem>>
        %dma_wait3A_2119 = arith.constant 0 : i32
        %dma_wait3A_2120 = tpu.memref_slice %arg2[%dma_wait3A_2119] : memref<10240xf32, #tpu.memory_space<hbm>> -> memref<128xf32, #tpu.memory_space<hbm>>
        %dma_wait3A_2121 = arith.constant 0 : i32
        %dma_wait3A_2122 = tpu.memref_slice %arg10[%dma_wait3A_2115, %dma_wait3A_2121] : memref<112x128xf32, #tpu.memory_space<vmem>> -> memref<1x128xf32, #tpu.memory_space<vmem>>
        %dma_wait3A_2123 = tpu.memref_squeeze %dma_wait3A_2122 : memref<1x128xf32, #tpu.memory_space<vmem>> -> memref<128xf32, #tpu.memory_space<vmem>>
        %dma_wait3A_2124 = arith.constant 0 : i32
        %dma_wait3A_2125 = tpu.memref_slice %arg2[%dma_wait3A_2124] : memref<10240xf32, #tpu.memory_space<hbm>> -> memref<128xf32, #tpu.memory_space<hbm>>
        tpu.wait_dma2 semaphore(%arg23 : memref<!tpu.dma_semaphore, #tpu.memory_space<semaphore_mem>>) src(%dma_wait3A_2125 : memref<128xf32, #tpu.memory_space<hbm>>) dst(%dma_wait3A_2123 : memref<128xf32, #tpu.memory_space<vmem>>)
      } else {
      }
    }
    %while3A_562 = arith.constant 1 : i32
    scf.for %while3A_1396 = %while3A_560 to %while3A_556 step %while3A_562  : i32 {
      %add3A_1397 = arith.constant 1 : i32
      %add3A_1398 = arith.addi %while3A_1396, %add3A_1397 : i32
      %lt3A = arith.cmpi slt, %add3A_1398, %select_n3A_9 : i32
      %convert_element_type3A_1399 = arith.extui %lt3A : i1 to i32
      %cond3A_1400 = arith.constant 0 : i32
      %cond3A_1401 = arith.cmpi ne, %convert_element_type3A_1399, %cond3A_1400 : i32
      scf.if %cond3A_1401 {
        %add3A_1774 = arith.constant 1 : i32
        %add3A_1775 = arith.addi %while3A_1396, %add3A_1774 : i32
        %mul3A_1776 = arith.constant 16 : i32
        %mul3A_1777 = arith.muli %add3A_1775, %mul3A_1776 : i32
        %add3A_1778 = arith.constant 0 : i32
        %add3A_1779 = arith.addi %mul3A_1777, %add3A_1778 : i32
        %dma_start3A_1780 = arith.constant 0 : i32
        %dma_start3A_1781 = tpu.memref_slice %arg10[%add3A_1779, %dma_start3A_1780] : memref<112x128xf32, #tpu.memory_space<vmem>> -> memref<1x128xf32, #tpu.memory_space<vmem>>
        %dma_start3A_1782 = tpu.memref_squeeze %dma_start3A_1781 : memref<1x128xf32, #tpu.memory_space<vmem>> -> memref<128xf32, #tpu.memory_space<vmem>>
        %dma_start3A_1783 = arith.constant 0 : i32
        %dma_start3A_1784 = tpu.memref_slice %arg8[%add3A_1779, %dma_start3A_1783] : memref<112x128xi32, #tpu.memory_space<vmem>> -> memref<1x128xi32, #tpu.memory_space<vmem>>
        %dma_start3A_1785 = tpu.memref_squeeze %dma_start3A_1784 : memref<1x128xi32, #tpu.memory_space<vmem>> -> memref<128xi32, #tpu.memory_space<vmem>>
        %dma_start3A_1786 = arith.constant 0 : i32
        %dma_start3A_1787 = tpu.memref_slice %arg19[%dma_start3A_1786] : memref<10240xf32, #tpu.memory_space<vmem_shared>> -> memref<10240xf32, #tpu.memory_space<vmem_shared>>
        tpu.enqueue_indirect_dma source(%dma_start3A_1787 : memref<10240xf32, #tpu.memory_space<vmem_shared>>) target(%dma_start3A_1782 : memref<128xf32, #tpu.memory_space<vmem>>) offsets(%dma_start3A_1785 : memref<128xi32, #tpu.memory_space<vmem>>) semaphore(%arg22 : memref<!tpu.dma_semaphore, #tpu.memory_space<semaphore_mem>>)
        %add3A_1788 = arith.constant 1 : i32
        %add3A_1789 = arith.addi %while3A_1396, %add3A_1788 : i32
        %mul3A_1790 = arith.constant 16 : i32
        %mul3A_1791 = arith.muli %add3A_1789, %mul3A_1790 : i32
        %add3A_1792 = arith.constant 0 : i32
        %add3A_1793 = arith.addi %mul3A_1791, %add3A_1792 : i32
        %dma_start3A_1794 = arith.constant 0 : i32
        %dma_start3A_1795 = tpu.memref_slice %arg9[%add3A_1793, %dma_start3A_1794] : memref<112x128xi32, #tpu.memory_space<vmem>> -> memref<1x128xi32, #tpu.memory_space<vmem>>
        %dma_start3A_1796 = tpu.memref_squeeze %dma_start3A_1795 : memref<1x128xi32, #tpu.memory_space<vmem>> -> memref<128xi32, #tpu.memory_space<vmem>>
        %dma_start3A_1797 = arith.constant 0 : i32
        %dma_start3A_1798 = tpu.memref_slice %arg21[%dma_start3A_1797] : memref<10240xf32, #tpu.memory_space<vmem_shared>> -> memref<10240xf32, #tpu.memory_space<vmem_shared>>
        tpu.enqueue_indirect_dma source(%arg11 : memref<128xf32, #tpu.memory_space<vmem>>) target(%dma_start3A_1798 : memref<10240xf32, #tpu.memory_space<vmem_shared>>) offsets(%dma_start3A_1796 : memref<128xi32, #tpu.memory_space<vmem>>) semaphore(%arg23 : memref<!tpu.dma_semaphore, #tpu.memory_space<semaphore_mem>>) {add = true}
        %add3A_1799 = arith.constant 1 : i32
        %add3A_1800 = arith.addi %while3A_1396, %add3A_1799 : i32
        %mul3A_1801 = arith.constant 16 : i32
        %mul3A_1802 = arith.muli %add3A_1800, %mul3A_1801 : i32
        %add3A_1803 = arith.constant 1 : i32
        %add3A_1804 = arith.addi %mul3A_1802, %add3A_1803 : i32
        %dma_start3A_1805 = arith.constant 0 : i32
        %dma_start3A_1806 = tpu.memref_slice %arg10[%add3A_1804, %dma_start3A_1805] : memref<112x128xf32, #tpu.memory_space<vmem>> -> memref<1x128xf32, #tpu.memory_space<vmem>>
        %dma_start3A_1807 = tpu.memref_squeeze %dma_start3A_1806 : memref<1x128xf32, #tpu.memory_space<vmem>> -> memref<128xf32, #tpu.memory_space<vmem>>
        %dma_start3A_1808 = arith.constant 0 : i32
        %dma_start3A_1809 = tpu.memref_slice %arg8[%add3A_1804, %dma_start3A_1808] : memref<112x128xi32, #tpu.memory_space<vmem>> -> memref<1x128xi32, #tpu.memory_space<vmem>>
        %dma_start3A_1810 = tpu.memref_squeeze %dma_start3A_1809 : memref<1x128xi32, #tpu.memory_space<vmem>> -> memref<128xi32, #tpu.memory_space<vmem>>
        %dma_start3A_1811 = arith.constant 0 : i32
        %dma_start3A_1812 = tpu.memref_slice %arg19[%dma_start3A_1811] : memref<10240xf32, #tpu.memory_space<vmem_shared>> -> memref<10240xf32, #tpu.memory_space<vmem_shared>>
        tpu.enqueue_indirect_dma source(%dma_start3A_1812 : memref<10240xf32, #tpu.memory_space<vmem_shared>>) target(%dma_start3A_1807 : memref<128xf32, #tpu.memory_space<vmem>>) offsets(%dma_start3A_1810 : memref<128xi32, #tpu.memory_space<vmem>>) semaphore(%arg22 : memref<!tpu.dma_semaphore, #tpu.memory_space<semaphore_mem>>)
        %add3A_1813 = arith.constant 1 : i32
        %add3A_1814 = arith.addi %while3A_1396, %add3A_1813 : i32
        %mul3A_1815 = arith.constant 16 : i32
        %mul3A_1816 = arith.muli %add3A_1814, %mul3A_1815 : i32
        %add3A_1817 = arith.constant 1 : i32
        %add3A_1818 = arith.addi %mul3A_1816, %add3A_1817 : i32
        %dma_start3A_1819 = arith.constant 0 : i32
        %dma_start3A_1820 = tpu.memref_slice %arg9[%add3A_1818, %dma_start3A_1819] : memref<112x128xi32, #tpu.memory_space<vmem>> -> memref<1x128xi32, #tpu.memory_space<vmem>>
        %dma_start3A_1821 = tpu.memref_squeeze %dma_start3A_1820 : memref<1x128xi32, #tpu.memory_space<vmem>> -> memref<128xi32, #tpu.memory_space<vmem>>
        %dma_start3A_1822 = arith.constant 0 : i32
        %dma_start3A_1823 = tpu.memref_slice %arg21[%dma_start3A_1822] : memref<10240xf32, #tpu.memory_space<vmem_shared>> -> memref<10240xf32, #tpu.memory_space<vmem_shared>>
        tpu.enqueue_indirect_dma source(%arg11 : memref<128xf32, #tpu.memory_space<vmem>>) target(%dma_start3A_1823 : memref<10240xf32, #tpu.memory_space<vmem_shared>>) offsets(%dma_start3A_1821 : memref<128xi32, #tpu.memory_space<vmem>>) semaphore(%arg23 : memref<!tpu.dma_semaphore, #tpu.memory_space<semaphore_mem>>) {add = true}
        %add3A_1824 = arith.constant 1 : i32
        %add3A_1825 = arith.addi %while3A_1396, %add3A_1824 : i32
        %mul3A_1826 = arith.constant 16 : i32
        %mul3A_1827 = arith.muli %add3A_1825, %mul3A_1826 : i32
        %add3A_1828 = arith.constant 2 : i32
        %add3A_1829 = arith.addi %mul3A_1827, %add3A_1828 : i32
        %dma_start3A_1830 = arith.constant 0 : i32
        %dma_start3A_1831 = tpu.memref_slice %arg10[%add3A_1829, %dma_start3A_1830] : memref<112x128xf32, #tpu.memory_space<vmem>> -> memref<1x128xf32, #tpu.memory_space<vmem>>
        %dma_start3A_1832 = tpu.memref_squeeze %dma_start3A_1831 : memref<1x128xf32, #tpu.memory_space<vmem>> -> memref<128xf32, #tpu.memory_space<vmem>>
        %dma_start3A_1833 = arith.constant 0 : i32
        %dma_start3A_1834 = tpu.memref_slice %arg8[%add3A_1829, %dma_start3A_1833] : memref<112x128xi32, #tpu.memory_space<vmem>> -> memref<1x128xi32, #tpu.memory_space<vmem>>
        %dma_start3A_1835 = tpu.memref_squeeze %dma_start3A_1834 : memref<1x128xi32, #tpu.memory_space<vmem>> -> memref<128xi32, #tpu.memory_space<vmem>>
        %dma_start3A_1836 = arith.constant 0 : i32
        %dma_start3A_1837 = tpu.memref_slice %arg19[%dma_start3A_1836] : memref<10240xf32, #tpu.memory_space<vmem_shared>> -> memref<10240xf32, #tpu.memory_space<vmem_shared>>
        tpu.enqueue_indirect_dma source(%dma_start3A_1837 : memref<10240xf32, #tpu.memory_space<vmem_shared>>) target(%dma_start3A_1832 : memref<128xf32, #tpu.memory_space<vmem>>) offsets(%dma_start3A_1835 : memref<128xi32, #tpu.memory_space<vmem>>) semaphore(%arg22 : memref<!tpu.dma_semaphore, #tpu.memory_space<semaphore_mem>>)
        %add3A_1838 = arith.constant 1 : i32
        %add3A_1839 = arith.addi %while3A_1396, %add3A_1838 : i32
        %mul3A_1840 = arith.constant 16 : i32
        %mul3A_1841 = arith.muli %add3A_1839, %mul3A_1840 : i32
        %add3A_1842 = arith.constant 2 : i32
        %add3A_1843 = arith.addi %mul3A_1841, %add3A_1842 : i32
        %dma_start3A_1844 = arith.constant 0 : i32
        %dma_start3A_1845 = tpu.memref_slice %arg9[%add3A_1843, %dma_start3A_1844] : memref<112x128xi32, #tpu.memory_space<vmem>> -> memref<1x128xi32, #tpu.memory_space<vmem>>
        %dma_start3A_1846 = tpu.memref_squeeze %dma_start3A_1845 : memref<1x128xi32, #tpu.memory_space<vmem>> -> memref<128xi32, #tpu.memory_space<vmem>>
        %dma_start3A_1847 = arith.constant 0 : i32
        %dma_start3A_1848 = tpu.memref_slice %arg21[%dma_start3A_1847] : memref<10240xf32, #tpu.memory_space<vmem_shared>> -> memref<10240xf32, #tpu.memory_space<vmem_shared>>
        tpu.enqueue_indirect_dma source(%arg11 : memref<128xf32, #tpu.memory_space<vmem>>) target(%dma_start3A_1848 : memref<10240xf32, #tpu.memory_space<vmem_shared>>) offsets(%dma_start3A_1846 : memref<128xi32, #tpu.memory_space<vmem>>) semaphore(%arg23 : memref<!tpu.dma_semaphore, #tpu.memory_space<semaphore_mem>>) {add = true}
        %add3A_1849 = arith.constant 1 : i32
        %add3A_1850 = arith.addi %while3A_1396, %add3A_1849 : i32
        %mul3A_1851 = arith.constant 16 : i32
        %mul3A_1852 = arith.muli %add3A_1850, %mul3A_1851 : i32
        %add3A_1853 = arith.constant 3 : i32
        %add3A_1854 = arith.addi %mul3A_1852, %add3A_1853 : i32
        %dma_start3A_1855 = arith.constant 0 : i32
        %dma_start3A_1856 = tpu.memref_slice %arg10[%add3A_1854, %dma_start3A_1855] : memref<112x128xf32, #tpu.memory_space<vmem>> -> memref<1x128xf32, #tpu.memory_space<vmem>>
        %dma_start3A_1857 = tpu.memref_squeeze %dma_start3A_1856 : memref<1x128xf32, #tpu.memory_space<vmem>> -> memref<128xf32, #tpu.memory_space<vmem>>
        %dma_start3A_1858 = arith.constant 0 : i32
        %dma_start3A_1859 = tpu.memref_slice %arg8[%add3A_1854, %dma_start3A_1858] : memref<112x128xi32, #tpu.memory_space<vmem>> -> memref<1x128xi32, #tpu.memory_space<vmem>>
        %dma_start3A_1860 = tpu.memref_squeeze %dma_start3A_1859 : memref<1x128xi32, #tpu.memory_space<vmem>> -> memref<128xi32, #tpu.memory_space<vmem>>
        %dma_start3A_1861 = arith.constant 0 : i32
        %dma_start3A_1862 = tpu.memref_slice %arg19[%dma_start3A_1861] : memref<10240xf32, #tpu.memory_space<vmem_shared>> -> memref<10240xf32, #tpu.memory_space<vmem_shared>>
        tpu.enqueue_indirect_dma source(%dma_start3A_1862 : memref<10240xf32, #tpu.memory_space<vmem_shared>>) target(%dma_start3A_1857 : memref<128xf32, #tpu.memory_space<vmem>>) offsets(%dma_start3A_1860 : memref<128xi32, #tpu.memory_space<vmem>>) semaphore(%arg22 : memref<!tpu.dma_semaphore, #tpu.memory_space<semaphore_mem>>)
        %add3A_1863 = arith.constant 1 : i32
        %add3A_1864 = arith.addi %while3A_1396, %add3A_1863 : i32
        %mul3A_1865 = arith.constant 16 : i32
        %mul3A_1866 = arith.muli %add3A_1864, %mul3A_1865 : i32
        %add3A_1867 = arith.constant 3 : i32
        %add3A_1868 = arith.addi %mul3A_1866, %add3A_1867 : i32
        %dma_start3A_1869 = arith.constant 0 : i32
        %dma_start3A_1870 = tpu.memref_slice %arg9[%add3A_1868, %dma_start3A_1869] : memref<112x128xi32, #tpu.memory_space<vmem>> -> memref<1x128xi32, #tpu.memory_space<vmem>>
        %dma_start3A_1871 = tpu.memref_squeeze %dma_start3A_1870 : memref<1x128xi32, #tpu.memory_space<vmem>> -> memref<128xi32, #tpu.memory_space<vmem>>
        %dma_start3A_1872 = arith.constant 0 : i32
        %dma_start3A_1873 = tpu.memref_slice %arg21[%dma_start3A_1872] : memref<10240xf32, #tpu.memory_space<vmem_shared>> -> memref<10240xf32, #tpu.memory_space<vmem_shared>>
        tpu.enqueue_indirect_dma source(%arg11 : memref<128xf32, #tpu.memory_space<vmem>>) target(%dma_start3A_1873 : memref<10240xf32, #tpu.memory_space<vmem_shared>>) offsets(%dma_start3A_1871 : memref<128xi32, #tpu.memory_space<vmem>>) semaphore(%arg23 : memref<!tpu.dma_semaphore, #tpu.memory_space<semaphore_mem>>) {add = true}
        %add3A_1874 = arith.constant 1 : i32
        %add3A_1875 = arith.addi %while3A_1396, %add3A_1874 : i32
        %mul3A_1876 = arith.constant 16 : i32
        %mul3A_1877 = arith.muli %add3A_1875, %mul3A_1876 : i32
        %add3A_1878 = arith.constant 4 : i32
        %add3A_1879 = arith.addi %mul3A_1877, %add3A_1878 : i32
        %dma_start3A_1880 = arith.constant 0 : i32
        %dma_start3A_1881 = tpu.memref_slice %arg10[%add3A_1879, %dma_start3A_1880] : memref<112x128xf32, #tpu.memory_space<vmem>> -> memref<1x128xf32, #tpu.memory_space<vmem>>
        %dma_start3A_1882 = tpu.memref_squeeze %dma_start3A_1881 : memref<1x128xf32, #tpu.memory_space<vmem>> -> memref<128xf32, #tpu.memory_space<vmem>>
        %dma_start3A_1883 = arith.constant 0 : i32
        %dma_start3A_1884 = tpu.memref_slice %arg8[%add3A_1879, %dma_start3A_1883] : memref<112x128xi32, #tpu.memory_space<vmem>> -> memref<1x128xi32, #tpu.memory_space<vmem>>
        %dma_start3A_1885 = tpu.memref_squeeze %dma_start3A_1884 : memref<1x128xi32, #tpu.memory_space<vmem>> -> memref<128xi32, #tpu.memory_space<vmem>>
        %dma_start3A_1886 = arith.constant 0 : i32
        %dma_start3A_1887 = tpu.memref_slice %arg19[%dma_start3A_1886] : memref<10240xf32, #tpu.memory_space<vmem_shared>> -> memref<10240xf32, #tpu.memory_space<vmem_shared>>
        tpu.enqueue_indirect_dma source(%dma_start3A_1887 : memref<10240xf32, #tpu.memory_space<vmem_shared>>) target(%dma_start3A_1882 : memref<128xf32, #tpu.memory_space<vmem>>) offsets(%dma_start3A_1885 : memref<128xi32, #tpu.memory_space<vmem>>) semaphore(%arg22 : memref<!tpu.dma_semaphore, #tpu.memory_space<semaphore_mem>>)
        %add3A_1888 = arith.constant 1 : i32
        %add3A_1889 = arith.addi %while3A_1396, %add3A_1888 : i32
        %mul3A_1890 = arith.constant 16 : i32
        %mul3A_1891 = arith.muli %add3A_1889, %mul3A_1890 : i32
        %add3A_1892 = arith.constant 4 : i32
        %add3A_1893 = arith.addi %mul3A_1891, %add3A_1892 : i32
        %dma_start3A_1894 = arith.constant 0 : i32
        %dma_start3A_1895 = tpu.memref_slice %arg9[%add3A_1893, %dma_start3A_1894] : memref<112x128xi32, #tpu.memory_space<vmem>> -> memref<1x128xi32, #tpu.memory_space<vmem>>
        %dma_start3A_1896 = tpu.memref_squeeze %dma_start3A_1895 : memref<1x128xi32, #tpu.memory_space<vmem>> -> memref<128xi32, #tpu.memory_space<vmem>>
        %dma_start3A_1897 = arith.constant 0 : i32
        %dma_start3A_1898 = tpu.memref_slice %arg21[%dma_start3A_1897] : memref<10240xf32, #tpu.memory_space<vmem_shared>> -> memref<10240xf32, #tpu.memory_space<vmem_shared>>
        tpu.enqueue_indirect_dma source(%arg11 : memref<128xf32, #tpu.memory_space<vmem>>) target(%dma_start3A_1898 : memref<10240xf32, #tpu.memory_space<vmem_shared>>) offsets(%dma_start3A_1896 : memref<128xi32, #tpu.memory_space<vmem>>) semaphore(%arg23 : memref<!tpu.dma_semaphore, #tpu.memory_space<semaphore_mem>>) {add = true}
        %add3A_1899 = arith.constant 1 : i32
        %add3A_1900 = arith.addi %while3A_1396, %add3A_1899 : i32
        %mul3A_1901 = arith.constant 16 : i32
        %mul3A_1902 = arith.muli %add3A_1900, %mul3A_1901 : i32
        %add3A_1903 = arith.constant 5 : i32
        %add3A_1904 = arith.addi %mul3A_1902, %add3A_1903 : i32
        %dma_start3A_1905 = arith.constant 0 : i32
        %dma_start3A_1906 = tpu.memref_slice %arg10[%add3A_1904, %dma_start3A_1905] : memref<112x128xf32, #tpu.memory_space<vmem>> -> memref<1x128xf32, #tpu.memory_space<vmem>>
        %dma_start3A_1907 = tpu.memref_squeeze %dma_start3A_1906 : memref<1x128xf32, #tpu.memory_space<vmem>> -> memref<128xf32, #tpu.memory_space<vmem>>
        %dma_start3A_1908 = arith.constant 0 : i32
        %dma_start3A_1909 = tpu.memref_slice %arg8[%add3A_1904, %dma_start3A_1908] : memref<112x128xi32, #tpu.memory_space<vmem>> -> memref<1x128xi32, #tpu.memory_space<vmem>>
        %dma_start3A_1910 = tpu.memref_squeeze %dma_start3A_1909 : memref<1x128xi32, #tpu.memory_space<vmem>> -> memref<128xi32, #tpu.memory_space<vmem>>
        %dma_start3A_1911 = arith.constant 0 : i32
        %dma_start3A_1912 = tpu.memref_slice %arg19[%dma_start3A_1911] : memref<10240xf32, #tpu.memory_space<vmem_shared>> -> memref<10240xf32, #tpu.memory_space<vmem_shared>>
        tpu.enqueue_indirect_dma source(%dma_start3A_1912 : memref<10240xf32, #tpu.memory_space<vmem_shared>>) target(%dma_start3A_1907 : memref<128xf32, #tpu.memory_space<vmem>>) offsets(%dma_start3A_1910 : memref<128xi32, #tpu.memory_space<vmem>>) semaphore(%arg22 : memref<!tpu.dma_semaphore, #tpu.memory_space<semaphore_mem>>)
        %add3A_1913 = arith.constant 1 : i32
        %add3A_1914 = arith.addi %while3A_1396, %add3A_1913 : i32
        %mul3A_1915 = arith.constant 16 : i32
        %mul3A_1916 = arith.muli %add3A_1914, %mul3A_1915 : i32
        %add3A_1917 = arith.constant 5 : i32
        %add3A_1918 = arith.addi %mul3A_1916, %add3A_1917 : i32
        %dma_start3A_1919 = arith.constant 0 : i32
        %dma_start3A_1920 = tpu.memref_slice %arg9[%add3A_1918, %dma_start3A_1919] : memref<112x128xi32, #tpu.memory_space<vmem>> -> memref<1x128xi32, #tpu.memory_space<vmem>>
        %dma_start3A_1921 = tpu.memref_squeeze %dma_start3A_1920 : memref<1x128xi32, #tpu.memory_space<vmem>> -> memref<128xi32, #tpu.memory_space<vmem>>
        %dma_start3A_1922 = arith.constant 0 : i32
        %dma_start3A_1923 = tpu.memref_slice %arg21[%dma_start3A_1922] : memref<10240xf32, #tpu.memory_space<vmem_shared>> -> memref<10240xf32, #tpu.memory_space<vmem_shared>>
        tpu.enqueue_indirect_dma source(%arg11 : memref<128xf32, #tpu.memory_space<vmem>>) target(%dma_start3A_1923 : memref<10240xf32, #tpu.memory_space<vmem_shared>>) offsets(%dma_start3A_1921 : memref<128xi32, #tpu.memory_space<vmem>>) semaphore(%arg23 : memref<!tpu.dma_semaphore, #tpu.memory_space<semaphore_mem>>) {add = true}
        %add3A_1924 = arith.constant 1 : i32
        %add3A_1925 = arith.addi %while3A_1396, %add3A_1924 : i32
        %mul3A_1926 = arith.constant 16 : i32
        %mul3A_1927 = arith.muli %add3A_1925, %mul3A_1926 : i32
        %add3A_1928 = arith.constant 6 : i32
        %add3A_1929 = arith.addi %mul3A_1927, %add3A_1928 : i32
        %dma_start3A_1930 = arith.constant 0 : i32
        %dma_start3A_1931 = tpu.memref_slice %arg10[%add3A_1929, %dma_start3A_1930] : memref<112x128xf32, #tpu.memory_space<vmem>> -> memref<1x128xf32, #tpu.memory_space<vmem>>
        %dma_start3A_1932 = tpu.memref_squeeze %dma_start3A_1931 : memref<1x128xf32, #tpu.memory_space<vmem>> -> memref<128xf32, #tpu.memory_space<vmem>>
        %dma_start3A_1933 = arith.constant 0 : i32
        %dma_start3A_1934 = tpu.memref_slice %arg8[%add3A_1929, %dma_start3A_1933] : memref<112x128xi32, #tpu.memory_space<vmem>> -> memref<1x128xi32, #tpu.memory_space<vmem>>
        %dma_start3A_1935 = tpu.memref_squeeze %dma_start3A_1934 : memref<1x128xi32, #tpu.memory_space<vmem>> -> memref<128xi32, #tpu.memory_space<vmem>>
        %dma_start3A_1936 = arith.constant 0 : i32
        %dma_start3A_1937 = tpu.memref_slice %arg19[%dma_start3A_1936] : memref<10240xf32, #tpu.memory_space<vmem_shared>> -> memref<10240xf32, #tpu.memory_space<vmem_shared>>
        tpu.enqueue_indirect_dma source(%dma_start3A_1937 : memref<10240xf32, #tpu.memory_space<vmem_shared>>) target(%dma_start3A_1932 : memref<128xf32, #tpu.memory_space<vmem>>) offsets(%dma_start3A_1935 : memref<128xi32, #tpu.memory_space<vmem>>) semaphore(%arg22 : memref<!tpu.dma_semaphore, #tpu.memory_space<semaphore_mem>>)
        %add3A_1938 = arith.constant 1 : i32
        %add3A_1939 = arith.addi %while3A_1396, %add3A_1938 : i32
        %mul3A_1940 = arith.constant 16 : i32
        %mul3A_1941 = arith.muli %add3A_1939, %mul3A_1940 : i32
        %add3A_1942 = arith.constant 6 : i32
        %add3A_1943 = arith.addi %mul3A_1941, %add3A_1942 : i32
        %dma_start3A_1944 = arith.constant 0 : i32
        %dma_start3A_1945 = tpu.memref_slice %arg9[%add3A_1943, %dma_start3A_1944] : memref<112x128xi32, #tpu.memory_space<vmem>> -> memref<1x128xi32, #tpu.memory_space<vmem>>
        %dma_start3A_1946 = tpu.memref_squeeze %dma_start3A_1945 : memref<1x128xi32, #tpu.memory_space<vmem>> -> memref<128xi32, #tpu.memory_space<vmem>>
        %dma_start3A_1947 = arith.constant 0 : i32
        %dma_start3A_1948 = tpu.memref_slice %arg21[%dma_start3A_1947] : memref<10240xf32, #tpu.memory_space<vmem_shared>> -> memref<10240xf32, #tpu.memory_space<vmem_shared>>
        tpu.enqueue_indirect_dma source(%arg11 : memref<128xf32, #tpu.memory_space<vmem>>) target(%dma_start3A_1948 : memref<10240xf32, #tpu.memory_space<vmem_shared>>) offsets(%dma_start3A_1946 : memref<128xi32, #tpu.memory_space<vmem>>) semaphore(%arg23 : memref<!tpu.dma_semaphore, #tpu.memory_space<semaphore_mem>>) {add = true}
        %add3A_1949 = arith.constant 1 : i32
        %add3A_1950 = arith.addi %while3A_1396, %add3A_1949 : i32
        %mul3A_1951 = arith.constant 16 : i32
        %mul3A_1952 = arith.muli %add3A_1950, %mul3A_1951 : i32
        %add3A_1953 = arith.constant 7 : i32
        %add3A_1954 = arith.addi %mul3A_1952, %add3A_1953 : i32
        %dma_start3A_1955 = arith.constant 0 : i32
        %dma_start3A_1956 = tpu.memref_slice %arg10[%add3A_1954, %dma_start3A_1955] : memref<112x128xf32, #tpu.memory_space<vmem>> -> memref<1x128xf32, #tpu.memory_space<vmem>>
        %dma_start3A_1957 = tpu.memref_squeeze %dma_start3A_1956 : memref<1x128xf32, #tpu.memory_space<vmem>> -> memref<128xf32, #tpu.memory_space<vmem>>
        %dma_start3A_1958 = arith.constant 0 : i32
        %dma_start3A_1959 = tpu.memref_slice %arg8[%add3A_1954, %dma_start3A_1958] : memref<112x128xi32, #tpu.memory_space<vmem>> -> memref<1x128xi32, #tpu.memory_space<vmem>>
        %dma_start3A_1960 = tpu.memref_squeeze %dma_start3A_1959 : memref<1x128xi32, #tpu.memory_space<vmem>> -> memref<128xi32, #tpu.memory_space<vmem>>
        %dma_start3A_1961 = arith.constant 0 : i32
        %dma_start3A_1962 = tpu.memref_slice %arg19[%dma_start3A_1961] : memref<10240xf32, #tpu.memory_space<vmem_shared>> -> memref<10240xf32, #tpu.memory_space<vmem_shared>>
        tpu.enqueue_indirect_dma source(%dma_start3A_1962 : memref<10240xf32, #tpu.memory_space<vmem_shared>>) target(%dma_start3A_1957 : memref<128xf32, #tpu.memory_space<vmem>>) offsets(%dma_start3A_1960 : memref<128xi32, #tpu.memory_space<vmem>>) semaphore(%arg22 : memref<!tpu.dma_semaphore, #tpu.memory_space<semaphore_mem>>)
        %add3A_1963 = arith.constant 1 : i32
        %add3A_1964 = arith.addi %while3A_1396, %add3A_1963 : i32
        %mul3A_1965 = arith.constant 16 : i32
        %mul3A_1966 = arith.muli %add3A_1964, %mul3A_1965 : i32
        %add3A_1967 = arith.constant 7 : i32
        %add3A_1968 = arith.addi %mul3A_1966, %add3A_1967 : i32
        %dma_start3A_1969 = arith.constant 0 : i32
        %dma_start3A_1970 = tpu.memref_slice %arg9[%add3A_1968, %dma_start3A_1969] : memref<112x128xi32, #tpu.memory_space<vmem>> -> memref<1x128xi32, #tpu.memory_space<vmem>>
        %dma_start3A_1971 = tpu.memref_squeeze %dma_start3A_1970 : memref<1x128xi32, #tpu.memory_space<vmem>> -> memref<128xi32, #tpu.memory_space<vmem>>
        %dma_start3A_1972 = arith.constant 0 : i32
        %dma_start3A_1973 = tpu.memref_slice %arg21[%dma_start3A_1972] : memref<10240xf32, #tpu.memory_space<vmem_shared>> -> memref<10240xf32, #tpu.memory_space<vmem_shared>>
        tpu.enqueue_indirect_dma source(%arg11 : memref<128xf32, #tpu.memory_space<vmem>>) target(%dma_start3A_1973 : memref<10240xf32, #tpu.memory_space<vmem_shared>>) offsets(%dma_start3A_1971 : memref<128xi32, #tpu.memory_space<vmem>>) semaphore(%arg23 : memref<!tpu.dma_semaphore, #tpu.memory_space<semaphore_mem>>) {add = true}
        %add3A_1974 = arith.constant 1 : i32
        %add3A_1975 = arith.addi %while3A_1396, %add3A_1974 : i32
        %mul3A_1976 = arith.constant 16 : i32
        %mul3A_1977 = arith.muli %add3A_1975, %mul3A_1976 : i32
        %add3A_1978 = arith.constant 8 : i32
        %add3A_1979 = arith.addi %mul3A_1977, %add3A_1978 : i32
        %dma_start3A_1980 = arith.constant 0 : i32
        %dma_start3A_1981 = tpu.memref_slice %arg10[%add3A_1979, %dma_start3A_1980] : memref<112x128xf32, #tpu.memory_space<vmem>> -> memref<1x128xf32, #tpu.memory_space<vmem>>
        %dma_start3A_1982 = tpu.memref_squeeze %dma_start3A_1981 : memref<1x128xf32, #tpu.memory_space<vmem>> -> memref<128xf32, #tpu.memory_space<vmem>>
        %dma_start3A_1983 = arith.constant 0 : i32
        %dma_start3A_1984 = tpu.memref_slice %arg8[%add3A_1979, %dma_start3A_1983] : memref<112x128xi32, #tpu.memory_space<vmem>> -> memref<1x128xi32, #tpu.memory_space<vmem>>
        %dma_start3A_1985 = tpu.memref_squeeze %dma_start3A_1984 : memref<1x128xi32, #tpu.memory_space<vmem>> -> memref<128xi32, #tpu.memory_space<vmem>>
        %dma_start3A_1986 = arith.constant 0 : i32
        %dma_start3A_1987 = tpu.memref_slice %arg19[%dma_start3A_1986] : memref<10240xf32, #tpu.memory_space<vmem_shared>> -> memref<10240xf32, #tpu.memory_space<vmem_shared>>
        tpu.enqueue_indirect_dma source(%dma_start3A_1987 : memref<10240xf32, #tpu.memory_space<vmem_shared>>) target(%dma_start3A_1982 : memref<128xf32, #tpu.memory_space<vmem>>) offsets(%dma_start3A_1985 : memref<128xi32, #tpu.memory_space<vmem>>) semaphore(%arg22 : memref<!tpu.dma_semaphore, #tpu.memory_space<semaphore_mem>>)
        %add3A_1988 = arith.constant 1 : i32
        %add3A_1989 = arith.addi %while3A_1396, %add3A_1988 : i32
        %mul3A_1990 = arith.constant 16 : i32
        %mul3A_1991 = arith.muli %add3A_1989, %mul3A_1990 : i32
        %add3A_1992 = arith.constant 8 : i32
        %add3A_1993 = arith.addi %mul3A_1991, %add3A_1992 : i32
        %dma_start3A_1994 = arith.constant 0 : i32
        %dma_start3A_1995 = tpu.memref_slice %arg9[%add3A_1993, %dma_start3A_1994] : memref<112x128xi32, #tpu.memory_space<vmem>> -> memref<1x128xi32, #tpu.memory_space<vmem>>
        %dma_start3A_1996 = tpu.memref_squeeze %dma_start3A_1995 : memref<1x128xi32, #tpu.memory_space<vmem>> -> memref<128xi32, #tpu.memory_space<vmem>>
        %dma_start3A_1997 = arith.constant 0 : i32
        %dma_start3A_1998 = tpu.memref_slice %arg21[%dma_start3A_1997] : memref<10240xf32, #tpu.memory_space<vmem_shared>> -> memref<10240xf32, #tpu.memory_space<vmem_shared>>
        tpu.enqueue_indirect_dma source(%arg11 : memref<128xf32, #tpu.memory_space<vmem>>) target(%dma_start3A_1998 : memref<10240xf32, #tpu.memory_space<vmem_shared>>) offsets(%dma_start3A_1996 : memref<128xi32, #tpu.memory_space<vmem>>) semaphore(%arg23 : memref<!tpu.dma_semaphore, #tpu.memory_space<semaphore_mem>>) {add = true}
        %add3A_1999 = arith.constant 1 : i32
        %add3A_2000 = arith.addi %while3A_1396, %add3A_1999 : i32
        %mul3A_2001 = arith.constant 16 : i32
        %mul3A_2002 = arith.muli %add3A_2000, %mul3A_2001 : i32
        %add3A_2003 = arith.constant 9 : i32
        %add3A_2004 = arith.addi %mul3A_2002, %add3A_2003 : i32
        %dma_start3A_2005 = arith.constant 0 : i32
        %dma_start3A_2006 = tpu.memref_slice %arg10[%add3A_2004, %dma_start3A_2005] : memref<112x128xf32, #tpu.memory_space<vmem>> -> memref<1x128xf32, #tpu.memory_space<vmem>>
        %dma_start3A_2007 = tpu.memref_squeeze %dma_start3A_2006 : memref<1x128xf32, #tpu.memory_space<vmem>> -> memref<128xf32, #tpu.memory_space<vmem>>
        %dma_start3A_2008 = arith.constant 0 : i32
        %dma_start3A_2009 = tpu.memref_slice %arg8[%add3A_2004, %dma_start3A_2008] : memref<112x128xi32, #tpu.memory_space<vmem>> -> memref<1x128xi32, #tpu.memory_space<vmem>>
        %dma_start3A_2010 = tpu.memref_squeeze %dma_start3A_2009 : memref<1x128xi32, #tpu.memory_space<vmem>> -> memref<128xi32, #tpu.memory_space<vmem>>
        %dma_start3A_2011 = arith.constant 0 : i32
        %dma_start3A_2012 = tpu.memref_slice %arg19[%dma_start3A_2011] : memref<10240xf32, #tpu.memory_space<vmem_shared>> -> memref<10240xf32, #tpu.memory_space<vmem_shared>>
        tpu.enqueue_indirect_dma source(%dma_start3A_2012 : memref<10240xf32, #tpu.memory_space<vmem_shared>>) target(%dma_start3A_2007 : memref<128xf32, #tpu.memory_space<vmem>>) offsets(%dma_start3A_2010 : memref<128xi32, #tpu.memory_space<vmem>>) semaphore(%arg22 : memref<!tpu.dma_semaphore, #tpu.memory_space<semaphore_mem>>)
        %add3A_2013 = arith.constant 1 : i32
        %add3A_2014 = arith.addi %while3A_1396, %add3A_2013 : i32
        %mul3A_2015 = arith.constant 16 : i32
        %mul3A_2016 = arith.muli %add3A_2014, %mul3A_2015 : i32
        %add3A_2017 = arith.constant 9 : i32
        %add3A_2018 = arith.addi %mul3A_2016, %add3A_2017 : i32
        %dma_start3A_2019 = arith.constant 0 : i32
        %dma_start3A_2020 = tpu.memref_slice %arg9[%add3A_2018, %dma_start3A_2019] : memref<112x128xi32, #tpu.memory_space<vmem>> -> memref<1x128xi32, #tpu.memory_space<vmem>>
        %dma_start3A_2021 = tpu.memref_squeeze %dma_start3A_2020 : memref<1x128xi32, #tpu.memory_space<vmem>> -> memref<128xi32, #tpu.memory_space<vmem>>
        %dma_start3A_2022 = arith.constant 0 : i32
        %dma_start3A_2023 = tpu.memref_slice %arg21[%dma_start3A_2022] : memref<10240xf32, #tpu.memory_space<vmem_shared>> -> memref<10240xf32, #tpu.memory_space<vmem_shared>>
        tpu.enqueue_indirect_dma source(%arg11 : memref<128xf32, #tpu.memory_space<vmem>>) target(%dma_start3A_2023 : memref<10240xf32, #tpu.memory_space<vmem_shared>>) offsets(%dma_start3A_2021 : memref<128xi32, #tpu.memory_space<vmem>>) semaphore(%arg23 : memref<!tpu.dma_semaphore, #tpu.memory_space<semaphore_mem>>) {add = true}
        %add3A_2024 = arith.constant 1 : i32
        %add3A_2025 = arith.addi %while3A_1396, %add3A_2024 : i32
        %mul3A_2026 = arith.constant 16 : i32
        %mul3A_2027 = arith.muli %add3A_2025, %mul3A_2026 : i32
        %add3A_2028 = arith.constant 10 : i32
        %add3A_2029 = arith.addi %mul3A_2027, %add3A_2028 : i32
        %dma_start3A_2030 = arith.constant 0 : i32
        %dma_start3A_2031 = tpu.memref_slice %arg10[%add3A_2029, %dma_start3A_2030] : memref<112x128xf32, #tpu.memory_space<vmem>> -> memref<1x128xf32, #tpu.memory_space<vmem>>
        %dma_start3A_2032 = tpu.memref_squeeze %dma_start3A_2031 : memref<1x128xf32, #tpu.memory_space<vmem>> -> memref<128xf32, #tpu.memory_space<vmem>>
        %dma_start3A_2033 = arith.constant 0 : i32
        %dma_start3A_2034 = tpu.memref_slice %arg8[%add3A_2029, %dma_start3A_2033] : memref<112x128xi32, #tpu.memory_space<vmem>> -> memref<1x128xi32, #tpu.memory_space<vmem>>
        %dma_start3A_2035 = tpu.memref_squeeze %dma_start3A_2034 : memref<1x128xi32, #tpu.memory_space<vmem>> -> memref<128xi32, #tpu.memory_space<vmem>>
        %dma_start3A_2036 = arith.constant 0 : i32
        %dma_start3A_2037 = tpu.memref_slice %arg19[%dma_start3A_2036] : memref<10240xf32, #tpu.memory_space<vmem_shared>> -> memref<10240xf32, #tpu.memory_space<vmem_shared>>
        tpu.enqueue_indirect_dma source(%dma_start3A_2037 : memref<10240xf32, #tpu.memory_space<vmem_shared>>) target(%dma_start3A_2032 : memref<128xf32, #tpu.memory_space<vmem>>) offsets(%dma_start3A_2035 : memref<128xi32, #tpu.memory_space<vmem>>) semaphore(%arg22 : memref<!tpu.dma_semaphore, #tpu.memory_space<semaphore_mem>>)
        %add3A_2038 = arith.constant 1 : i32
        %add3A_2039 = arith.addi %while3A_1396, %add3A_2038 : i32
        %mul3A_2040 = arith.constant 16 : i32
        %mul3A_2041 = arith.muli %add3A_2039, %mul3A_2040 : i32
        %add3A_2042 = arith.constant 10 : i32
        %add3A_2043 = arith.addi %mul3A_2041, %add3A_2042 : i32
        %dma_start3A_2044 = arith.constant 0 : i32
        %dma_start3A_2045 = tpu.memref_slice %arg9[%add3A_2043, %dma_start3A_2044] : memref<112x128xi32, #tpu.memory_space<vmem>> -> memref<1x128xi32, #tpu.memory_space<vmem>>
        %dma_start3A_2046 = tpu.memref_squeeze %dma_start3A_2045 : memref<1x128xi32, #tpu.memory_space<vmem>> -> memref<128xi32, #tpu.memory_space<vmem>>
        %dma_start3A_2047 = arith.constant 0 : i32
        %dma_start3A_2048 = tpu.memref_slice %arg21[%dma_start3A_2047] : memref<10240xf32, #tpu.memory_space<vmem_shared>> -> memref<10240xf32, #tpu.memory_space<vmem_shared>>
        tpu.enqueue_indirect_dma source(%arg11 : memref<128xf32, #tpu.memory_space<vmem>>) target(%dma_start3A_2048 : memref<10240xf32, #tpu.memory_space<vmem_shared>>) offsets(%dma_start3A_2046 : memref<128xi32, #tpu.memory_space<vmem>>) semaphore(%arg23 : memref<!tpu.dma_semaphore, #tpu.memory_space<semaphore_mem>>) {add = true}
        %add3A_2049 = arith.constant 1 : i32
        %add3A_2050 = arith.addi %while3A_1396, %add3A_2049 : i32
        %mul3A_2051 = arith.constant 16 : i32
        %mul3A_2052 = arith.muli %add3A_2050, %mul3A_2051 : i32
        %add3A_2053 = arith.constant 11 : i32
        %add3A_2054 = arith.addi %mul3A_2052, %add3A_2053 : i32
        %dma_start3A_2055 = arith.constant 0 : i32
        %dma_start3A_2056 = tpu.memref_slice %arg10[%add3A_2054, %dma_start3A_2055] : memref<112x128xf32, #tpu.memory_space<vmem>> -> memref<1x128xf32, #tpu.memory_space<vmem>>
        %dma_start3A_2057 = tpu.memref_squeeze %dma_start3A_2056 : memref<1x128xf32, #tpu.memory_space<vmem>> -> memref<128xf32, #tpu.memory_space<vmem>>
        %dma_start3A_2058 = arith.constant 0 : i32
        %dma_start3A_2059 = tpu.memref_slice %arg8[%add3A_2054, %dma_start3A_2058] : memref<112x128xi32, #tpu.memory_space<vmem>> -> memref<1x128xi32, #tpu.memory_space<vmem>>
        %dma_start3A_2060 = tpu.memref_squeeze %dma_start3A_2059 : memref<1x128xi32, #tpu.memory_space<vmem>> -> memref<128xi32, #tpu.memory_space<vmem>>
        %dma_start3A_2061 = arith.constant 0 : i32
        %dma_start3A_2062 = tpu.memref_slice %arg19[%dma_start3A_2061] : memref<10240xf32, #tpu.memory_space<vmem_shared>> -> memref<10240xf32, #tpu.memory_space<vmem_shared>>
        tpu.enqueue_indirect_dma source(%dma_start3A_2062 : memref<10240xf32, #tpu.memory_space<vmem_shared>>) target(%dma_start3A_2057 : memref<128xf32, #tpu.memory_space<vmem>>) offsets(%dma_start3A_2060 : memref<128xi32, #tpu.memory_space<vmem>>) semaphore(%arg22 : memref<!tpu.dma_semaphore, #tpu.memory_space<semaphore_mem>>)
        %add3A_2063 = arith.constant 1 : i32
        %add3A_2064 = arith.addi %while3A_1396, %add3A_2063 : i32
        %mul3A_2065 = arith.constant 16 : i32
        %mul3A_2066 = arith.muli %add3A_2064, %mul3A_2065 : i32
        %add3A_2067 = arith.constant 11 : i32
        %add3A_2068 = arith.addi %mul3A_2066, %add3A_2067 : i32
        %dma_start3A_2069 = arith.constant 0 : i32
        %dma_start3A_2070 = tpu.memref_slice %arg9[%add3A_2068, %dma_start3A_2069] : memref<112x128xi32, #tpu.memory_space<vmem>> -> memref<1x128xi32, #tpu.memory_space<vmem>>
        %dma_start3A_2071 = tpu.memref_squeeze %dma_start3A_2070 : memref<1x128xi32, #tpu.memory_space<vmem>> -> memref<128xi32, #tpu.memory_space<vmem>>
        %dma_start3A_2072 = arith.constant 0 : i32
        %dma_start3A_2073 = tpu.memref_slice %arg21[%dma_start3A_2072] : memref<10240xf32, #tpu.memory_space<vmem_shared>> -> memref<10240xf32, #tpu.memory_space<vmem_shared>>
        tpu.enqueue_indirect_dma source(%arg11 : memref<128xf32, #tpu.memory_space<vmem>>) target(%dma_start3A_2073 : memref<10240xf32, #tpu.memory_space<vmem_shared>>) offsets(%dma_start3A_2071 : memref<128xi32, #tpu.memory_space<vmem>>) semaphore(%arg23 : memref<!tpu.dma_semaphore, #tpu.memory_space<semaphore_mem>>) {add = true}
        %add3A_2074 = arith.constant 1 : i32
        %add3A_2075 = arith.addi %while3A_1396, %add3A_2074 : i32
        %mul3A_2076 = arith.constant 16 : i32
        %mul3A_2077 = arith.muli %add3A_2075, %mul3A_2076 : i32
        %add3A_2078 = arith.constant 12 : i32
        %add3A_2079 = arith.addi %mul3A_2077, %add3A_2078 : i32
        %dma_start3A_2080 = arith.constant 0 : i32
        %dma_start3A_2081 = tpu.memref_slice %arg10[%add3A_2079, %dma_start3A_2080] : memref<112x128xf32, #tpu.memory_space<vmem>> -> memref<1x128xf32, #tpu.memory_space<vmem>>
        %dma_start3A_2082 = tpu.memref_squeeze %dma_start3A_2081 : memref<1x128xf32, #tpu.memory_space<vmem>> -> memref<128xf32, #tpu.memory_space<vmem>>
        %dma_start3A_2083 = arith.constant 0 : i32
        %dma_start3A_2084 = tpu.memref_slice %arg8[%add3A_2079, %dma_start3A_2083] : memref<112x128xi32, #tpu.memory_space<vmem>> -> memref<1x128xi32, #tpu.memory_space<vmem>>
        %dma_start3A_2085 = tpu.memref_squeeze %dma_start3A_2084 : memref<1x128xi32, #tpu.memory_space<vmem>> -> memref<128xi32, #tpu.memory_space<vmem>>
        %dma_start3A_2086 = arith.constant 0 : i32
        %dma_start3A_2087 = tpu.memref_slice %arg19[%dma_start3A_2086] : memref<10240xf32, #tpu.memory_space<vmem_shared>> -> memref<10240xf32, #tpu.memory_space<vmem_shared>>
        tpu.enqueue_indirect_dma source(%dma_start3A_2087 : memref<10240xf32, #tpu.memory_space<vmem_shared>>) target(%dma_start3A_2082 : memref<128xf32, #tpu.memory_space<vmem>>) offsets(%dma_start3A_2085 : memref<128xi32, #tpu.memory_space<vmem>>) semaphore(%arg22 : memref<!tpu.dma_semaphore, #tpu.memory_space<semaphore_mem>>)
        %add3A_2088 = arith.constant 1 : i32
        %add3A_2089 = arith.addi %while3A_1396, %add3A_2088 : i32
        %mul3A_2090 = arith.constant 16 : i32
        %mul3A_2091 = arith.muli %add3A_2089, %mul3A_2090 : i32
        %add3A_2092 = arith.constant 12 : i32
        %add3A_2093 = arith.addi %mul3A_2091, %add3A_2092 : i32
        %dma_start3A_2094 = arith.constant 0 : i32
        %dma_start3A_2095 = tpu.memref_slice %arg9[%add3A_2093, %dma_start3A_2094] : memref<112x128xi32, #tpu.memory_space<vmem>> -> memref<1x128xi32, #tpu.memory_space<vmem>>
        %dma_start3A_2096 = tpu.memref_squeeze %dma_start3A_2095 : memref<1x128xi32, #tpu.memory_space<vmem>> -> memref<128xi32, #tpu.memory_space<vmem>>
        %dma_start3A_2097 = arith.constant 0 : i32
        %dma_start3A_2098 = tpu.memref_slice %arg21[%dma_start3A_2097] : memref<10240xf32, #tpu.memory_space<vmem_shared>> -> memref<10240xf32, #tpu.memory_space<vmem_shared>>
        tpu.enqueue_indirect_dma source(%arg11 : memref<128xf32, #tpu.memory_space<vmem>>) target(%dma_start3A_2098 : memref<10240xf32, #tpu.memory_space<vmem_shared>>) offsets(%dma_start3A_2096 : memref<128xi32, #tpu.memory_space<vmem>>) semaphore(%arg23 : memref<!tpu.dma_semaphore, #tpu.memory_space<semaphore_mem>>) {add = true}
        %add3A_2099 = arith.constant 1 : i32
        %add3A_2100 = arith.addi %while3A_1396, %add3A_2099 : i32
        %mul3A_2101 = arith.constant 16 : i32
        %mul3A_2102 = arith.muli %add3A_2100, %mul3A_2101 : i32
        %add3A_2103 = arith.constant 13 : i32
        %add3A_2104 = arith.addi %mul3A_2102, %add3A_2103 : i32
        %dma_start3A_2105 = arith.constant 0 : i32
        %dma_start3A_2106 = tpu.memref_slice %arg10[%add3A_2104, %dma_start3A_2105] : memref<112x128xf32, #tpu.memory_space<vmem>> -> memref<1x128xf32, #tpu.memory_space<vmem>>
        %dma_start3A_2107 = tpu.memref_squeeze %dma_start3A_2106 : memref<1x128xf32, #tpu.memory_space<vmem>> -> memref<128xf32, #tpu.memory_space<vmem>>
        %dma_start3A_2108 = arith.constant 0 : i32
        %dma_start3A_2109 = tpu.memref_slice %arg8[%add3A_2104, %dma_start3A_2108] : memref<112x128xi32, #tpu.memory_space<vmem>> -> memref<1x128xi32, #tpu.memory_space<vmem>>
        %dma_start3A_2110 = tpu.memref_squeeze %dma_start3A_2109 : memref<1x128xi32, #tpu.memory_space<vmem>> -> memref<128xi32, #tpu.memory_space<vmem>>
        %dma_start3A_2111 = arith.constant 0 : i32
        %dma_start3A_2112 = tpu.memref_slice %arg19[%dma_start3A_2111] : memref<10240xf32, #tpu.memory_space<vmem_shared>> -> memref<10240xf32, #tpu.memory_space<vmem_shared>>
        tpu.enqueue_indirect_dma source(%dma_start3A_2112 : memref<10240xf32, #tpu.memory_space<vmem_shared>>) target(%dma_start3A_2107 : memref<128xf32, #tpu.memory_space<vmem>>) offsets(%dma_start3A_2110 : memref<128xi32, #tpu.memory_space<vmem>>) semaphore(%arg22 : memref<!tpu.dma_semaphore, #tpu.memory_space<semaphore_mem>>)
        %add3A_2113 = arith.constant 1 : i32
        %add3A_2114 = arith.addi %while3A_1396, %add3A_2113 : i32
        %mul3A_2115 = arith.constant 16 : i32
        %mul3A_2116 = arith.muli %add3A_2114, %mul3A_2115 : i32
        %add3A_2117 = arith.constant 13 : i32
        %add3A_2118 = arith.addi %mul3A_2116, %add3A_2117 : i32
        %dma_start3A_2119 = arith.constant 0 : i32
        %dma_start3A_2120 = tpu.memref_slice %arg9[%add3A_2118, %dma_start3A_2119] : memref<112x128xi32, #tpu.memory_space<vmem>> -> memref<1x128xi32, #tpu.memory_space<vmem>>
        %dma_start3A_2121 = tpu.memref_squeeze %dma_start3A_2120 : memref<1x128xi32, #tpu.memory_space<vmem>> -> memref<128xi32, #tpu.memory_space<vmem>>
        %dma_start3A_2122 = arith.constant 0 : i32
        %dma_start3A_2123 = tpu.memref_slice %arg21[%dma_start3A_2122] : memref<10240xf32, #tpu.memory_space<vmem_shared>> -> memref<10240xf32, #tpu.memory_space<vmem_shared>>
        tpu.enqueue_indirect_dma source(%arg11 : memref<128xf32, #tpu.memory_space<vmem>>) target(%dma_start3A_2123 : memref<10240xf32, #tpu.memory_space<vmem_shared>>) offsets(%dma_start3A_2121 : memref<128xi32, #tpu.memory_space<vmem>>) semaphore(%arg23 : memref<!tpu.dma_semaphore, #tpu.memory_space<semaphore_mem>>) {add = true}
        %add3A_2124 = arith.constant 1 : i32
        %add3A_2125 = arith.addi %while3A_1396, %add3A_2124 : i32
        %mul3A_2126 = arith.constant 16 : i32
        %mul3A_2127 = arith.muli %add3A_2125, %mul3A_2126 : i32
        %add3A_2128 = arith.constant 14 : i32
        %add3A_2129 = arith.addi %mul3A_2127, %add3A_2128 : i32
        %dma_start3A_2130 = arith.constant 0 : i32
        %dma_start3A_2131 = tpu.memref_slice %arg10[%add3A_2129, %dma_start3A_2130] : memref<112x128xf32, #tpu.memory_space<vmem>> -> memref<1x128xf32, #tpu.memory_space<vmem>>
        %dma_start3A_2132 = tpu.memref_squeeze %dma_start3A_2131 : memref<1x128xf32, #tpu.memory_space<vmem>> -> memref<128xf32, #tpu.memory_space<vmem>>
        %dma_start3A_2133 = arith.constant 0 : i32
        %dma_start3A_2134 = tpu.memref_slice %arg8[%add3A_2129, %dma_start3A_2133] : memref<112x128xi32, #tpu.memory_space<vmem>> -> memref<1x128xi32, #tpu.memory_space<vmem>>
        %dma_start3A_2135 = tpu.memref_squeeze %dma_start3A_2134 : memref<1x128xi32, #tpu.memory_space<vmem>> -> memref<128xi32, #tpu.memory_space<vmem>>
        %dma_start3A_2136 = arith.constant 0 : i32
        %dma_start3A_2137 = tpu.memref_slice %arg19[%dma_start3A_2136] : memref<10240xf32, #tpu.memory_space<vmem_shared>> -> memref<10240xf32, #tpu.memory_space<vmem_shared>>
        tpu.enqueue_indirect_dma source(%dma_start3A_2137 : memref<10240xf32, #tpu.memory_space<vmem_shared>>) target(%dma_start3A_2132 : memref<128xf32, #tpu.memory_space<vmem>>) offsets(%dma_start3A_2135 : memref<128xi32, #tpu.memory_space<vmem>>) semaphore(%arg22 : memref<!tpu.dma_semaphore, #tpu.memory_space<semaphore_mem>>)
        %add3A_2138 = arith.constant 1 : i32
        %add3A_2139 = arith.addi %while3A_1396, %add3A_2138 : i32
        %mul3A_2140 = arith.constant 16 : i32
        %mul3A_2141 = arith.muli %add3A_2139, %mul3A_2140 : i32
        %add3A_2142 = arith.constant 14 : i32
        %add3A_2143 = arith.addi %mul3A_2141, %add3A_2142 : i32
        %dma_start3A_2144 = arith.constant 0 : i32
        %dma_start3A_2145 = tpu.memref_slice %arg9[%add3A_2143, %dma_start3A_2144] : memref<112x128xi32, #tpu.memory_space<vmem>> -> memref<1x128xi32, #tpu.memory_space<vmem>>
        %dma_start3A_2146 = tpu.memref_squeeze %dma_start3A_2145 : memref<1x128xi32, #tpu.memory_space<vmem>> -> memref<128xi32, #tpu.memory_space<vmem>>
        %dma_start3A_2147 = arith.constant 0 : i32
        %dma_start3A_2148 = tpu.memref_slice %arg21[%dma_start3A_2147] : memref<10240xf32, #tpu.memory_space<vmem_shared>> -> memref<10240xf32, #tpu.memory_space<vmem_shared>>
        tpu.enqueue_indirect_dma source(%arg11 : memref<128xf32, #tpu.memory_space<vmem>>) target(%dma_start3A_2148 : memref<10240xf32, #tpu.memory_space<vmem_shared>>) offsets(%dma_start3A_2146 : memref<128xi32, #tpu.memory_space<vmem>>) semaphore(%arg23 : memref<!tpu.dma_semaphore, #tpu.memory_space<semaphore_mem>>) {add = true}
        %add3A_2149 = arith.constant 1 : i32
        %add3A_2150 = arith.addi %while3A_1396, %add3A_2149 : i32
        %mul3A_2151 = arith.constant 16 : i32
        %mul3A_2152 = arith.muli %add3A_2150, %mul3A_2151 : i32
        %add3A_2153 = arith.constant 15 : i32
        %add3A_2154 = arith.addi %mul3A_2152, %add3A_2153 : i32
        %dma_start3A_2155 = arith.constant 0 : i32
        %dma_start3A_2156 = tpu.memref_slice %arg10[%add3A_2154, %dma_start3A_2155] : memref<112x128xf32, #tpu.memory_space<vmem>> -> memref<1x128xf32, #tpu.memory_space<vmem>>
        %dma_start3A_2157 = tpu.memref_squeeze %dma_start3A_2156 : memref<1x128xf32, #tpu.memory_space<vmem>> -> memref<128xf32, #tpu.memory_space<vmem>>
        %dma_start3A_2158 = arith.constant 0 : i32
        %dma_start3A_2159 = tpu.memref_slice %arg8[%add3A_2154, %dma_start3A_2158] : memref<112x128xi32, #tpu.memory_space<vmem>> -> memref<1x128xi32, #tpu.memory_space<vmem>>
        %dma_start3A_2160 = tpu.memref_squeeze %dma_start3A_2159 : memref<1x128xi32, #tpu.memory_space<vmem>> -> memref<128xi32, #tpu.memory_space<vmem>>
        %dma_start3A_2161 = arith.constant 0 : i32
        %dma_start3A_2162 = tpu.memref_slice %arg19[%dma_start3A_2161] : memref<10240xf32, #tpu.memory_space<vmem_shared>> -> memref<10240xf32, #tpu.memory_space<vmem_shared>>
        tpu.enqueue_indirect_dma source(%dma_start3A_2162 : memref<10240xf32, #tpu.memory_space<vmem_shared>>) target(%dma_start3A_2157 : memref<128xf32, #tpu.memory_space<vmem>>) offsets(%dma_start3A_2160 : memref<128xi32, #tpu.memory_space<vmem>>) semaphore(%arg22 : memref<!tpu.dma_semaphore, #tpu.memory_space<semaphore_mem>>)
        %add3A_2163 = arith.constant 1 : i32
        %add3A_2164 = arith.addi %while3A_1396, %add3A_2163 : i32
        %mul3A_2165 = arith.constant 16 : i32
        %mul3A_2166 = arith.muli %add3A_2164, %mul3A_2165 : i32
        %add3A_2167 = arith.constant 15 : i32
        %add3A_2168 = arith.addi %mul3A_2166, %add3A_2167 : i32
        %dma_start3A_2169 = arith.constant 0 : i32
        %dma_start3A_2170 = tpu.memref_slice %arg9[%add3A_2168, %dma_start3A_2169] : memref<112x128xi32, #tpu.memory_space<vmem>> -> memref<1x128xi32, #tpu.memory_space<vmem>>
        %dma_start3A_2171 = tpu.memref_squeeze %dma_start3A_2170 : memref<1x128xi32, #tpu.memory_space<vmem>> -> memref<128xi32, #tpu.memory_space<vmem>>
        %dma_start3A_2172 = arith.constant 0 : i32
        %dma_start3A_2173 = tpu.memref_slice %arg21[%dma_start3A_2172] : memref<10240xf32, #tpu.memory_space<vmem_shared>> -> memref<10240xf32, #tpu.memory_space<vmem_shared>>
        tpu.enqueue_indirect_dma source(%arg11 : memref<128xf32, #tpu.memory_space<vmem>>) target(%dma_start3A_2173 : memref<10240xf32, #tpu.memory_space<vmem_shared>>) offsets(%dma_start3A_2171 : memref<128xi32, #tpu.memory_space<vmem>>) semaphore(%arg23 : memref<!tpu.dma_semaphore, #tpu.memory_space<semaphore_mem>>) {add = true}
      } else {
      }
      %dma_wait3A_1402 = arith.constant 0 : i32
      %dma_wait3A_1403 = arith.constant 0 : i32
      %dma_wait3A_1404 = tpu.memref_slice %arg10[%dma_wait3A_1402, %dma_wait3A_1403] : memref<112x128xf32, #tpu.memory_space<vmem>> -> memref<1x128xf32, #tpu.memory_space<vmem>>
      %dma_wait3A_1405 = tpu.memref_squeeze %dma_wait3A_1404 : memref<1x128xf32, #tpu.memory_space<vmem>> -> memref<128xf32, #tpu.memory_space<vmem>>
      %dma_wait3A_1406 = arith.constant 0 : i32
      %dma_wait3A_1407 = tpu.memref_slice %arg2[%dma_wait3A_1406] : memref<10240xf32, #tpu.memory_space<hbm>> -> memref<128xf32, #tpu.memory_space<hbm>>
      %dma_wait3A_1408 = arith.constant 0 : i32
      %dma_wait3A_1409 = tpu.memref_slice %arg10[%dma_wait3A_1402, %dma_wait3A_1408] : memref<112x128xf32, #tpu.memory_space<vmem>> -> memref<1x128xf32, #tpu.memory_space<vmem>>
      %dma_wait3A_1410 = tpu.memref_squeeze %dma_wait3A_1409 : memref<1x128xf32, #tpu.memory_space<vmem>> -> memref<128xf32, #tpu.memory_space<vmem>>
      %dma_wait3A_1411 = arith.constant 0 : i32
      %dma_wait3A_1412 = tpu.memref_slice %arg2[%dma_wait3A_1411] : memref<10240xf32, #tpu.memory_space<hbm>> -> memref<128xf32, #tpu.memory_space<hbm>>
      tpu.wait_dma2 semaphore(%arg22 : memref<!tpu.dma_semaphore, #tpu.memory_space<semaphore_mem>>) src(%dma_wait3A_1412 : memref<128xf32, #tpu.memory_space<hbm>>) dst(%dma_wait3A_1410 : memref<128xf32, #tpu.memory_space<vmem>>)
      %dma_wait3A_1413 = arith.constant 0 : i32
      %dma_wait3A_1414 = arith.constant 0 : i32
      %dma_wait3A_1415 = tpu.memref_slice %arg10[%dma_wait3A_1413, %dma_wait3A_1414] : memref<112x128xf32, #tpu.memory_space<vmem>> -> memref<1x128xf32, #tpu.memory_space<vmem>>
      %dma_wait3A_1416 = tpu.memref_squeeze %dma_wait3A_1415 : memref<1x128xf32, #tpu.memory_space<vmem>> -> memref<128xf32, #tpu.memory_space<vmem>>
      %dma_wait3A_1417 = arith.constant 0 : i32
      %dma_wait3A_1418 = tpu.memref_slice %arg2[%dma_wait3A_1417] : memref<10240xf32, #tpu.memory_space<hbm>> -> memref<128xf32, #tpu.memory_space<hbm>>
      %dma_wait3A_1419 = arith.constant 0 : i32
      %dma_wait3A_1420 = tpu.memref_slice %arg10[%dma_wait3A_1413, %dma_wait3A_1419] : memref<112x128xf32, #tpu.memory_space<vmem>> -> memref<1x128xf32, #tpu.memory_space<vmem>>
      %dma_wait3A_1421 = tpu.memref_squeeze %dma_wait3A_1420 : memref<1x128xf32, #tpu.memory_space<vmem>> -> memref<128xf32, #tpu.memory_space<vmem>>
      %dma_wait3A_1422 = arith.constant 0 : i32
      %dma_wait3A_1423 = tpu.memref_slice %arg2[%dma_wait3A_1422] : memref<10240xf32, #tpu.memory_space<hbm>> -> memref<128xf32, #tpu.memory_space<hbm>>
      tpu.wait_dma2 semaphore(%arg22 : memref<!tpu.dma_semaphore, #tpu.memory_space<semaphore_mem>>) src(%dma_wait3A_1423 : memref<128xf32, #tpu.memory_space<hbm>>) dst(%dma_wait3A_1421 : memref<128xf32, #tpu.memory_space<vmem>>)
      %dma_wait3A_1424 = arith.constant 0 : i32
      %dma_wait3A_1425 = arith.constant 0 : i32
      %dma_wait3A_1426 = tpu.memref_slice %arg10[%dma_wait3A_1424, %dma_wait3A_1425] : memref<112x128xf32, #tpu.memory_space<vmem>> -> memref<1x128xf32, #tpu.memory_space<vmem>>
      %dma_wait3A_1427 = tpu.memref_squeeze %dma_wait3A_1426 : memref<1x128xf32, #tpu.memory_space<vmem>> -> memref<128xf32, #tpu.memory_space<vmem>>
      %dma_wait3A_1428 = arith.constant 0 : i32
      %dma_wait3A_1429 = tpu.memref_slice %arg2[%dma_wait3A_1428] : memref<10240xf32, #tpu.memory_space<hbm>> -> memref<128xf32, #tpu.memory_space<hbm>>
      %dma_wait3A_1430 = arith.constant 0 : i32
      %dma_wait3A_1431 = tpu.memref_slice %arg10[%dma_wait3A_1424, %dma_wait3A_1430] : memref<112x128xf32, #tpu.memory_space<vmem>> -> memref<1x128xf32, #tpu.memory_space<vmem>>
      %dma_wait3A_1432 = tpu.memref_squeeze %dma_wait3A_1431 : memref<1x128xf32, #tpu.memory_space<vmem>> -> memref<128xf32, #tpu.memory_space<vmem>>
      %dma_wait3A_1433 = arith.constant 0 : i32
      %dma_wait3A_1434 = tpu.memref_slice %arg2[%dma_wait3A_1433] : memref<10240xf32, #tpu.memory_space<hbm>> -> memref<128xf32, #tpu.memory_space<hbm>>
      tpu.wait_dma2 semaphore(%arg22 : memref<!tpu.dma_semaphore, #tpu.memory_space<semaphore_mem>>) src(%dma_wait3A_1434 : memref<128xf32, #tpu.memory_space<hbm>>) dst(%dma_wait3A_1432 : memref<128xf32, #tpu.memory_space<vmem>>)
      %dma_wait3A_1435 = arith.constant 0 : i32
      %dma_wait3A_1436 = arith.constant 0 : i32
      %dma_wait3A_1437 = tpu.memref_slice %arg10[%dma_wait3A_1435, %dma_wait3A_1436] : memref<112x128xf32, #tpu.memory_space<vmem>> -> memref<1x128xf32, #tpu.memory_space<vmem>>
      %dma_wait3A_1438 = tpu.memref_squeeze %dma_wait3A_1437 : memref<1x128xf32, #tpu.memory_space<vmem>> -> memref<128xf32, #tpu.memory_space<vmem>>
      %dma_wait3A_1439 = arith.constant 0 : i32
      %dma_wait3A_1440 = tpu.memref_slice %arg2[%dma_wait3A_1439] : memref<10240xf32, #tpu.memory_space<hbm>> -> memref<128xf32, #tpu.memory_space<hbm>>
      %dma_wait3A_1441 = arith.constant 0 : i32
      %dma_wait3A_1442 = tpu.memref_slice %arg10[%dma_wait3A_1435, %dma_wait3A_1441] : memref<112x128xf32, #tpu.memory_space<vmem>> -> memref<1x128xf32, #tpu.memory_space<vmem>>
      %dma_wait3A_1443 = tpu.memref_squeeze %dma_wait3A_1442 : memref<1x128xf32, #tpu.memory_space<vmem>> -> memref<128xf32, #tpu.memory_space<vmem>>
      %dma_wait3A_1444 = arith.constant 0 : i32
      %dma_wait3A_1445 = tpu.memref_slice %arg2[%dma_wait3A_1444] : memref<10240xf32, #tpu.memory_space<hbm>> -> memref<128xf32, #tpu.memory_space<hbm>>
      tpu.wait_dma2 semaphore(%arg22 : memref<!tpu.dma_semaphore, #tpu.memory_space<semaphore_mem>>) src(%dma_wait3A_1445 : memref<128xf32, #tpu.memory_space<hbm>>) dst(%dma_wait3A_1443 : memref<128xf32, #tpu.memory_space<vmem>>)
      %dma_wait3A_1446 = arith.constant 0 : i32
      %dma_wait3A_1447 = arith.constant 0 : i32
      %dma_wait3A_1448 = tpu.memref_slice %arg10[%dma_wait3A_1446, %dma_wait3A_1447] : memref<112x128xf32, #tpu.memory_space<vmem>> -> memref<1x128xf32, #tpu.memory_space<vmem>>
      %dma_wait3A_1449 = tpu.memref_squeeze %dma_wait3A_1448 : memref<1x128xf32, #tpu.memory_space<vmem>> -> memref<128xf32, #tpu.memory_space<vmem>>
      %dma_wait3A_1450 = arith.constant 0 : i32
      %dma_wait3A_1451 = tpu.memref_slice %arg2[%dma_wait3A_1450] : memref<10240xf32, #tpu.memory_space<hbm>> -> memref<128xf32, #tpu.memory_space<hbm>>
      %dma_wait3A_1452 = arith.constant 0 : i32
      %dma_wait3A_1453 = tpu.memref_slice %arg10[%dma_wait3A_1446, %dma_wait3A_1452] : memref<112x128xf32, #tpu.memory_space<vmem>> -> memref<1x128xf32, #tpu.memory_space<vmem>>
      %dma_wait3A_1454 = tpu.memref_squeeze %dma_wait3A_1453 : memref<1x128xf32, #tpu.memory_space<vmem>> -> memref<128xf32, #tpu.memory_space<vmem>>
      %dma_wait3A_1455 = arith.constant 0 : i32
      %dma_wait3A_1456 = tpu.memref_slice %arg2[%dma_wait3A_1455] : memref<10240xf32, #tpu.memory_space<hbm>> -> memref<128xf32, #tpu.memory_space<hbm>>
      tpu.wait_dma2 semaphore(%arg22 : memref<!tpu.dma_semaphore, #tpu.memory_space<semaphore_mem>>) src(%dma_wait3A_1456 : memref<128xf32, #tpu.memory_space<hbm>>) dst(%dma_wait3A_1454 : memref<128xf32, #tpu.memory_space<vmem>>)
      %dma_wait3A_1457 = arith.constant 0 : i32
      %dma_wait3A_1458 = arith.constant 0 : i32
      %dma_wait3A_1459 = tpu.memref_slice %arg10[%dma_wait3A_1457, %dma_wait3A_1458] : memref<112x128xf32, #tpu.memory_space<vmem>> -> memref<1x128xf32, #tpu.memory_space<vmem>>
      %dma_wait3A_1460 = tpu.memref_squeeze %dma_wait3A_1459 : memref<1x128xf32, #tpu.memory_space<vmem>> -> memref<128xf32, #tpu.memory_space<vmem>>
      %dma_wait3A_1461 = arith.constant 0 : i32
      %dma_wait3A_1462 = tpu.memref_slice %arg2[%dma_wait3A_1461] : memref<10240xf32, #tpu.memory_space<hbm>> -> memref<128xf32, #tpu.memory_space<hbm>>
      %dma_wait3A_1463 = arith.constant 0 : i32
      %dma_wait3A_1464 = tpu.memref_slice %arg10[%dma_wait3A_1457, %dma_wait3A_1463] : memref<112x128xf32, #tpu.memory_space<vmem>> -> memref<1x128xf32, #tpu.memory_space<vmem>>
      %dma_wait3A_1465 = tpu.memref_squeeze %dma_wait3A_1464 : memref<1x128xf32, #tpu.memory_space<vmem>> -> memref<128xf32, #tpu.memory_space<vmem>>
      %dma_wait3A_1466 = arith.constant 0 : i32
      %dma_wait3A_1467 = tpu.memref_slice %arg2[%dma_wait3A_1466] : memref<10240xf32, #tpu.memory_space<hbm>> -> memref<128xf32, #tpu.memory_space<hbm>>
      tpu.wait_dma2 semaphore(%arg22 : memref<!tpu.dma_semaphore, #tpu.memory_space<semaphore_mem>>) src(%dma_wait3A_1467 : memref<128xf32, #tpu.memory_space<hbm>>) dst(%dma_wait3A_1465 : memref<128xf32, #tpu.memory_space<vmem>>)
      %dma_wait3A_1468 = arith.constant 0 : i32
      %dma_wait3A_1469 = arith.constant 0 : i32
      %dma_wait3A_1470 = tpu.memref_slice %arg10[%dma_wait3A_1468, %dma_wait3A_1469] : memref<112x128xf32, #tpu.memory_space<vmem>> -> memref<1x128xf32, #tpu.memory_space<vmem>>
      %dma_wait3A_1471 = tpu.memref_squeeze %dma_wait3A_1470 : memref<1x128xf32, #tpu.memory_space<vmem>> -> memref<128xf32, #tpu.memory_space<vmem>>
      %dma_wait3A_1472 = arith.constant 0 : i32
      %dma_wait3A_1473 = tpu.memref_slice %arg2[%dma_wait3A_1472] : memref<10240xf32, #tpu.memory_space<hbm>> -> memref<128xf32, #tpu.memory_space<hbm>>
      %dma_wait3A_1474 = arith.constant 0 : i32
      %dma_wait3A_1475 = tpu.memref_slice %arg10[%dma_wait3A_1468, %dma_wait3A_1474] : memref<112x128xf32, #tpu.memory_space<vmem>> -> memref<1x128xf32, #tpu.memory_space<vmem>>
      %dma_wait3A_1476 = tpu.memref_squeeze %dma_wait3A_1475 : memref<1x128xf32, #tpu.memory_space<vmem>> -> memref<128xf32, #tpu.memory_space<vmem>>
      %dma_wait3A_1477 = arith.constant 0 : i32
      %dma_wait3A_1478 = tpu.memref_slice %arg2[%dma_wait3A_1477] : memref<10240xf32, #tpu.memory_space<hbm>> -> memref<128xf32, #tpu.memory_space<hbm>>
      tpu.wait_dma2 semaphore(%arg22 : memref<!tpu.dma_semaphore, #tpu.memory_space<semaphore_mem>>) src(%dma_wait3A_1478 : memref<128xf32, #tpu.memory_space<hbm>>) dst(%dma_wait3A_1476 : memref<128xf32, #tpu.memory_space<vmem>>)
      %dma_wait3A_1479 = arith.constant 0 : i32
      %dma_wait3A_1480 = arith.constant 0 : i32
      %dma_wait3A_1481 = tpu.memref_slice %arg10[%dma_wait3A_1479, %dma_wait3A_1480] : memref<112x128xf32, #tpu.memory_space<vmem>> -> memref<1x128xf32, #tpu.memory_space<vmem>>
      %dma_wait3A_1482 = tpu.memref_squeeze %dma_wait3A_1481 : memref<1x128xf32, #tpu.memory_space<vmem>> -> memref<128xf32, #tpu.memory_space<vmem>>
      %dma_wait3A_1483 = arith.constant 0 : i32
      %dma_wait3A_1484 = tpu.memref_slice %arg2[%dma_wait3A_1483] : memref<10240xf32, #tpu.memory_space<hbm>> -> memref<128xf32, #tpu.memory_space<hbm>>
      %dma_wait3A_1485 = arith.constant 0 : i32
      %dma_wait3A_1486 = tpu.memref_slice %arg10[%dma_wait3A_1479, %dma_wait3A_1485] : memref<112x128xf32, #tpu.memory_space<vmem>> -> memref<1x128xf32, #tpu.memory_space<vmem>>
      %dma_wait3A_1487 = tpu.memref_squeeze %dma_wait3A_1486 : memref<1x128xf32, #tpu.memory_space<vmem>> -> memref<128xf32, #tpu.memory_space<vmem>>
      %dma_wait3A_1488 = arith.constant 0 : i32
      %dma_wait3A_1489 = tpu.memref_slice %arg2[%dma_wait3A_1488] : memref<10240xf32, #tpu.memory_space<hbm>> -> memref<128xf32, #tpu.memory_space<hbm>>
      tpu.wait_dma2 semaphore(%arg22 : memref<!tpu.dma_semaphore, #tpu.memory_space<semaphore_mem>>) src(%dma_wait3A_1489 : memref<128xf32, #tpu.memory_space<hbm>>) dst(%dma_wait3A_1487 : memref<128xf32, #tpu.memory_space<vmem>>)
      %dma_wait3A_1490 = arith.constant 0 : i32
      %dma_wait3A_1491 = arith.constant 0 : i32
      %dma_wait3A_1492 = tpu.memref_slice %arg10[%dma_wait3A_1490, %dma_wait3A_1491] : memref<112x128xf32, #tpu.memory_space<vmem>> -> memref<1x128xf32, #tpu.memory_space<vmem>>
      %dma_wait3A_1493 = tpu.memref_squeeze %dma_wait3A_1492 : memref<1x128xf32, #tpu.memory_space<vmem>> -> memref<128xf32, #tpu.memory_space<vmem>>
      %dma_wait3A_1494 = arith.constant 0 : i32
      %dma_wait3A_1495 = tpu.memref_slice %arg2[%dma_wait3A_1494] : memref<10240xf32, #tpu.memory_space<hbm>> -> memref<128xf32, #tpu.memory_space<hbm>>
      %dma_wait3A_1496 = arith.constant 0 : i32
      %dma_wait3A_1497 = tpu.memref_slice %arg10[%dma_wait3A_1490, %dma_wait3A_1496] : memref<112x128xf32, #tpu.memory_space<vmem>> -> memref<1x128xf32, #tpu.memory_space<vmem>>
      %dma_wait3A_1498 = tpu.memref_squeeze %dma_wait3A_1497 : memref<1x128xf32, #tpu.memory_space<vmem>> -> memref<128xf32, #tpu.memory_space<vmem>>
      %dma_wait3A_1499 = arith.constant 0 : i32
      %dma_wait3A_1500 = tpu.memref_slice %arg2[%dma_wait3A_1499] : memref<10240xf32, #tpu.memory_space<hbm>> -> memref<128xf32, #tpu.memory_space<hbm>>
      tpu.wait_dma2 semaphore(%arg22 : memref<!tpu.dma_semaphore, #tpu.memory_space<semaphore_mem>>) src(%dma_wait3A_1500 : memref<128xf32, #tpu.memory_space<hbm>>) dst(%dma_wait3A_1498 : memref<128xf32, #tpu.memory_space<vmem>>)
      %dma_wait3A_1501 = arith.constant 0 : i32
      %dma_wait3A_1502 = arith.constant 0 : i32
      %dma_wait3A_1503 = tpu.memref_slice %arg10[%dma_wait3A_1501, %dma_wait3A_1502] : memref<112x128xf32, #tpu.memory_space<vmem>> -> memref<1x128xf32, #tpu.memory_space<vmem>>
      %dma_wait3A_1504 = tpu.memref_squeeze %dma_wait3A_1503 : memref<1x128xf32, #tpu.memory_space<vmem>> -> memref<128xf32, #tpu.memory_space<vmem>>
      %dma_wait3A_1505 = arith.constant 0 : i32
      %dma_wait3A_1506 = tpu.memref_slice %arg2[%dma_wait3A_1505] : memref<10240xf32, #tpu.memory_space<hbm>> -> memref<128xf32, #tpu.memory_space<hbm>>
      %dma_wait3A_1507 = arith.constant 0 : i32
      %dma_wait3A_1508 = tpu.memref_slice %arg10[%dma_wait3A_1501, %dma_wait3A_1507] : memref<112x128xf32, #tpu.memory_space<vmem>> -> memref<1x128xf32, #tpu.memory_space<vmem>>
      %dma_wait3A_1509 = tpu.memref_squeeze %dma_wait3A_1508 : memref<1x128xf32, #tpu.memory_space<vmem>> -> memref<128xf32, #tpu.memory_space<vmem>>
      %dma_wait3A_1510 = arith.constant 0 : i32
      %dma_wait3A_1511 = tpu.memref_slice %arg2[%dma_wait3A_1510] : memref<10240xf32, #tpu.memory_space<hbm>> -> memref<128xf32, #tpu.memory_space<hbm>>
      tpu.wait_dma2 semaphore(%arg22 : memref<!tpu.dma_semaphore, #tpu.memory_space<semaphore_mem>>) src(%dma_wait3A_1511 : memref<128xf32, #tpu.memory_space<hbm>>) dst(%dma_wait3A_1509 : memref<128xf32, #tpu.memory_space<vmem>>)
      %dma_wait3A_1512 = arith.constant 0 : i32
      %dma_wait3A_1513 = arith.constant 0 : i32
      %dma_wait3A_1514 = tpu.memref_slice %arg10[%dma_wait3A_1512, %dma_wait3A_1513] : memref<112x128xf32, #tpu.memory_space<vmem>> -> memref<1x128xf32, #tpu.memory_space<vmem>>
      %dma_wait3A_1515 = tpu.memref_squeeze %dma_wait3A_1514 : memref<1x128xf32, #tpu.memory_space<vmem>> -> memref<128xf32, #tpu.memory_space<vmem>>
      %dma_wait3A_1516 = arith.constant 0 : i32
      %dma_wait3A_1517 = tpu.memref_slice %arg2[%dma_wait3A_1516] : memref<10240xf32, #tpu.memory_space<hbm>> -> memref<128xf32, #tpu.memory_space<hbm>>
      %dma_wait3A_1518 = arith.constant 0 : i32
      %dma_wait3A_1519 = tpu.memref_slice %arg10[%dma_wait3A_1512, %dma_wait3A_1518] : memref<112x128xf32, #tpu.memory_space<vmem>> -> memref<1x128xf32, #tpu.memory_space<vmem>>
      %dma_wait3A_1520 = tpu.memref_squeeze %dma_wait3A_1519 : memref<1x128xf32, #tpu.memory_space<vmem>> -> memref<128xf32, #tpu.memory_space<vmem>>
      %dma_wait3A_1521 = arith.constant 0 : i32
      %dma_wait3A_1522 = tpu.memref_slice %arg2[%dma_wait3A_1521] : memref<10240xf32, #tpu.memory_space<hbm>> -> memref<128xf32, #tpu.memory_space<hbm>>
      tpu.wait_dma2 semaphore(%arg22 : memref<!tpu.dma_semaphore, #tpu.memory_space<semaphore_mem>>) src(%dma_wait3A_1522 : memref<128xf32, #tpu.memory_space<hbm>>) dst(%dma_wait3A_1520 : memref<128xf32, #tpu.memory_space<vmem>>)
      %dma_wait3A_1523 = arith.constant 0 : i32
      %dma_wait3A_1524 = arith.constant 0 : i32
      %dma_wait3A_1525 = tpu.memref_slice %arg10[%dma_wait3A_1523, %dma_wait3A_1524] : memref<112x128xf32, #tpu.memory_space<vmem>> -> memref<1x128xf32, #tpu.memory_space<vmem>>
      %dma_wait3A_1526 = tpu.memref_squeeze %dma_wait3A_1525 : memref<1x128xf32, #tpu.memory_space<vmem>> -> memref<128xf32, #tpu.memory_space<vmem>>
      %dma_wait3A_1527 = arith.constant 0 : i32
      %dma_wait3A_1528 = tpu.memref_slice %arg2[%dma_wait3A_1527] : memref<10240xf32, #tpu.memory_space<hbm>> -> memref<128xf32, #tpu.memory_space<hbm>>
      %dma_wait3A_1529 = arith.constant 0 : i32
      %dma_wait3A_1530 = tpu.memref_slice %arg10[%dma_wait3A_1523, %dma_wait3A_1529] : memref<112x128xf32, #tpu.memory_space<vmem>> -> memref<1x128xf32, #tpu.memory_space<vmem>>
      %dma_wait3A_1531 = tpu.memref_squeeze %dma_wait3A_1530 : memref<1x128xf32, #tpu.memory_space<vmem>> -> memref<128xf32, #tpu.memory_space<vmem>>
      %dma_wait3A_1532 = arith.constant 0 : i32
      %dma_wait3A_1533 = tpu.memref_slice %arg2[%dma_wait3A_1532] : memref<10240xf32, #tpu.memory_space<hbm>> -> memref<128xf32, #tpu.memory_space<hbm>>
      tpu.wait_dma2 semaphore(%arg22 : memref<!tpu.dma_semaphore, #tpu.memory_space<semaphore_mem>>) src(%dma_wait3A_1533 : memref<128xf32, #tpu.memory_space<hbm>>) dst(%dma_wait3A_1531 : memref<128xf32, #tpu.memory_space<vmem>>)
      %dma_wait3A_1534 = arith.constant 0 : i32
      %dma_wait3A_1535 = arith.constant 0 : i32
      %dma_wait3A_1536 = tpu.memref_slice %arg10[%dma_wait3A_1534, %dma_wait3A_1535] : memref<112x128xf32, #tpu.memory_space<vmem>> -> memref<1x128xf32, #tpu.memory_space<vmem>>
      %dma_wait3A_1537 = tpu.memref_squeeze %dma_wait3A_1536 : memref<1x128xf32, #tpu.memory_space<vmem>> -> memref<128xf32, #tpu.memory_space<vmem>>
      %dma_wait3A_1538 = arith.constant 0 : i32
      %dma_wait3A_1539 = tpu.memref_slice %arg2[%dma_wait3A_1538] : memref<10240xf32, #tpu.memory_space<hbm>> -> memref<128xf32, #tpu.memory_space<hbm>>
      %dma_wait3A_1540 = arith.constant 0 : i32
      %dma_wait3A_1541 = tpu.memref_slice %arg10[%dma_wait3A_1534, %dma_wait3A_1540] : memref<112x128xf32, #tpu.memory_space<vmem>> -> memref<1x128xf32, #tpu.memory_space<vmem>>
      %dma_wait3A_1542 = tpu.memref_squeeze %dma_wait3A_1541 : memref<1x128xf32, #tpu.memory_space<vmem>> -> memref<128xf32, #tpu.memory_space<vmem>>
      %dma_wait3A_1543 = arith.constant 0 : i32
      %dma_wait3A_1544 = tpu.memref_slice %arg2[%dma_wait3A_1543] : memref<10240xf32, #tpu.memory_space<hbm>> -> memref<128xf32, #tpu.memory_space<hbm>>
      tpu.wait_dma2 semaphore(%arg22 : memref<!tpu.dma_semaphore, #tpu.memory_space<semaphore_mem>>) src(%dma_wait3A_1544 : memref<128xf32, #tpu.memory_space<hbm>>) dst(%dma_wait3A_1542 : memref<128xf32, #tpu.memory_space<vmem>>)
      %dma_wait3A_1545 = arith.constant 0 : i32
      %dma_wait3A_1546 = arith.constant 0 : i32
      %dma_wait3A_1547 = tpu.memref_slice %arg10[%dma_wait3A_1545, %dma_wait3A_1546] : memref<112x128xf32, #tpu.memory_space<vmem>> -> memref<1x128xf32, #tpu.memory_space<vmem>>
      %dma_wait3A_1548 = tpu.memref_squeeze %dma_wait3A_1547 : memref<1x128xf32, #tpu.memory_space<vmem>> -> memref<128xf32, #tpu.memory_space<vmem>>
      %dma_wait3A_1549 = arith.constant 0 : i32
      %dma_wait3A_1550 = tpu.memref_slice %arg2[%dma_wait3A_1549] : memref<10240xf32, #tpu.memory_space<hbm>> -> memref<128xf32, #tpu.memory_space<hbm>>
      %dma_wait3A_1551 = arith.constant 0 : i32
      %dma_wait3A_1552 = tpu.memref_slice %arg10[%dma_wait3A_1545, %dma_wait3A_1551] : memref<112x128xf32, #tpu.memory_space<vmem>> -> memref<1x128xf32, #tpu.memory_space<vmem>>
      %dma_wait3A_1553 = tpu.memref_squeeze %dma_wait3A_1552 : memref<1x128xf32, #tpu.memory_space<vmem>> -> memref<128xf32, #tpu.memory_space<vmem>>
      %dma_wait3A_1554 = arith.constant 0 : i32
      %dma_wait3A_1555 = tpu.memref_slice %arg2[%dma_wait3A_1554] : memref<10240xf32, #tpu.memory_space<hbm>> -> memref<128xf32, #tpu.memory_space<hbm>>
      tpu.wait_dma2 semaphore(%arg22 : memref<!tpu.dma_semaphore, #tpu.memory_space<semaphore_mem>>) src(%dma_wait3A_1555 : memref<128xf32, #tpu.memory_space<hbm>>) dst(%dma_wait3A_1553 : memref<128xf32, #tpu.memory_space<vmem>>)
      %dma_wait3A_1556 = arith.constant 0 : i32
      %dma_wait3A_1557 = arith.constant 0 : i32
      %dma_wait3A_1558 = tpu.memref_slice %arg10[%dma_wait3A_1556, %dma_wait3A_1557] : memref<112x128xf32, #tpu.memory_space<vmem>> -> memref<1x128xf32, #tpu.memory_space<vmem>>
      %dma_wait3A_1559 = tpu.memref_squeeze %dma_wait3A_1558 : memref<1x128xf32, #tpu.memory_space<vmem>> -> memref<128xf32, #tpu.memory_space<vmem>>
      %dma_wait3A_1560 = arith.constant 0 : i32
      %dma_wait3A_1561 = tpu.memref_slice %arg2[%dma_wait3A_1560] : memref<10240xf32, #tpu.memory_space<hbm>> -> memref<128xf32, #tpu.memory_space<hbm>>
      %dma_wait3A_1562 = arith.constant 0 : i32
      %dma_wait3A_1563 = tpu.memref_slice %arg10[%dma_wait3A_1556, %dma_wait3A_1562] : memref<112x128xf32, #tpu.memory_space<vmem>> -> memref<1x128xf32, #tpu.memory_space<vmem>>
      %dma_wait3A_1564 = tpu.memref_squeeze %dma_wait3A_1563 : memref<1x128xf32, #tpu.memory_space<vmem>> -> memref<128xf32, #tpu.memory_space<vmem>>
      %dma_wait3A_1565 = arith.constant 0 : i32
      %dma_wait3A_1566 = tpu.memref_slice %arg2[%dma_wait3A_1565] : memref<10240xf32, #tpu.memory_space<hbm>> -> memref<128xf32, #tpu.memory_space<hbm>>
      tpu.wait_dma2 semaphore(%arg22 : memref<!tpu.dma_semaphore, #tpu.memory_space<semaphore_mem>>) src(%dma_wait3A_1566 : memref<128xf32, #tpu.memory_space<hbm>>) dst(%dma_wait3A_1564 : memref<128xf32, #tpu.memory_space<vmem>>)
      %dma_wait3A_1567 = arith.constant 0 : i32
      %dma_wait3A_1568 = arith.constant 0 : i32
      %dma_wait3A_1569 = tpu.memref_slice %arg10[%dma_wait3A_1567, %dma_wait3A_1568] : memref<112x128xf32, #tpu.memory_space<vmem>> -> memref<1x128xf32, #tpu.memory_space<vmem>>
      %dma_wait3A_1570 = tpu.memref_squeeze %dma_wait3A_1569 : memref<1x128xf32, #tpu.memory_space<vmem>> -> memref<128xf32, #tpu.memory_space<vmem>>
      %dma_wait3A_1571 = arith.constant 0 : i32
      %dma_wait3A_1572 = tpu.memref_slice %arg2[%dma_wait3A_1571] : memref<10240xf32, #tpu.memory_space<hbm>> -> memref<128xf32, #tpu.memory_space<hbm>>
      %dma_wait3A_1573 = arith.constant 0 : i32
      %dma_wait3A_1574 = tpu.memref_slice %arg10[%dma_wait3A_1567, %dma_wait3A_1573] : memref<112x128xf32, #tpu.memory_space<vmem>> -> memref<1x128xf32, #tpu.memory_space<vmem>>
      %dma_wait3A_1575 = tpu.memref_squeeze %dma_wait3A_1574 : memref<1x128xf32, #tpu.memory_space<vmem>> -> memref<128xf32, #tpu.memory_space<vmem>>
      %dma_wait3A_1576 = arith.constant 0 : i32
      %dma_wait3A_1577 = tpu.memref_slice %arg2[%dma_wait3A_1576] : memref<10240xf32, #tpu.memory_space<hbm>> -> memref<128xf32, #tpu.memory_space<hbm>>
      tpu.wait_dma2 semaphore(%arg22 : memref<!tpu.dma_semaphore, #tpu.memory_space<semaphore_mem>>) src(%dma_wait3A_1577 : memref<128xf32, #tpu.memory_space<hbm>>) dst(%dma_wait3A_1575 : memref<128xf32, #tpu.memory_space<vmem>>)
      %mul3A_1578 = arith.constant 16 : i32
      %mul3A_1579 = arith.muli %while3A_1396, %mul3A_1578 : i32
      %add3A_1580 = arith.constant 0 : i32
      %add3A_1581 = arith.addi %mul3A_1579, %add3A_1580 : i32
      %dma_start3A_1582 = arith.constant 0 : i32
      %dma_start3A_1583 = tpu.memref_slice %arg10[%add3A_1581, %dma_start3A_1582] : memref<112x128xf32, #tpu.memory_space<vmem>> -> memref<1x128xf32, #tpu.memory_space<vmem>>
      %dma_start3A_1584 = tpu.memref_squeeze %dma_start3A_1583 : memref<1x128xf32, #tpu.memory_space<vmem>> -> memref<128xf32, #tpu.memory_space<vmem>>
      %dma_start3A_1585 = arith.constant 0 : i32
      %dma_start3A_1586 = tpu.memref_slice %arg9[%add3A_1581, %dma_start3A_1585] : memref<112x128xi32, #tpu.memory_space<vmem>> -> memref<1x128xi32, #tpu.memory_space<vmem>>
      %dma_start3A_1587 = tpu.memref_squeeze %dma_start3A_1586 : memref<1x128xi32, #tpu.memory_space<vmem>> -> memref<128xi32, #tpu.memory_space<vmem>>
      %dma_start3A_1588 = arith.constant 0 : i32
      %dma_start3A_1589 = tpu.memref_slice %arg20[%dma_start3A_1588] : memref<10240xf32, #tpu.memory_space<vmem_shared>> -> memref<10240xf32, #tpu.memory_space<vmem_shared>>
      tpu.enqueue_indirect_dma source(%dma_start3A_1584 : memref<128xf32, #tpu.memory_space<vmem>>) target(%dma_start3A_1589 : memref<10240xf32, #tpu.memory_space<vmem_shared>>) offsets(%dma_start3A_1587 : memref<128xi32, #tpu.memory_space<vmem>>) semaphore(%arg23 : memref<!tpu.dma_semaphore, #tpu.memory_space<semaphore_mem>>) {add = true}
      %mul3A_1590 = arith.constant 16 : i32
      %mul3A_1591 = arith.muli %while3A_1396, %mul3A_1590 : i32
      %add3A_1592 = arith.constant 1 : i32
      %add3A_1593 = arith.addi %mul3A_1591, %add3A_1592 : i32
      %dma_start3A_1594 = arith.constant 0 : i32
      %dma_start3A_1595 = tpu.memref_slice %arg10[%add3A_1593, %dma_start3A_1594] : memref<112x128xf32, #tpu.memory_space<vmem>> -> memref<1x128xf32, #tpu.memory_space<vmem>>
      %dma_start3A_1596 = tpu.memref_squeeze %dma_start3A_1595 : memref<1x128xf32, #tpu.memory_space<vmem>> -> memref<128xf32, #tpu.memory_space<vmem>>
      %dma_start3A_1597 = arith.constant 0 : i32
      %dma_start3A_1598 = tpu.memref_slice %arg9[%add3A_1593, %dma_start3A_1597] : memref<112x128xi32, #tpu.memory_space<vmem>> -> memref<1x128xi32, #tpu.memory_space<vmem>>
      %dma_start3A_1599 = tpu.memref_squeeze %dma_start3A_1598 : memref<1x128xi32, #tpu.memory_space<vmem>> -> memref<128xi32, #tpu.memory_space<vmem>>
      %dma_start3A_1600 = arith.constant 0 : i32
      %dma_start3A_1601 = tpu.memref_slice %arg20[%dma_start3A_1600] : memref<10240xf32, #tpu.memory_space<vmem_shared>> -> memref<10240xf32, #tpu.memory_space<vmem_shared>>
      tpu.enqueue_indirect_dma source(%dma_start3A_1596 : memref<128xf32, #tpu.memory_space<vmem>>) target(%dma_start3A_1601 : memref<10240xf32, #tpu.memory_space<vmem_shared>>) offsets(%dma_start3A_1599 : memref<128xi32, #tpu.memory_space<vmem>>) semaphore(%arg23 : memref<!tpu.dma_semaphore, #tpu.memory_space<semaphore_mem>>) {add = true}
      %mul3A_1602 = arith.constant 16 : i32
      %mul3A_1603 = arith.muli %while3A_1396, %mul3A_1602 : i32
      %add3A_1604 = arith.constant 2 : i32
      %add3A_1605 = arith.addi %mul3A_1603, %add3A_1604 : i32
      %dma_start3A_1606 = arith.constant 0 : i32
      %dma_start3A_1607 = tpu.memref_slice %arg10[%add3A_1605, %dma_start3A_1606] : memref<112x128xf32, #tpu.memory_space<vmem>> -> memref<1x128xf32, #tpu.memory_space<vmem>>
      %dma_start3A_1608 = tpu.memref_squeeze %dma_start3A_1607 : memref<1x128xf32, #tpu.memory_space<vmem>> -> memref<128xf32, #tpu.memory_space<vmem>>
      %dma_start3A_1609 = arith.constant 0 : i32
      %dma_start3A_1610 = tpu.memref_slice %arg9[%add3A_1605, %dma_start3A_1609] : memref<112x128xi32, #tpu.memory_space<vmem>> -> memref<1x128xi32, #tpu.memory_space<vmem>>
      %dma_start3A_1611 = tpu.memref_squeeze %dma_start3A_1610 : memref<1x128xi32, #tpu.memory_space<vmem>> -> memref<128xi32, #tpu.memory_space<vmem>>
      %dma_start3A_1612 = arith.constant 0 : i32
      %dma_start3A_1613 = tpu.memref_slice %arg20[%dma_start3A_1612] : memref<10240xf32, #tpu.memory_space<vmem_shared>> -> memref<10240xf32, #tpu.memory_space<vmem_shared>>
      tpu.enqueue_indirect_dma source(%dma_start3A_1608 : memref<128xf32, #tpu.memory_space<vmem>>) target(%dma_start3A_1613 : memref<10240xf32, #tpu.memory_space<vmem_shared>>) offsets(%dma_start3A_1611 : memref<128xi32, #tpu.memory_space<vmem>>) semaphore(%arg23 : memref<!tpu.dma_semaphore, #tpu.memory_space<semaphore_mem>>) {add = true}
      %mul3A_1614 = arith.constant 16 : i32
      %mul3A_1615 = arith.muli %while3A_1396, %mul3A_1614 : i32
      %add3A_1616 = arith.constant 3 : i32
      %add3A_1617 = arith.addi %mul3A_1615, %add3A_1616 : i32
      %dma_start3A_1618 = arith.constant 0 : i32
      %dma_start3A_1619 = tpu.memref_slice %arg10[%add3A_1617, %dma_start3A_1618] : memref<112x128xf32, #tpu.memory_space<vmem>> -> memref<1x128xf32, #tpu.memory_space<vmem>>
      %dma_start3A_1620 = tpu.memref_squeeze %dma_start3A_1619 : memref<1x128xf32, #tpu.memory_space<vmem>> -> memref<128xf32, #tpu.memory_space<vmem>>
      %dma_start3A_1621 = arith.constant 0 : i32
      %dma_start3A_1622 = tpu.memref_slice %arg9[%add3A_1617, %dma_start3A_1621] : memref<112x128xi32, #tpu.memory_space<vmem>> -> memref<1x128xi32, #tpu.memory_space<vmem>>
      %dma_start3A_1623 = tpu.memref_squeeze %dma_start3A_1622 : memref<1x128xi32, #tpu.memory_space<vmem>> -> memref<128xi32, #tpu.memory_space<vmem>>
      %dma_start3A_1624 = arith.constant 0 : i32
      %dma_start3A_1625 = tpu.memref_slice %arg20[%dma_start3A_1624] : memref<10240xf32, #tpu.memory_space<vmem_shared>> -> memref<10240xf32, #tpu.memory_space<vmem_shared>>
      tpu.enqueue_indirect_dma source(%dma_start3A_1620 : memref<128xf32, #tpu.memory_space<vmem>>) target(%dma_start3A_1625 : memref<10240xf32, #tpu.memory_space<vmem_shared>>) offsets(%dma_start3A_1623 : memref<128xi32, #tpu.memory_space<vmem>>) semaphore(%arg23 : memref<!tpu.dma_semaphore, #tpu.memory_space<semaphore_mem>>) {add = true}
      %mul3A_1626 = arith.constant 16 : i32
      %mul3A_1627 = arith.muli %while3A_1396, %mul3A_1626 : i32
      %add3A_1628 = arith.constant 4 : i32
      %add3A_1629 = arith.addi %mul3A_1627, %add3A_1628 : i32
      %dma_start3A_1630 = arith.constant 0 : i32
      %dma_start3A_1631 = tpu.memref_slice %arg10[%add3A_1629, %dma_start3A_1630] : memref<112x128xf32, #tpu.memory_space<vmem>> -> memref<1x128xf32, #tpu.memory_space<vmem>>
      %dma_start3A_1632 = tpu.memref_squeeze %dma_start3A_1631 : memref<1x128xf32, #tpu.memory_space<vmem>> -> memref<128xf32, #tpu.memory_space<vmem>>
      %dma_start3A_1633 = arith.constant 0 : i32
      %dma_start3A_1634 = tpu.memref_slice %arg9[%add3A_1629, %dma_start3A_1633] : memref<112x128xi32, #tpu.memory_space<vmem>> -> memref<1x128xi32, #tpu.memory_space<vmem>>
      %dma_start3A_1635 = tpu.memref_squeeze %dma_start3A_1634 : memref<1x128xi32, #tpu.memory_space<vmem>> -> memref<128xi32, #tpu.memory_space<vmem>>
      %dma_start3A_1636 = arith.constant 0 : i32
      %dma_start3A_1637 = tpu.memref_slice %arg20[%dma_start3A_1636] : memref<10240xf32, #tpu.memory_space<vmem_shared>> -> memref<10240xf32, #tpu.memory_space<vmem_shared>>
      tpu.enqueue_indirect_dma source(%dma_start3A_1632 : memref<128xf32, #tpu.memory_space<vmem>>) target(%dma_start3A_1637 : memref<10240xf32, #tpu.memory_space<vmem_shared>>) offsets(%dma_start3A_1635 : memref<128xi32, #tpu.memory_space<vmem>>) semaphore(%arg23 : memref<!tpu.dma_semaphore, #tpu.memory_space<semaphore_mem>>) {add = true}
      %mul3A_1638 = arith.constant 16 : i32
      %mul3A_1639 = arith.muli %while3A_1396, %mul3A_1638 : i32
      %add3A_1640 = arith.constant 5 : i32
      %add3A_1641 = arith.addi %mul3A_1639, %add3A_1640 : i32
      %dma_start3A_1642 = arith.constant 0 : i32
      %dma_start3A_1643 = tpu.memref_slice %arg10[%add3A_1641, %dma_start3A_1642] : memref<112x128xf32, #tpu.memory_space<vmem>> -> memref<1x128xf32, #tpu.memory_space<vmem>>
      %dma_start3A_1644 = tpu.memref_squeeze %dma_start3A_1643 : memref<1x128xf32, #tpu.memory_space<vmem>> -> memref<128xf32, #tpu.memory_space<vmem>>
      %dma_start3A_1645 = arith.constant 0 : i32
      %dma_start3A_1646 = tpu.memref_slice %arg9[%add3A_1641, %dma_start3A_1645] : memref<112x128xi32, #tpu.memory_space<vmem>> -> memref<1x128xi32, #tpu.memory_space<vmem>>
      %dma_start3A_1647 = tpu.memref_squeeze %dma_start3A_1646 : memref<1x128xi32, #tpu.memory_space<vmem>> -> memref<128xi32, #tpu.memory_space<vmem>>
      %dma_start3A_1648 = arith.constant 0 : i32
      %dma_start3A_1649 = tpu.memref_slice %arg20[%dma_start3A_1648] : memref<10240xf32, #tpu.memory_space<vmem_shared>> -> memref<10240xf32, #tpu.memory_space<vmem_shared>>
      tpu.enqueue_indirect_dma source(%dma_start3A_1644 : memref<128xf32, #tpu.memory_space<vmem>>) target(%dma_start3A_1649 : memref<10240xf32, #tpu.memory_space<vmem_shared>>) offsets(%dma_start3A_1647 : memref<128xi32, #tpu.memory_space<vmem>>) semaphore(%arg23 : memref<!tpu.dma_semaphore, #tpu.memory_space<semaphore_mem>>) {add = true}
      %mul3A_1650 = arith.constant 16 : i32
      %mul3A_1651 = arith.muli %while3A_1396, %mul3A_1650 : i32
      %add3A_1652 = arith.constant 6 : i32
      %add3A_1653 = arith.addi %mul3A_1651, %add3A_1652 : i32
      %dma_start3A_1654 = arith.constant 0 : i32
      %dma_start3A_1655 = tpu.memref_slice %arg10[%add3A_1653, %dma_start3A_1654] : memref<112x128xf32, #tpu.memory_space<vmem>> -> memref<1x128xf32, #tpu.memory_space<vmem>>
      %dma_start3A_1656 = tpu.memref_squeeze %dma_start3A_1655 : memref<1x128xf32, #tpu.memory_space<vmem>> -> memref<128xf32, #tpu.memory_space<vmem>>
      %dma_start3A_1657 = arith.constant 0 : i32
      %dma_start3A_1658 = tpu.memref_slice %arg9[%add3A_1653, %dma_start3A_1657] : memref<112x128xi32, #tpu.memory_space<vmem>> -> memref<1x128xi32, #tpu.memory_space<vmem>>
      %dma_start3A_1659 = tpu.memref_squeeze %dma_start3A_1658 : memref<1x128xi32, #tpu.memory_space<vmem>> -> memref<128xi32, #tpu.memory_space<vmem>>
      %dma_start3A_1660 = arith.constant 0 : i32
      %dma_start3A_1661 = tpu.memref_slice %arg20[%dma_start3A_1660] : memref<10240xf32, #tpu.memory_space<vmem_shared>> -> memref<10240xf32, #tpu.memory_space<vmem_shared>>
      tpu.enqueue_indirect_dma source(%dma_start3A_1656 : memref<128xf32, #tpu.memory_space<vmem>>) target(%dma_start3A_1661 : memref<10240xf32, #tpu.memory_space<vmem_shared>>) offsets(%dma_start3A_1659 : memref<128xi32, #tpu.memory_space<vmem>>) semaphore(%arg23 : memref<!tpu.dma_semaphore, #tpu.memory_space<semaphore_mem>>) {add = true}
      %mul3A_1662 = arith.constant 16 : i32
      %mul3A_1663 = arith.muli %while3A_1396, %mul3A_1662 : i32
      %add3A_1664 = arith.constant 7 : i32
      %add3A_1665 = arith.addi %mul3A_1663, %add3A_1664 : i32
      %dma_start3A_1666 = arith.constant 0 : i32
      %dma_start3A_1667 = tpu.memref_slice %arg10[%add3A_1665, %dma_start3A_1666] : memref<112x128xf32, #tpu.memory_space<vmem>> -> memref<1x128xf32, #tpu.memory_space<vmem>>
      %dma_start3A_1668 = tpu.memref_squeeze %dma_start3A_1667 : memref<1x128xf32, #tpu.memory_space<vmem>> -> memref<128xf32, #tpu.memory_space<vmem>>
      %dma_start3A_1669 = arith.constant 0 : i32
      %dma_start3A_1670 = tpu.memref_slice %arg9[%add3A_1665, %dma_start3A_1669] : memref<112x128xi32, #tpu.memory_space<vmem>> -> memref<1x128xi32, #tpu.memory_space<vmem>>
      %dma_start3A_1671 = tpu.memref_squeeze %dma_start3A_1670 : memref<1x128xi32, #tpu.memory_space<vmem>> -> memref<128xi32, #tpu.memory_space<vmem>>
      %dma_start3A_1672 = arith.constant 0 : i32
      %dma_start3A_1673 = tpu.memref_slice %arg20[%dma_start3A_1672] : memref<10240xf32, #tpu.memory_space<vmem_shared>> -> memref<10240xf32, #tpu.memory_space<vmem_shared>>
      tpu.enqueue_indirect_dma source(%dma_start3A_1668 : memref<128xf32, #tpu.memory_space<vmem>>) target(%dma_start3A_1673 : memref<10240xf32, #tpu.memory_space<vmem_shared>>) offsets(%dma_start3A_1671 : memref<128xi32, #tpu.memory_space<vmem>>) semaphore(%arg23 : memref<!tpu.dma_semaphore, #tpu.memory_space<semaphore_mem>>) {add = true}
      %mul3A_1674 = arith.constant 16 : i32
      %mul3A_1675 = arith.muli %while3A_1396, %mul3A_1674 : i32
      %add3A_1676 = arith.constant 8 : i32
      %add3A_1677 = arith.addi %mul3A_1675, %add3A_1676 : i32
      %dma_start3A_1678 = arith.constant 0 : i32
      %dma_start3A_1679 = tpu.memref_slice %arg10[%add3A_1677, %dma_start3A_1678] : memref<112x128xf32, #tpu.memory_space<vmem>> -> memref<1x128xf32, #tpu.memory_space<vmem>>
      %dma_start3A_1680 = tpu.memref_squeeze %dma_start3A_1679 : memref<1x128xf32, #tpu.memory_space<vmem>> -> memref<128xf32, #tpu.memory_space<vmem>>
      %dma_start3A_1681 = arith.constant 0 : i32
      %dma_start3A_1682 = tpu.memref_slice %arg9[%add3A_1677, %dma_start3A_1681] : memref<112x128xi32, #tpu.memory_space<vmem>> -> memref<1x128xi32, #tpu.memory_space<vmem>>
      %dma_start3A_1683 = tpu.memref_squeeze %dma_start3A_1682 : memref<1x128xi32, #tpu.memory_space<vmem>> -> memref<128xi32, #tpu.memory_space<vmem>>
      %dma_start3A_1684 = arith.constant 0 : i32
      %dma_start3A_1685 = tpu.memref_slice %arg20[%dma_start3A_1684] : memref<10240xf32, #tpu.memory_space<vmem_shared>> -> memref<10240xf32, #tpu.memory_space<vmem_shared>>
      tpu.enqueue_indirect_dma source(%dma_start3A_1680 : memref<128xf32, #tpu.memory_space<vmem>>) target(%dma_start3A_1685 : memref<10240xf32, #tpu.memory_space<vmem_shared>>) offsets(%dma_start3A_1683 : memref<128xi32, #tpu.memory_space<vmem>>) semaphore(%arg23 : memref<!tpu.dma_semaphore, #tpu.memory_space<semaphore_mem>>) {add = true}
      %mul3A_1686 = arith.constant 16 : i32
      %mul3A_1687 = arith.muli %while3A_1396, %mul3A_1686 : i32
      %add3A_1688 = arith.constant 9 : i32
      %add3A_1689 = arith.addi %mul3A_1687, %add3A_1688 : i32
      %dma_start3A_1690 = arith.constant 0 : i32
      %dma_start3A_1691 = tpu.memref_slice %arg10[%add3A_1689, %dma_start3A_1690] : memref<112x128xf32, #tpu.memory_space<vmem>> -> memref<1x128xf32, #tpu.memory_space<vmem>>
      %dma_start3A_1692 = tpu.memref_squeeze %dma_start3A_1691 : memref<1x128xf32, #tpu.memory_space<vmem>> -> memref<128xf32, #tpu.memory_space<vmem>>
      %dma_start3A_1693 = arith.constant 0 : i32
      %dma_start3A_1694 = tpu.memref_slice %arg9[%add3A_1689, %dma_start3A_1693] : memref<112x128xi32, #tpu.memory_space<vmem>> -> memref<1x128xi32, #tpu.memory_space<vmem>>
      %dma_start3A_1695 = tpu.memref_squeeze %dma_start3A_1694 : memref<1x128xi32, #tpu.memory_space<vmem>> -> memref<128xi32, #tpu.memory_space<vmem>>
      %dma_start3A_1696 = arith.constant 0 : i32
      %dma_start3A_1697 = tpu.memref_slice %arg20[%dma_start3A_1696] : memref<10240xf32, #tpu.memory_space<vmem_shared>> -> memref<10240xf32, #tpu.memory_space<vmem_shared>>
      tpu.enqueue_indirect_dma source(%dma_start3A_1692 : memref<128xf32, #tpu.memory_space<vmem>>) target(%dma_start3A_1697 : memref<10240xf32, #tpu.memory_space<vmem_shared>>) offsets(%dma_start3A_1695 : memref<128xi32, #tpu.memory_space<vmem>>) semaphore(%arg23 : memref<!tpu.dma_semaphore, #tpu.memory_space<semaphore_mem>>) {add = true}
      %mul3A_1698 = arith.constant 16 : i32
      %mul3A_1699 = arith.muli %while3A_1396, %mul3A_1698 : i32
      %add3A_1700 = arith.constant 10 : i32
      %add3A_1701 = arith.addi %mul3A_1699, %add3A_1700 : i32
      %dma_start3A_1702 = arith.constant 0 : i32
      %dma_start3A_1703 = tpu.memref_slice %arg10[%add3A_1701, %dma_start3A_1702] : memref<112x128xf32, #tpu.memory_space<vmem>> -> memref<1x128xf32, #tpu.memory_space<vmem>>
      %dma_start3A_1704 = tpu.memref_squeeze %dma_start3A_1703 : memref<1x128xf32, #tpu.memory_space<vmem>> -> memref<128xf32, #tpu.memory_space<vmem>>
      %dma_start3A_1705 = arith.constant 0 : i32
      %dma_start3A_1706 = tpu.memref_slice %arg9[%add3A_1701, %dma_start3A_1705] : memref<112x128xi32, #tpu.memory_space<vmem>> -> memref<1x128xi32, #tpu.memory_space<vmem>>
      %dma_start3A_1707 = tpu.memref_squeeze %dma_start3A_1706 : memref<1x128xi32, #tpu.memory_space<vmem>> -> memref<128xi32, #tpu.memory_space<vmem>>
      %dma_start3A_1708 = arith.constant 0 : i32
      %dma_start3A_1709 = tpu.memref_slice %arg20[%dma_start3A_1708] : memref<10240xf32, #tpu.memory_space<vmem_shared>> -> memref<10240xf32, #tpu.memory_space<vmem_shared>>
      tpu.enqueue_indirect_dma source(%dma_start3A_1704 : memref<128xf32, #tpu.memory_space<vmem>>) target(%dma_start3A_1709 : memref<10240xf32, #tpu.memory_space<vmem_shared>>) offsets(%dma_start3A_1707 : memref<128xi32, #tpu.memory_space<vmem>>) semaphore(%arg23 : memref<!tpu.dma_semaphore, #tpu.memory_space<semaphore_mem>>) {add = true}
      %mul3A_1710 = arith.constant 16 : i32
      %mul3A_1711 = arith.muli %while3A_1396, %mul3A_1710 : i32
      %add3A_1712 = arith.constant 11 : i32
      %add3A_1713 = arith.addi %mul3A_1711, %add3A_1712 : i32
      %dma_start3A_1714 = arith.constant 0 : i32
      %dma_start3A_1715 = tpu.memref_slice %arg10[%add3A_1713, %dma_start3A_1714] : memref<112x128xf32, #tpu.memory_space<vmem>> -> memref<1x128xf32, #tpu.memory_space<vmem>>
      %dma_start3A_1716 = tpu.memref_squeeze %dma_start3A_1715 : memref<1x128xf32, #tpu.memory_space<vmem>> -> memref<128xf32, #tpu.memory_space<vmem>>
      %dma_start3A_1717 = arith.constant 0 : i32
      %dma_start3A_1718 = tpu.memref_slice %arg9[%add3A_1713, %dma_start3A_1717] : memref<112x128xi32, #tpu.memory_space<vmem>> -> memref<1x128xi32, #tpu.memory_space<vmem>>
      %dma_start3A_1719 = tpu.memref_squeeze %dma_start3A_1718 : memref<1x128xi32, #tpu.memory_space<vmem>> -> memref<128xi32, #tpu.memory_space<vmem>>
      %dma_start3A_1720 = arith.constant 0 : i32
      %dma_start3A_1721 = tpu.memref_slice %arg20[%dma_start3A_1720] : memref<10240xf32, #tpu.memory_space<vmem_shared>> -> memref<10240xf32, #tpu.memory_space<vmem_shared>>
      tpu.enqueue_indirect_dma source(%dma_start3A_1716 : memref<128xf32, #tpu.memory_space<vmem>>) target(%dma_start3A_1721 : memref<10240xf32, #tpu.memory_space<vmem_shared>>) offsets(%dma_start3A_1719 : memref<128xi32, #tpu.memory_space<vmem>>) semaphore(%arg23 : memref<!tpu.dma_semaphore, #tpu.memory_space<semaphore_mem>>) {add = true}
      %mul3A_1722 = arith.constant 16 : i32
      %mul3A_1723 = arith.muli %while3A_1396, %mul3A_1722 : i32
      %add3A_1724 = arith.constant 12 : i32
      %add3A_1725 = arith.addi %mul3A_1723, %add3A_1724 : i32
      %dma_start3A_1726 = arith.constant 0 : i32
      %dma_start3A_1727 = tpu.memref_slice %arg10[%add3A_1725, %dma_start3A_1726] : memref<112x128xf32, #tpu.memory_space<vmem>> -> memref<1x128xf32, #tpu.memory_space<vmem>>
      %dma_start3A_1728 = tpu.memref_squeeze %dma_start3A_1727 : memref<1x128xf32, #tpu.memory_space<vmem>> -> memref<128xf32, #tpu.memory_space<vmem>>
      %dma_start3A_1729 = arith.constant 0 : i32
      %dma_start3A_1730 = tpu.memref_slice %arg9[%add3A_1725, %dma_start3A_1729] : memref<112x128xi32, #tpu.memory_space<vmem>> -> memref<1x128xi32, #tpu.memory_space<vmem>>
      %dma_start3A_1731 = tpu.memref_squeeze %dma_start3A_1730 : memref<1x128xi32, #tpu.memory_space<vmem>> -> memref<128xi32, #tpu.memory_space<vmem>>
      %dma_start3A_1732 = arith.constant 0 : i32
      %dma_start3A_1733 = tpu.memref_slice %arg20[%dma_start3A_1732] : memref<10240xf32, #tpu.memory_space<vmem_shared>> -> memref<10240xf32, #tpu.memory_space<vmem_shared>>
      tpu.enqueue_indirect_dma source(%dma_start3A_1728 : memref<128xf32, #tpu.memory_space<vmem>>) target(%dma_start3A_1733 : memref<10240xf32, #tpu.memory_space<vmem_shared>>) offsets(%dma_start3A_1731 : memref<128xi32, #tpu.memory_space<vmem>>) semaphore(%arg23 : memref<!tpu.dma_semaphore, #tpu.memory_space<semaphore_mem>>) {add = true}
      %mul3A_1734 = arith.constant 16 : i32
      %mul3A_1735 = arith.muli %while3A_1396, %mul3A_1734 : i32
      %add3A_1736 = arith.constant 13 : i32
      %add3A_1737 = arith.addi %mul3A_1735, %add3A_1736 : i32
      %dma_start3A_1738 = arith.constant 0 : i32
      %dma_start3A_1739 = tpu.memref_slice %arg10[%add3A_1737, %dma_start3A_1738] : memref<112x128xf32, #tpu.memory_space<vmem>> -> memref<1x128xf32, #tpu.memory_space<vmem>>
      %dma_start3A_1740 = tpu.memref_squeeze %dma_start3A_1739 : memref<1x128xf32, #tpu.memory_space<vmem>> -> memref<128xf32, #tpu.memory_space<vmem>>
      %dma_start3A_1741 = arith.constant 0 : i32
      %dma_start3A_1742 = tpu.memref_slice %arg9[%add3A_1737, %dma_start3A_1741] : memref<112x128xi32, #tpu.memory_space<vmem>> -> memref<1x128xi32, #tpu.memory_space<vmem>>
      %dma_start3A_1743 = tpu.memref_squeeze %dma_start3A_1742 : memref<1x128xi32, #tpu.memory_space<vmem>> -> memref<128xi32, #tpu.memory_space<vmem>>
      %dma_start3A_1744 = arith.constant 0 : i32
      %dma_start3A_1745 = tpu.memref_slice %arg20[%dma_start3A_1744] : memref<10240xf32, #tpu.memory_space<vmem_shared>> -> memref<10240xf32, #tpu.memory_space<vmem_shared>>
      tpu.enqueue_indirect_dma source(%dma_start3A_1740 : memref<128xf32, #tpu.memory_space<vmem>>) target(%dma_start3A_1745 : memref<10240xf32, #tpu.memory_space<vmem_shared>>) offsets(%dma_start3A_1743 : memref<128xi32, #tpu.memory_space<vmem>>) semaphore(%arg23 : memref<!tpu.dma_semaphore, #tpu.memory_space<semaphore_mem>>) {add = true}
      %mul3A_1746 = arith.constant 16 : i32
      %mul3A_1747 = arith.muli %while3A_1396, %mul3A_1746 : i32
      %add3A_1748 = arith.constant 14 : i32
      %add3A_1749 = arith.addi %mul3A_1747, %add3A_1748 : i32
      %dma_start3A_1750 = arith.constant 0 : i32
      %dma_start3A_1751 = tpu.memref_slice %arg10[%add3A_1749, %dma_start3A_1750] : memref<112x128xf32, #tpu.memory_space<vmem>> -> memref<1x128xf32, #tpu.memory_space<vmem>>
      %dma_start3A_1752 = tpu.memref_squeeze %dma_start3A_1751 : memref<1x128xf32, #tpu.memory_space<vmem>> -> memref<128xf32, #tpu.memory_space<vmem>>
      %dma_start3A_1753 = arith.constant 0 : i32
      %dma_start3A_1754 = tpu.memref_slice %arg9[%add3A_1749, %dma_start3A_1753] : memref<112x128xi32, #tpu.memory_space<vmem>> -> memref<1x128xi32, #tpu.memory_space<vmem>>
      %dma_start3A_1755 = tpu.memref_squeeze %dma_start3A_1754 : memref<1x128xi32, #tpu.memory_space<vmem>> -> memref<128xi32, #tpu.memory_space<vmem>>
      %dma_start3A_1756 = arith.constant 0 : i32
      %dma_start3A_1757 = tpu.memref_slice %arg20[%dma_start3A_1756] : memref<10240xf32, #tpu.memory_space<vmem_shared>> -> memref<10240xf32, #tpu.memory_space<vmem_shared>>
      tpu.enqueue_indirect_dma source(%dma_start3A_1752 : memref<128xf32, #tpu.memory_space<vmem>>) target(%dma_start3A_1757 : memref<10240xf32, #tpu.memory_space<vmem_shared>>) offsets(%dma_start3A_1755 : memref<128xi32, #tpu.memory_space<vmem>>) semaphore(%arg23 : memref<!tpu.dma_semaphore, #tpu.memory_space<semaphore_mem>>) {add = true}
      %mul3A_1758 = arith.constant 16 : i32
      %mul3A_1759 = arith.muli %while3A_1396, %mul3A_1758 : i32
      %add3A_1760 = arith.constant 15 : i32
      %add3A_1761 = arith.addi %mul3A_1759, %add3A_1760 : i32
      %dma_start3A_1762 = arith.constant 0 : i32
      %dma_start3A_1763 = tpu.memref_slice %arg10[%add3A_1761, %dma_start3A_1762] : memref<112x128xf32, #tpu.memory_space<vmem>> -> memref<1x128xf32, #tpu.memory_space<vmem>>
      %dma_start3A_1764 = tpu.memref_squeeze %dma_start3A_1763 : memref<1x128xf32, #tpu.memory_space<vmem>> -> memref<128xf32, #tpu.memory_space<vmem>>
      %dma_start3A_1765 = arith.constant 0 : i32
      %dma_start3A_1766 = tpu.memref_slice %arg9[%add3A_1761, %dma_start3A_1765] : memref<112x128xi32, #tpu.memory_space<vmem>> -> memref<1x128xi32, #tpu.memory_space<vmem>>
      %dma_start3A_1767 = tpu.memref_squeeze %dma_start3A_1766 : memref<1x128xi32, #tpu.memory_space<vmem>> -> memref<128xi32, #tpu.memory_space<vmem>>
      %dma_start3A_1768 = arith.constant 0 : i32
      %dma_start3A_1769 = tpu.memref_slice %arg20[%dma_start3A_1768] : memref<10240xf32, #tpu.memory_space<vmem_shared>> -> memref<10240xf32, #tpu.memory_space<vmem_shared>>
      tpu.enqueue_indirect_dma source(%dma_start3A_1764 : memref<128xf32, #tpu.memory_space<vmem>>) target(%dma_start3A_1769 : memref<10240xf32, #tpu.memory_space<vmem_shared>>) offsets(%dma_start3A_1767 : memref<128xi32, #tpu.memory_space<vmem>>) semaphore(%arg23 : memref<!tpu.dma_semaphore, #tpu.memory_space<semaphore_mem>>) {add = true}
      %gt3A = arith.constant 0 : i32
      %gt3A_1770 = arith.cmpi sgt, %while3A_1396, %gt3A : i32
      %convert_element_type3A_1771 = arith.extui %gt3A_1770 : i1 to i32
      %cond3A_1772 = arith.constant 0 : i32
      %cond3A_1773 = arith.cmpi ne, %convert_element_type3A_1771, %cond3A_1772 : i32
      scf.if %cond3A_1773 {
        %dma_wait3A_1774 = arith.constant 0 : i32
        %dma_wait3A_1775 = arith.constant 0 : i32
        %dma_wait3A_1776 = tpu.memref_slice %arg10[%dma_wait3A_1774, %dma_wait3A_1775] : memref<112x128xf32, #tpu.memory_space<vmem>> -> memref<1x128xf32, #tpu.memory_space<vmem>>
        %dma_wait3A_1777 = tpu.memref_squeeze %dma_wait3A_1776 : memref<1x128xf32, #tpu.memory_space<vmem>> -> memref<128xf32, #tpu.memory_space<vmem>>
        %dma_wait3A_1778 = arith.constant 0 : i32
        %dma_wait3A_1779 = tpu.memref_slice %arg2[%dma_wait3A_1778] : memref<10240xf32, #tpu.memory_space<hbm>> -> memref<128xf32, #tpu.memory_space<hbm>>
        %dma_wait3A_1780 = arith.constant 0 : i32
        %dma_wait3A_1781 = tpu.memref_slice %arg10[%dma_wait3A_1774, %dma_wait3A_1780] : memref<112x128xf32, #tpu.memory_space<vmem>> -> memref<1x128xf32, #tpu.memory_space<vmem>>
        %dma_wait3A_1782 = tpu.memref_squeeze %dma_wait3A_1781 : memref<1x128xf32, #tpu.memory_space<vmem>> -> memref<128xf32, #tpu.memory_space<vmem>>
        %dma_wait3A_1783 = arith.constant 0 : i32
        %dma_wait3A_1784 = tpu.memref_slice %arg2[%dma_wait3A_1783] : memref<10240xf32, #tpu.memory_space<hbm>> -> memref<128xf32, #tpu.memory_space<hbm>>
        tpu.wait_dma2 semaphore(%arg23 : memref<!tpu.dma_semaphore, #tpu.memory_space<semaphore_mem>>) src(%dma_wait3A_1784 : memref<128xf32, #tpu.memory_space<hbm>>) dst(%dma_wait3A_1782 : memref<128xf32, #tpu.memory_space<vmem>>)
        %dma_wait3A_1785 = arith.constant 0 : i32
        %dma_wait3A_1786 = arith.constant 0 : i32
        %dma_wait3A_1787 = tpu.memref_slice %arg10[%dma_wait3A_1785, %dma_wait3A_1786] : memref<112x128xf32, #tpu.memory_space<vmem>> -> memref<1x128xf32, #tpu.memory_space<vmem>>
        %dma_wait3A_1788 = tpu.memref_squeeze %dma_wait3A_1787 : memref<1x128xf32, #tpu.memory_space<vmem>> -> memref<128xf32, #tpu.memory_space<vmem>>
        %dma_wait3A_1789 = arith.constant 0 : i32
        %dma_wait3A_1790 = tpu.memref_slice %arg2[%dma_wait3A_1789] : memref<10240xf32, #tpu.memory_space<hbm>> -> memref<128xf32, #tpu.memory_space<hbm>>
        %dma_wait3A_1791 = arith.constant 0 : i32
        %dma_wait3A_1792 = tpu.memref_slice %arg10[%dma_wait3A_1785, %dma_wait3A_1791] : memref<112x128xf32, #tpu.memory_space<vmem>> -> memref<1x128xf32, #tpu.memory_space<vmem>>
        %dma_wait3A_1793 = tpu.memref_squeeze %dma_wait3A_1792 : memref<1x128xf32, #tpu.memory_space<vmem>> -> memref<128xf32, #tpu.memory_space<vmem>>
        %dma_wait3A_1794 = arith.constant 0 : i32
        %dma_wait3A_1795 = tpu.memref_slice %arg2[%dma_wait3A_1794] : memref<10240xf32, #tpu.memory_space<hbm>> -> memref<128xf32, #tpu.memory_space<hbm>>
        tpu.wait_dma2 semaphore(%arg23 : memref<!tpu.dma_semaphore, #tpu.memory_space<semaphore_mem>>) src(%dma_wait3A_1795 : memref<128xf32, #tpu.memory_space<hbm>>) dst(%dma_wait3A_1793 : memref<128xf32, #tpu.memory_space<vmem>>)
        %dma_wait3A_1796 = arith.constant 0 : i32
        %dma_wait3A_1797 = arith.constant 0 : i32
        %dma_wait3A_1798 = tpu.memref_slice %arg10[%dma_wait3A_1796, %dma_wait3A_1797] : memref<112x128xf32, #tpu.memory_space<vmem>> -> memref<1x128xf32, #tpu.memory_space<vmem>>
        %dma_wait3A_1799 = tpu.memref_squeeze %dma_wait3A_1798 : memref<1x128xf32, #tpu.memory_space<vmem>> -> memref<128xf32, #tpu.memory_space<vmem>>
        %dma_wait3A_1800 = arith.constant 0 : i32
        %dma_wait3A_1801 = tpu.memref_slice %arg2[%dma_wait3A_1800] : memref<10240xf32, #tpu.memory_space<hbm>> -> memref<128xf32, #tpu.memory_space<hbm>>
        %dma_wait3A_1802 = arith.constant 0 : i32
        %dma_wait3A_1803 = tpu.memref_slice %arg10[%dma_wait3A_1796, %dma_wait3A_1802] : memref<112x128xf32, #tpu.memory_space<vmem>> -> memref<1x128xf32, #tpu.memory_space<vmem>>
        %dma_wait3A_1804 = tpu.memref_squeeze %dma_wait3A_1803 : memref<1x128xf32, #tpu.memory_space<vmem>> -> memref<128xf32, #tpu.memory_space<vmem>>
        %dma_wait3A_1805 = arith.constant 0 : i32
        %dma_wait3A_1806 = tpu.memref_slice %arg2[%dma_wait3A_1805] : memref<10240xf32, #tpu.memory_space<hbm>> -> memref<128xf32, #tpu.memory_space<hbm>>
        tpu.wait_dma2 semaphore(%arg23 : memref<!tpu.dma_semaphore, #tpu.memory_space<semaphore_mem>>) src(%dma_wait3A_1806 : memref<128xf32, #tpu.memory_space<hbm>>) dst(%dma_wait3A_1804 : memref<128xf32, #tpu.memory_space<vmem>>)
        %dma_wait3A_1807 = arith.constant 0 : i32
        %dma_wait3A_1808 = arith.constant 0 : i32
        %dma_wait3A_1809 = tpu.memref_slice %arg10[%dma_wait3A_1807, %dma_wait3A_1808] : memref<112x128xf32, #tpu.memory_space<vmem>> -> memref<1x128xf32, #tpu.memory_space<vmem>>
        %dma_wait3A_1810 = tpu.memref_squeeze %dma_wait3A_1809 : memref<1x128xf32, #tpu.memory_space<vmem>> -> memref<128xf32, #tpu.memory_space<vmem>>
        %dma_wait3A_1811 = arith.constant 0 : i32
        %dma_wait3A_1812 = tpu.memref_slice %arg2[%dma_wait3A_1811] : memref<10240xf32, #tpu.memory_space<hbm>> -> memref<128xf32, #tpu.memory_space<hbm>>
        %dma_wait3A_1813 = arith.constant 0 : i32
        %dma_wait3A_1814 = tpu.memref_slice %arg10[%dma_wait3A_1807, %dma_wait3A_1813] : memref<112x128xf32, #tpu.memory_space<vmem>> -> memref<1x128xf32, #tpu.memory_space<vmem>>
        %dma_wait3A_1815 = tpu.memref_squeeze %dma_wait3A_1814 : memref<1x128xf32, #tpu.memory_space<vmem>> -> memref<128xf32, #tpu.memory_space<vmem>>
        %dma_wait3A_1816 = arith.constant 0 : i32
        %dma_wait3A_1817 = tpu.memref_slice %arg2[%dma_wait3A_1816] : memref<10240xf32, #tpu.memory_space<hbm>> -> memref<128xf32, #tpu.memory_space<hbm>>
        tpu.wait_dma2 semaphore(%arg23 : memref<!tpu.dma_semaphore, #tpu.memory_space<semaphore_mem>>) src(%dma_wait3A_1817 : memref<128xf32, #tpu.memory_space<hbm>>) dst(%dma_wait3A_1815 : memref<128xf32, #tpu.memory_space<vmem>>)
        %dma_wait3A_1818 = arith.constant 0 : i32
        %dma_wait3A_1819 = arith.constant 0 : i32
        %dma_wait3A_1820 = tpu.memref_slice %arg10[%dma_wait3A_1818, %dma_wait3A_1819] : memref<112x128xf32, #tpu.memory_space<vmem>> -> memref<1x128xf32, #tpu.memory_space<vmem>>
        %dma_wait3A_1821 = tpu.memref_squeeze %dma_wait3A_1820 : memref<1x128xf32, #tpu.memory_space<vmem>> -> memref<128xf32, #tpu.memory_space<vmem>>
        %dma_wait3A_1822 = arith.constant 0 : i32
        %dma_wait3A_1823 = tpu.memref_slice %arg2[%dma_wait3A_1822] : memref<10240xf32, #tpu.memory_space<hbm>> -> memref<128xf32, #tpu.memory_space<hbm>>
        %dma_wait3A_1824 = arith.constant 0 : i32
        %dma_wait3A_1825 = tpu.memref_slice %arg10[%dma_wait3A_1818, %dma_wait3A_1824] : memref<112x128xf32, #tpu.memory_space<vmem>> -> memref<1x128xf32, #tpu.memory_space<vmem>>
        %dma_wait3A_1826 = tpu.memref_squeeze %dma_wait3A_1825 : memref<1x128xf32, #tpu.memory_space<vmem>> -> memref<128xf32, #tpu.memory_space<vmem>>
        %dma_wait3A_1827 = arith.constant 0 : i32
        %dma_wait3A_1828 = tpu.memref_slice %arg2[%dma_wait3A_1827] : memref<10240xf32, #tpu.memory_space<hbm>> -> memref<128xf32, #tpu.memory_space<hbm>>
        tpu.wait_dma2 semaphore(%arg23 : memref<!tpu.dma_semaphore, #tpu.memory_space<semaphore_mem>>) src(%dma_wait3A_1828 : memref<128xf32, #tpu.memory_space<hbm>>) dst(%dma_wait3A_1826 : memref<128xf32, #tpu.memory_space<vmem>>)
        %dma_wait3A_1829 = arith.constant 0 : i32
        %dma_wait3A_1830 = arith.constant 0 : i32
        %dma_wait3A_1831 = tpu.memref_slice %arg10[%dma_wait3A_1829, %dma_wait3A_1830] : memref<112x128xf32, #tpu.memory_space<vmem>> -> memref<1x128xf32, #tpu.memory_space<vmem>>
        %dma_wait3A_1832 = tpu.memref_squeeze %dma_wait3A_1831 : memref<1x128xf32, #tpu.memory_space<vmem>> -> memref<128xf32, #tpu.memory_space<vmem>>
        %dma_wait3A_1833 = arith.constant 0 : i32
        %dma_wait3A_1834 = tpu.memref_slice %arg2[%dma_wait3A_1833] : memref<10240xf32, #tpu.memory_space<hbm>> -> memref<128xf32, #tpu.memory_space<hbm>>
        %dma_wait3A_1835 = arith.constant 0 : i32
        %dma_wait3A_1836 = tpu.memref_slice %arg10[%dma_wait3A_1829, %dma_wait3A_1835] : memref<112x128xf32, #tpu.memory_space<vmem>> -> memref<1x128xf32, #tpu.memory_space<vmem>>
        %dma_wait3A_1837 = tpu.memref_squeeze %dma_wait3A_1836 : memref<1x128xf32, #tpu.memory_space<vmem>> -> memref<128xf32, #tpu.memory_space<vmem>>
        %dma_wait3A_1838 = arith.constant 0 : i32
        %dma_wait3A_1839 = tpu.memref_slice %arg2[%dma_wait3A_1838] : memref<10240xf32, #tpu.memory_space<hbm>> -> memref<128xf32, #tpu.memory_space<hbm>>
        tpu.wait_dma2 semaphore(%arg23 : memref<!tpu.dma_semaphore, #tpu.memory_space<semaphore_mem>>) src(%dma_wait3A_1839 : memref<128xf32, #tpu.memory_space<hbm>>) dst(%dma_wait3A_1837 : memref<128xf32, #tpu.memory_space<vmem>>)
        %dma_wait3A_1840 = arith.constant 0 : i32
        %dma_wait3A_1841 = arith.constant 0 : i32
        %dma_wait3A_1842 = tpu.memref_slice %arg10[%dma_wait3A_1840, %dma_wait3A_1841] : memref<112x128xf32, #tpu.memory_space<vmem>> -> memref<1x128xf32, #tpu.memory_space<vmem>>
        %dma_wait3A_1843 = tpu.memref_squeeze %dma_wait3A_1842 : memref<1x128xf32, #tpu.memory_space<vmem>> -> memref<128xf32, #tpu.memory_space<vmem>>
        %dma_wait3A_1844 = arith.constant 0 : i32
        %dma_wait3A_1845 = tpu.memref_slice %arg2[%dma_wait3A_1844] : memref<10240xf32, #tpu.memory_space<hbm>> -> memref<128xf32, #tpu.memory_space<hbm>>
        %dma_wait3A_1846 = arith.constant 0 : i32
        %dma_wait3A_1847 = tpu.memref_slice %arg10[%dma_wait3A_1840, %dma_wait3A_1846] : memref<112x128xf32, #tpu.memory_space<vmem>> -> memref<1x128xf32, #tpu.memory_space<vmem>>
        %dma_wait3A_1848 = tpu.memref_squeeze %dma_wait3A_1847 : memref<1x128xf32, #tpu.memory_space<vmem>> -> memref<128xf32, #tpu.memory_space<vmem>>
        %dma_wait3A_1849 = arith.constant 0 : i32
        %dma_wait3A_1850 = tpu.memref_slice %arg2[%dma_wait3A_1849] : memref<10240xf32, #tpu.memory_space<hbm>> -> memref<128xf32, #tpu.memory_space<hbm>>
        tpu.wait_dma2 semaphore(%arg23 : memref<!tpu.dma_semaphore, #tpu.memory_space<semaphore_mem>>) src(%dma_wait3A_1850 : memref<128xf32, #tpu.memory_space<hbm>>) dst(%dma_wait3A_1848 : memref<128xf32, #tpu.memory_space<vmem>>)
        %dma_wait3A_1851 = arith.constant 0 : i32
        %dma_wait3A_1852 = arith.constant 0 : i32
        %dma_wait3A_1853 = tpu.memref_slice %arg10[%dma_wait3A_1851, %dma_wait3A_1852] : memref<112x128xf32, #tpu.memory_space<vmem>> -> memref<1x128xf32, #tpu.memory_space<vmem>>
        %dma_wait3A_1854 = tpu.memref_squeeze %dma_wait3A_1853 : memref<1x128xf32, #tpu.memory_space<vmem>> -> memref<128xf32, #tpu.memory_space<vmem>>
        %dma_wait3A_1855 = arith.constant 0 : i32
        %dma_wait3A_1856 = tpu.memref_slice %arg2[%dma_wait3A_1855] : memref<10240xf32, #tpu.memory_space<hbm>> -> memref<128xf32, #tpu.memory_space<hbm>>
        %dma_wait3A_1857 = arith.constant 0 : i32
        %dma_wait3A_1858 = tpu.memref_slice %arg10[%dma_wait3A_1851, %dma_wait3A_1857] : memref<112x128xf32, #tpu.memory_space<vmem>> -> memref<1x128xf32, #tpu.memory_space<vmem>>
        %dma_wait3A_1859 = tpu.memref_squeeze %dma_wait3A_1858 : memref<1x128xf32, #tpu.memory_space<vmem>> -> memref<128xf32, #tpu.memory_space<vmem>>
        %dma_wait3A_1860 = arith.constant 0 : i32
        %dma_wait3A_1861 = tpu.memref_slice %arg2[%dma_wait3A_1860] : memref<10240xf32, #tpu.memory_space<hbm>> -> memref<128xf32, #tpu.memory_space<hbm>>
        tpu.wait_dma2 semaphore(%arg23 : memref<!tpu.dma_semaphore, #tpu.memory_space<semaphore_mem>>) src(%dma_wait3A_1861 : memref<128xf32, #tpu.memory_space<hbm>>) dst(%dma_wait3A_1859 : memref<128xf32, #tpu.memory_space<vmem>>)
        %dma_wait3A_1862 = arith.constant 0 : i32
        %dma_wait3A_1863 = arith.constant 0 : i32
        %dma_wait3A_1864 = tpu.memref_slice %arg10[%dma_wait3A_1862, %dma_wait3A_1863] : memref<112x128xf32, #tpu.memory_space<vmem>> -> memref<1x128xf32, #tpu.memory_space<vmem>>
        %dma_wait3A_1865 = tpu.memref_squeeze %dma_wait3A_1864 : memref<1x128xf32, #tpu.memory_space<vmem>> -> memref<128xf32, #tpu.memory_space<vmem>>
        %dma_wait3A_1866 = arith.constant 0 : i32
        %dma_wait3A_1867 = tpu.memref_slice %arg2[%dma_wait3A_1866] : memref<10240xf32, #tpu.memory_space<hbm>> -> memref<128xf32, #tpu.memory_space<hbm>>
        %dma_wait3A_1868 = arith.constant 0 : i32
        %dma_wait3A_1869 = tpu.memref_slice %arg10[%dma_wait3A_1862, %dma_wait3A_1868] : memref<112x128xf32, #tpu.memory_space<vmem>> -> memref<1x128xf32, #tpu.memory_space<vmem>>
        %dma_wait3A_1870 = tpu.memref_squeeze %dma_wait3A_1869 : memref<1x128xf32, #tpu.memory_space<vmem>> -> memref<128xf32, #tpu.memory_space<vmem>>
        %dma_wait3A_1871 = arith.constant 0 : i32
        %dma_wait3A_1872 = tpu.memref_slice %arg2[%dma_wait3A_1871] : memref<10240xf32, #tpu.memory_space<hbm>> -> memref<128xf32, #tpu.memory_space<hbm>>
        tpu.wait_dma2 semaphore(%arg23 : memref<!tpu.dma_semaphore, #tpu.memory_space<semaphore_mem>>) src(%dma_wait3A_1872 : memref<128xf32, #tpu.memory_space<hbm>>) dst(%dma_wait3A_1870 : memref<128xf32, #tpu.memory_space<vmem>>)
        %dma_wait3A_1873 = arith.constant 0 : i32
        %dma_wait3A_1874 = arith.constant 0 : i32
        %dma_wait3A_1875 = tpu.memref_slice %arg10[%dma_wait3A_1873, %dma_wait3A_1874] : memref<112x128xf32, #tpu.memory_space<vmem>> -> memref<1x128xf32, #tpu.memory_space<vmem>>
        %dma_wait3A_1876 = tpu.memref_squeeze %dma_wait3A_1875 : memref<1x128xf32, #tpu.memory_space<vmem>> -> memref<128xf32, #tpu.memory_space<vmem>>
        %dma_wait3A_1877 = arith.constant 0 : i32
        %dma_wait3A_1878 = tpu.memref_slice %arg2[%dma_wait3A_1877] : memref<10240xf32, #tpu.memory_space<hbm>> -> memref<128xf32, #tpu.memory_space<hbm>>
        %dma_wait3A_1879 = arith.constant 0 : i32
        %dma_wait3A_1880 = tpu.memref_slice %arg10[%dma_wait3A_1873, %dma_wait3A_1879] : memref<112x128xf32, #tpu.memory_space<vmem>> -> memref<1x128xf32, #tpu.memory_space<vmem>>
        %dma_wait3A_1881 = tpu.memref_squeeze %dma_wait3A_1880 : memref<1x128xf32, #tpu.memory_space<vmem>> -> memref<128xf32, #tpu.memory_space<vmem>>
        %dma_wait3A_1882 = arith.constant 0 : i32
        %dma_wait3A_1883 = tpu.memref_slice %arg2[%dma_wait3A_1882] : memref<10240xf32, #tpu.memory_space<hbm>> -> memref<128xf32, #tpu.memory_space<hbm>>
        tpu.wait_dma2 semaphore(%arg23 : memref<!tpu.dma_semaphore, #tpu.memory_space<semaphore_mem>>) src(%dma_wait3A_1883 : memref<128xf32, #tpu.memory_space<hbm>>) dst(%dma_wait3A_1881 : memref<128xf32, #tpu.memory_space<vmem>>)
        %dma_wait3A_1884 = arith.constant 0 : i32
        %dma_wait3A_1885 = arith.constant 0 : i32
        %dma_wait3A_1886 = tpu.memref_slice %arg10[%dma_wait3A_1884, %dma_wait3A_1885] : memref<112x128xf32, #tpu.memory_space<vmem>> -> memref<1x128xf32, #tpu.memory_space<vmem>>
        %dma_wait3A_1887 = tpu.memref_squeeze %dma_wait3A_1886 : memref<1x128xf32, #tpu.memory_space<vmem>> -> memref<128xf32, #tpu.memory_space<vmem>>
        %dma_wait3A_1888 = arith.constant 0 : i32
        %dma_wait3A_1889 = tpu.memref_slice %arg2[%dma_wait3A_1888] : memref<10240xf32, #tpu.memory_space<hbm>> -> memref<128xf32, #tpu.memory_space<hbm>>
        %dma_wait3A_1890 = arith.constant 0 : i32
        %dma_wait3A_1891 = tpu.memref_slice %arg10[%dma_wait3A_1884, %dma_wait3A_1890] : memref<112x128xf32, #tpu.memory_space<vmem>> -> memref<1x128xf32, #tpu.memory_space<vmem>>
        %dma_wait3A_1892 = tpu.memref_squeeze %dma_wait3A_1891 : memref<1x128xf32, #tpu.memory_space<vmem>> -> memref<128xf32, #tpu.memory_space<vmem>>
        %dma_wait3A_1893 = arith.constant 0 : i32
        %dma_wait3A_1894 = tpu.memref_slice %arg2[%dma_wait3A_1893] : memref<10240xf32, #tpu.memory_space<hbm>> -> memref<128xf32, #tpu.memory_space<hbm>>
        tpu.wait_dma2 semaphore(%arg23 : memref<!tpu.dma_semaphore, #tpu.memory_space<semaphore_mem>>) src(%dma_wait3A_1894 : memref<128xf32, #tpu.memory_space<hbm>>) dst(%dma_wait3A_1892 : memref<128xf32, #tpu.memory_space<vmem>>)
        %dma_wait3A_1895 = arith.constant 0 : i32
        %dma_wait3A_1896 = arith.constant 0 : i32
        %dma_wait3A_1897 = tpu.memref_slice %arg10[%dma_wait3A_1895, %dma_wait3A_1896] : memref<112x128xf32, #tpu.memory_space<vmem>> -> memref<1x128xf32, #tpu.memory_space<vmem>>
        %dma_wait3A_1898 = tpu.memref_squeeze %dma_wait3A_1897 : memref<1x128xf32, #tpu.memory_space<vmem>> -> memref<128xf32, #tpu.memory_space<vmem>>
        %dma_wait3A_1899 = arith.constant 0 : i32
        %dma_wait3A_1900 = tpu.memref_slice %arg2[%dma_wait3A_1899] : memref<10240xf32, #tpu.memory_space<hbm>> -> memref<128xf32, #tpu.memory_space<hbm>>
        %dma_wait3A_1901 = arith.constant 0 : i32
        %dma_wait3A_1902 = tpu.memref_slice %arg10[%dma_wait3A_1895, %dma_wait3A_1901] : memref<112x128xf32, #tpu.memory_space<vmem>> -> memref<1x128xf32, #tpu.memory_space<vmem>>
        %dma_wait3A_1903 = tpu.memref_squeeze %dma_wait3A_1902 : memref<1x128xf32, #tpu.memory_space<vmem>> -> memref<128xf32, #tpu.memory_space<vmem>>
        %dma_wait3A_1904 = arith.constant 0 : i32
        %dma_wait3A_1905 = tpu.memref_slice %arg2[%dma_wait3A_1904] : memref<10240xf32, #tpu.memory_space<hbm>> -> memref<128xf32, #tpu.memory_space<hbm>>
        tpu.wait_dma2 semaphore(%arg23 : memref<!tpu.dma_semaphore, #tpu.memory_space<semaphore_mem>>) src(%dma_wait3A_1905 : memref<128xf32, #tpu.memory_space<hbm>>) dst(%dma_wait3A_1903 : memref<128xf32, #tpu.memory_space<vmem>>)
        %dma_wait3A_1906 = arith.constant 0 : i32
        %dma_wait3A_1907 = arith.constant 0 : i32
        %dma_wait3A_1908 = tpu.memref_slice %arg10[%dma_wait3A_1906, %dma_wait3A_1907] : memref<112x128xf32, #tpu.memory_space<vmem>> -> memref<1x128xf32, #tpu.memory_space<vmem>>
        %dma_wait3A_1909 = tpu.memref_squeeze %dma_wait3A_1908 : memref<1x128xf32, #tpu.memory_space<vmem>> -> memref<128xf32, #tpu.memory_space<vmem>>
        %dma_wait3A_1910 = arith.constant 0 : i32
        %dma_wait3A_1911 = tpu.memref_slice %arg2[%dma_wait3A_1910] : memref<10240xf32, #tpu.memory_space<hbm>> -> memref<128xf32, #tpu.memory_space<hbm>>
        %dma_wait3A_1912 = arith.constant 0 : i32
        %dma_wait3A_1913 = tpu.memref_slice %arg10[%dma_wait3A_1906, %dma_wait3A_1912] : memref<112x128xf32, #tpu.memory_space<vmem>> -> memref<1x128xf32, #tpu.memory_space<vmem>>
        %dma_wait3A_1914 = tpu.memref_squeeze %dma_wait3A_1913 : memref<1x128xf32, #tpu.memory_space<vmem>> -> memref<128xf32, #tpu.memory_space<vmem>>
        %dma_wait3A_1915 = arith.constant 0 : i32
        %dma_wait3A_1916 = tpu.memref_slice %arg2[%dma_wait3A_1915] : memref<10240xf32, #tpu.memory_space<hbm>> -> memref<128xf32, #tpu.memory_space<hbm>>
        tpu.wait_dma2 semaphore(%arg23 : memref<!tpu.dma_semaphore, #tpu.memory_space<semaphore_mem>>) src(%dma_wait3A_1916 : memref<128xf32, #tpu.memory_space<hbm>>) dst(%dma_wait3A_1914 : memref<128xf32, #tpu.memory_space<vmem>>)
        %dma_wait3A_1917 = arith.constant 0 : i32
        %dma_wait3A_1918 = arith.constant 0 : i32
        %dma_wait3A_1919 = tpu.memref_slice %arg10[%dma_wait3A_1917, %dma_wait3A_1918] : memref<112x128xf32, #tpu.memory_space<vmem>> -> memref<1x128xf32, #tpu.memory_space<vmem>>
        %dma_wait3A_1920 = tpu.memref_squeeze %dma_wait3A_1919 : memref<1x128xf32, #tpu.memory_space<vmem>> -> memref<128xf32, #tpu.memory_space<vmem>>
        %dma_wait3A_1921 = arith.constant 0 : i32
        %dma_wait3A_1922 = tpu.memref_slice %arg2[%dma_wait3A_1921] : memref<10240xf32, #tpu.memory_space<hbm>> -> memref<128xf32, #tpu.memory_space<hbm>>
        %dma_wait3A_1923 = arith.constant 0 : i32
        %dma_wait3A_1924 = tpu.memref_slice %arg10[%dma_wait3A_1917, %dma_wait3A_1923] : memref<112x128xf32, #tpu.memory_space<vmem>> -> memref<1x128xf32, #tpu.memory_space<vmem>>
        %dma_wait3A_1925 = tpu.memref_squeeze %dma_wait3A_1924 : memref<1x128xf32, #tpu.memory_space<vmem>> -> memref<128xf32, #tpu.memory_space<vmem>>
        %dma_wait3A_1926 = arith.constant 0 : i32
        %dma_wait3A_1927 = tpu.memref_slice %arg2[%dma_wait3A_1926] : memref<10240xf32, #tpu.memory_space<hbm>> -> memref<128xf32, #tpu.memory_space<hbm>>
        tpu.wait_dma2 semaphore(%arg23 : memref<!tpu.dma_semaphore, #tpu.memory_space<semaphore_mem>>) src(%dma_wait3A_1927 : memref<128xf32, #tpu.memory_space<hbm>>) dst(%dma_wait3A_1925 : memref<128xf32, #tpu.memory_space<vmem>>)
        %dma_wait3A_1928 = arith.constant 0 : i32
        %dma_wait3A_1929 = arith.constant 0 : i32
        %dma_wait3A_1930 = tpu.memref_slice %arg10[%dma_wait3A_1928, %dma_wait3A_1929] : memref<112x128xf32, #tpu.memory_space<vmem>> -> memref<1x128xf32, #tpu.memory_space<vmem>>
        %dma_wait3A_1931 = tpu.memref_squeeze %dma_wait3A_1930 : memref<1x128xf32, #tpu.memory_space<vmem>> -> memref<128xf32, #tpu.memory_space<vmem>>
        %dma_wait3A_1932 = arith.constant 0 : i32
        %dma_wait3A_1933 = tpu.memref_slice %arg2[%dma_wait3A_1932] : memref<10240xf32, #tpu.memory_space<hbm>> -> memref<128xf32, #tpu.memory_space<hbm>>
        %dma_wait3A_1934 = arith.constant 0 : i32
        %dma_wait3A_1935 = tpu.memref_slice %arg10[%dma_wait3A_1928, %dma_wait3A_1934] : memref<112x128xf32, #tpu.memory_space<vmem>> -> memref<1x128xf32, #tpu.memory_space<vmem>>
        %dma_wait3A_1936 = tpu.memref_squeeze %dma_wait3A_1935 : memref<1x128xf32, #tpu.memory_space<vmem>> -> memref<128xf32, #tpu.memory_space<vmem>>
        %dma_wait3A_1937 = arith.constant 0 : i32
        %dma_wait3A_1938 = tpu.memref_slice %arg2[%dma_wait3A_1937] : memref<10240xf32, #tpu.memory_space<hbm>> -> memref<128xf32, #tpu.memory_space<hbm>>
        tpu.wait_dma2 semaphore(%arg23 : memref<!tpu.dma_semaphore, #tpu.memory_space<semaphore_mem>>) src(%dma_wait3A_1938 : memref<128xf32, #tpu.memory_space<hbm>>) dst(%dma_wait3A_1936 : memref<128xf32, #tpu.memory_space<vmem>>)
        %dma_wait3A_1939 = arith.constant 0 : i32
        %dma_wait3A_1940 = arith.constant 0 : i32
        %dma_wait3A_1941 = tpu.memref_slice %arg10[%dma_wait3A_1939, %dma_wait3A_1940] : memref<112x128xf32, #tpu.memory_space<vmem>> -> memref<1x128xf32, #tpu.memory_space<vmem>>
        %dma_wait3A_1942 = tpu.memref_squeeze %dma_wait3A_1941 : memref<1x128xf32, #tpu.memory_space<vmem>> -> memref<128xf32, #tpu.memory_space<vmem>>
        %dma_wait3A_1943 = arith.constant 0 : i32
        %dma_wait3A_1944 = tpu.memref_slice %arg2[%dma_wait3A_1943] : memref<10240xf32, #tpu.memory_space<hbm>> -> memref<128xf32, #tpu.memory_space<hbm>>
        %dma_wait3A_1945 = arith.constant 0 : i32
        %dma_wait3A_1946 = tpu.memref_slice %arg10[%dma_wait3A_1939, %dma_wait3A_1945] : memref<112x128xf32, #tpu.memory_space<vmem>> -> memref<1x128xf32, #tpu.memory_space<vmem>>
        %dma_wait3A_1947 = tpu.memref_squeeze %dma_wait3A_1946 : memref<1x128xf32, #tpu.memory_space<vmem>> -> memref<128xf32, #tpu.memory_space<vmem>>
        %dma_wait3A_1948 = arith.constant 0 : i32
        %dma_wait3A_1949 = tpu.memref_slice %arg2[%dma_wait3A_1948] : memref<10240xf32, #tpu.memory_space<hbm>> -> memref<128xf32, #tpu.memory_space<hbm>>
        tpu.wait_dma2 semaphore(%arg23 : memref<!tpu.dma_semaphore, #tpu.memory_space<semaphore_mem>>) src(%dma_wait3A_1949 : memref<128xf32, #tpu.memory_space<hbm>>) dst(%dma_wait3A_1947 : memref<128xf32, #tpu.memory_space<vmem>>)
        %dma_wait3A_1950 = arith.constant 0 : i32
        %dma_wait3A_1951 = arith.constant 0 : i32
        %dma_wait3A_1952 = tpu.memref_slice %arg10[%dma_wait3A_1950, %dma_wait3A_1951] : memref<112x128xf32, #tpu.memory_space<vmem>> -> memref<1x128xf32, #tpu.memory_space<vmem>>
        %dma_wait3A_1953 = tpu.memref_squeeze %dma_wait3A_1952 : memref<1x128xf32, #tpu.memory_space<vmem>> -> memref<128xf32, #tpu.memory_space<vmem>>
        %dma_wait3A_1954 = arith.constant 0 : i32
        %dma_wait3A_1955 = tpu.memref_slice %arg2[%dma_wait3A_1954] : memref<10240xf32, #tpu.memory_space<hbm>> -> memref<128xf32, #tpu.memory_space<hbm>>
        %dma_wait3A_1956 = arith.constant 0 : i32
        %dma_wait3A_1957 = tpu.memref_slice %arg10[%dma_wait3A_1950, %dma_wait3A_1956] : memref<112x128xf32, #tpu.memory_space<vmem>> -> memref<1x128xf32, #tpu.memory_space<vmem>>
        %dma_wait3A_1958 = tpu.memref_squeeze %dma_wait3A_1957 : memref<1x128xf32, #tpu.memory_space<vmem>> -> memref<128xf32, #tpu.memory_space<vmem>>
        %dma_wait3A_1959 = arith.constant 0 : i32
        %dma_wait3A_1960 = tpu.memref_slice %arg2[%dma_wait3A_1959] : memref<10240xf32, #tpu.memory_space<hbm>> -> memref<128xf32, #tpu.memory_space<hbm>>
        tpu.wait_dma2 semaphore(%arg23 : memref<!tpu.dma_semaphore, #tpu.memory_space<semaphore_mem>>) src(%dma_wait3A_1960 : memref<128xf32, #tpu.memory_space<hbm>>) dst(%dma_wait3A_1958 : memref<128xf32, #tpu.memory_space<vmem>>)
        %dma_wait3A_1961 = arith.constant 0 : i32
        %dma_wait3A_1962 = arith.constant 0 : i32
        %dma_wait3A_1963 = tpu.memref_slice %arg10[%dma_wait3A_1961, %dma_wait3A_1962] : memref<112x128xf32, #tpu.memory_space<vmem>> -> memref<1x128xf32, #tpu.memory_space<vmem>>
        %dma_wait3A_1964 = tpu.memref_squeeze %dma_wait3A_1963 : memref<1x128xf32, #tpu.memory_space<vmem>> -> memref<128xf32, #tpu.memory_space<vmem>>
        %dma_wait3A_1965 = arith.constant 0 : i32
        %dma_wait3A_1966 = tpu.memref_slice %arg2[%dma_wait3A_1965] : memref<10240xf32, #tpu.memory_space<hbm>> -> memref<128xf32, #tpu.memory_space<hbm>>
        %dma_wait3A_1967 = arith.constant 0 : i32
        %dma_wait3A_1968 = tpu.memref_slice %arg10[%dma_wait3A_1961, %dma_wait3A_1967] : memref<112x128xf32, #tpu.memory_space<vmem>> -> memref<1x128xf32, #tpu.memory_space<vmem>>
        %dma_wait3A_1969 = tpu.memref_squeeze %dma_wait3A_1968 : memref<1x128xf32, #tpu.memory_space<vmem>> -> memref<128xf32, #tpu.memory_space<vmem>>
        %dma_wait3A_1970 = arith.constant 0 : i32
        %dma_wait3A_1971 = tpu.memref_slice %arg2[%dma_wait3A_1970] : memref<10240xf32, #tpu.memory_space<hbm>> -> memref<128xf32, #tpu.memory_space<hbm>>
        tpu.wait_dma2 semaphore(%arg23 : memref<!tpu.dma_semaphore, #tpu.memory_space<semaphore_mem>>) src(%dma_wait3A_1971 : memref<128xf32, #tpu.memory_space<hbm>>) dst(%dma_wait3A_1969 : memref<128xf32, #tpu.memory_space<vmem>>)
        %dma_wait3A_1972 = arith.constant 0 : i32
        %dma_wait3A_1973 = arith.constant 0 : i32
        %dma_wait3A_1974 = tpu.memref_slice %arg10[%dma_wait3A_1972, %dma_wait3A_1973] : memref<112x128xf32, #tpu.memory_space<vmem>> -> memref<1x128xf32, #tpu.memory_space<vmem>>
        %dma_wait3A_1975 = tpu.memref_squeeze %dma_wait3A_1974 : memref<1x128xf32, #tpu.memory_space<vmem>> -> memref<128xf32, #tpu.memory_space<vmem>>
        %dma_wait3A_1976 = arith.constant 0 : i32
        %dma_wait3A_1977 = tpu.memref_slice %arg2[%dma_wait3A_1976] : memref<10240xf32, #tpu.memory_space<hbm>> -> memref<128xf32, #tpu.memory_space<hbm>>
        %dma_wait3A_1978 = arith.constant 0 : i32
        %dma_wait3A_1979 = tpu.memref_slice %arg10[%dma_wait3A_1972, %dma_wait3A_1978] : memref<112x128xf32, #tpu.memory_space<vmem>> -> memref<1x128xf32, #tpu.memory_space<vmem>>
        %dma_wait3A_1980 = tpu.memref_squeeze %dma_wait3A_1979 : memref<1x128xf32, #tpu.memory_space<vmem>> -> memref<128xf32, #tpu.memory_space<vmem>>
        %dma_wait3A_1981 = arith.constant 0 : i32
        %dma_wait3A_1982 = tpu.memref_slice %arg2[%dma_wait3A_1981] : memref<10240xf32, #tpu.memory_space<hbm>> -> memref<128xf32, #tpu.memory_space<hbm>>
        tpu.wait_dma2 semaphore(%arg23 : memref<!tpu.dma_semaphore, #tpu.memory_space<semaphore_mem>>) src(%dma_wait3A_1982 : memref<128xf32, #tpu.memory_space<hbm>>) dst(%dma_wait3A_1980 : memref<128xf32, #tpu.memory_space<vmem>>)
        %dma_wait3A_1983 = arith.constant 0 : i32
        %dma_wait3A_1984 = arith.constant 0 : i32
        %dma_wait3A_1985 = tpu.memref_slice %arg10[%dma_wait3A_1983, %dma_wait3A_1984] : memref<112x128xf32, #tpu.memory_space<vmem>> -> memref<1x128xf32, #tpu.memory_space<vmem>>
        %dma_wait3A_1986 = tpu.memref_squeeze %dma_wait3A_1985 : memref<1x128xf32, #tpu.memory_space<vmem>> -> memref<128xf32, #tpu.memory_space<vmem>>
        %dma_wait3A_1987 = arith.constant 0 : i32
        %dma_wait3A_1988 = tpu.memref_slice %arg2[%dma_wait3A_1987] : memref<10240xf32, #tpu.memory_space<hbm>> -> memref<128xf32, #tpu.memory_space<hbm>>
        %dma_wait3A_1989 = arith.constant 0 : i32
        %dma_wait3A_1990 = tpu.memref_slice %arg10[%dma_wait3A_1983, %dma_wait3A_1989] : memref<112x128xf32, #tpu.memory_space<vmem>> -> memref<1x128xf32, #tpu.memory_space<vmem>>
        %dma_wait3A_1991 = tpu.memref_squeeze %dma_wait3A_1990 : memref<1x128xf32, #tpu.memory_space<vmem>> -> memref<128xf32, #tpu.memory_space<vmem>>
        %dma_wait3A_1992 = arith.constant 0 : i32
        %dma_wait3A_1993 = tpu.memref_slice %arg2[%dma_wait3A_1992] : memref<10240xf32, #tpu.memory_space<hbm>> -> memref<128xf32, #tpu.memory_space<hbm>>
        tpu.wait_dma2 semaphore(%arg23 : memref<!tpu.dma_semaphore, #tpu.memory_space<semaphore_mem>>) src(%dma_wait3A_1993 : memref<128xf32, #tpu.memory_space<hbm>>) dst(%dma_wait3A_1991 : memref<128xf32, #tpu.memory_space<vmem>>)
        %dma_wait3A_1994 = arith.constant 0 : i32
        %dma_wait3A_1995 = arith.constant 0 : i32
        %dma_wait3A_1996 = tpu.memref_slice %arg10[%dma_wait3A_1994, %dma_wait3A_1995] : memref<112x128xf32, #tpu.memory_space<vmem>> -> memref<1x128xf32, #tpu.memory_space<vmem>>
        %dma_wait3A_1997 = tpu.memref_squeeze %dma_wait3A_1996 : memref<1x128xf32, #tpu.memory_space<vmem>> -> memref<128xf32, #tpu.memory_space<vmem>>
        %dma_wait3A_1998 = arith.constant 0 : i32
        %dma_wait3A_1999 = tpu.memref_slice %arg2[%dma_wait3A_1998] : memref<10240xf32, #tpu.memory_space<hbm>> -> memref<128xf32, #tpu.memory_space<hbm>>
        %dma_wait3A_2000 = arith.constant 0 : i32
        %dma_wait3A_2001 = tpu.memref_slice %arg10[%dma_wait3A_1994, %dma_wait3A_2000] : memref<112x128xf32, #tpu.memory_space<vmem>> -> memref<1x128xf32, #tpu.memory_space<vmem>>
        %dma_wait3A_2002 = tpu.memref_squeeze %dma_wait3A_2001 : memref<1x128xf32, #tpu.memory_space<vmem>> -> memref<128xf32, #tpu.memory_space<vmem>>
        %dma_wait3A_2003 = arith.constant 0 : i32
        %dma_wait3A_2004 = tpu.memref_slice %arg2[%dma_wait3A_2003] : memref<10240xf32, #tpu.memory_space<hbm>> -> memref<128xf32, #tpu.memory_space<hbm>>
        tpu.wait_dma2 semaphore(%arg23 : memref<!tpu.dma_semaphore, #tpu.memory_space<semaphore_mem>>) src(%dma_wait3A_2004 : memref<128xf32, #tpu.memory_space<hbm>>) dst(%dma_wait3A_2002 : memref<128xf32, #tpu.memory_space<vmem>>)
        %dma_wait3A_2005 = arith.constant 0 : i32
        %dma_wait3A_2006 = arith.constant 0 : i32
        %dma_wait3A_2007 = tpu.memref_slice %arg10[%dma_wait3A_2005, %dma_wait3A_2006] : memref<112x128xf32, #tpu.memory_space<vmem>> -> memref<1x128xf32, #tpu.memory_space<vmem>>
        %dma_wait3A_2008 = tpu.memref_squeeze %dma_wait3A_2007 : memref<1x128xf32, #tpu.memory_space<vmem>> -> memref<128xf32, #tpu.memory_space<vmem>>
        %dma_wait3A_2009 = arith.constant 0 : i32
        %dma_wait3A_2010 = tpu.memref_slice %arg2[%dma_wait3A_2009] : memref<10240xf32, #tpu.memory_space<hbm>> -> memref<128xf32, #tpu.memory_space<hbm>>
        %dma_wait3A_2011 = arith.constant 0 : i32
        %dma_wait3A_2012 = tpu.memref_slice %arg10[%dma_wait3A_2005, %dma_wait3A_2011] : memref<112x128xf32, #tpu.memory_space<vmem>> -> memref<1x128xf32, #tpu.memory_space<vmem>>
        %dma_wait3A_2013 = tpu.memref_squeeze %dma_wait3A_2012 : memref<1x128xf32, #tpu.memory_space<vmem>> -> memref<128xf32, #tpu.memory_space<vmem>>
        %dma_wait3A_2014 = arith.constant 0 : i32
        %dma_wait3A_2015 = tpu.memref_slice %arg2[%dma_wait3A_2014] : memref<10240xf32, #tpu.memory_space<hbm>> -> memref<128xf32, #tpu.memory_space<hbm>>
        tpu.wait_dma2 semaphore(%arg23 : memref<!tpu.dma_semaphore, #tpu.memory_space<semaphore_mem>>) src(%dma_wait3A_2015 : memref<128xf32, #tpu.memory_space<hbm>>) dst(%dma_wait3A_2013 : memref<128xf32, #tpu.memory_space<vmem>>)
        %dma_wait3A_2016 = arith.constant 0 : i32
        %dma_wait3A_2017 = arith.constant 0 : i32
        %dma_wait3A_2018 = tpu.memref_slice %arg10[%dma_wait3A_2016, %dma_wait3A_2017] : memref<112x128xf32, #tpu.memory_space<vmem>> -> memref<1x128xf32, #tpu.memory_space<vmem>>
        %dma_wait3A_2019 = tpu.memref_squeeze %dma_wait3A_2018 : memref<1x128xf32, #tpu.memory_space<vmem>> -> memref<128xf32, #tpu.memory_space<vmem>>
        %dma_wait3A_2020 = arith.constant 0 : i32
        %dma_wait3A_2021 = tpu.memref_slice %arg2[%dma_wait3A_2020] : memref<10240xf32, #tpu.memory_space<hbm>> -> memref<128xf32, #tpu.memory_space<hbm>>
        %dma_wait3A_2022 = arith.constant 0 : i32
        %dma_wait3A_2023 = tpu.memref_slice %arg10[%dma_wait3A_2016, %dma_wait3A_2022] : memref<112x128xf32, #tpu.memory_space<vmem>> -> memref<1x128xf32, #tpu.memory_space<vmem>>
        %dma_wait3A_2024 = tpu.memref_squeeze %dma_wait3A_2023 : memref<1x128xf32, #tpu.memory_space<vmem>> -> memref<128xf32, #tpu.memory_space<vmem>>
        %dma_wait3A_2025 = arith.constant 0 : i32
        %dma_wait3A_2026 = tpu.memref_slice %arg2[%dma_wait3A_2025] : memref<10240xf32, #tpu.memory_space<hbm>> -> memref<128xf32, #tpu.memory_space<hbm>>
        tpu.wait_dma2 semaphore(%arg23 : memref<!tpu.dma_semaphore, #tpu.memory_space<semaphore_mem>>) src(%dma_wait3A_2026 : memref<128xf32, #tpu.memory_space<hbm>>) dst(%dma_wait3A_2024 : memref<128xf32, #tpu.memory_space<vmem>>)
        %dma_wait3A_2027 = arith.constant 0 : i32
        %dma_wait3A_2028 = arith.constant 0 : i32
        %dma_wait3A_2029 = tpu.memref_slice %arg10[%dma_wait3A_2027, %dma_wait3A_2028] : memref<112x128xf32, #tpu.memory_space<vmem>> -> memref<1x128xf32, #tpu.memory_space<vmem>>
        %dma_wait3A_2030 = tpu.memref_squeeze %dma_wait3A_2029 : memref<1x128xf32, #tpu.memory_space<vmem>> -> memref<128xf32, #tpu.memory_space<vmem>>
        %dma_wait3A_2031 = arith.constant 0 : i32
        %dma_wait3A_2032 = tpu.memref_slice %arg2[%dma_wait3A_2031] : memref<10240xf32, #tpu.memory_space<hbm>> -> memref<128xf32, #tpu.memory_space<hbm>>
        %dma_wait3A_2033 = arith.constant 0 : i32
        %dma_wait3A_2034 = tpu.memref_slice %arg10[%dma_wait3A_2027, %dma_wait3A_2033] : memref<112x128xf32, #tpu.memory_space<vmem>> -> memref<1x128xf32, #tpu.memory_space<vmem>>
        %dma_wait3A_2035 = tpu.memref_squeeze %dma_wait3A_2034 : memref<1x128xf32, #tpu.memory_space<vmem>> -> memref<128xf32, #tpu.memory_space<vmem>>
        %dma_wait3A_2036 = arith.constant 0 : i32
        %dma_wait3A_2037 = tpu.memref_slice %arg2[%dma_wait3A_2036] : memref<10240xf32, #tpu.memory_space<hbm>> -> memref<128xf32, #tpu.memory_space<hbm>>
        tpu.wait_dma2 semaphore(%arg23 : memref<!tpu.dma_semaphore, #tpu.memory_space<semaphore_mem>>) src(%dma_wait3A_2037 : memref<128xf32, #tpu.memory_space<hbm>>) dst(%dma_wait3A_2035 : memref<128xf32, #tpu.memory_space<vmem>>)
        %dma_wait3A_2038 = arith.constant 0 : i32
        %dma_wait3A_2039 = arith.constant 0 : i32
        %dma_wait3A_2040 = tpu.memref_slice %arg10[%dma_wait3A_2038, %dma_wait3A_2039] : memref<112x128xf32, #tpu.memory_space<vmem>> -> memref<1x128xf32, #tpu.memory_space<vmem>>
        %dma_wait3A_2041 = tpu.memref_squeeze %dma_wait3A_2040 : memref<1x128xf32, #tpu.memory_space<vmem>> -> memref<128xf32, #tpu.memory_space<vmem>>
        %dma_wait3A_2042 = arith.constant 0 : i32
        %dma_wait3A_2043 = tpu.memref_slice %arg2[%dma_wait3A_2042] : memref<10240xf32, #tpu.memory_space<hbm>> -> memref<128xf32, #tpu.memory_space<hbm>>
        %dma_wait3A_2044 = arith.constant 0 : i32
        %dma_wait3A_2045 = tpu.memref_slice %arg10[%dma_wait3A_2038, %dma_wait3A_2044] : memref<112x128xf32, #tpu.memory_space<vmem>> -> memref<1x128xf32, #tpu.memory_space<vmem>>
        %dma_wait3A_2046 = tpu.memref_squeeze %dma_wait3A_2045 : memref<1x128xf32, #tpu.memory_space<vmem>> -> memref<128xf32, #tpu.memory_space<vmem>>
        %dma_wait3A_2047 = arith.constant 0 : i32
        %dma_wait3A_2048 = tpu.memref_slice %arg2[%dma_wait3A_2047] : memref<10240xf32, #tpu.memory_space<hbm>> -> memref<128xf32, #tpu.memory_space<hbm>>
        tpu.wait_dma2 semaphore(%arg23 : memref<!tpu.dma_semaphore, #tpu.memory_space<semaphore_mem>>) src(%dma_wait3A_2048 : memref<128xf32, #tpu.memory_space<hbm>>) dst(%dma_wait3A_2046 : memref<128xf32, #tpu.memory_space<vmem>>)
        %dma_wait3A_2049 = arith.constant 0 : i32
        %dma_wait3A_2050 = arith.constant 0 : i32
        %dma_wait3A_2051 = tpu.memref_slice %arg10[%dma_wait3A_2049, %dma_wait3A_2050] : memref<112x128xf32, #tpu.memory_space<vmem>> -> memref<1x128xf32, #tpu.memory_space<vmem>>
        %dma_wait3A_2052 = tpu.memref_squeeze %dma_wait3A_2051 : memref<1x128xf32, #tpu.memory_space<vmem>> -> memref<128xf32, #tpu.memory_space<vmem>>
        %dma_wait3A_2053 = arith.constant 0 : i32
        %dma_wait3A_2054 = tpu.memref_slice %arg2[%dma_wait3A_2053] : memref<10240xf32, #tpu.memory_space<hbm>> -> memref<128xf32, #tpu.memory_space<hbm>>
        %dma_wait3A_2055 = arith.constant 0 : i32
        %dma_wait3A_2056 = tpu.memref_slice %arg10[%dma_wait3A_2049, %dma_wait3A_2055] : memref<112x128xf32, #tpu.memory_space<vmem>> -> memref<1x128xf32, #tpu.memory_space<vmem>>
        %dma_wait3A_2057 = tpu.memref_squeeze %dma_wait3A_2056 : memref<1x128xf32, #tpu.memory_space<vmem>> -> memref<128xf32, #tpu.memory_space<vmem>>
        %dma_wait3A_2058 = arith.constant 0 : i32
        %dma_wait3A_2059 = tpu.memref_slice %arg2[%dma_wait3A_2058] : memref<10240xf32, #tpu.memory_space<hbm>> -> memref<128xf32, #tpu.memory_space<hbm>>
        tpu.wait_dma2 semaphore(%arg23 : memref<!tpu.dma_semaphore, #tpu.memory_space<semaphore_mem>>) src(%dma_wait3A_2059 : memref<128xf32, #tpu.memory_space<hbm>>) dst(%dma_wait3A_2057 : memref<128xf32, #tpu.memory_space<vmem>>)
        %dma_wait3A_2060 = arith.constant 0 : i32
        %dma_wait3A_2061 = arith.constant 0 : i32
        %dma_wait3A_2062 = tpu.memref_slice %arg10[%dma_wait3A_2060, %dma_wait3A_2061] : memref<112x128xf32, #tpu.memory_space<vmem>> -> memref<1x128xf32, #tpu.memory_space<vmem>>
        %dma_wait3A_2063 = tpu.memref_squeeze %dma_wait3A_2062 : memref<1x128xf32, #tpu.memory_space<vmem>> -> memref<128xf32, #tpu.memory_space<vmem>>
        %dma_wait3A_2064 = arith.constant 0 : i32
        %dma_wait3A_2065 = tpu.memref_slice %arg2[%dma_wait3A_2064] : memref<10240xf32, #tpu.memory_space<hbm>> -> memref<128xf32, #tpu.memory_space<hbm>>
        %dma_wait3A_2066 = arith.constant 0 : i32
        %dma_wait3A_2067 = tpu.memref_slice %arg10[%dma_wait3A_2060, %dma_wait3A_2066] : memref<112x128xf32, #tpu.memory_space<vmem>> -> memref<1x128xf32, #tpu.memory_space<vmem>>
        %dma_wait3A_2068 = tpu.memref_squeeze %dma_wait3A_2067 : memref<1x128xf32, #tpu.memory_space<vmem>> -> memref<128xf32, #tpu.memory_space<vmem>>
        %dma_wait3A_2069 = arith.constant 0 : i32
        %dma_wait3A_2070 = tpu.memref_slice %arg2[%dma_wait3A_2069] : memref<10240xf32, #tpu.memory_space<hbm>> -> memref<128xf32, #tpu.memory_space<hbm>>
        tpu.wait_dma2 semaphore(%arg23 : memref<!tpu.dma_semaphore, #tpu.memory_space<semaphore_mem>>) src(%dma_wait3A_2070 : memref<128xf32, #tpu.memory_space<hbm>>) dst(%dma_wait3A_2068 : memref<128xf32, #tpu.memory_space<vmem>>)
        %dma_wait3A_2071 = arith.constant 0 : i32
        %dma_wait3A_2072 = arith.constant 0 : i32
        %dma_wait3A_2073 = tpu.memref_slice %arg10[%dma_wait3A_2071, %dma_wait3A_2072] : memref<112x128xf32, #tpu.memory_space<vmem>> -> memref<1x128xf32, #tpu.memory_space<vmem>>
        %dma_wait3A_2074 = tpu.memref_squeeze %dma_wait3A_2073 : memref<1x128xf32, #tpu.memory_space<vmem>> -> memref<128xf32, #tpu.memory_space<vmem>>
        %dma_wait3A_2075 = arith.constant 0 : i32
        %dma_wait3A_2076 = tpu.memref_slice %arg2[%dma_wait3A_2075] : memref<10240xf32, #tpu.memory_space<hbm>> -> memref<128xf32, #tpu.memory_space<hbm>>
        %dma_wait3A_2077 = arith.constant 0 : i32
        %dma_wait3A_2078 = tpu.memref_slice %arg10[%dma_wait3A_2071, %dma_wait3A_2077] : memref<112x128xf32, #tpu.memory_space<vmem>> -> memref<1x128xf32, #tpu.memory_space<vmem>>
        %dma_wait3A_2079 = tpu.memref_squeeze %dma_wait3A_2078 : memref<1x128xf32, #tpu.memory_space<vmem>> -> memref<128xf32, #tpu.memory_space<vmem>>
        %dma_wait3A_2080 = arith.constant 0 : i32
        %dma_wait3A_2081 = tpu.memref_slice %arg2[%dma_wait3A_2080] : memref<10240xf32, #tpu.memory_space<hbm>> -> memref<128xf32, #tpu.memory_space<hbm>>
        tpu.wait_dma2 semaphore(%arg23 : memref<!tpu.dma_semaphore, #tpu.memory_space<semaphore_mem>>) src(%dma_wait3A_2081 : memref<128xf32, #tpu.memory_space<hbm>>) dst(%dma_wait3A_2079 : memref<128xf32, #tpu.memory_space<vmem>>)
        %dma_wait3A_2082 = arith.constant 0 : i32
        %dma_wait3A_2083 = arith.constant 0 : i32
        %dma_wait3A_2084 = tpu.memref_slice %arg10[%dma_wait3A_2082, %dma_wait3A_2083] : memref<112x128xf32, #tpu.memory_space<vmem>> -> memref<1x128xf32, #tpu.memory_space<vmem>>
        %dma_wait3A_2085 = tpu.memref_squeeze %dma_wait3A_2084 : memref<1x128xf32, #tpu.memory_space<vmem>> -> memref<128xf32, #tpu.memory_space<vmem>>
        %dma_wait3A_2086 = arith.constant 0 : i32
        %dma_wait3A_2087 = tpu.memref_slice %arg2[%dma_wait3A_2086] : memref<10240xf32, #tpu.memory_space<hbm>> -> memref<128xf32, #tpu.memory_space<hbm>>
        %dma_wait3A_2088 = arith.constant 0 : i32
        %dma_wait3A_2089 = tpu.memref_slice %arg10[%dma_wait3A_2082, %dma_wait3A_2088] : memref<112x128xf32, #tpu.memory_space<vmem>> -> memref<1x128xf32, #tpu.memory_space<vmem>>
        %dma_wait3A_2090 = tpu.memref_squeeze %dma_wait3A_2089 : memref<1x128xf32, #tpu.memory_space<vmem>> -> memref<128xf32, #tpu.memory_space<vmem>>
        %dma_wait3A_2091 = arith.constant 0 : i32
        %dma_wait3A_2092 = tpu.memref_slice %arg2[%dma_wait3A_2091] : memref<10240xf32, #tpu.memory_space<hbm>> -> memref<128xf32, #tpu.memory_space<hbm>>
        tpu.wait_dma2 semaphore(%arg23 : memref<!tpu.dma_semaphore, #tpu.memory_space<semaphore_mem>>) src(%dma_wait3A_2092 : memref<128xf32, #tpu.memory_space<hbm>>) dst(%dma_wait3A_2090 : memref<128xf32, #tpu.memory_space<vmem>>)
        %dma_wait3A_2093 = arith.constant 0 : i32
        %dma_wait3A_2094 = arith.constant 0 : i32
        %dma_wait3A_2095 = tpu.memref_slice %arg10[%dma_wait3A_2093, %dma_wait3A_2094] : memref<112x128xf32, #tpu.memory_space<vmem>> -> memref<1x128xf32, #tpu.memory_space<vmem>>
        %dma_wait3A_2096 = tpu.memref_squeeze %dma_wait3A_2095 : memref<1x128xf32, #tpu.memory_space<vmem>> -> memref<128xf32, #tpu.memory_space<vmem>>
        %dma_wait3A_2097 = arith.constant 0 : i32
        %dma_wait3A_2098 = tpu.memref_slice %arg2[%dma_wait3A_2097] : memref<10240xf32, #tpu.memory_space<hbm>> -> memref<128xf32, #tpu.memory_space<hbm>>
        %dma_wait3A_2099 = arith.constant 0 : i32
        %dma_wait3A_2100 = tpu.memref_slice %arg10[%dma_wait3A_2093, %dma_wait3A_2099] : memref<112x128xf32, #tpu.memory_space<vmem>> -> memref<1x128xf32, #tpu.memory_space<vmem>>
        %dma_wait3A_2101 = tpu.memref_squeeze %dma_wait3A_2100 : memref<1x128xf32, #tpu.memory_space<vmem>> -> memref<128xf32, #tpu.memory_space<vmem>>
        %dma_wait3A_2102 = arith.constant 0 : i32
        %dma_wait3A_2103 = tpu.memref_slice %arg2[%dma_wait3A_2102] : memref<10240xf32, #tpu.memory_space<hbm>> -> memref<128xf32, #tpu.memory_space<hbm>>
        tpu.wait_dma2 semaphore(%arg23 : memref<!tpu.dma_semaphore, #tpu.memory_space<semaphore_mem>>) src(%dma_wait3A_2103 : memref<128xf32, #tpu.memory_space<hbm>>) dst(%dma_wait3A_2101 : memref<128xf32, #tpu.memory_space<vmem>>)
        %dma_wait3A_2104 = arith.constant 0 : i32
        %dma_wait3A_2105 = arith.constant 0 : i32
        %dma_wait3A_2106 = tpu.memref_slice %arg10[%dma_wait3A_2104, %dma_wait3A_2105] : memref<112x128xf32, #tpu.memory_space<vmem>> -> memref<1x128xf32, #tpu.memory_space<vmem>>
        %dma_wait3A_2107 = tpu.memref_squeeze %dma_wait3A_2106 : memref<1x128xf32, #tpu.memory_space<vmem>> -> memref<128xf32, #tpu.memory_space<vmem>>
        %dma_wait3A_2108 = arith.constant 0 : i32
        %dma_wait3A_2109 = tpu.memref_slice %arg2[%dma_wait3A_2108] : memref<10240xf32, #tpu.memory_space<hbm>> -> memref<128xf32, #tpu.memory_space<hbm>>
        %dma_wait3A_2110 = arith.constant 0 : i32
        %dma_wait3A_2111 = tpu.memref_slice %arg10[%dma_wait3A_2104, %dma_wait3A_2110] : memref<112x128xf32, #tpu.memory_space<vmem>> -> memref<1x128xf32, #tpu.memory_space<vmem>>
        %dma_wait3A_2112 = tpu.memref_squeeze %dma_wait3A_2111 : memref<1x128xf32, #tpu.memory_space<vmem>> -> memref<128xf32, #tpu.memory_space<vmem>>
        %dma_wait3A_2113 = arith.constant 0 : i32
        %dma_wait3A_2114 = tpu.memref_slice %arg2[%dma_wait3A_2113] : memref<10240xf32, #tpu.memory_space<hbm>> -> memref<128xf32, #tpu.memory_space<hbm>>
        tpu.wait_dma2 semaphore(%arg23 : memref<!tpu.dma_semaphore, #tpu.memory_space<semaphore_mem>>) src(%dma_wait3A_2114 : memref<128xf32, #tpu.memory_space<hbm>>) dst(%dma_wait3A_2112 : memref<128xf32, #tpu.memory_space<vmem>>)
        %dma_wait3A_2115 = arith.constant 0 : i32
        %dma_wait3A_2116 = arith.constant 0 : i32
        %dma_wait3A_2117 = tpu.memref_slice %arg10[%dma_wait3A_2115, %dma_wait3A_2116] : memref<112x128xf32, #tpu.memory_space<vmem>> -> memref<1x128xf32, #tpu.memory_space<vmem>>
        %dma_wait3A_2118 = tpu.memref_squeeze %dma_wait3A_2117 : memref<1x128xf32, #tpu.memory_space<vmem>> -> memref<128xf32, #tpu.memory_space<vmem>>
        %dma_wait3A_2119 = arith.constant 0 : i32
        %dma_wait3A_2120 = tpu.memref_slice %arg2[%dma_wait3A_2119] : memref<10240xf32, #tpu.memory_space<hbm>> -> memref<128xf32, #tpu.memory_space<hbm>>
        %dma_wait3A_2121 = arith.constant 0 : i32
        %dma_wait3A_2122 = tpu.memref_slice %arg10[%dma_wait3A_2115, %dma_wait3A_2121] : memref<112x128xf32, #tpu.memory_space<vmem>> -> memref<1x128xf32, #tpu.memory_space<vmem>>
        %dma_wait3A_2123 = tpu.memref_squeeze %dma_wait3A_2122 : memref<1x128xf32, #tpu.memory_space<vmem>> -> memref<128xf32, #tpu.memory_space<vmem>>
        %dma_wait3A_2124 = arith.constant 0 : i32
        %dma_wait3A_2125 = tpu.memref_slice %arg2[%dma_wait3A_2124] : memref<10240xf32, #tpu.memory_space<hbm>> -> memref<128xf32, #tpu.memory_space<hbm>>
        tpu.wait_dma2 semaphore(%arg23 : memref<!tpu.dma_semaphore, #tpu.memory_space<semaphore_mem>>) src(%dma_wait3A_2125 : memref<128xf32, #tpu.memory_space<hbm>>) dst(%dma_wait3A_2123 : memref<128xf32, #tpu.memory_space<vmem>>)
      } else {
      }
    }
    %dma_wait3A = arith.constant 0 : i32
    %dma_wait3A_563 = arith.constant 0 : i32
    %dma_wait3A_564 = tpu.memref_slice %arg10[%dma_wait3A, %dma_wait3A_563] : memref<112x128xf32, #tpu.memory_space<vmem>> -> memref<1x128xf32, #tpu.memory_space<vmem>>
    %dma_wait3A_565 = tpu.memref_squeeze %dma_wait3A_564 : memref<1x128xf32, #tpu.memory_space<vmem>> -> memref<128xf32, #tpu.memory_space<vmem>>
    %dma_wait3A_566 = arith.constant 0 : i32
    %dma_wait3A_567 = tpu.memref_slice %arg2[%dma_wait3A_566] : memref<10240xf32, #tpu.memory_space<hbm>> -> memref<128xf32, #tpu.memory_space<hbm>>
    %dma_wait3A_568 = arith.constant 0 : i32
    %dma_wait3A_569 = tpu.memref_slice %arg10[%dma_wait3A, %dma_wait3A_568] : memref<112x128xf32, #tpu.memory_space<vmem>> -> memref<1x128xf32, #tpu.memory_space<vmem>>
    %dma_wait3A_570 = tpu.memref_squeeze %dma_wait3A_569 : memref<1x128xf32, #tpu.memory_space<vmem>> -> memref<128xf32, #tpu.memory_space<vmem>>
    %dma_wait3A_571 = arith.constant 0 : i32
    %dma_wait3A_572 = tpu.memref_slice %arg2[%dma_wait3A_571] : memref<10240xf32, #tpu.memory_space<hbm>> -> memref<128xf32, #tpu.memory_space<hbm>>
    tpu.wait_dma2 semaphore(%arg23 : memref<!tpu.dma_semaphore, #tpu.memory_space<semaphore_mem>>) src(%dma_wait3A_572 : memref<128xf32, #tpu.memory_space<hbm>>) dst(%dma_wait3A_570 : memref<128xf32, #tpu.memory_space<vmem>>)
    %dma_wait3A_573 = arith.constant 0 : i32
    %dma_wait3A_574 = arith.constant 0 : i32
    %dma_wait3A_575 = tpu.memref_slice %arg10[%dma_wait3A_573, %dma_wait3A_574] : memref<112x128xf32, #tpu.memory_space<vmem>> -> memref<1x128xf32, #tpu.memory_space<vmem>>
    %dma_wait3A_576 = tpu.memref_squeeze %dma_wait3A_575 : memref<1x128xf32, #tpu.memory_space<vmem>> -> memref<128xf32, #tpu.memory_space<vmem>>
    %dma_wait3A_577 = arith.constant 0 : i32
    %dma_wait3A_578 = tpu.memref_slice %arg2[%dma_wait3A_577] : memref<10240xf32, #tpu.memory_space<hbm>> -> memref<128xf32, #tpu.memory_space<hbm>>
    %dma_wait3A_579 = arith.constant 0 : i32
    %dma_wait3A_580 = tpu.memref_slice %arg10[%dma_wait3A_573, %dma_wait3A_579] : memref<112x128xf32, #tpu.memory_space<vmem>> -> memref<1x128xf32, #tpu.memory_space<vmem>>
    %dma_wait3A_581 = tpu.memref_squeeze %dma_wait3A_580 : memref<1x128xf32, #tpu.memory_space<vmem>> -> memref<128xf32, #tpu.memory_space<vmem>>
    %dma_wait3A_582 = arith.constant 0 : i32
    %dma_wait3A_583 = tpu.memref_slice %arg2[%dma_wait3A_582] : memref<10240xf32, #tpu.memory_space<hbm>> -> memref<128xf32, #tpu.memory_space<hbm>>
    tpu.wait_dma2 semaphore(%arg23 : memref<!tpu.dma_semaphore, #tpu.memory_space<semaphore_mem>>) src(%dma_wait3A_583 : memref<128xf32, #tpu.memory_space<hbm>>) dst(%dma_wait3A_581 : memref<128xf32, #tpu.memory_space<vmem>>)
    %dma_wait3A_584 = arith.constant 0 : i32
    %dma_wait3A_585 = arith.constant 0 : i32
    %dma_wait3A_586 = tpu.memref_slice %arg10[%dma_wait3A_584, %dma_wait3A_585] : memref<112x128xf32, #tpu.memory_space<vmem>> -> memref<1x128xf32, #tpu.memory_space<vmem>>
    %dma_wait3A_587 = tpu.memref_squeeze %dma_wait3A_586 : memref<1x128xf32, #tpu.memory_space<vmem>> -> memref<128xf32, #tpu.memory_space<vmem>>
    %dma_wait3A_588 = arith.constant 0 : i32
    %dma_wait3A_589 = tpu.memref_slice %arg2[%dma_wait3A_588] : memref<10240xf32, #tpu.memory_space<hbm>> -> memref<128xf32, #tpu.memory_space<hbm>>
    %dma_wait3A_590 = arith.constant 0 : i32
    %dma_wait3A_591 = tpu.memref_slice %arg10[%dma_wait3A_584, %dma_wait3A_590] : memref<112x128xf32, #tpu.memory_space<vmem>> -> memref<1x128xf32, #tpu.memory_space<vmem>>
    %dma_wait3A_592 = tpu.memref_squeeze %dma_wait3A_591 : memref<1x128xf32, #tpu.memory_space<vmem>> -> memref<128xf32, #tpu.memory_space<vmem>>
    %dma_wait3A_593 = arith.constant 0 : i32
    %dma_wait3A_594 = tpu.memref_slice %arg2[%dma_wait3A_593] : memref<10240xf32, #tpu.memory_space<hbm>> -> memref<128xf32, #tpu.memory_space<hbm>>
    tpu.wait_dma2 semaphore(%arg23 : memref<!tpu.dma_semaphore, #tpu.memory_space<semaphore_mem>>) src(%dma_wait3A_594 : memref<128xf32, #tpu.memory_space<hbm>>) dst(%dma_wait3A_592 : memref<128xf32, #tpu.memory_space<vmem>>)
    %dma_wait3A_595 = arith.constant 0 : i32
    %dma_wait3A_596 = arith.constant 0 : i32
    %dma_wait3A_597 = tpu.memref_slice %arg10[%dma_wait3A_595, %dma_wait3A_596] : memref<112x128xf32, #tpu.memory_space<vmem>> -> memref<1x128xf32, #tpu.memory_space<vmem>>
    %dma_wait3A_598 = tpu.memref_squeeze %dma_wait3A_597 : memref<1x128xf32, #tpu.memory_space<vmem>> -> memref<128xf32, #tpu.memory_space<vmem>>
    %dma_wait3A_599 = arith.constant 0 : i32
    %dma_wait3A_600 = tpu.memref_slice %arg2[%dma_wait3A_599] : memref<10240xf32, #tpu.memory_space<hbm>> -> memref<128xf32, #tpu.memory_space<hbm>>
    %dma_wait3A_601 = arith.constant 0 : i32
    %dma_wait3A_602 = tpu.memref_slice %arg10[%dma_wait3A_595, %dma_wait3A_601] : memref<112x128xf32, #tpu.memory_space<vmem>> -> memref<1x128xf32, #tpu.memory_space<vmem>>
    %dma_wait3A_603 = tpu.memref_squeeze %dma_wait3A_602 : memref<1x128xf32, #tpu.memory_space<vmem>> -> memref<128xf32, #tpu.memory_space<vmem>>
    %dma_wait3A_604 = arith.constant 0 : i32
    %dma_wait3A_605 = tpu.memref_slice %arg2[%dma_wait3A_604] : memref<10240xf32, #tpu.memory_space<hbm>> -> memref<128xf32, #tpu.memory_space<hbm>>
    tpu.wait_dma2 semaphore(%arg23 : memref<!tpu.dma_semaphore, #tpu.memory_space<semaphore_mem>>) src(%dma_wait3A_605 : memref<128xf32, #tpu.memory_space<hbm>>) dst(%dma_wait3A_603 : memref<128xf32, #tpu.memory_space<vmem>>)
    %dma_wait3A_606 = arith.constant 0 : i32
    %dma_wait3A_607 = arith.constant 0 : i32
    %dma_wait3A_608 = tpu.memref_slice %arg10[%dma_wait3A_606, %dma_wait3A_607] : memref<112x128xf32, #tpu.memory_space<vmem>> -> memref<1x128xf32, #tpu.memory_space<vmem>>
    %dma_wait3A_609 = tpu.memref_squeeze %dma_wait3A_608 : memref<1x128xf32, #tpu.memory_space<vmem>> -> memref<128xf32, #tpu.memory_space<vmem>>
    %dma_wait3A_610 = arith.constant 0 : i32
    %dma_wait3A_611 = tpu.memref_slice %arg2[%dma_wait3A_610] : memref<10240xf32, #tpu.memory_space<hbm>> -> memref<128xf32, #tpu.memory_space<hbm>>
    %dma_wait3A_612 = arith.constant 0 : i32
    %dma_wait3A_613 = tpu.memref_slice %arg10[%dma_wait3A_606, %dma_wait3A_612] : memref<112x128xf32, #tpu.memory_space<vmem>> -> memref<1x128xf32, #tpu.memory_space<vmem>>
    %dma_wait3A_614 = tpu.memref_squeeze %dma_wait3A_613 : memref<1x128xf32, #tpu.memory_space<vmem>> -> memref<128xf32, #tpu.memory_space<vmem>>
    %dma_wait3A_615 = arith.constant 0 : i32
    %dma_wait3A_616 = tpu.memref_slice %arg2[%dma_wait3A_615] : memref<10240xf32, #tpu.memory_space<hbm>> -> memref<128xf32, #tpu.memory_space<hbm>>
    tpu.wait_dma2 semaphore(%arg23 : memref<!tpu.dma_semaphore, #tpu.memory_space<semaphore_mem>>) src(%dma_wait3A_616 : memref<128xf32, #tpu.memory_space<hbm>>) dst(%dma_wait3A_614 : memref<128xf32, #tpu.memory_space<vmem>>)
    %dma_wait3A_617 = arith.constant 0 : i32
    %dma_wait3A_618 = arith.constant 0 : i32
    %dma_wait3A_619 = tpu.memref_slice %arg10[%dma_wait3A_617, %dma_wait3A_618] : memref<112x128xf32, #tpu.memory_space<vmem>> -> memref<1x128xf32, #tpu.memory_space<vmem>>
    %dma_wait3A_620 = tpu.memref_squeeze %dma_wait3A_619 : memref<1x128xf32, #tpu.memory_space<vmem>> -> memref<128xf32, #tpu.memory_space<vmem>>
    %dma_wait3A_621 = arith.constant 0 : i32
    %dma_wait3A_622 = tpu.memref_slice %arg2[%dma_wait3A_621] : memref<10240xf32, #tpu.memory_space<hbm>> -> memref<128xf32, #tpu.memory_space<hbm>>
    %dma_wait3A_623 = arith.constant 0 : i32
    %dma_wait3A_624 = tpu.memref_slice %arg10[%dma_wait3A_617, %dma_wait3A_623] : memref<112x128xf32, #tpu.memory_space<vmem>> -> memref<1x128xf32, #tpu.memory_space<vmem>>
    %dma_wait3A_625 = tpu.memref_squeeze %dma_wait3A_624 : memref<1x128xf32, #tpu.memory_space<vmem>> -> memref<128xf32, #tpu.memory_space<vmem>>
    %dma_wait3A_626 = arith.constant 0 : i32
    %dma_wait3A_627 = tpu.memref_slice %arg2[%dma_wait3A_626] : memref<10240xf32, #tpu.memory_space<hbm>> -> memref<128xf32, #tpu.memory_space<hbm>>
    tpu.wait_dma2 semaphore(%arg23 : memref<!tpu.dma_semaphore, #tpu.memory_space<semaphore_mem>>) src(%dma_wait3A_627 : memref<128xf32, #tpu.memory_space<hbm>>) dst(%dma_wait3A_625 : memref<128xf32, #tpu.memory_space<vmem>>)
    %dma_wait3A_628 = arith.constant 0 : i32
    %dma_wait3A_629 = arith.constant 0 : i32
    %dma_wait3A_630 = tpu.memref_slice %arg10[%dma_wait3A_628, %dma_wait3A_629] : memref<112x128xf32, #tpu.memory_space<vmem>> -> memref<1x128xf32, #tpu.memory_space<vmem>>
    %dma_wait3A_631 = tpu.memref_squeeze %dma_wait3A_630 : memref<1x128xf32, #tpu.memory_space<vmem>> -> memref<128xf32, #tpu.memory_space<vmem>>
    %dma_wait3A_632 = arith.constant 0 : i32
    %dma_wait3A_633 = tpu.memref_slice %arg2[%dma_wait3A_632] : memref<10240xf32, #tpu.memory_space<hbm>> -> memref<128xf32, #tpu.memory_space<hbm>>
    %dma_wait3A_634 = arith.constant 0 : i32
    %dma_wait3A_635 = tpu.memref_slice %arg10[%dma_wait3A_628, %dma_wait3A_634] : memref<112x128xf32, #tpu.memory_space<vmem>> -> memref<1x128xf32, #tpu.memory_space<vmem>>
    %dma_wait3A_636 = tpu.memref_squeeze %dma_wait3A_635 : memref<1x128xf32, #tpu.memory_space<vmem>> -> memref<128xf32, #tpu.memory_space<vmem>>
    %dma_wait3A_637 = arith.constant 0 : i32
    %dma_wait3A_638 = tpu.memref_slice %arg2[%dma_wait3A_637] : memref<10240xf32, #tpu.memory_space<hbm>> -> memref<128xf32, #tpu.memory_space<hbm>>
    tpu.wait_dma2 semaphore(%arg23 : memref<!tpu.dma_semaphore, #tpu.memory_space<semaphore_mem>>) src(%dma_wait3A_638 : memref<128xf32, #tpu.memory_space<hbm>>) dst(%dma_wait3A_636 : memref<128xf32, #tpu.memory_space<vmem>>)
    %dma_wait3A_639 = arith.constant 0 : i32
    %dma_wait3A_640 = arith.constant 0 : i32
    %dma_wait3A_641 = tpu.memref_slice %arg10[%dma_wait3A_639, %dma_wait3A_640] : memref<112x128xf32, #tpu.memory_space<vmem>> -> memref<1x128xf32, #tpu.memory_space<vmem>>
    %dma_wait3A_642 = tpu.memref_squeeze %dma_wait3A_641 : memref<1x128xf32, #tpu.memory_space<vmem>> -> memref<128xf32, #tpu.memory_space<vmem>>
    %dma_wait3A_643 = arith.constant 0 : i32
    %dma_wait3A_644 = tpu.memref_slice %arg2[%dma_wait3A_643] : memref<10240xf32, #tpu.memory_space<hbm>> -> memref<128xf32, #tpu.memory_space<hbm>>
    %dma_wait3A_645 = arith.constant 0 : i32
    %dma_wait3A_646 = tpu.memref_slice %arg10[%dma_wait3A_639, %dma_wait3A_645] : memref<112x128xf32, #tpu.memory_space<vmem>> -> memref<1x128xf32, #tpu.memory_space<vmem>>
    %dma_wait3A_647 = tpu.memref_squeeze %dma_wait3A_646 : memref<1x128xf32, #tpu.memory_space<vmem>> -> memref<128xf32, #tpu.memory_space<vmem>>
    %dma_wait3A_648 = arith.constant 0 : i32
    %dma_wait3A_649 = tpu.memref_slice %arg2[%dma_wait3A_648] : memref<10240xf32, #tpu.memory_space<hbm>> -> memref<128xf32, #tpu.memory_space<hbm>>
    tpu.wait_dma2 semaphore(%arg23 : memref<!tpu.dma_semaphore, #tpu.memory_space<semaphore_mem>>) src(%dma_wait3A_649 : memref<128xf32, #tpu.memory_space<hbm>>) dst(%dma_wait3A_647 : memref<128xf32, #tpu.memory_space<vmem>>)
    %dma_wait3A_650 = arith.constant 0 : i32
    %dma_wait3A_651 = arith.constant 0 : i32
    %dma_wait3A_652 = tpu.memref_slice %arg10[%dma_wait3A_650, %dma_wait3A_651] : memref<112x128xf32, #tpu.memory_space<vmem>> -> memref<1x128xf32, #tpu.memory_space<vmem>>
    %dma_wait3A_653 = tpu.memref_squeeze %dma_wait3A_652 : memref<1x128xf32, #tpu.memory_space<vmem>> -> memref<128xf32, #tpu.memory_space<vmem>>
    %dma_wait3A_654 = arith.constant 0 : i32
    %dma_wait3A_655 = tpu.memref_slice %arg2[%dma_wait3A_654] : memref<10240xf32, #tpu.memory_space<hbm>> -> memref<128xf32, #tpu.memory_space<hbm>>
    %dma_wait3A_656 = arith.constant 0 : i32
    %dma_wait3A_657 = tpu.memref_slice %arg10[%dma_wait3A_650, %dma_wait3A_656] : memref<112x128xf32, #tpu.memory_space<vmem>> -> memref<1x128xf32, #tpu.memory_space<vmem>>
    %dma_wait3A_658 = tpu.memref_squeeze %dma_wait3A_657 : memref<1x128xf32, #tpu.memory_space<vmem>> -> memref<128xf32, #tpu.memory_space<vmem>>
    %dma_wait3A_659 = arith.constant 0 : i32
    %dma_wait3A_660 = tpu.memref_slice %arg2[%dma_wait3A_659] : memref<10240xf32, #tpu.memory_space<hbm>> -> memref<128xf32, #tpu.memory_space<hbm>>
    tpu.wait_dma2 semaphore(%arg23 : memref<!tpu.dma_semaphore, #tpu.memory_space<semaphore_mem>>) src(%dma_wait3A_660 : memref<128xf32, #tpu.memory_space<hbm>>) dst(%dma_wait3A_658 : memref<128xf32, #tpu.memory_space<vmem>>)
    %dma_wait3A_661 = arith.constant 0 : i32
    %dma_wait3A_662 = arith.constant 0 : i32
    %dma_wait3A_663 = tpu.memref_slice %arg10[%dma_wait3A_661, %dma_wait3A_662] : memref<112x128xf32, #tpu.memory_space<vmem>> -> memref<1x128xf32, #tpu.memory_space<vmem>>
    %dma_wait3A_664 = tpu.memref_squeeze %dma_wait3A_663 : memref<1x128xf32, #tpu.memory_space<vmem>> -> memref<128xf32, #tpu.memory_space<vmem>>
    %dma_wait3A_665 = arith.constant 0 : i32
    %dma_wait3A_666 = tpu.memref_slice %arg2[%dma_wait3A_665] : memref<10240xf32, #tpu.memory_space<hbm>> -> memref<128xf32, #tpu.memory_space<hbm>>
    %dma_wait3A_667 = arith.constant 0 : i32
    %dma_wait3A_668 = tpu.memref_slice %arg10[%dma_wait3A_661, %dma_wait3A_667] : memref<112x128xf32, #tpu.memory_space<vmem>> -> memref<1x128xf32, #tpu.memory_space<vmem>>
    %dma_wait3A_669 = tpu.memref_squeeze %dma_wait3A_668 : memref<1x128xf32, #tpu.memory_space<vmem>> -> memref<128xf32, #tpu.memory_space<vmem>>
    %dma_wait3A_670 = arith.constant 0 : i32
    %dma_wait3A_671 = tpu.memref_slice %arg2[%dma_wait3A_670] : memref<10240xf32, #tpu.memory_space<hbm>> -> memref<128xf32, #tpu.memory_space<hbm>>
    tpu.wait_dma2 semaphore(%arg23 : memref<!tpu.dma_semaphore, #tpu.memory_space<semaphore_mem>>) src(%dma_wait3A_671 : memref<128xf32, #tpu.memory_space<hbm>>) dst(%dma_wait3A_669 : memref<128xf32, #tpu.memory_space<vmem>>)
    %dma_wait3A_672 = arith.constant 0 : i32
    %dma_wait3A_673 = arith.constant 0 : i32
    %dma_wait3A_674 = tpu.memref_slice %arg10[%dma_wait3A_672, %dma_wait3A_673] : memref<112x128xf32, #tpu.memory_space<vmem>> -> memref<1x128xf32, #tpu.memory_space<vmem>>
    %dma_wait3A_675 = tpu.memref_squeeze %dma_wait3A_674 : memref<1x128xf32, #tpu.memory_space<vmem>> -> memref<128xf32, #tpu.memory_space<vmem>>
    %dma_wait3A_676 = arith.constant 0 : i32
    %dma_wait3A_677 = tpu.memref_slice %arg2[%dma_wait3A_676] : memref<10240xf32, #tpu.memory_space<hbm>> -> memref<128xf32, #tpu.memory_space<hbm>>
    %dma_wait3A_678 = arith.constant 0 : i32
    %dma_wait3A_679 = tpu.memref_slice %arg10[%dma_wait3A_672, %dma_wait3A_678] : memref<112x128xf32, #tpu.memory_space<vmem>> -> memref<1x128xf32, #tpu.memory_space<vmem>>
    %dma_wait3A_680 = tpu.memref_squeeze %dma_wait3A_679 : memref<1x128xf32, #tpu.memory_space<vmem>> -> memref<128xf32, #tpu.memory_space<vmem>>
    %dma_wait3A_681 = arith.constant 0 : i32
    %dma_wait3A_682 = tpu.memref_slice %arg2[%dma_wait3A_681] : memref<10240xf32, #tpu.memory_space<hbm>> -> memref<128xf32, #tpu.memory_space<hbm>>
    tpu.wait_dma2 semaphore(%arg23 : memref<!tpu.dma_semaphore, #tpu.memory_space<semaphore_mem>>) src(%dma_wait3A_682 : memref<128xf32, #tpu.memory_space<hbm>>) dst(%dma_wait3A_680 : memref<128xf32, #tpu.memory_space<vmem>>)
    %dma_wait3A_683 = arith.constant 0 : i32
    %dma_wait3A_684 = arith.constant 0 : i32
    %dma_wait3A_685 = tpu.memref_slice %arg10[%dma_wait3A_683, %dma_wait3A_684] : memref<112x128xf32, #tpu.memory_space<vmem>> -> memref<1x128xf32, #tpu.memory_space<vmem>>
    %dma_wait3A_686 = tpu.memref_squeeze %dma_wait3A_685 : memref<1x128xf32, #tpu.memory_space<vmem>> -> memref<128xf32, #tpu.memory_space<vmem>>
    %dma_wait3A_687 = arith.constant 0 : i32
    %dma_wait3A_688 = tpu.memref_slice %arg2[%dma_wait3A_687] : memref<10240xf32, #tpu.memory_space<hbm>> -> memref<128xf32, #tpu.memory_space<hbm>>
    %dma_wait3A_689 = arith.constant 0 : i32
    %dma_wait3A_690 = tpu.memref_slice %arg10[%dma_wait3A_683, %dma_wait3A_689] : memref<112x128xf32, #tpu.memory_space<vmem>> -> memref<1x128xf32, #tpu.memory_space<vmem>>
    %dma_wait3A_691 = tpu.memref_squeeze %dma_wait3A_690 : memref<1x128xf32, #tpu.memory_space<vmem>> -> memref<128xf32, #tpu.memory_space<vmem>>
    %dma_wait3A_692 = arith.constant 0 : i32
    %dma_wait3A_693 = tpu.memref_slice %arg2[%dma_wait3A_692] : memref<10240xf32, #tpu.memory_space<hbm>> -> memref<128xf32, #tpu.memory_space<hbm>>
    tpu.wait_dma2 semaphore(%arg23 : memref<!tpu.dma_semaphore, #tpu.memory_space<semaphore_mem>>) src(%dma_wait3A_693 : memref<128xf32, #tpu.memory_space<hbm>>) dst(%dma_wait3A_691 : memref<128xf32, #tpu.memory_space<vmem>>)
    %dma_wait3A_694 = arith.constant 0 : i32
    %dma_wait3A_695 = arith.constant 0 : i32
    %dma_wait3A_696 = tpu.memref_slice %arg10[%dma_wait3A_694, %dma_wait3A_695] : memref<112x128xf32, #tpu.memory_space<vmem>> -> memref<1x128xf32, #tpu.memory_space<vmem>>
    %dma_wait3A_697 = tpu.memref_squeeze %dma_wait3A_696 : memref<1x128xf32, #tpu.memory_space<vmem>> -> memref<128xf32, #tpu.memory_space<vmem>>
    %dma_wait3A_698 = arith.constant 0 : i32
    %dma_wait3A_699 = tpu.memref_slice %arg2[%dma_wait3A_698] : memref<10240xf32, #tpu.memory_space<hbm>> -> memref<128xf32, #tpu.memory_space<hbm>>
    %dma_wait3A_700 = arith.constant 0 : i32
    %dma_wait3A_701 = tpu.memref_slice %arg10[%dma_wait3A_694, %dma_wait3A_700] : memref<112x128xf32, #tpu.memory_space<vmem>> -> memref<1x128xf32, #tpu.memory_space<vmem>>
    %dma_wait3A_702 = tpu.memref_squeeze %dma_wait3A_701 : memref<1x128xf32, #tpu.memory_space<vmem>> -> memref<128xf32, #tpu.memory_space<vmem>>
    %dma_wait3A_703 = arith.constant 0 : i32
    %dma_wait3A_704 = tpu.memref_slice %arg2[%dma_wait3A_703] : memref<10240xf32, #tpu.memory_space<hbm>> -> memref<128xf32, #tpu.memory_space<hbm>>
    tpu.wait_dma2 semaphore(%arg23 : memref<!tpu.dma_semaphore, #tpu.memory_space<semaphore_mem>>) src(%dma_wait3A_704 : memref<128xf32, #tpu.memory_space<hbm>>) dst(%dma_wait3A_702 : memref<128xf32, #tpu.memory_space<vmem>>)
    %dma_wait3A_705 = arith.constant 0 : i32
    %dma_wait3A_706 = arith.constant 0 : i32
    %dma_wait3A_707 = tpu.memref_slice %arg10[%dma_wait3A_705, %dma_wait3A_706] : memref<112x128xf32, #tpu.memory_space<vmem>> -> memref<1x128xf32, #tpu.memory_space<vmem>>
    %dma_wait3A_708 = tpu.memref_squeeze %dma_wait3A_707 : memref<1x128xf32, #tpu.memory_space<vmem>> -> memref<128xf32, #tpu.memory_space<vmem>>
    %dma_wait3A_709 = arith.constant 0 : i32
    %dma_wait3A_710 = tpu.memref_slice %arg2[%dma_wait3A_709] : memref<10240xf32, #tpu.memory_space<hbm>> -> memref<128xf32, #tpu.memory_space<hbm>>
    %dma_wait3A_711 = arith.constant 0 : i32
    %dma_wait3A_712 = tpu.memref_slice %arg10[%dma_wait3A_705, %dma_wait3A_711] : memref<112x128xf32, #tpu.memory_space<vmem>> -> memref<1x128xf32, #tpu.memory_space<vmem>>
    %dma_wait3A_713 = tpu.memref_squeeze %dma_wait3A_712 : memref<1x128xf32, #tpu.memory_space<vmem>> -> memref<128xf32, #tpu.memory_space<vmem>>
    %dma_wait3A_714 = arith.constant 0 : i32
    %dma_wait3A_715 = tpu.memref_slice %arg2[%dma_wait3A_714] : memref<10240xf32, #tpu.memory_space<hbm>> -> memref<128xf32, #tpu.memory_space<hbm>>
    tpu.wait_dma2 semaphore(%arg23 : memref<!tpu.dma_semaphore, #tpu.memory_space<semaphore_mem>>) src(%dma_wait3A_715 : memref<128xf32, #tpu.memory_space<hbm>>) dst(%dma_wait3A_713 : memref<128xf32, #tpu.memory_space<vmem>>)
    %dma_wait3A_716 = arith.constant 0 : i32
    %dma_wait3A_717 = arith.constant 0 : i32
    %dma_wait3A_718 = tpu.memref_slice %arg10[%dma_wait3A_716, %dma_wait3A_717] : memref<112x128xf32, #tpu.memory_space<vmem>> -> memref<1x128xf32, #tpu.memory_space<vmem>>
    %dma_wait3A_719 = tpu.memref_squeeze %dma_wait3A_718 : memref<1x128xf32, #tpu.memory_space<vmem>> -> memref<128xf32, #tpu.memory_space<vmem>>
    %dma_wait3A_720 = arith.constant 0 : i32
    %dma_wait3A_721 = tpu.memref_slice %arg2[%dma_wait3A_720] : memref<10240xf32, #tpu.memory_space<hbm>> -> memref<128xf32, #tpu.memory_space<hbm>>
    %dma_wait3A_722 = arith.constant 0 : i32
    %dma_wait3A_723 = tpu.memref_slice %arg10[%dma_wait3A_716, %dma_wait3A_722] : memref<112x128xf32, #tpu.memory_space<vmem>> -> memref<1x128xf32, #tpu.memory_space<vmem>>
    %dma_wait3A_724 = tpu.memref_squeeze %dma_wait3A_723 : memref<1x128xf32, #tpu.memory_space<vmem>> -> memref<128xf32, #tpu.memory_space<vmem>>
    %dma_wait3A_725 = arith.constant 0 : i32
    %dma_wait3A_726 = tpu.memref_slice %arg2[%dma_wait3A_725] : memref<10240xf32, #tpu.memory_space<hbm>> -> memref<128xf32, #tpu.memory_space<hbm>>
    tpu.wait_dma2 semaphore(%arg23 : memref<!tpu.dma_semaphore, #tpu.memory_space<semaphore_mem>>) src(%dma_wait3A_726 : memref<128xf32, #tpu.memory_space<hbm>>) dst(%dma_wait3A_724 : memref<128xf32, #tpu.memory_space<vmem>>)
    %dma_wait3A_727 = arith.constant 0 : i32
    %dma_wait3A_728 = arith.constant 0 : i32
    %dma_wait3A_729 = tpu.memref_slice %arg10[%dma_wait3A_727, %dma_wait3A_728] : memref<112x128xf32, #tpu.memory_space<vmem>> -> memref<1x128xf32, #tpu.memory_space<vmem>>
    %dma_wait3A_730 = tpu.memref_squeeze %dma_wait3A_729 : memref<1x128xf32, #tpu.memory_space<vmem>> -> memref<128xf32, #tpu.memory_space<vmem>>
    %dma_wait3A_731 = arith.constant 0 : i32
    %dma_wait3A_732 = tpu.memref_slice %arg2[%dma_wait3A_731] : memref<10240xf32, #tpu.memory_space<hbm>> -> memref<128xf32, #tpu.memory_space<hbm>>
    %dma_wait3A_733 = arith.constant 0 : i32
    %dma_wait3A_734 = tpu.memref_slice %arg10[%dma_wait3A_727, %dma_wait3A_733] : memref<112x128xf32, #tpu.memory_space<vmem>> -> memref<1x128xf32, #tpu.memory_space<vmem>>
    %dma_wait3A_735 = tpu.memref_squeeze %dma_wait3A_734 : memref<1x128xf32, #tpu.memory_space<vmem>> -> memref<128xf32, #tpu.memory_space<vmem>>
    %dma_wait3A_736 = arith.constant 0 : i32
    %dma_wait3A_737 = tpu.memref_slice %arg2[%dma_wait3A_736] : memref<10240xf32, #tpu.memory_space<hbm>> -> memref<128xf32, #tpu.memory_space<hbm>>
    tpu.wait_dma2 semaphore(%arg23 : memref<!tpu.dma_semaphore, #tpu.memory_space<semaphore_mem>>) src(%dma_wait3A_737 : memref<128xf32, #tpu.memory_space<hbm>>) dst(%dma_wait3A_735 : memref<128xf32, #tpu.memory_space<vmem>>)
    %dma_wait3A_738 = arith.constant 0 : i32
    %dma_wait3A_739 = arith.constant 0 : i32
    %dma_wait3A_740 = tpu.memref_slice %arg10[%dma_wait3A_738, %dma_wait3A_739] : memref<112x128xf32, #tpu.memory_space<vmem>> -> memref<1x128xf32, #tpu.memory_space<vmem>>
    %dma_wait3A_741 = tpu.memref_squeeze %dma_wait3A_740 : memref<1x128xf32, #tpu.memory_space<vmem>> -> memref<128xf32, #tpu.memory_space<vmem>>
    %dma_wait3A_742 = arith.constant 0 : i32
    %dma_wait3A_743 = tpu.memref_slice %arg2[%dma_wait3A_742] : memref<10240xf32, #tpu.memory_space<hbm>> -> memref<128xf32, #tpu.memory_space<hbm>>
    %dma_wait3A_744 = arith.constant 0 : i32
    %dma_wait3A_745 = tpu.memref_slice %arg10[%dma_wait3A_738, %dma_wait3A_744] : memref<112x128xf32, #tpu.memory_space<vmem>> -> memref<1x128xf32, #tpu.memory_space<vmem>>
    %dma_wait3A_746 = tpu.memref_squeeze %dma_wait3A_745 : memref<1x128xf32, #tpu.memory_space<vmem>> -> memref<128xf32, #tpu.memory_space<vmem>>
    %dma_wait3A_747 = arith.constant 0 : i32
    %dma_wait3A_748 = tpu.memref_slice %arg2[%dma_wait3A_747] : memref<10240xf32, #tpu.memory_space<hbm>> -> memref<128xf32, #tpu.memory_space<hbm>>
    tpu.wait_dma2 semaphore(%arg23 : memref<!tpu.dma_semaphore, #tpu.memory_space<semaphore_mem>>) src(%dma_wait3A_748 : memref<128xf32, #tpu.memory_space<hbm>>) dst(%dma_wait3A_746 : memref<128xf32, #tpu.memory_space<vmem>>)
    %dma_wait3A_749 = arith.constant 0 : i32
    %dma_wait3A_750 = arith.constant 0 : i32
    %dma_wait3A_751 = tpu.memref_slice %arg10[%dma_wait3A_749, %dma_wait3A_750] : memref<112x128xf32, #tpu.memory_space<vmem>> -> memref<1x128xf32, #tpu.memory_space<vmem>>
    %dma_wait3A_752 = tpu.memref_squeeze %dma_wait3A_751 : memref<1x128xf32, #tpu.memory_space<vmem>> -> memref<128xf32, #tpu.memory_space<vmem>>
    %dma_wait3A_753 = arith.constant 0 : i32
    %dma_wait3A_754 = tpu.memref_slice %arg2[%dma_wait3A_753] : memref<10240xf32, #tpu.memory_space<hbm>> -> memref<128xf32, #tpu.memory_space<hbm>>
    %dma_wait3A_755 = arith.constant 0 : i32
    %dma_wait3A_756 = tpu.memref_slice %arg10[%dma_wait3A_749, %dma_wait3A_755] : memref<112x128xf32, #tpu.memory_space<vmem>> -> memref<1x128xf32, #tpu.memory_space<vmem>>
    %dma_wait3A_757 = tpu.memref_squeeze %dma_wait3A_756 : memref<1x128xf32, #tpu.memory_space<vmem>> -> memref<128xf32, #tpu.memory_space<vmem>>
    %dma_wait3A_758 = arith.constant 0 : i32
    %dma_wait3A_759 = tpu.memref_slice %arg2[%dma_wait3A_758] : memref<10240xf32, #tpu.memory_space<hbm>> -> memref<128xf32, #tpu.memory_space<hbm>>
    tpu.wait_dma2 semaphore(%arg23 : memref<!tpu.dma_semaphore, #tpu.memory_space<semaphore_mem>>) src(%dma_wait3A_759 : memref<128xf32, #tpu.memory_space<hbm>>) dst(%dma_wait3A_757 : memref<128xf32, #tpu.memory_space<vmem>>)
    %dma_wait3A_760 = arith.constant 0 : i32
    %dma_wait3A_761 = arith.constant 0 : i32
    %dma_wait3A_762 = tpu.memref_slice %arg10[%dma_wait3A_760, %dma_wait3A_761] : memref<112x128xf32, #tpu.memory_space<vmem>> -> memref<1x128xf32, #tpu.memory_space<vmem>>
    %dma_wait3A_763 = tpu.memref_squeeze %dma_wait3A_762 : memref<1x128xf32, #tpu.memory_space<vmem>> -> memref<128xf32, #tpu.memory_space<vmem>>
    %dma_wait3A_764 = arith.constant 0 : i32
    %dma_wait3A_765 = tpu.memref_slice %arg2[%dma_wait3A_764] : memref<10240xf32, #tpu.memory_space<hbm>> -> memref<128xf32, #tpu.memory_space<hbm>>
    %dma_wait3A_766 = arith.constant 0 : i32
    %dma_wait3A_767 = tpu.memref_slice %arg10[%dma_wait3A_760, %dma_wait3A_766] : memref<112x128xf32, #tpu.memory_space<vmem>> -> memref<1x128xf32, #tpu.memory_space<vmem>>
    %dma_wait3A_768 = tpu.memref_squeeze %dma_wait3A_767 : memref<1x128xf32, #tpu.memory_space<vmem>> -> memref<128xf32, #tpu.memory_space<vmem>>
    %dma_wait3A_769 = arith.constant 0 : i32
    %dma_wait3A_770 = tpu.memref_slice %arg2[%dma_wait3A_769] : memref<10240xf32, #tpu.memory_space<hbm>> -> memref<128xf32, #tpu.memory_space<hbm>>
    tpu.wait_dma2 semaphore(%arg23 : memref<!tpu.dma_semaphore, #tpu.memory_space<semaphore_mem>>) src(%dma_wait3A_770 : memref<128xf32, #tpu.memory_space<hbm>>) dst(%dma_wait3A_768 : memref<128xf32, #tpu.memory_space<vmem>>)
    %dma_wait3A_771 = arith.constant 0 : i32
    %dma_wait3A_772 = arith.constant 0 : i32
    %dma_wait3A_773 = tpu.memref_slice %arg10[%dma_wait3A_771, %dma_wait3A_772] : memref<112x128xf32, #tpu.memory_space<vmem>> -> memref<1x128xf32, #tpu.memory_space<vmem>>
    %dma_wait3A_774 = tpu.memref_squeeze %dma_wait3A_773 : memref<1x128xf32, #tpu.memory_space<vmem>> -> memref<128xf32, #tpu.memory_space<vmem>>
    %dma_wait3A_775 = arith.constant 0 : i32
    %dma_wait3A_776 = tpu.memref_slice %arg2[%dma_wait3A_775] : memref<10240xf32, #tpu.memory_space<hbm>> -> memref<128xf32, #tpu.memory_space<hbm>>
    %dma_wait3A_777 = arith.constant 0 : i32
    %dma_wait3A_778 = tpu.memref_slice %arg10[%dma_wait3A_771, %dma_wait3A_777] : memref<112x128xf32, #tpu.memory_space<vmem>> -> memref<1x128xf32, #tpu.memory_space<vmem>>
    %dma_wait3A_779 = tpu.memref_squeeze %dma_wait3A_778 : memref<1x128xf32, #tpu.memory_space<vmem>> -> memref<128xf32, #tpu.memory_space<vmem>>
    %dma_wait3A_780 = arith.constant 0 : i32
    %dma_wait3A_781 = tpu.memref_slice %arg2[%dma_wait3A_780] : memref<10240xf32, #tpu.memory_space<hbm>> -> memref<128xf32, #tpu.memory_space<hbm>>
    tpu.wait_dma2 semaphore(%arg23 : memref<!tpu.dma_semaphore, #tpu.memory_space<semaphore_mem>>) src(%dma_wait3A_781 : memref<128xf32, #tpu.memory_space<hbm>>) dst(%dma_wait3A_779 : memref<128xf32, #tpu.memory_space<vmem>>)
    %dma_wait3A_782 = arith.constant 0 : i32
    %dma_wait3A_783 = arith.constant 0 : i32
    %dma_wait3A_784 = tpu.memref_slice %arg10[%dma_wait3A_782, %dma_wait3A_783] : memref<112x128xf32, #tpu.memory_space<vmem>> -> memref<1x128xf32, #tpu.memory_space<vmem>>
    %dma_wait3A_785 = tpu.memref_squeeze %dma_wait3A_784 : memref<1x128xf32, #tpu.memory_space<vmem>> -> memref<128xf32, #tpu.memory_space<vmem>>
    %dma_wait3A_786 = arith.constant 0 : i32
    %dma_wait3A_787 = tpu.memref_slice %arg2[%dma_wait3A_786] : memref<10240xf32, #tpu.memory_space<hbm>> -> memref<128xf32, #tpu.memory_space<hbm>>
    %dma_wait3A_788 = arith.constant 0 : i32
    %dma_wait3A_789 = tpu.memref_slice %arg10[%dma_wait3A_782, %dma_wait3A_788] : memref<112x128xf32, #tpu.memory_space<vmem>> -> memref<1x128xf32, #tpu.memory_space<vmem>>
    %dma_wait3A_790 = tpu.memref_squeeze %dma_wait3A_789 : memref<1x128xf32, #tpu.memory_space<vmem>> -> memref<128xf32, #tpu.memory_space<vmem>>
    %dma_wait3A_791 = arith.constant 0 : i32
    %dma_wait3A_792 = tpu.memref_slice %arg2[%dma_wait3A_791] : memref<10240xf32, #tpu.memory_space<hbm>> -> memref<128xf32, #tpu.memory_space<hbm>>
    tpu.wait_dma2 semaphore(%arg23 : memref<!tpu.dma_semaphore, #tpu.memory_space<semaphore_mem>>) src(%dma_wait3A_792 : memref<128xf32, #tpu.memory_space<hbm>>) dst(%dma_wait3A_790 : memref<128xf32, #tpu.memory_space<vmem>>)
    %dma_wait3A_793 = arith.constant 0 : i32
    %dma_wait3A_794 = arith.constant 0 : i32
    %dma_wait3A_795 = tpu.memref_slice %arg10[%dma_wait3A_793, %dma_wait3A_794] : memref<112x128xf32, #tpu.memory_space<vmem>> -> memref<1x128xf32, #tpu.memory_space<vmem>>
    %dma_wait3A_796 = tpu.memref_squeeze %dma_wait3A_795 : memref<1x128xf32, #tpu.memory_space<vmem>> -> memref<128xf32, #tpu.memory_space<vmem>>
    %dma_wait3A_797 = arith.constant 0 : i32
    %dma_wait3A_798 = tpu.memref_slice %arg2[%dma_wait3A_797] : memref<10240xf32, #tpu.memory_space<hbm>> -> memref<128xf32, #tpu.memory_space<hbm>>
    %dma_wait3A_799 = arith.constant 0 : i32
    %dma_wait3A_800 = tpu.memref_slice %arg10[%dma_wait3A_793, %dma_wait3A_799] : memref<112x128xf32, #tpu.memory_space<vmem>> -> memref<1x128xf32, #tpu.memory_space<vmem>>
    %dma_wait3A_801 = tpu.memref_squeeze %dma_wait3A_800 : memref<1x128xf32, #tpu.memory_space<vmem>> -> memref<128xf32, #tpu.memory_space<vmem>>
    %dma_wait3A_802 = arith.constant 0 : i32
    %dma_wait3A_803 = tpu.memref_slice %arg2[%dma_wait3A_802] : memref<10240xf32, #tpu.memory_space<hbm>> -> memref<128xf32, #tpu.memory_space<hbm>>
    tpu.wait_dma2 semaphore(%arg23 : memref<!tpu.dma_semaphore, #tpu.memory_space<semaphore_mem>>) src(%dma_wait3A_803 : memref<128xf32, #tpu.memory_space<hbm>>) dst(%dma_wait3A_801 : memref<128xf32, #tpu.memory_space<vmem>>)
    %dma_wait3A_804 = arith.constant 0 : i32
    %dma_wait3A_805 = arith.constant 0 : i32
    %dma_wait3A_806 = tpu.memref_slice %arg10[%dma_wait3A_804, %dma_wait3A_805] : memref<112x128xf32, #tpu.memory_space<vmem>> -> memref<1x128xf32, #tpu.memory_space<vmem>>
    %dma_wait3A_807 = tpu.memref_squeeze %dma_wait3A_806 : memref<1x128xf32, #tpu.memory_space<vmem>> -> memref<128xf32, #tpu.memory_space<vmem>>
    %dma_wait3A_808 = arith.constant 0 : i32
    %dma_wait3A_809 = tpu.memref_slice %arg2[%dma_wait3A_808] : memref<10240xf32, #tpu.memory_space<hbm>> -> memref<128xf32, #tpu.memory_space<hbm>>
    %dma_wait3A_810 = arith.constant 0 : i32
    %dma_wait3A_811 = tpu.memref_slice %arg10[%dma_wait3A_804, %dma_wait3A_810] : memref<112x128xf32, #tpu.memory_space<vmem>> -> memref<1x128xf32, #tpu.memory_space<vmem>>
    %dma_wait3A_812 = tpu.memref_squeeze %dma_wait3A_811 : memref<1x128xf32, #tpu.memory_space<vmem>> -> memref<128xf32, #tpu.memory_space<vmem>>
    %dma_wait3A_813 = arith.constant 0 : i32
    %dma_wait3A_814 = tpu.memref_slice %arg2[%dma_wait3A_813] : memref<10240xf32, #tpu.memory_space<hbm>> -> memref<128xf32, #tpu.memory_space<hbm>>
    tpu.wait_dma2 semaphore(%arg23 : memref<!tpu.dma_semaphore, #tpu.memory_space<semaphore_mem>>) src(%dma_wait3A_814 : memref<128xf32, #tpu.memory_space<hbm>>) dst(%dma_wait3A_812 : memref<128xf32, #tpu.memory_space<vmem>>)
    %dma_wait3A_815 = arith.constant 0 : i32
    %dma_wait3A_816 = arith.constant 0 : i32
    %dma_wait3A_817 = tpu.memref_slice %arg10[%dma_wait3A_815, %dma_wait3A_816] : memref<112x128xf32, #tpu.memory_space<vmem>> -> memref<1x128xf32, #tpu.memory_space<vmem>>
    %dma_wait3A_818 = tpu.memref_squeeze %dma_wait3A_817 : memref<1x128xf32, #tpu.memory_space<vmem>> -> memref<128xf32, #tpu.memory_space<vmem>>
    %dma_wait3A_819 = arith.constant 0 : i32
    %dma_wait3A_820 = tpu.memref_slice %arg2[%dma_wait3A_819] : memref<10240xf32, #tpu.memory_space<hbm>> -> memref<128xf32, #tpu.memory_space<hbm>>
    %dma_wait3A_821 = arith.constant 0 : i32
    %dma_wait3A_822 = tpu.memref_slice %arg10[%dma_wait3A_815, %dma_wait3A_821] : memref<112x128xf32, #tpu.memory_space<vmem>> -> memref<1x128xf32, #tpu.memory_space<vmem>>
    %dma_wait3A_823 = tpu.memref_squeeze %dma_wait3A_822 : memref<1x128xf32, #tpu.memory_space<vmem>> -> memref<128xf32, #tpu.memory_space<vmem>>
    %dma_wait3A_824 = arith.constant 0 : i32
    %dma_wait3A_825 = tpu.memref_slice %arg2[%dma_wait3A_824] : memref<10240xf32, #tpu.memory_space<hbm>> -> memref<128xf32, #tpu.memory_space<hbm>>
    tpu.wait_dma2 semaphore(%arg23 : memref<!tpu.dma_semaphore, #tpu.memory_space<semaphore_mem>>) src(%dma_wait3A_825 : memref<128xf32, #tpu.memory_space<hbm>>) dst(%dma_wait3A_823 : memref<128xf32, #tpu.memory_space<vmem>>)
    %dma_wait3A_826 = arith.constant 0 : i32
    %dma_wait3A_827 = arith.constant 0 : i32
    %dma_wait3A_828 = tpu.memref_slice %arg10[%dma_wait3A_826, %dma_wait3A_827] : memref<112x128xf32, #tpu.memory_space<vmem>> -> memref<1x128xf32, #tpu.memory_space<vmem>>
    %dma_wait3A_829 = tpu.memref_squeeze %dma_wait3A_828 : memref<1x128xf32, #tpu.memory_space<vmem>> -> memref<128xf32, #tpu.memory_space<vmem>>
    %dma_wait3A_830 = arith.constant 0 : i32
    %dma_wait3A_831 = tpu.memref_slice %arg2[%dma_wait3A_830] : memref<10240xf32, #tpu.memory_space<hbm>> -> memref<128xf32, #tpu.memory_space<hbm>>
    %dma_wait3A_832 = arith.constant 0 : i32
    %dma_wait3A_833 = tpu.memref_slice %arg10[%dma_wait3A_826, %dma_wait3A_832] : memref<112x128xf32, #tpu.memory_space<vmem>> -> memref<1x128xf32, #tpu.memory_space<vmem>>
    %dma_wait3A_834 = tpu.memref_squeeze %dma_wait3A_833 : memref<1x128xf32, #tpu.memory_space<vmem>> -> memref<128xf32, #tpu.memory_space<vmem>>
    %dma_wait3A_835 = arith.constant 0 : i32
    %dma_wait3A_836 = tpu.memref_slice %arg2[%dma_wait3A_835] : memref<10240xf32, #tpu.memory_space<hbm>> -> memref<128xf32, #tpu.memory_space<hbm>>
    tpu.wait_dma2 semaphore(%arg23 : memref<!tpu.dma_semaphore, #tpu.memory_space<semaphore_mem>>) src(%dma_wait3A_836 : memref<128xf32, #tpu.memory_space<hbm>>) dst(%dma_wait3A_834 : memref<128xf32, #tpu.memory_space<vmem>>)
    %dma_wait3A_837 = arith.constant 0 : i32
    %dma_wait3A_838 = arith.constant 0 : i32
    %dma_wait3A_839 = tpu.memref_slice %arg10[%dma_wait3A_837, %dma_wait3A_838] : memref<112x128xf32, #tpu.memory_space<vmem>> -> memref<1x128xf32, #tpu.memory_space<vmem>>
    %dma_wait3A_840 = tpu.memref_squeeze %dma_wait3A_839 : memref<1x128xf32, #tpu.memory_space<vmem>> -> memref<128xf32, #tpu.memory_space<vmem>>
    %dma_wait3A_841 = arith.constant 0 : i32
    %dma_wait3A_842 = tpu.memref_slice %arg2[%dma_wait3A_841] : memref<10240xf32, #tpu.memory_space<hbm>> -> memref<128xf32, #tpu.memory_space<hbm>>
    %dma_wait3A_843 = arith.constant 0 : i32
    %dma_wait3A_844 = tpu.memref_slice %arg10[%dma_wait3A_837, %dma_wait3A_843] : memref<112x128xf32, #tpu.memory_space<vmem>> -> memref<1x128xf32, #tpu.memory_space<vmem>>
    %dma_wait3A_845 = tpu.memref_squeeze %dma_wait3A_844 : memref<1x128xf32, #tpu.memory_space<vmem>> -> memref<128xf32, #tpu.memory_space<vmem>>
    %dma_wait3A_846 = arith.constant 0 : i32
    %dma_wait3A_847 = tpu.memref_slice %arg2[%dma_wait3A_846] : memref<10240xf32, #tpu.memory_space<hbm>> -> memref<128xf32, #tpu.memory_space<hbm>>
    tpu.wait_dma2 semaphore(%arg23 : memref<!tpu.dma_semaphore, #tpu.memory_space<semaphore_mem>>) src(%dma_wait3A_847 : memref<128xf32, #tpu.memory_space<hbm>>) dst(%dma_wait3A_845 : memref<128xf32, #tpu.memory_space<vmem>>)
    %dma_wait3A_848 = arith.constant 0 : i32
    %dma_wait3A_849 = arith.constant 0 : i32
    %dma_wait3A_850 = tpu.memref_slice %arg10[%dma_wait3A_848, %dma_wait3A_849] : memref<112x128xf32, #tpu.memory_space<vmem>> -> memref<1x128xf32, #tpu.memory_space<vmem>>
    %dma_wait3A_851 = tpu.memref_squeeze %dma_wait3A_850 : memref<1x128xf32, #tpu.memory_space<vmem>> -> memref<128xf32, #tpu.memory_space<vmem>>
    %dma_wait3A_852 = arith.constant 0 : i32
    %dma_wait3A_853 = tpu.memref_slice %arg2[%dma_wait3A_852] : memref<10240xf32, #tpu.memory_space<hbm>> -> memref<128xf32, #tpu.memory_space<hbm>>
    %dma_wait3A_854 = arith.constant 0 : i32
    %dma_wait3A_855 = tpu.memref_slice %arg10[%dma_wait3A_848, %dma_wait3A_854] : memref<112x128xf32, #tpu.memory_space<vmem>> -> memref<1x128xf32, #tpu.memory_space<vmem>>
    %dma_wait3A_856 = tpu.memref_squeeze %dma_wait3A_855 : memref<1x128xf32, #tpu.memory_space<vmem>> -> memref<128xf32, #tpu.memory_space<vmem>>
    %dma_wait3A_857 = arith.constant 0 : i32
    %dma_wait3A_858 = tpu.memref_slice %arg2[%dma_wait3A_857] : memref<10240xf32, #tpu.memory_space<hbm>> -> memref<128xf32, #tpu.memory_space<hbm>>
    tpu.wait_dma2 semaphore(%arg23 : memref<!tpu.dma_semaphore, #tpu.memory_space<semaphore_mem>>) src(%dma_wait3A_858 : memref<128xf32, #tpu.memory_space<hbm>>) dst(%dma_wait3A_856 : memref<128xf32, #tpu.memory_space<vmem>>)
    %dma_wait3A_859 = arith.constant 0 : i32
    %dma_wait3A_860 = arith.constant 0 : i32
    %dma_wait3A_861 = tpu.memref_slice %arg10[%dma_wait3A_859, %dma_wait3A_860] : memref<112x128xf32, #tpu.memory_space<vmem>> -> memref<1x128xf32, #tpu.memory_space<vmem>>
    %dma_wait3A_862 = tpu.memref_squeeze %dma_wait3A_861 : memref<1x128xf32, #tpu.memory_space<vmem>> -> memref<128xf32, #tpu.memory_space<vmem>>
    %dma_wait3A_863 = arith.constant 0 : i32
    %dma_wait3A_864 = tpu.memref_slice %arg2[%dma_wait3A_863] : memref<10240xf32, #tpu.memory_space<hbm>> -> memref<128xf32, #tpu.memory_space<hbm>>
    %dma_wait3A_865 = arith.constant 0 : i32
    %dma_wait3A_866 = tpu.memref_slice %arg10[%dma_wait3A_859, %dma_wait3A_865] : memref<112x128xf32, #tpu.memory_space<vmem>> -> memref<1x128xf32, #tpu.memory_space<vmem>>
    %dma_wait3A_867 = tpu.memref_squeeze %dma_wait3A_866 : memref<1x128xf32, #tpu.memory_space<vmem>> -> memref<128xf32, #tpu.memory_space<vmem>>
    %dma_wait3A_868 = arith.constant 0 : i32
    %dma_wait3A_869 = tpu.memref_slice %arg2[%dma_wait3A_868] : memref<10240xf32, #tpu.memory_space<hbm>> -> memref<128xf32, #tpu.memory_space<hbm>>
    tpu.wait_dma2 semaphore(%arg23 : memref<!tpu.dma_semaphore, #tpu.memory_space<semaphore_mem>>) src(%dma_wait3A_869 : memref<128xf32, #tpu.memory_space<hbm>>) dst(%dma_wait3A_867 : memref<128xf32, #tpu.memory_space<vmem>>)
    %dma_wait3A_870 = arith.constant 0 : i32
    %dma_wait3A_871 = arith.constant 0 : i32
    %dma_wait3A_872 = tpu.memref_slice %arg10[%dma_wait3A_870, %dma_wait3A_871] : memref<112x128xf32, #tpu.memory_space<vmem>> -> memref<1x128xf32, #tpu.memory_space<vmem>>
    %dma_wait3A_873 = tpu.memref_squeeze %dma_wait3A_872 : memref<1x128xf32, #tpu.memory_space<vmem>> -> memref<128xf32, #tpu.memory_space<vmem>>
    %dma_wait3A_874 = arith.constant 0 : i32
    %dma_wait3A_875 = tpu.memref_slice %arg2[%dma_wait3A_874] : memref<10240xf32, #tpu.memory_space<hbm>> -> memref<128xf32, #tpu.memory_space<hbm>>
    %dma_wait3A_876 = arith.constant 0 : i32
    %dma_wait3A_877 = tpu.memref_slice %arg10[%dma_wait3A_870, %dma_wait3A_876] : memref<112x128xf32, #tpu.memory_space<vmem>> -> memref<1x128xf32, #tpu.memory_space<vmem>>
    %dma_wait3A_878 = tpu.memref_squeeze %dma_wait3A_877 : memref<1x128xf32, #tpu.memory_space<vmem>> -> memref<128xf32, #tpu.memory_space<vmem>>
    %dma_wait3A_879 = arith.constant 0 : i32
    %dma_wait3A_880 = tpu.memref_slice %arg2[%dma_wait3A_879] : memref<10240xf32, #tpu.memory_space<hbm>> -> memref<128xf32, #tpu.memory_space<hbm>>
    tpu.wait_dma2 semaphore(%arg23 : memref<!tpu.dma_semaphore, #tpu.memory_space<semaphore_mem>>) src(%dma_wait3A_880 : memref<128xf32, #tpu.memory_space<hbm>>) dst(%dma_wait3A_878 : memref<128xf32, #tpu.memory_space<vmem>>)
    %dma_wait3A_881 = arith.constant 0 : i32
    %dma_wait3A_882 = arith.constant 0 : i32
    %dma_wait3A_883 = tpu.memref_slice %arg10[%dma_wait3A_881, %dma_wait3A_882] : memref<112x128xf32, #tpu.memory_space<vmem>> -> memref<1x128xf32, #tpu.memory_space<vmem>>
    %dma_wait3A_884 = tpu.memref_squeeze %dma_wait3A_883 : memref<1x128xf32, #tpu.memory_space<vmem>> -> memref<128xf32, #tpu.memory_space<vmem>>
    %dma_wait3A_885 = arith.constant 0 : i32
    %dma_wait3A_886 = tpu.memref_slice %arg2[%dma_wait3A_885] : memref<10240xf32, #tpu.memory_space<hbm>> -> memref<128xf32, #tpu.memory_space<hbm>>
    %dma_wait3A_887 = arith.constant 0 : i32
    %dma_wait3A_888 = tpu.memref_slice %arg10[%dma_wait3A_881, %dma_wait3A_887] : memref<112x128xf32, #tpu.memory_space<vmem>> -> memref<1x128xf32, #tpu.memory_space<vmem>>
    %dma_wait3A_889 = tpu.memref_squeeze %dma_wait3A_888 : memref<1x128xf32, #tpu.memory_space<vmem>> -> memref<128xf32, #tpu.memory_space<vmem>>
    %dma_wait3A_890 = arith.constant 0 : i32
    %dma_wait3A_891 = tpu.memref_slice %arg2[%dma_wait3A_890] : memref<10240xf32, #tpu.memory_space<hbm>> -> memref<128xf32, #tpu.memory_space<hbm>>
    tpu.wait_dma2 semaphore(%arg23 : memref<!tpu.dma_semaphore, #tpu.memory_space<semaphore_mem>>) src(%dma_wait3A_891 : memref<128xf32, #tpu.memory_space<hbm>>) dst(%dma_wait3A_889 : memref<128xf32, #tpu.memory_space<vmem>>)
    %dma_wait3A_892 = arith.constant 0 : i32
    %dma_wait3A_893 = arith.constant 0 : i32
    %dma_wait3A_894 = tpu.memref_slice %arg10[%dma_wait3A_892, %dma_wait3A_893] : memref<112x128xf32, #tpu.memory_space<vmem>> -> memref<1x128xf32, #tpu.memory_space<vmem>>
    %dma_wait3A_895 = tpu.memref_squeeze %dma_wait3A_894 : memref<1x128xf32, #tpu.memory_space<vmem>> -> memref<128xf32, #tpu.memory_space<vmem>>
    %dma_wait3A_896 = arith.constant 0 : i32
    %dma_wait3A_897 = tpu.memref_slice %arg2[%dma_wait3A_896] : memref<10240xf32, #tpu.memory_space<hbm>> -> memref<128xf32, #tpu.memory_space<hbm>>
    %dma_wait3A_898 = arith.constant 0 : i32
    %dma_wait3A_899 = tpu.memref_slice %arg10[%dma_wait3A_892, %dma_wait3A_898] : memref<112x128xf32, #tpu.memory_space<vmem>> -> memref<1x128xf32, #tpu.memory_space<vmem>>
    %dma_wait3A_900 = tpu.memref_squeeze %dma_wait3A_899 : memref<1x128xf32, #tpu.memory_space<vmem>> -> memref<128xf32, #tpu.memory_space<vmem>>
    %dma_wait3A_901 = arith.constant 0 : i32
    %dma_wait3A_902 = tpu.memref_slice %arg2[%dma_wait3A_901] : memref<10240xf32, #tpu.memory_space<hbm>> -> memref<128xf32, #tpu.memory_space<hbm>>
    tpu.wait_dma2 semaphore(%arg23 : memref<!tpu.dma_semaphore, #tpu.memory_space<semaphore_mem>>) src(%dma_wait3A_902 : memref<128xf32, #tpu.memory_space<hbm>>) dst(%dma_wait3A_900 : memref<128xf32, #tpu.memory_space<vmem>>)
    %dma_wait3A_903 = arith.constant 0 : i32
    %dma_wait3A_904 = arith.constant 0 : i32
    %dma_wait3A_905 = tpu.memref_slice %arg10[%dma_wait3A_903, %dma_wait3A_904] : memref<112x128xf32, #tpu.memory_space<vmem>> -> memref<1x128xf32, #tpu.memory_space<vmem>>
    %dma_wait3A_906 = tpu.memref_squeeze %dma_wait3A_905 : memref<1x128xf32, #tpu.memory_space<vmem>> -> memref<128xf32, #tpu.memory_space<vmem>>
    %dma_wait3A_907 = arith.constant 0 : i32
    %dma_wait3A_908 = tpu.memref_slice %arg2[%dma_wait3A_907] : memref<10240xf32, #tpu.memory_space<hbm>> -> memref<128xf32, #tpu.memory_space<hbm>>
    %dma_wait3A_909 = arith.constant 0 : i32
    %dma_wait3A_910 = tpu.memref_slice %arg10[%dma_wait3A_903, %dma_wait3A_909] : memref<112x128xf32, #tpu.memory_space<vmem>> -> memref<1x128xf32, #tpu.memory_space<vmem>>
    %dma_wait3A_911 = tpu.memref_squeeze %dma_wait3A_910 : memref<1x128xf32, #tpu.memory_space<vmem>> -> memref<128xf32, #tpu.memory_space<vmem>>
    %dma_wait3A_912 = arith.constant 0 : i32
    %dma_wait3A_913 = tpu.memref_slice %arg2[%dma_wait3A_912] : memref<10240xf32, #tpu.memory_space<hbm>> -> memref<128xf32, #tpu.memory_space<hbm>>
    tpu.wait_dma2 semaphore(%arg23 : memref<!tpu.dma_semaphore, #tpu.memory_space<semaphore_mem>>) src(%dma_wait3A_913 : memref<128xf32, #tpu.memory_space<hbm>>) dst(%dma_wait3A_911 : memref<128xf32, #tpu.memory_space<vmem>>)
    %barrier3A_914 = arith.constant 0 : index
    tpu.barrier barrier_id(%barrier3A_914)
    %mul3A_915 = arith.constant 10240 : i32
    %mul3A_916 = arith.muli %arg0, %mul3A_915 : i32
    %add3A_917 = arith.addi %mul3A_916, %mul3A_249 : i32
    "tpu.region"() ({
      %run_scoped3A_1396 = tpu.sem_alloc : memref<!tpu.dma_semaphore, #tpu.memory_space<semaphore_mem>>
      %dma_start3A_1397 = tpu.memref_slice %arg6[%add3A_917] : memref<20480xf32, #tpu.memory_space<hbm>> -> memref<640xf32, #tpu.memory_space<hbm>>
      %dma_start3A_1398 = tpu.memref_slice %arg20[%mul3A_249] : memref<10240xf32, #tpu.memory_space<vmem_shared>> -> memref<640xf32, #tpu.memory_space<vmem_shared>>
      tpu.enqueue_dma source(%dma_start3A_1398 : memref<640xf32, #tpu.memory_space<vmem_shared>>) target(%dma_start3A_1397 : memref<640xf32, #tpu.memory_space<hbm>>) target_semaphore(%run_scoped3A_1396 : memref<!tpu.dma_semaphore, #tpu.memory_space<semaphore_mem>>)
      %dma_wait3A_1399 = tpu.memref_slice %arg6[%add3A_917] : memref<20480xf32, #tpu.memory_space<hbm>> -> memref<640xf32, #tpu.memory_space<hbm>>
      %dma_wait3A_1400 = tpu.memref_slice %arg20[%mul3A_249] : memref<10240xf32, #tpu.memory_space<vmem_shared>> -> memref<640xf32, #tpu.memory_space<vmem_shared>>
      tpu.wait_dma2 semaphore(%run_scoped3A_1396 : memref<!tpu.dma_semaphore, #tpu.memory_space<semaphore_mem>>) src(%dma_wait3A_1400 : memref<640xf32, #tpu.memory_space<vmem_shared>>) dst(%dma_wait3A_1399 : memref<640xf32, #tpu.memory_space<hbm>>)
      tpu.yield
    }) : () -> ()
    %mul3A_918 = arith.constant 10240 : i32
    %mul3A_919 = arith.muli %arg0, %mul3A_918 : i32
    %add3A_920 = arith.addi %mul3A_919, %mul3A_249 : i32
    "tpu.region"() ({
      %run_scoped3A_1396 = tpu.sem_alloc : memref<!tpu.dma_semaphore, #tpu.memory_space<semaphore_mem>>
      %dma_start3A_1397 = tpu.memref_slice %arg7[%add3A_920] : memref<20480xf32, #tpu.memory_space<hbm>> -> memref<640xf32, #tpu.memory_space<hbm>>
      %dma_start3A_1398 = tpu.memref_slice %arg21[%mul3A_249] : memref<10240xf32, #tpu.memory_space<vmem_shared>> -> memref<640xf32, #tpu.memory_space<vmem_shared>>
      tpu.enqueue_dma source(%dma_start3A_1398 : memref<640xf32, #tpu.memory_space<vmem_shared>>) target(%dma_start3A_1397 : memref<640xf32, #tpu.memory_space<hbm>>) target_semaphore(%run_scoped3A_1396 : memref<!tpu.dma_semaphore, #tpu.memory_space<semaphore_mem>>)
      %dma_wait3A_1399 = tpu.memref_slice %arg7[%add3A_920] : memref<20480xf32, #tpu.memory_space<hbm>> -> memref<640xf32, #tpu.memory_space<hbm>>
      %dma_wait3A_1400 = tpu.memref_slice %arg21[%mul3A_249] : memref<10240xf32, #tpu.memory_space<vmem_shared>> -> memref<640xf32, #tpu.memory_space<vmem_shared>>
      tpu.wait_dma2 semaphore(%run_scoped3A_1396 : memref<!tpu.dma_semaphore, #tpu.memory_space<semaphore_mem>>) src(%dma_wait3A_1400 : memref<640xf32, #tpu.memory_space<vmem_shared>>) dst(%dma_wait3A_1399 : memref<640xf32, #tpu.memory_space<hbm>>)
      tpu.yield
    }) : () -> ()
    %barrier3A_921 = arith.constant 0 : index
    tpu.barrier barrier_id(%barrier3A_921)
    %ne3A = arith.constant 0 : i32
    "tpu.trace_start"() <{level = 10 : i32, message = "sync_cores"}> : () -> ()
    %ne3A_922 = arith.cmpi ne, %arg0, %ne3A : i32
    %convert_element_type3A = arith.extui %ne3A_922 : i1 to i32
    %cond3A = arith.constant 0 : i32
    %cond3A_923 = arith.cmpi ne, %convert_element_type3A, %cond3A : i32
    scf.if %cond3A_923 {
      %semaphore_signal3A = arith.constant 1 : i32
      %semaphore_signal3A_1396 = arith.constant 0 : i32
      tpu.sem_signal %arg24, %semaphore_signal3A core_id %semaphore_signal3A_1396 : memref<!tpu.semaphore, #tpu.memory_space<semaphore_mem>>
    } else {
    }
    %ne3A_924 = arith.constant 1 : i32
    %ne3A_925 = arith.cmpi ne, %arg0, %ne3A_924 : i32
    %convert_element_type3A_926 = arith.extui %ne3A_925 : i1 to i32
    %cond3A_927 = arith.constant 0 : i32
    %cond3A_928 = arith.cmpi ne, %convert_element_type3A_926, %cond3A_927 : i32
    scf.if %cond3A_928 {
      %semaphore_signal3A = arith.constant 1 : i32
      %semaphore_signal3A_1396 = arith.constant 1 : i32
      tpu.sem_signal %arg24, %semaphore_signal3A core_id %semaphore_signal3A_1396 : memref<!tpu.semaphore, #tpu.memory_space<semaphore_mem>>
    } else {
    }
    %semaphore_wait3A = arith.constant 1 : i32
    %semaphore_wait3A_929 = arith.constant true
    tpu.sem_wait %arg24, %semaphore_wait3A : memref<!tpu.semaphore, #tpu.memory_space<semaphore_mem>>
    "tpu.trace_stop"() : () -> ()
    %mul3A_930 = arith.constant 320 : i32
    %mul3A_931 = arith.muli %add3A, %mul3A_930 : i32
    "tpu.region"() ({
      %run_scoped3A_1396 = tpu.sem_alloc : memref<!tpu.dma_semaphore, #tpu.memory_space<semaphore_mem>>
      %dma_start3A_1397 = tpu.memref_slice %arg6[%mul3A_931] : memref<20480xf32, #tpu.memory_space<hbm>> -> memref<320xf32, #tpu.memory_space<hbm>>
      %dma_start3A_1398 = tpu.memref_slice %arg6[%mul3A_931] : memref<20480xf32, #tpu.memory_space<hbm>> -> memref<320xf32, #tpu.memory_space<hbm>>
      tpu.enqueue_dma source(%dma_start3A_1398 : memref<320xf32, #tpu.memory_space<hbm>>) target(%arg13 : memref<320xf32, #tpu.memory_space<vmem>>) target_semaphore(%run_scoped3A_1396 : memref<!tpu.dma_semaphore, #tpu.memory_space<semaphore_mem>>)
      %dma_wait3A_1399 = tpu.memref_slice %arg6[%mul3A_931] : memref<20480xf32, #tpu.memory_space<hbm>> -> memref<320xf32, #tpu.memory_space<hbm>>
      %dma_wait3A_1400 = tpu.memref_slice %arg6[%mul3A_931] : memref<20480xf32, #tpu.memory_space<hbm>> -> memref<320xf32, #tpu.memory_space<hbm>>
      tpu.wait_dma2 semaphore(%run_scoped3A_1396 : memref<!tpu.dma_semaphore, #tpu.memory_space<semaphore_mem>>) src(%dma_wait3A_1400 : memref<320xf32, #tpu.memory_space<hbm>>) dst(%arg13 : memref<320xf32, #tpu.memory_space<vmem>>)
      tpu.yield
    }) : () -> ()
    %add3A_932 = arith.constant 10240 : i32
    %add3A_933 = arith.addi %add3A_932, %mul3A_931 : i32
    "tpu.region"() ({
      %run_scoped3A_1396 = tpu.sem_alloc : memref<!tpu.dma_semaphore, #tpu.memory_space<semaphore_mem>>
      %dma_start3A_1397 = tpu.memref_slice %arg6[%add3A_933] : memref<20480xf32, #tpu.memory_space<hbm>> -> memref<320xf32, #tpu.memory_space<hbm>>
      %dma_start3A_1398 = tpu.memref_slice %arg6[%add3A_933] : memref<20480xf32, #tpu.memory_space<hbm>> -> memref<320xf32, #tpu.memory_space<hbm>>
      tpu.enqueue_dma source(%dma_start3A_1398 : memref<320xf32, #tpu.memory_space<hbm>>) target(%arg14 : memref<320xf32, #tpu.memory_space<vmem>>) target_semaphore(%run_scoped3A_1396 : memref<!tpu.dma_semaphore, #tpu.memory_space<semaphore_mem>>)
      %dma_wait3A_1399 = tpu.memref_slice %arg6[%add3A_933] : memref<20480xf32, #tpu.memory_space<hbm>> -> memref<320xf32, #tpu.memory_space<hbm>>
      %dma_wait3A_1400 = tpu.memref_slice %arg6[%add3A_933] : memref<20480xf32, #tpu.memory_space<hbm>> -> memref<320xf32, #tpu.memory_space<hbm>>
      tpu.wait_dma2 semaphore(%run_scoped3A_1396 : memref<!tpu.dma_semaphore, #tpu.memory_space<semaphore_mem>>) src(%dma_wait3A_1400 : memref<320xf32, #tpu.memory_space<hbm>>) dst(%arg14 : memref<320xf32, #tpu.memory_space<vmem>>)
      tpu.yield
    }) : () -> ()
    "tpu.region"() ({
      %run_scoped3A_1396 = tpu.sem_alloc : memref<!tpu.dma_semaphore, #tpu.memory_space<semaphore_mem>>
      %dma_start3A_1397 = tpu.memref_slice %arg7[%mul3A_931] : memref<20480xf32, #tpu.memory_space<hbm>> -> memref<320xf32, #tpu.memory_space<hbm>>
      %dma_start3A_1398 = tpu.memref_slice %arg7[%mul3A_931] : memref<20480xf32, #tpu.memory_space<hbm>> -> memref<320xf32, #tpu.memory_space<hbm>>
      tpu.enqueue_dma source(%dma_start3A_1398 : memref<320xf32, #tpu.memory_space<hbm>>) target(%arg15 : memref<320xf32, #tpu.memory_space<vmem>>) target_semaphore(%run_scoped3A_1396 : memref<!tpu.dma_semaphore, #tpu.memory_space<semaphore_mem>>)
      %dma_wait3A_1399 = tpu.memref_slice %arg7[%mul3A_931] : memref<20480xf32, #tpu.memory_space<hbm>> -> memref<320xf32, #tpu.memory_space<hbm>>
      %dma_wait3A_1400 = tpu.memref_slice %arg7[%mul3A_931] : memref<20480xf32, #tpu.memory_space<hbm>> -> memref<320xf32, #tpu.memory_space<hbm>>
      tpu.wait_dma2 semaphore(%run_scoped3A_1396 : memref<!tpu.dma_semaphore, #tpu.memory_space<semaphore_mem>>) src(%dma_wait3A_1400 : memref<320xf32, #tpu.memory_space<hbm>>) dst(%arg15 : memref<320xf32, #tpu.memory_space<vmem>>)
      tpu.yield
    }) : () -> ()
    %add3A_934 = arith.constant 10240 : i32
    %add3A_935 = arith.addi %add3A_934, %mul3A_931 : i32
    "tpu.region"() ({
      %run_scoped3A_1396 = tpu.sem_alloc : memref<!tpu.dma_semaphore, #tpu.memory_space<semaphore_mem>>
      %dma_start3A_1397 = tpu.memref_slice %arg7[%add3A_935] : memref<20480xf32, #tpu.memory_space<hbm>> -> memref<320xf32, #tpu.memory_space<hbm>>
      %dma_start3A_1398 = tpu.memref_slice %arg7[%add3A_935] : memref<20480xf32, #tpu.memory_space<hbm>> -> memref<320xf32, #tpu.memory_space<hbm>>
      tpu.enqueue_dma source(%dma_start3A_1398 : memref<320xf32, #tpu.memory_space<hbm>>) target(%arg16 : memref<320xf32, #tpu.memory_space<vmem>>) target_semaphore(%run_scoped3A_1396 : memref<!tpu.dma_semaphore, #tpu.memory_space<semaphore_mem>>)
      %dma_wait3A_1399 = tpu.memref_slice %arg7[%add3A_935] : memref<20480xf32, #tpu.memory_space<hbm>> -> memref<320xf32, #tpu.memory_space<hbm>>
      %dma_wait3A_1400 = tpu.memref_slice %arg7[%add3A_935] : memref<20480xf32, #tpu.memory_space<hbm>> -> memref<320xf32, #tpu.memory_space<hbm>>
      tpu.wait_dma2 semaphore(%run_scoped3A_1396 : memref<!tpu.dma_semaphore, #tpu.memory_space<semaphore_mem>>) src(%dma_wait3A_1400 : memref<320xf32, #tpu.memory_space<hbm>>) dst(%arg16 : memref<320xf32, #tpu.memory_space<vmem>>)
      tpu.yield
    }) : () -> ()
    "tpu.region"() ({
      %run_scoped3A_1396 = tpu.sem_alloc : memref<!tpu.dma_semaphore, #tpu.memory_space<semaphore_mem>>
      tpu.enqueue_dma source(%arg4 : memref<16xf32, #tpu.memory_space<hbm>>) target(%arg18 : memref<16xf32, #tpu.memory_space<vmem>>) target_semaphore(%run_scoped3A_1396 : memref<!tpu.dma_semaphore, #tpu.memory_space<semaphore_mem>>)
      tpu.wait_dma2 semaphore(%run_scoped3A_1396 : memref<!tpu.dma_semaphore, #tpu.memory_space<semaphore_mem>>) src(%arg4 : memref<16xf32, #tpu.memory_space<hbm>>) dst(%arg18 : memref<16xf32, #tpu.memory_space<vmem>>)
      tpu.yield
    }) : () -> ()
    %get3A = arith.constant 0 : index
    %get3A_936 = tpu.vector_load %arg18[%get3A] {strides = array<i32>} : memref<16xf32, #tpu.memory_space<vmem>>, vector<16xf32>,
    %get3A_937 = vector.shape_cast %get3A_936 : vector<16xf32> to vector<16xf32>
    %get3A_938 = arith.constant 0 : index
    %get3A_939 = tpu.vector_load %arg13[%get3A_938] {strides = array<i32>} : memref<320xf32, #tpu.memory_space<vmem>>, vector<16xf32>,
    %get3A_940 = vector.shape_cast %get3A_939 : vector<16xf32> to vector<16xf32>
    %get3A_941 = arith.constant 0 : index
    %get3A_942 = tpu.vector_load %arg14[%get3A_941] {strides = array<i32>} : memref<320xf32, #tpu.memory_space<vmem>>, vector<16xf32>,
    %get3A_943 = vector.shape_cast %get3A_942 : vector<16xf32> to vector<16xf32>
    %add3A_944 = arith.addf %get3A_940, %get3A_943 : vector<16xf32>
    %get3A_945 = arith.constant 0 : index
    %get3A_946 = tpu.vector_load %arg15[%get3A_945] {strides = array<i32>} : memref<320xf32, #tpu.memory_space<vmem>>, vector<16xf32>,
    %get3A_947 = vector.shape_cast %get3A_946 : vector<16xf32> to vector<16xf32>
    %get3A_948 = arith.constant 0 : index
    %get3A_949 = tpu.vector_load %arg16[%get3A_948] {strides = array<i32>} : memref<320xf32, #tpu.memory_space<vmem>>, vector<16xf32>,
    %get3A_950 = vector.shape_cast %get3A_949 : vector<16xf32> to vector<16xf32>
    %add3A_951 = arith.addf %get3A_947, %get3A_950 : vector<16xf32>
    %max3A = arith.constant 1.000000e+00 : f32
    %max3A_952 = vector.broadcast %max3A : f32 to vector<16xf32>
    %max3A_953 = arith.maximumf %add3A_951, %max3A_952 : vector<16xf32>
    %div3A = arith.divf %add3A_944, %max3A_953 : vector<16xf32>
    %add3A_954 = arith.addf %div3A, %get3A_937 : vector<16xf32>
    %swap3A_955 = arith.constant 0 : index
    %swap3A_956 = tpu.vector_load %arg17[%swap3A_955] {strides = array<i32>} : memref<320xf32, #tpu.memory_space<vmem>>, vector<16xf32>,
    %swap3A_957 = vector.shape_cast %swap3A_956 : vector<16xf32> to vector<16xf32>
    %swap3A_958 = vector.shape_cast %add3A_954 : vector<16xf32> to vector<16xf32>
    tpu.vector_store %arg17[%swap3A_955], %swap3A_958 {strides = array<i32>} : memref<320xf32, #tpu.memory_space<vmem>>, vector<16xf32>,
    %get3A_959 = arith.constant 16 : index
    %get3A_960 = tpu.vector_load %arg13[%get3A_959] {strides = array<i32>} : memref<320xf32, #tpu.memory_space<vmem>>, vector<16xf32>,
    %get3A_961 = vector.shape_cast %get3A_960 : vector<16xf32> to vector<16xf32>
    %get3A_962 = arith.constant 16 : index
    %get3A_963 = tpu.vector_load %arg14[%get3A_962] {strides = array<i32>} : memref<320xf32, #tpu.memory_space<vmem>>, vector<16xf32>,
    %get3A_964 = vector.shape_cast %get3A_963 : vector<16xf32> to vector<16xf32>
    %add3A_965 = arith.addf %get3A_961, %get3A_964 : vector<16xf32>
    %get3A_966 = arith.constant 16 : index
    %get3A_967 = tpu.vector_load %arg15[%get3A_966] {strides = array<i32>} : memref<320xf32, #tpu.memory_space<vmem>>, vector<16xf32>,
    %get3A_968 = vector.shape_cast %get3A_967 : vector<16xf32> to vector<16xf32>
    %get3A_969 = arith.constant 16 : index
    %get3A_970 = tpu.vector_load %arg16[%get3A_969] {strides = array<i32>} : memref<320xf32, #tpu.memory_space<vmem>>, vector<16xf32>,
    %get3A_971 = vector.shape_cast %get3A_970 : vector<16xf32> to vector<16xf32>
    %add3A_972 = arith.addf %get3A_968, %get3A_971 : vector<16xf32>
    %max3A_973 = arith.constant 1.000000e+00 : f32
    %max3A_974 = vector.broadcast %max3A_973 : f32 to vector<16xf32>
    %max3A_975 = arith.maximumf %add3A_972, %max3A_974 : vector<16xf32>
    %div3A_976 = arith.divf %add3A_965, %max3A_975 : vector<16xf32>
    %add3A_977 = arith.addf %div3A_976, %get3A_937 : vector<16xf32>
    %swap3A_978 = arith.constant 16 : index
    %swap3A_979 = tpu.vector_load %arg17[%swap3A_978] {strides = array<i32>} : memref<320xf32, #tpu.memory_space<vmem>>, vector<16xf32>,
    %swap3A_980 = vector.shape_cast %swap3A_979 : vector<16xf32> to vector<16xf32>
    %swap3A_981 = vector.shape_cast %add3A_977 : vector<16xf32> to vector<16xf32>
    tpu.vector_store %arg17[%swap3A_978], %swap3A_981 {strides = array<i32>} : memref<320xf32, #tpu.memory_space<vmem>>, vector<16xf32>,
    %get3A_982 = arith.constant 32 : index
    %get3A_983 = tpu.vector_load %arg13[%get3A_982] {strides = array<i32>} : memref<320xf32, #tpu.memory_space<vmem>>, vector<16xf32>,
    %get3A_984 = vector.shape_cast %get3A_983 : vector<16xf32> to vector<16xf32>
    %get3A_985 = arith.constant 32 : index
    %get3A_986 = tpu.vector_load %arg14[%get3A_985] {strides = array<i32>} : memref<320xf32, #tpu.memory_space<vmem>>, vector<16xf32>,
    %get3A_987 = vector.shape_cast %get3A_986 : vector<16xf32> to vector<16xf32>
    %add3A_988 = arith.addf %get3A_984, %get3A_987 : vector<16xf32>
    %get3A_989 = arith.constant 32 : index
    %get3A_990 = tpu.vector_load %arg15[%get3A_989] {strides = array<i32>} : memref<320xf32, #tpu.memory_space<vmem>>, vector<16xf32>,
    %get3A_991 = vector.shape_cast %get3A_990 : vector<16xf32> to vector<16xf32>
    %get3A_992 = arith.constant 32 : index
    %get3A_993 = tpu.vector_load %arg16[%get3A_992] {strides = array<i32>} : memref<320xf32, #tpu.memory_space<vmem>>, vector<16xf32>,
    %get3A_994 = vector.shape_cast %get3A_993 : vector<16xf32> to vector<16xf32>
    %add3A_995 = arith.addf %get3A_991, %get3A_994 : vector<16xf32>
    %max3A_996 = arith.constant 1.000000e+00 : f32
    %max3A_997 = vector.broadcast %max3A_996 : f32 to vector<16xf32>
    %max3A_998 = arith.maximumf %add3A_995, %max3A_997 : vector<16xf32>
    %div3A_999 = arith.divf %add3A_988, %max3A_998 : vector<16xf32>
    %add3A_1000 = arith.addf %div3A_999, %get3A_937 : vector<16xf32>
    %swap3A_1001 = arith.constant 32 : index
    %swap3A_1002 = tpu.vector_load %arg17[%swap3A_1001] {strides = array<i32>} : memref<320xf32, #tpu.memory_space<vmem>>, vector<16xf32>,
    %swap3A_1003 = vector.shape_cast %swap3A_1002 : vector<16xf32> to vector<16xf32>
    %swap3A_1004 = vector.shape_cast %add3A_1000 : vector<16xf32> to vector<16xf32>
    tpu.vector_store %arg17[%swap3A_1001], %swap3A_1004 {strides = array<i32>} : memref<320xf32, #tpu.memory_space<vmem>>, vector<16xf32>,
    %get3A_1005 = arith.constant 48 : index
    %get3A_1006 = tpu.vector_load %arg13[%get3A_1005] {strides = array<i32>} : memref<320xf32, #tpu.memory_space<vmem>>, vector<16xf32>,
    %get3A_1007 = vector.shape_cast %get3A_1006 : vector<16xf32> to vector<16xf32>
    %get3A_1008 = arith.constant 48 : index
    %get3A_1009 = tpu.vector_load %arg14[%get3A_1008] {strides = array<i32>} : memref<320xf32, #tpu.memory_space<vmem>>, vector<16xf32>,
    %get3A_1010 = vector.shape_cast %get3A_1009 : vector<16xf32> to vector<16xf32>
    %add3A_1011 = arith.addf %get3A_1007, %get3A_1010 : vector<16xf32>
    %get3A_1012 = arith.constant 48 : index
    %get3A_1013 = tpu.vector_load %arg15[%get3A_1012] {strides = array<i32>} : memref<320xf32, #tpu.memory_space<vmem>>, vector<16xf32>,
    %get3A_1014 = vector.shape_cast %get3A_1013 : vector<16xf32> to vector<16xf32>
    %get3A_1015 = arith.constant 48 : index
    %get3A_1016 = tpu.vector_load %arg16[%get3A_1015] {strides = array<i32>} : memref<320xf32, #tpu.memory_space<vmem>>, vector<16xf32>,
    %get3A_1017 = vector.shape_cast %get3A_1016 : vector<16xf32> to vector<16xf32>
    %add3A_1018 = arith.addf %get3A_1014, %get3A_1017 : vector<16xf32>
    %max3A_1019 = arith.constant 1.000000e+00 : f32
    %max3A_1020 = vector.broadcast %max3A_1019 : f32 to vector<16xf32>
    %max3A_1021 = arith.maximumf %add3A_1018, %max3A_1020 : vector<16xf32>
    %div3A_1022 = arith.divf %add3A_1011, %max3A_1021 : vector<16xf32>
    %add3A_1023 = arith.addf %div3A_1022, %get3A_937 : vector<16xf32>
    %swap3A_1024 = arith.constant 48 : index
    %swap3A_1025 = tpu.vector_load %arg17[%swap3A_1024] {strides = array<i32>} : memref<320xf32, #tpu.memory_space<vmem>>, vector<16xf32>,
    %swap3A_1026 = vector.shape_cast %swap3A_1025 : vector<16xf32> to vector<16xf32>
    %swap3A_1027 = vector.shape_cast %add3A_1023 : vector<16xf32> to vector<16xf32>
    tpu.vector_store %arg17[%swap3A_1024], %swap3A_1027 {strides = array<i32>} : memref<320xf32, #tpu.memory_space<vmem>>, vector<16xf32>,
    %get3A_1028 = arith.constant 64 : index
    %get3A_1029 = tpu.vector_load %arg13[%get3A_1028] {strides = array<i32>} : memref<320xf32, #tpu.memory_space<vmem>>, vector<16xf32>,
    %get3A_1030 = vector.shape_cast %get3A_1029 : vector<16xf32> to vector<16xf32>
    %get3A_1031 = arith.constant 64 : index
    %get3A_1032 = tpu.vector_load %arg14[%get3A_1031] {strides = array<i32>} : memref<320xf32, #tpu.memory_space<vmem>>, vector<16xf32>,
    %get3A_1033 = vector.shape_cast %get3A_1032 : vector<16xf32> to vector<16xf32>
    %add3A_1034 = arith.addf %get3A_1030, %get3A_1033 : vector<16xf32>
    %get3A_1035 = arith.constant 64 : index
    %get3A_1036 = tpu.vector_load %arg15[%get3A_1035] {strides = array<i32>} : memref<320xf32, #tpu.memory_space<vmem>>, vector<16xf32>,
    %get3A_1037 = vector.shape_cast %get3A_1036 : vector<16xf32> to vector<16xf32>
    %get3A_1038 = arith.constant 64 : index
    %get3A_1039 = tpu.vector_load %arg16[%get3A_1038] {strides = array<i32>} : memref<320xf32, #tpu.memory_space<vmem>>, vector<16xf32>,
    %get3A_1040 = vector.shape_cast %get3A_1039 : vector<16xf32> to vector<16xf32>
    %add3A_1041 = arith.addf %get3A_1037, %get3A_1040 : vector<16xf32>
    %max3A_1042 = arith.constant 1.000000e+00 : f32
    %max3A_1043 = vector.broadcast %max3A_1042 : f32 to vector<16xf32>
    %max3A_1044 = arith.maximumf %add3A_1041, %max3A_1043 : vector<16xf32>
    %div3A_1045 = arith.divf %add3A_1034, %max3A_1044 : vector<16xf32>
    %add3A_1046 = arith.addf %div3A_1045, %get3A_937 : vector<16xf32>
    %swap3A_1047 = arith.constant 64 : index
    %swap3A_1048 = tpu.vector_load %arg17[%swap3A_1047] {strides = array<i32>} : memref<320xf32, #tpu.memory_space<vmem>>, vector<16xf32>,
    %swap3A_1049 = vector.shape_cast %swap3A_1048 : vector<16xf32> to vector<16xf32>
    %swap3A_1050 = vector.shape_cast %add3A_1046 : vector<16xf32> to vector<16xf32>
    tpu.vector_store %arg17[%swap3A_1047], %swap3A_1050 {strides = array<i32>} : memref<320xf32, #tpu.memory_space<vmem>>, vector<16xf32>,
    %get3A_1051 = arith.constant 80 : index
    %get3A_1052 = tpu.vector_load %arg13[%get3A_1051] {strides = array<i32>} : memref<320xf32, #tpu.memory_space<vmem>>, vector<16xf32>,
    %get3A_1053 = vector.shape_cast %get3A_1052 : vector<16xf32> to vector<16xf32>
    %get3A_1054 = arith.constant 80 : index
    %get3A_1055 = tpu.vector_load %arg14[%get3A_1054] {strides = array<i32>} : memref<320xf32, #tpu.memory_space<vmem>>, vector<16xf32>,
    %get3A_1056 = vector.shape_cast %get3A_1055 : vector<16xf32> to vector<16xf32>
    %add3A_1057 = arith.addf %get3A_1053, %get3A_1056 : vector<16xf32>
    %get3A_1058 = arith.constant 80 : index
    %get3A_1059 = tpu.vector_load %arg15[%get3A_1058] {strides = array<i32>} : memref<320xf32, #tpu.memory_space<vmem>>, vector<16xf32>,
    %get3A_1060 = vector.shape_cast %get3A_1059 : vector<16xf32> to vector<16xf32>
    %get3A_1061 = arith.constant 80 : index
    %get3A_1062 = tpu.vector_load %arg16[%get3A_1061] {strides = array<i32>} : memref<320xf32, #tpu.memory_space<vmem>>, vector<16xf32>,
    %get3A_1063 = vector.shape_cast %get3A_1062 : vector<16xf32> to vector<16xf32>
    %add3A_1064 = arith.addf %get3A_1060, %get3A_1063 : vector<16xf32>
    %max3A_1065 = arith.constant 1.000000e+00 : f32
    %max3A_1066 = vector.broadcast %max3A_1065 : f32 to vector<16xf32>
    %max3A_1067 = arith.maximumf %add3A_1064, %max3A_1066 : vector<16xf32>
    %div3A_1068 = arith.divf %add3A_1057, %max3A_1067 : vector<16xf32>
    %add3A_1069 = arith.addf %div3A_1068, %get3A_937 : vector<16xf32>
    %swap3A_1070 = arith.constant 80 : index
    %swap3A_1071 = tpu.vector_load %arg17[%swap3A_1070] {strides = array<i32>} : memref<320xf32, #tpu.memory_space<vmem>>, vector<16xf32>,
    %swap3A_1072 = vector.shape_cast %swap3A_1071 : vector<16xf32> to vector<16xf32>
    %swap3A_1073 = vector.shape_cast %add3A_1069 : vector<16xf32> to vector<16xf32>
    tpu.vector_store %arg17[%swap3A_1070], %swap3A_1073 {strides = array<i32>} : memref<320xf32, #tpu.memory_space<vmem>>, vector<16xf32>,
    %get3A_1074 = arith.constant 96 : index
    %get3A_1075 = tpu.vector_load %arg13[%get3A_1074] {strides = array<i32>} : memref<320xf32, #tpu.memory_space<vmem>>, vector<16xf32>,
    %get3A_1076 = vector.shape_cast %get3A_1075 : vector<16xf32> to vector<16xf32>
    %get3A_1077 = arith.constant 96 : index
    %get3A_1078 = tpu.vector_load %arg14[%get3A_1077] {strides = array<i32>} : memref<320xf32, #tpu.memory_space<vmem>>, vector<16xf32>,
    %get3A_1079 = vector.shape_cast %get3A_1078 : vector<16xf32> to vector<16xf32>
    %add3A_1080 = arith.addf %get3A_1076, %get3A_1079 : vector<16xf32>
    %get3A_1081 = arith.constant 96 : index
    %get3A_1082 = tpu.vector_load %arg15[%get3A_1081] {strides = array<i32>} : memref<320xf32, #tpu.memory_space<vmem>>, vector<16xf32>,
    %get3A_1083 = vector.shape_cast %get3A_1082 : vector<16xf32> to vector<16xf32>
    %get3A_1084 = arith.constant 96 : index
    %get3A_1085 = tpu.vector_load %arg16[%get3A_1084] {strides = array<i32>} : memref<320xf32, #tpu.memory_space<vmem>>, vector<16xf32>,
    %get3A_1086 = vector.shape_cast %get3A_1085 : vector<16xf32> to vector<16xf32>
    %add3A_1087 = arith.addf %get3A_1083, %get3A_1086 : vector<16xf32>
    %max3A_1088 = arith.constant 1.000000e+00 : f32
    %max3A_1089 = vector.broadcast %max3A_1088 : f32 to vector<16xf32>
    %max3A_1090 = arith.maximumf %add3A_1087, %max3A_1089 : vector<16xf32>
    %div3A_1091 = arith.divf %add3A_1080, %max3A_1090 : vector<16xf32>
    %add3A_1092 = arith.addf %div3A_1091, %get3A_937 : vector<16xf32>
    %swap3A_1093 = arith.constant 96 : index
    %swap3A_1094 = tpu.vector_load %arg17[%swap3A_1093] {strides = array<i32>} : memref<320xf32, #tpu.memory_space<vmem>>, vector<16xf32>,
    %swap3A_1095 = vector.shape_cast %swap3A_1094 : vector<16xf32> to vector<16xf32>
    %swap3A_1096 = vector.shape_cast %add3A_1092 : vector<16xf32> to vector<16xf32>
    tpu.vector_store %arg17[%swap3A_1093], %swap3A_1096 {strides = array<i32>} : memref<320xf32, #tpu.memory_space<vmem>>, vector<16xf32>,
    %get3A_1097 = arith.constant 112 : index
    %get3A_1098 = tpu.vector_load %arg13[%get3A_1097] {strides = array<i32>} : memref<320xf32, #tpu.memory_space<vmem>>, vector<16xf32>,
    %get3A_1099 = vector.shape_cast %get3A_1098 : vector<16xf32> to vector<16xf32>
    %get3A_1100 = arith.constant 112 : index
    %get3A_1101 = tpu.vector_load %arg14[%get3A_1100] {strides = array<i32>} : memref<320xf32, #tpu.memory_space<vmem>>, vector<16xf32>,
    %get3A_1102 = vector.shape_cast %get3A_1101 : vector<16xf32> to vector<16xf32>
    %add3A_1103 = arith.addf %get3A_1099, %get3A_1102 : vector<16xf32>
    %get3A_1104 = arith.constant 112 : index
    %get3A_1105 = tpu.vector_load %arg15[%get3A_1104] {strides = array<i32>} : memref<320xf32, #tpu.memory_space<vmem>>, vector<16xf32>,
    %get3A_1106 = vector.shape_cast %get3A_1105 : vector<16xf32> to vector<16xf32>
    %get3A_1107 = arith.constant 112 : index
    %get3A_1108 = tpu.vector_load %arg16[%get3A_1107] {strides = array<i32>} : memref<320xf32, #tpu.memory_space<vmem>>, vector<16xf32>,
    %get3A_1109 = vector.shape_cast %get3A_1108 : vector<16xf32> to vector<16xf32>
    %add3A_1110 = arith.addf %get3A_1106, %get3A_1109 : vector<16xf32>
    %max3A_1111 = arith.constant 1.000000e+00 : f32
    %max3A_1112 = vector.broadcast %max3A_1111 : f32 to vector<16xf32>
    %max3A_1113 = arith.maximumf %add3A_1110, %max3A_1112 : vector<16xf32>
    %div3A_1114 = arith.divf %add3A_1103, %max3A_1113 : vector<16xf32>
    %add3A_1115 = arith.addf %div3A_1114, %get3A_937 : vector<16xf32>
    %swap3A_1116 = arith.constant 112 : index
    %swap3A_1117 = tpu.vector_load %arg17[%swap3A_1116] {strides = array<i32>} : memref<320xf32, #tpu.memory_space<vmem>>, vector<16xf32>,
    %swap3A_1118 = vector.shape_cast %swap3A_1117 : vector<16xf32> to vector<16xf32>
    %swap3A_1119 = vector.shape_cast %add3A_1115 : vector<16xf32> to vector<16xf32>
    tpu.vector_store %arg17[%swap3A_1116], %swap3A_1119 {strides = array<i32>} : memref<320xf32, #tpu.memory_space<vmem>>, vector<16xf32>,
    %get3A_1120 = arith.constant 128 : index
    %get3A_1121 = tpu.vector_load %arg13[%get3A_1120] {strides = array<i32>} : memref<320xf32, #tpu.memory_space<vmem>>, vector<16xf32>,
    %get3A_1122 = vector.shape_cast %get3A_1121 : vector<16xf32> to vector<16xf32>
    %get3A_1123 = arith.constant 128 : index
    %get3A_1124 = tpu.vector_load %arg14[%get3A_1123] {strides = array<i32>} : memref<320xf32, #tpu.memory_space<vmem>>, vector<16xf32>,
    %get3A_1125 = vector.shape_cast %get3A_1124 : vector<16xf32> to vector<16xf32>
    %add3A_1126 = arith.addf %get3A_1122, %get3A_1125 : vector<16xf32>
    %get3A_1127 = arith.constant 128 : index
    %get3A_1128 = tpu.vector_load %arg15[%get3A_1127] {strides = array<i32>} : memref<320xf32, #tpu.memory_space<vmem>>, vector<16xf32>,
    %get3A_1129 = vector.shape_cast %get3A_1128 : vector<16xf32> to vector<16xf32>
    %get3A_1130 = arith.constant 128 : index
    %get3A_1131 = tpu.vector_load %arg16[%get3A_1130] {strides = array<i32>} : memref<320xf32, #tpu.memory_space<vmem>>, vector<16xf32>,
    %get3A_1132 = vector.shape_cast %get3A_1131 : vector<16xf32> to vector<16xf32>
    %add3A_1133 = arith.addf %get3A_1129, %get3A_1132 : vector<16xf32>
    %max3A_1134 = arith.constant 1.000000e+00 : f32
    %max3A_1135 = vector.broadcast %max3A_1134 : f32 to vector<16xf32>
    %max3A_1136 = arith.maximumf %add3A_1133, %max3A_1135 : vector<16xf32>
    %div3A_1137 = arith.divf %add3A_1126, %max3A_1136 : vector<16xf32>
    %add3A_1138 = arith.addf %div3A_1137, %get3A_937 : vector<16xf32>
    %swap3A_1139 = arith.constant 128 : index
    %swap3A_1140 = tpu.vector_load %arg17[%swap3A_1139] {strides = array<i32>} : memref<320xf32, #tpu.memory_space<vmem>>, vector<16xf32>,
    %swap3A_1141 = vector.shape_cast %swap3A_1140 : vector<16xf32> to vector<16xf32>
    %swap3A_1142 = vector.shape_cast %add3A_1138 : vector<16xf32> to vector<16xf32>
    tpu.vector_store %arg17[%swap3A_1139], %swap3A_1142 {strides = array<i32>} : memref<320xf32, #tpu.memory_space<vmem>>, vector<16xf32>,
    %get3A_1143 = arith.constant 144 : index
    %get3A_1144 = tpu.vector_load %arg13[%get3A_1143] {strides = array<i32>} : memref<320xf32, #tpu.memory_space<vmem>>, vector<16xf32>,
    %get3A_1145 = vector.shape_cast %get3A_1144 : vector<16xf32> to vector<16xf32>
    %get3A_1146 = arith.constant 144 : index
    %get3A_1147 = tpu.vector_load %arg14[%get3A_1146] {strides = array<i32>} : memref<320xf32, #tpu.memory_space<vmem>>, vector<16xf32>,
    %get3A_1148 = vector.shape_cast %get3A_1147 : vector<16xf32> to vector<16xf32>
    %add3A_1149 = arith.addf %get3A_1145, %get3A_1148 : vector<16xf32>
    %get3A_1150 = arith.constant 144 : index
    %get3A_1151 = tpu.vector_load %arg15[%get3A_1150] {strides = array<i32>} : memref<320xf32, #tpu.memory_space<vmem>>, vector<16xf32>,
    %get3A_1152 = vector.shape_cast %get3A_1151 : vector<16xf32> to vector<16xf32>
    %get3A_1153 = arith.constant 144 : index
    %get3A_1154 = tpu.vector_load %arg16[%get3A_1153] {strides = array<i32>} : memref<320xf32, #tpu.memory_space<vmem>>, vector<16xf32>,
    %get3A_1155 = vector.shape_cast %get3A_1154 : vector<16xf32> to vector<16xf32>
    %add3A_1156 = arith.addf %get3A_1152, %get3A_1155 : vector<16xf32>
    %max3A_1157 = arith.constant 1.000000e+00 : f32
    %max3A_1158 = vector.broadcast %max3A_1157 : f32 to vector<16xf32>
    %max3A_1159 = arith.maximumf %add3A_1156, %max3A_1158 : vector<16xf32>
    %div3A_1160 = arith.divf %add3A_1149, %max3A_1159 : vector<16xf32>
    %add3A_1161 = arith.addf %div3A_1160, %get3A_937 : vector<16xf32>
    %swap3A_1162 = arith.constant 144 : index
    %swap3A_1163 = tpu.vector_load %arg17[%swap3A_1162] {strides = array<i32>} : memref<320xf32, #tpu.memory_space<vmem>>, vector<16xf32>,
    %swap3A_1164 = vector.shape_cast %swap3A_1163 : vector<16xf32> to vector<16xf32>
    %swap3A_1165 = vector.shape_cast %add3A_1161 : vector<16xf32> to vector<16xf32>
    tpu.vector_store %arg17[%swap3A_1162], %swap3A_1165 {strides = array<i32>} : memref<320xf32, #tpu.memory_space<vmem>>, vector<16xf32>,
    %get3A_1166 = arith.constant 160 : index
    %get3A_1167 = tpu.vector_load %arg13[%get3A_1166] {strides = array<i32>} : memref<320xf32, #tpu.memory_space<vmem>>, vector<16xf32>,
    %get3A_1168 = vector.shape_cast %get3A_1167 : vector<16xf32> to vector<16xf32>
    %get3A_1169 = arith.constant 160 : index
    %get3A_1170 = tpu.vector_load %arg14[%get3A_1169] {strides = array<i32>} : memref<320xf32, #tpu.memory_space<vmem>>, vector<16xf32>,
    %get3A_1171 = vector.shape_cast %get3A_1170 : vector<16xf32> to vector<16xf32>
    %add3A_1172 = arith.addf %get3A_1168, %get3A_1171 : vector<16xf32>
    %get3A_1173 = arith.constant 160 : index
    %get3A_1174 = tpu.vector_load %arg15[%get3A_1173] {strides = array<i32>} : memref<320xf32, #tpu.memory_space<vmem>>, vector<16xf32>,
    %get3A_1175 = vector.shape_cast %get3A_1174 : vector<16xf32> to vector<16xf32>
    %get3A_1176 = arith.constant 160 : index
    %get3A_1177 = tpu.vector_load %arg16[%get3A_1176] {strides = array<i32>} : memref<320xf32, #tpu.memory_space<vmem>>, vector<16xf32>,
    %get3A_1178 = vector.shape_cast %get3A_1177 : vector<16xf32> to vector<16xf32>
    %add3A_1179 = arith.addf %get3A_1175, %get3A_1178 : vector<16xf32>
    %max3A_1180 = arith.constant 1.000000e+00 : f32
    %max3A_1181 = vector.broadcast %max3A_1180 : f32 to vector<16xf32>
    %max3A_1182 = arith.maximumf %add3A_1179, %max3A_1181 : vector<16xf32>
    %div3A_1183 = arith.divf %add3A_1172, %max3A_1182 : vector<16xf32>
    %add3A_1184 = arith.addf %div3A_1183, %get3A_937 : vector<16xf32>
    %swap3A_1185 = arith.constant 160 : index
    %swap3A_1186 = tpu.vector_load %arg17[%swap3A_1185] {strides = array<i32>} : memref<320xf32, #tpu.memory_space<vmem>>, vector<16xf32>,
    %swap3A_1187 = vector.shape_cast %swap3A_1186 : vector<16xf32> to vector<16xf32>
    %swap3A_1188 = vector.shape_cast %add3A_1184 : vector<16xf32> to vector<16xf32>
    tpu.vector_store %arg17[%swap3A_1185], %swap3A_1188 {strides = array<i32>} : memref<320xf32, #tpu.memory_space<vmem>>, vector<16xf32>,
    %get3A_1189 = arith.constant 176 : index
    %get3A_1190 = tpu.vector_load %arg13[%get3A_1189] {strides = array<i32>} : memref<320xf32, #tpu.memory_space<vmem>>, vector<16xf32>,
    %get3A_1191 = vector.shape_cast %get3A_1190 : vector<16xf32> to vector<16xf32>
    %get3A_1192 = arith.constant 176 : index
    %get3A_1193 = tpu.vector_load %arg14[%get3A_1192] {strides = array<i32>} : memref<320xf32, #tpu.memory_space<vmem>>, vector<16xf32>,
    %get3A_1194 = vector.shape_cast %get3A_1193 : vector<16xf32> to vector<16xf32>
    %add3A_1195 = arith.addf %get3A_1191, %get3A_1194 : vector<16xf32>
    %get3A_1196 = arith.constant 176 : index
    %get3A_1197 = tpu.vector_load %arg15[%get3A_1196] {strides = array<i32>} : memref<320xf32, #tpu.memory_space<vmem>>, vector<16xf32>,
    %get3A_1198 = vector.shape_cast %get3A_1197 : vector<16xf32> to vector<16xf32>
    %get3A_1199 = arith.constant 176 : index
    %get3A_1200 = tpu.vector_load %arg16[%get3A_1199] {strides = array<i32>} : memref<320xf32, #tpu.memory_space<vmem>>, vector<16xf32>,
    %get3A_1201 = vector.shape_cast %get3A_1200 : vector<16xf32> to vector<16xf32>
    %add3A_1202 = arith.addf %get3A_1198, %get3A_1201 : vector<16xf32>
    %max3A_1203 = arith.constant 1.000000e+00 : f32
    %max3A_1204 = vector.broadcast %max3A_1203 : f32 to vector<16xf32>
    %max3A_1205 = arith.maximumf %add3A_1202, %max3A_1204 : vector<16xf32>
    %div3A_1206 = arith.divf %add3A_1195, %max3A_1205 : vector<16xf32>
    %add3A_1207 = arith.addf %div3A_1206, %get3A_937 : vector<16xf32>
    %swap3A_1208 = arith.constant 176 : index
    %swap3A_1209 = tpu.vector_load %arg17[%swap3A_1208] {strides = array<i32>} : memref<320xf32, #tpu.memory_space<vmem>>, vector<16xf32>,
    %swap3A_1210 = vector.shape_cast %swap3A_1209 : vector<16xf32> to vector<16xf32>
    %swap3A_1211 = vector.shape_cast %add3A_1207 : vector<16xf32> to vector<16xf32>
    tpu.vector_store %arg17[%swap3A_1208], %swap3A_1211 {strides = array<i32>} : memref<320xf32, #tpu.memory_space<vmem>>, vector<16xf32>,
    %get3A_1212 = arith.constant 192 : index
    %get3A_1213 = tpu.vector_load %arg13[%get3A_1212] {strides = array<i32>} : memref<320xf32, #tpu.memory_space<vmem>>, vector<16xf32>,
    %get3A_1214 = vector.shape_cast %get3A_1213 : vector<16xf32> to vector<16xf32>
    %get3A_1215 = arith.constant 192 : index
    %get3A_1216 = tpu.vector_load %arg14[%get3A_1215] {strides = array<i32>} : memref<320xf32, #tpu.memory_space<vmem>>, vector<16xf32>,
    %get3A_1217 = vector.shape_cast %get3A_1216 : vector<16xf32> to vector<16xf32>
    %add3A_1218 = arith.addf %get3A_1214, %get3A_1217 : vector<16xf32>
    %get3A_1219 = arith.constant 192 : index
    %get3A_1220 = tpu.vector_load %arg15[%get3A_1219] {strides = array<i32>} : memref<320xf32, #tpu.memory_space<vmem>>, vector<16xf32>,
    %get3A_1221 = vector.shape_cast %get3A_1220 : vector<16xf32> to vector<16xf32>
    %get3A_1222 = arith.constant 192 : index
    %get3A_1223 = tpu.vector_load %arg16[%get3A_1222] {strides = array<i32>} : memref<320xf32, #tpu.memory_space<vmem>>, vector<16xf32>,
    %get3A_1224 = vector.shape_cast %get3A_1223 : vector<16xf32> to vector<16xf32>
    %add3A_1225 = arith.addf %get3A_1221, %get3A_1224 : vector<16xf32>
    %max3A_1226 = arith.constant 1.000000e+00 : f32
    %max3A_1227 = vector.broadcast %max3A_1226 : f32 to vector<16xf32>
    %max3A_1228 = arith.maximumf %add3A_1225, %max3A_1227 : vector<16xf32>
    %div3A_1229 = arith.divf %add3A_1218, %max3A_1228 : vector<16xf32>
    %add3A_1230 = arith.addf %div3A_1229, %get3A_937 : vector<16xf32>
    %swap3A_1231 = arith.constant 192 : index
    %swap3A_1232 = tpu.vector_load %arg17[%swap3A_1231] {strides = array<i32>} : memref<320xf32, #tpu.memory_space<vmem>>, vector<16xf32>,
    %swap3A_1233 = vector.shape_cast %swap3A_1232 : vector<16xf32> to vector<16xf32>
    %swap3A_1234 = vector.shape_cast %add3A_1230 : vector<16xf32> to vector<16xf32>
    tpu.vector_store %arg17[%swap3A_1231], %swap3A_1234 {strides = array<i32>} : memref<320xf32, #tpu.memory_space<vmem>>, vector<16xf32>,
    %get3A_1235 = arith.constant 208 : index
    %get3A_1236 = tpu.vector_load %arg13[%get3A_1235] {strides = array<i32>} : memref<320xf32, #tpu.memory_space<vmem>>, vector<16xf32>,
    %get3A_1237 = vector.shape_cast %get3A_1236 : vector<16xf32> to vector<16xf32>
    %get3A_1238 = arith.constant 208 : index
    %get3A_1239 = tpu.vector_load %arg14[%get3A_1238] {strides = array<i32>} : memref<320xf32, #tpu.memory_space<vmem>>, vector<16xf32>,
    %get3A_1240 = vector.shape_cast %get3A_1239 : vector<16xf32> to vector<16xf32>
    %add3A_1241 = arith.addf %get3A_1237, %get3A_1240 : vector<16xf32>
    %get3A_1242 = arith.constant 208 : index
    %get3A_1243 = tpu.vector_load %arg15[%get3A_1242] {strides = array<i32>} : memref<320xf32, #tpu.memory_space<vmem>>, vector<16xf32>,
    %get3A_1244 = vector.shape_cast %get3A_1243 : vector<16xf32> to vector<16xf32>
    %get3A_1245 = arith.constant 208 : index
    %get3A_1246 = tpu.vector_load %arg16[%get3A_1245] {strides = array<i32>} : memref<320xf32, #tpu.memory_space<vmem>>, vector<16xf32>,
    %get3A_1247 = vector.shape_cast %get3A_1246 : vector<16xf32> to vector<16xf32>
    %add3A_1248 = arith.addf %get3A_1244, %get3A_1247 : vector<16xf32>
    %max3A_1249 = arith.constant 1.000000e+00 : f32
    %max3A_1250 = vector.broadcast %max3A_1249 : f32 to vector<16xf32>
    %max3A_1251 = arith.maximumf %add3A_1248, %max3A_1250 : vector<16xf32>
    %div3A_1252 = arith.divf %add3A_1241, %max3A_1251 : vector<16xf32>
    %add3A_1253 = arith.addf %div3A_1252, %get3A_937 : vector<16xf32>
    %swap3A_1254 = arith.constant 208 : index
    %swap3A_1255 = tpu.vector_load %arg17[%swap3A_1254] {strides = array<i32>} : memref<320xf32, #tpu.memory_space<vmem>>, vector<16xf32>,
    %swap3A_1256 = vector.shape_cast %swap3A_1255 : vector<16xf32> to vector<16xf32>
    %swap3A_1257 = vector.shape_cast %add3A_1253 : vector<16xf32> to vector<16xf32>
    tpu.vector_store %arg17[%swap3A_1254], %swap3A_1257 {strides = array<i32>} : memref<320xf32, #tpu.memory_space<vmem>>, vector<16xf32>,
    %get3A_1258 = arith.constant 224 : index
    %get3A_1259 = tpu.vector_load %arg13[%get3A_1258] {strides = array<i32>} : memref<320xf32, #tpu.memory_space<vmem>>, vector<16xf32>,
    %get3A_1260 = vector.shape_cast %get3A_1259 : vector<16xf32> to vector<16xf32>
    %get3A_1261 = arith.constant 224 : index
    %get3A_1262 = tpu.vector_load %arg14[%get3A_1261] {strides = array<i32>} : memref<320xf32, #tpu.memory_space<vmem>>, vector<16xf32>,
    %get3A_1263 = vector.shape_cast %get3A_1262 : vector<16xf32> to vector<16xf32>
    %add3A_1264 = arith.addf %get3A_1260, %get3A_1263 : vector<16xf32>
    %get3A_1265 = arith.constant 224 : index
    %get3A_1266 = tpu.vector_load %arg15[%get3A_1265] {strides = array<i32>} : memref<320xf32, #tpu.memory_space<vmem>>, vector<16xf32>,
    %get3A_1267 = vector.shape_cast %get3A_1266 : vector<16xf32> to vector<16xf32>
    %get3A_1268 = arith.constant 224 : index
    %get3A_1269 = tpu.vector_load %arg16[%get3A_1268] {strides = array<i32>} : memref<320xf32, #tpu.memory_space<vmem>>, vector<16xf32>,
    %get3A_1270 = vector.shape_cast %get3A_1269 : vector<16xf32> to vector<16xf32>
    %add3A_1271 = arith.addf %get3A_1267, %get3A_1270 : vector<16xf32>
    %max3A_1272 = arith.constant 1.000000e+00 : f32
    %max3A_1273 = vector.broadcast %max3A_1272 : f32 to vector<16xf32>
    %max3A_1274 = arith.maximumf %add3A_1271, %max3A_1273 : vector<16xf32>
    %div3A_1275 = arith.divf %add3A_1264, %max3A_1274 : vector<16xf32>
    %add3A_1276 = arith.addf %div3A_1275, %get3A_937 : vector<16xf32>
    %swap3A_1277 = arith.constant 224 : index
    %swap3A_1278 = tpu.vector_load %arg17[%swap3A_1277] {strides = array<i32>} : memref<320xf32, #tpu.memory_space<vmem>>, vector<16xf32>,
    %swap3A_1279 = vector.shape_cast %swap3A_1278 : vector<16xf32> to vector<16xf32>
    %swap3A_1280 = vector.shape_cast %add3A_1276 : vector<16xf32> to vector<16xf32>
    tpu.vector_store %arg17[%swap3A_1277], %swap3A_1280 {strides = array<i32>} : memref<320xf32, #tpu.memory_space<vmem>>, vector<16xf32>,
    %get3A_1281 = arith.constant 240 : index
    %get3A_1282 = tpu.vector_load %arg13[%get3A_1281] {strides = array<i32>} : memref<320xf32, #tpu.memory_space<vmem>>, vector<16xf32>,
    %get3A_1283 = vector.shape_cast %get3A_1282 : vector<16xf32> to vector<16xf32>
    %get3A_1284 = arith.constant 240 : index
    %get3A_1285 = tpu.vector_load %arg14[%get3A_1284] {strides = array<i32>} : memref<320xf32, #tpu.memory_space<vmem>>, vector<16xf32>,
    %get3A_1286 = vector.shape_cast %get3A_1285 : vector<16xf32> to vector<16xf32>
    %add3A_1287 = arith.addf %get3A_1283, %get3A_1286 : vector<16xf32>
    %get3A_1288 = arith.constant 240 : index
    %get3A_1289 = tpu.vector_load %arg15[%get3A_1288] {strides = array<i32>} : memref<320xf32, #tpu.memory_space<vmem>>, vector<16xf32>,
    %get3A_1290 = vector.shape_cast %get3A_1289 : vector<16xf32> to vector<16xf32>
    %get3A_1291 = arith.constant 240 : index
    %get3A_1292 = tpu.vector_load %arg16[%get3A_1291] {strides = array<i32>} : memref<320xf32, #tpu.memory_space<vmem>>, vector<16xf32>,
    %get3A_1293 = vector.shape_cast %get3A_1292 : vector<16xf32> to vector<16xf32>
    %add3A_1294 = arith.addf %get3A_1290, %get3A_1293 : vector<16xf32>
    %max3A_1295 = arith.constant 1.000000e+00 : f32
    %max3A_1296 = vector.broadcast %max3A_1295 : f32 to vector<16xf32>
    %max3A_1297 = arith.maximumf %add3A_1294, %max3A_1296 : vector<16xf32>
    %div3A_1298 = arith.divf %add3A_1287, %max3A_1297 : vector<16xf32>
    %add3A_1299 = arith.addf %div3A_1298, %get3A_937 : vector<16xf32>
    %swap3A_1300 = arith.constant 240 : index
    %swap3A_1301 = tpu.vector_load %arg17[%swap3A_1300] {strides = array<i32>} : memref<320xf32, #tpu.memory_space<vmem>>, vector<16xf32>,
    %swap3A_1302 = vector.shape_cast %swap3A_1301 : vector<16xf32> to vector<16xf32>
    %swap3A_1303 = vector.shape_cast %add3A_1299 : vector<16xf32> to vector<16xf32>
    tpu.vector_store %arg17[%swap3A_1300], %swap3A_1303 {strides = array<i32>} : memref<320xf32, #tpu.memory_space<vmem>>, vector<16xf32>,
    %get3A_1304 = arith.constant 256 : index
    %get3A_1305 = tpu.vector_load %arg13[%get3A_1304] {strides = array<i32>} : memref<320xf32, #tpu.memory_space<vmem>>, vector<16xf32>,
    %get3A_1306 = vector.shape_cast %get3A_1305 : vector<16xf32> to vector<16xf32>
    %get3A_1307 = arith.constant 256 : index
    %get3A_1308 = tpu.vector_load %arg14[%get3A_1307] {strides = array<i32>} : memref<320xf32, #tpu.memory_space<vmem>>, vector<16xf32>,
    %get3A_1309 = vector.shape_cast %get3A_1308 : vector<16xf32> to vector<16xf32>
    %add3A_1310 = arith.addf %get3A_1306, %get3A_1309 : vector<16xf32>
    %get3A_1311 = arith.constant 256 : index
    %get3A_1312 = tpu.vector_load %arg15[%get3A_1311] {strides = array<i32>} : memref<320xf32, #tpu.memory_space<vmem>>, vector<16xf32>,
    %get3A_1313 = vector.shape_cast %get3A_1312 : vector<16xf32> to vector<16xf32>
    %get3A_1314 = arith.constant 256 : index
    %get3A_1315 = tpu.vector_load %arg16[%get3A_1314] {strides = array<i32>} : memref<320xf32, #tpu.memory_space<vmem>>, vector<16xf32>,
    %get3A_1316 = vector.shape_cast %get3A_1315 : vector<16xf32> to vector<16xf32>
    %add3A_1317 = arith.addf %get3A_1313, %get3A_1316 : vector<16xf32>
    %max3A_1318 = arith.constant 1.000000e+00 : f32
    %max3A_1319 = vector.broadcast %max3A_1318 : f32 to vector<16xf32>
    %max3A_1320 = arith.maximumf %add3A_1317, %max3A_1319 : vector<16xf32>
    %div3A_1321 = arith.divf %add3A_1310, %max3A_1320 : vector<16xf32>
    %add3A_1322 = arith.addf %div3A_1321, %get3A_937 : vector<16xf32>
    %swap3A_1323 = arith.constant 256 : index
    %swap3A_1324 = tpu.vector_load %arg17[%swap3A_1323] {strides = array<i32>} : memref<320xf32, #tpu.memory_space<vmem>>, vector<16xf32>,
    %swap3A_1325 = vector.shape_cast %swap3A_1324 : vector<16xf32> to vector<16xf32>
    %swap3A_1326 = vector.shape_cast %add3A_1322 : vector<16xf32> to vector<16xf32>
    tpu.vector_store %arg17[%swap3A_1323], %swap3A_1326 {strides = array<i32>} : memref<320xf32, #tpu.memory_space<vmem>>, vector<16xf32>,
    %get3A_1327 = arith.constant 272 : index
    %get3A_1328 = tpu.vector_load %arg13[%get3A_1327] {strides = array<i32>} : memref<320xf32, #tpu.memory_space<vmem>>, vector<16xf32>,
    %get3A_1329 = vector.shape_cast %get3A_1328 : vector<16xf32> to vector<16xf32>
    %get3A_1330 = arith.constant 272 : index
    %get3A_1331 = tpu.vector_load %arg14[%get3A_1330] {strides = array<i32>} : memref<320xf32, #tpu.memory_space<vmem>>, vector<16xf32>,
    %get3A_1332 = vector.shape_cast %get3A_1331 : vector<16xf32> to vector<16xf32>
    %add3A_1333 = arith.addf %get3A_1329, %get3A_1332 : vector<16xf32>
    %get3A_1334 = arith.constant 272 : index
    %get3A_1335 = tpu.vector_load %arg15[%get3A_1334] {strides = array<i32>} : memref<320xf32, #tpu.memory_space<vmem>>, vector<16xf32>,
    %get3A_1336 = vector.shape_cast %get3A_1335 : vector<16xf32> to vector<16xf32>
    %get3A_1337 = arith.constant 272 : index
    %get3A_1338 = tpu.vector_load %arg16[%get3A_1337] {strides = array<i32>} : memref<320xf32, #tpu.memory_space<vmem>>, vector<16xf32>,
    %get3A_1339 = vector.shape_cast %get3A_1338 : vector<16xf32> to vector<16xf32>
    %add3A_1340 = arith.addf %get3A_1336, %get3A_1339 : vector<16xf32>
    %max3A_1341 = arith.constant 1.000000e+00 : f32
    %max3A_1342 = vector.broadcast %max3A_1341 : f32 to vector<16xf32>
    %max3A_1343 = arith.maximumf %add3A_1340, %max3A_1342 : vector<16xf32>
    %div3A_1344 = arith.divf %add3A_1333, %max3A_1343 : vector<16xf32>
    %add3A_1345 = arith.addf %div3A_1344, %get3A_937 : vector<16xf32>
    %swap3A_1346 = arith.constant 272 : index
    %swap3A_1347 = tpu.vector_load %arg17[%swap3A_1346] {strides = array<i32>} : memref<320xf32, #tpu.memory_space<vmem>>, vector<16xf32>,
    %swap3A_1348 = vector.shape_cast %swap3A_1347 : vector<16xf32> to vector<16xf32>
    %swap3A_1349 = vector.shape_cast %add3A_1345 : vector<16xf32> to vector<16xf32>
    tpu.vector_store %arg17[%swap3A_1346], %swap3A_1349 {strides = array<i32>} : memref<320xf32, #tpu.memory_space<vmem>>, vector<16xf32>,
    %get3A_1350 = arith.constant 288 : index
    %get3A_1351 = tpu.vector_load %arg13[%get3A_1350] {strides = array<i32>} : memref<320xf32, #tpu.memory_space<vmem>>, vector<16xf32>,
    %get3A_1352 = vector.shape_cast %get3A_1351 : vector<16xf32> to vector<16xf32>
    %get3A_1353 = arith.constant 288 : index
    %get3A_1354 = tpu.vector_load %arg14[%get3A_1353] {strides = array<i32>} : memref<320xf32, #tpu.memory_space<vmem>>, vector<16xf32>,
    %get3A_1355 = vector.shape_cast %get3A_1354 : vector<16xf32> to vector<16xf32>
    %add3A_1356 = arith.addf %get3A_1352, %get3A_1355 : vector<16xf32>
    %get3A_1357 = arith.constant 288 : index
    %get3A_1358 = tpu.vector_load %arg15[%get3A_1357] {strides = array<i32>} : memref<320xf32, #tpu.memory_space<vmem>>, vector<16xf32>,
    %get3A_1359 = vector.shape_cast %get3A_1358 : vector<16xf32> to vector<16xf32>
    %get3A_1360 = arith.constant 288 : index
    %get3A_1361 = tpu.vector_load %arg16[%get3A_1360] {strides = array<i32>} : memref<320xf32, #tpu.memory_space<vmem>>, vector<16xf32>,
    %get3A_1362 = vector.shape_cast %get3A_1361 : vector<16xf32> to vector<16xf32>
    %add3A_1363 = arith.addf %get3A_1359, %get3A_1362 : vector<16xf32>
    %max3A_1364 = arith.constant 1.000000e+00 : f32
    %max3A_1365 = vector.broadcast %max3A_1364 : f32 to vector<16xf32>
    %max3A_1366 = arith.maximumf %add3A_1363, %max3A_1365 : vector<16xf32>
    %div3A_1367 = arith.divf %add3A_1356, %max3A_1366 : vector<16xf32>
    %add3A_1368 = arith.addf %div3A_1367, %get3A_937 : vector<16xf32>
    %swap3A_1369 = arith.constant 288 : index
    %swap3A_1370 = tpu.vector_load %arg17[%swap3A_1369] {strides = array<i32>} : memref<320xf32, #tpu.memory_space<vmem>>, vector<16xf32>,
    %swap3A_1371 = vector.shape_cast %swap3A_1370 : vector<16xf32> to vector<16xf32>
    %swap3A_1372 = vector.shape_cast %add3A_1368 : vector<16xf32> to vector<16xf32>
    tpu.vector_store %arg17[%swap3A_1369], %swap3A_1372 {strides = array<i32>} : memref<320xf32, #tpu.memory_space<vmem>>, vector<16xf32>,
    %get3A_1373 = arith.constant 304 : index
    %get3A_1374 = tpu.vector_load %arg13[%get3A_1373] {strides = array<i32>} : memref<320xf32, #tpu.memory_space<vmem>>, vector<16xf32>,
    %get3A_1375 = vector.shape_cast %get3A_1374 : vector<16xf32> to vector<16xf32>
    %get3A_1376 = arith.constant 304 : index
    %get3A_1377 = tpu.vector_load %arg14[%get3A_1376] {strides = array<i32>} : memref<320xf32, #tpu.memory_space<vmem>>, vector<16xf32>,
    %get3A_1378 = vector.shape_cast %get3A_1377 : vector<16xf32> to vector<16xf32>
    %add3A_1379 = arith.addf %get3A_1375, %get3A_1378 : vector<16xf32>
    %get3A_1380 = arith.constant 304 : index
    %get3A_1381 = tpu.vector_load %arg15[%get3A_1380] {strides = array<i32>} : memref<320xf32, #tpu.memory_space<vmem>>, vector<16xf32>,
    %get3A_1382 = vector.shape_cast %get3A_1381 : vector<16xf32> to vector<16xf32>
    %get3A_1383 = arith.constant 304 : index
    %get3A_1384 = tpu.vector_load %arg16[%get3A_1383] {strides = array<i32>} : memref<320xf32, #tpu.memory_space<vmem>>, vector<16xf32>,
    %get3A_1385 = vector.shape_cast %get3A_1384 : vector<16xf32> to vector<16xf32>
    %add3A_1386 = arith.addf %get3A_1382, %get3A_1385 : vector<16xf32>
    %max3A_1387 = arith.constant 1.000000e+00 : f32
    %max3A_1388 = vector.broadcast %max3A_1387 : f32 to vector<16xf32>
    %max3A_1389 = arith.maximumf %add3A_1386, %max3A_1388 : vector<16xf32>
    %div3A_1390 = arith.divf %add3A_1379, %max3A_1389 : vector<16xf32>
    %add3A_1391 = arith.addf %div3A_1390, %get3A_937 : vector<16xf32>
    %swap3A_1392 = arith.constant 304 : index
    %swap3A_1393 = tpu.vector_load %arg17[%swap3A_1392] {strides = array<i32>} : memref<320xf32, #tpu.memory_space<vmem>>, vector<16xf32>,
    %swap3A_1394 = vector.shape_cast %swap3A_1393 : vector<16xf32> to vector<16xf32>
    %swap3A_1395 = vector.shape_cast %add3A_1391 : vector<16xf32> to vector<16xf32>
    tpu.vector_store %arg17[%swap3A_1392], %swap3A_1395 {strides = array<i32>} : memref<320xf32, #tpu.memory_space<vmem>>, vector<16xf32>,
    "tpu.region"() ({
      %run_scoped3A_1396 = tpu.sem_alloc : memref<!tpu.dma_semaphore, #tpu.memory_space<semaphore_mem>>
      %dma_start3A_1397 = tpu.memref_slice %arg5[%mul3A_931] : memref<10240xf32, #tpu.memory_space<hbm>> -> memref<320xf32, #tpu.memory_space<hbm>>
      %dma_start3A_1398 = tpu.memref_slice %arg5[%mul3A_931] : memref<10240xf32, #tpu.memory_space<hbm>> -> memref<320xf32, #tpu.memory_space<hbm>>
      tpu.enqueue_dma source(%arg17 : memref<320xf32, #tpu.memory_space<vmem>>) target(%dma_start3A_1398 : memref<320xf32, #tpu.memory_space<hbm>>) target_semaphore(%run_scoped3A_1396 : memref<!tpu.dma_semaphore, #tpu.memory_space<semaphore_mem>>)
      %dma_wait3A_1399 = tpu.memref_slice %arg5[%mul3A_931] : memref<10240xf32, #tpu.memory_space<hbm>> -> memref<320xf32, #tpu.memory_space<hbm>>
      %dma_wait3A_1400 = tpu.memref_slice %arg5[%mul3A_931] : memref<10240xf32, #tpu.memory_space<hbm>> -> memref<320xf32, #tpu.memory_space<hbm>>
      tpu.wait_dma2 semaphore(%run_scoped3A_1396 : memref<!tpu.dma_semaphore, #tpu.memory_space<semaphore_mem>>) src(%arg17 : memref<320xf32, #tpu.memory_space<vmem>>) dst(%dma_wait3A_1400 : memref<320xf32, #tpu.memory_space<hbm>>)
      tpu.yield
    }) : () -> ()
    return
  }
}

module attributes {stable_mosaic.version = 14 : i64} {
  func.func @_dense_body(%arg0: memref<10000x128xf32, #tpu.memory_space<vmem>>, %arg1: memref<128x128xf32, #tpu.memory_space<vmem>>, %arg2: memref<128x128xf32, #tpu.memory_space<vmem>>, %arg3: memref<1x128xf32, #tpu.memory_space<vmem>>, %arg4: memref<256x128xf32, #tpu.memory_space<vmem>>, %arg5: memref<1x128xf32, #tpu.memory_space<vmem>>, %arg6: memref<256x128xf32, #tpu.memory_space<vmem>>, %arg7: memref<1x128xf32, #tpu.memory_space<vmem>>, %arg8: memref<256x128xf32, #tpu.memory_space<vmem>>, %arg9: memref<1x128xf32, #tpu.memory_space<vmem>>, %arg10: memref<128x1xf32, #tpu.memory_space<vmem>>, %arg11: memref<128x128xf32, #tpu.memory_space<vmem>>, %arg12: memref<10240x1xf32, #tpu.memory_space<vmem>>) attributes {dimension_semantics = [], scalar_prefetch = 0 : i64, scratch_operands = 0 : i64, tpu.core_type = #tpu.core_type<tc>} {
    %get3A = arith.constant 0 : index
    %get3A_0 = arith.constant 0 : index
    %get3A_1 = vector.load %arg0[%get3A, %get3A_0] : memref<10000x128xf32, #tpu.memory_space<vmem>>, vector<10000x128xf32>
    %get3A_2 = arith.constant 0 : index
    %get3A_3 = arith.constant 0 : index
    %get3A_4 = vector.load %arg1[%get3A_2, %get3A_3] : memref<128x128xf32, #tpu.memory_space<vmem>>, vector<128x128xf32>
    %reduce_sum3A = arith.constant dense<0.000000e+00> : vector<128xf32>
    %reduce_sum3A_5 = vector.multi_reduction <add>, %get3A_1, %reduce_sum3A [0] : vector<10000x128xf32> to vector<128xf32>
    %broadcast_in_dim3A = vector.shape_cast %reduce_sum3A_5 : vector<128xf32> to vector<1x128xf32>
    %mul3A = arith.constant 9.99999974E-5 : f32
    %mul3A_6 = vector.broadcast %mul3A : f32 to vector<1x128xf32>
    %mul3A_7 = arith.mulf %broadcast_in_dim3A, %mul3A_6 : vector<1x128xf32>
    %get3A_8 = arith.constant 0 : index
    %get3A_9 = arith.constant 0 : index
    %get3A_10 = vector.load %arg2[%get3A_8, %get3A_9] : memref<128x128xf32, #tpu.memory_space<vmem>>, vector<128x128xf32>
    %dot_general3A = arith.constant dense<0.000000e+00> : vector<1x128xf32>
    %dot_general3A_11 = tpu.matmul %mul3A_7, %get3A_10, %dot_general3A {dimension_numbers = #tpu.dot_dimension_numbers<[1], [0], [0], [1], [0, 0, 1, 1], [], []>, transpose_lhs_hint = false} : vector<1x128xf32>, vector<128x128xf32>, vector<1x128xf32> -> vector<1x128xf32>
    %get3A_12 = arith.constant 0 : index
    %get3A_13 = arith.constant 0 : index
    %get3A_14 = vector.load %arg3[%get3A_12, %get3A_13] : memref<1x128xf32, #tpu.memory_space<vmem>>, vector<1x128xf32>
    %add3A = arith.addf %dot_general3A_11, %get3A_14 : vector<1x128xf32>
    %get3A_15 = arith.constant 0 : index
    %get3A_16 = arith.constant 0 : index
    %get3A_17 = vector.load %arg4[%get3A_15, %get3A_16] : memref<256x128xf32, #tpu.memory_space<vmem>>, vector<256x128xf32>
    %get3A_18 = arith.constant 0 : index
    %get3A_19 = arith.constant 0 : index
    %get3A_20 = vector.load %arg6[%get3A_18, %get3A_19] : memref<256x128xf32, #tpu.memory_space<vmem>>, vector<256x128xf32>
    %get3A_21 = arith.constant 0 : index
    %get3A_22 = arith.constant 0 : index
    %get3A_23 = vector.load %arg8[%get3A_21, %get3A_22] : memref<256x128xf32, #tpu.memory_space<vmem>>, vector<256x128xf32>
    %slice3A = vector.extract_strided_slice %get3A_17 {offsets = [0, 0], sizes = [128, 128], strides = [1, 1]} : vector<256x128xf32> to vector<128x128xf32>
    %dot_general3A_24 = arith.constant dense<0.000000e+00> : vector<1x128xf32>
    %dot_general3A_25 = tpu.matmul %add3A, %slice3A, %dot_general3A_24 {dimension_numbers = #tpu.dot_dimension_numbers<[1], [0], [0], [1], [0, 0, 1, 1], [], []>, transpose_lhs_hint = false} : vector<1x128xf32>, vector<128x128xf32>, vector<1x128xf32> -> vector<1x128xf32>
    %slice3A_26 = vector.extract_strided_slice %get3A_17 {offsets = [128, 0], sizes = [128, 128], strides = [1, 1]} : vector<256x128xf32> to vector<128x128xf32>
    %dot_general3A_27 = arith.constant dense<0.000000e+00> : vector<128x128xf32>
    %dot_general3A_28 = tpu.matmul %get3A_4, %slice3A_26, %dot_general3A_27 {dimension_numbers = #tpu.dot_dimension_numbers<[1], [0], [0], [1], [0, 0, 1, 1], [], []>, transpose_lhs_hint = false} : vector<128x128xf32>, vector<128x128xf32>, vector<128x128xf32> -> vector<128x128xf32>
    %add3A_29 = vector.broadcast %dot_general3A_25 : vector<1x128xf32> to vector<128x128xf32>
    %add3A_30 = arith.addf %add3A_29, %dot_general3A_28 : vector<128x128xf32>
    %get3A_31 = arith.constant 0 : index
    %get3A_32 = arith.constant 0 : index
    %get3A_33 = vector.load %arg5[%get3A_31, %get3A_32] : memref<1x128xf32, #tpu.memory_space<vmem>>, vector<1x128xf32>
    %add3A_34 = vector.broadcast %get3A_33 : vector<1x128xf32> to vector<128x128xf32>
    %add3A_35 = arith.addf %add3A_30, %add3A_34 : vector<128x128xf32>
    %logistic3A = arith.negf %add3A_35 : vector<128x128xf32>
    %logistic3A_36 = math.exp %logistic3A : vector<128x128xf32>
    %logistic3A_37 = arith.constant 1.000000e+00 : f32
    %logistic3A_38 = vector.broadcast %logistic3A_37 : f32 to vector<128x128xf32>
    %logistic3A_39 = arith.addf %logistic3A_38, %logistic3A_36 : vector<128x128xf32>
    %logistic3A_40 = arith.divf %logistic3A_38, %logistic3A_39 : vector<128x128xf32>
    %slice3A_41 = vector.extract_strided_slice %get3A_20 {offsets = [0, 0], sizes = [128, 128], strides = [1, 1]} : vector<256x128xf32> to vector<128x128xf32>
    %dot_general3A_42 = arith.constant dense<0.000000e+00> : vector<1x128xf32>
    %dot_general3A_43 = tpu.matmul %add3A, %slice3A_41, %dot_general3A_42 {dimension_numbers = #tpu.dot_dimension_numbers<[1], [0], [0], [1], [0, 0, 1, 1], [], []>, transpose_lhs_hint = false} : vector<1x128xf32>, vector<128x128xf32>, vector<1x128xf32> -> vector<1x128xf32>
    %slice3A_44 = vector.extract_strided_slice %get3A_20 {offsets = [128, 0], sizes = [128, 128], strides = [1, 1]} : vector<256x128xf32> to vector<128x128xf32>
    %dot_general3A_45 = arith.constant dense<0.000000e+00> : vector<128x128xf32>
    %dot_general3A_46 = tpu.matmul %get3A_4, %slice3A_44, %dot_general3A_45 {dimension_numbers = #tpu.dot_dimension_numbers<[1], [0], [0], [1], [0, 0, 1, 1], [], []>, transpose_lhs_hint = false} : vector<128x128xf32>, vector<128x128xf32>, vector<128x128xf32> -> vector<128x128xf32>
    %add3A_47 = vector.broadcast %dot_general3A_43 : vector<1x128xf32> to vector<128x128xf32>
    %add3A_48 = arith.addf %add3A_47, %dot_general3A_46 : vector<128x128xf32>
    %get3A_49 = arith.constant 0 : index
    %get3A_50 = arith.constant 0 : index
    %get3A_51 = vector.load %arg7[%get3A_49, %get3A_50] : memref<1x128xf32, #tpu.memory_space<vmem>>, vector<1x128xf32>
    %add3A_52 = vector.broadcast %get3A_51 : vector<1x128xf32> to vector<128x128xf32>
    %add3A_53 = arith.addf %add3A_48, %add3A_52 : vector<128x128xf32>
    %logistic3A_54 = arith.negf %add3A_53 : vector<128x128xf32>
    %logistic3A_55 = math.exp %logistic3A_54 : vector<128x128xf32>
    %logistic3A_56 = arith.constant 1.000000e+00 : f32
    %logistic3A_57 = vector.broadcast %logistic3A_56 : f32 to vector<128x128xf32>
    %logistic3A_58 = arith.addf %logistic3A_57, %logistic3A_55 : vector<128x128xf32>
    %logistic3A_59 = arith.divf %logistic3A_57, %logistic3A_58 : vector<128x128xf32>
    %slice3A_60 = vector.extract_strided_slice %get3A_23 {offsets = [0, 0], sizes = [128, 128], strides = [1, 1]} : vector<256x128xf32> to vector<128x128xf32>
    %dot_general3A_61 = arith.constant dense<0.000000e+00> : vector<1x128xf32>
    %dot_general3A_62 = tpu.matmul %add3A, %slice3A_60, %dot_general3A_61 {dimension_numbers = #tpu.dot_dimension_numbers<[1], [0], [0], [1], [0, 0, 1, 1], [], []>, transpose_lhs_hint = false} : vector<1x128xf32>, vector<128x128xf32>, vector<1x128xf32> -> vector<1x128xf32>
    %mul3A_63 = arith.mulf %logistic3A_59, %get3A_4 : vector<128x128xf32>
    %slice3A_64 = vector.extract_strided_slice %get3A_23 {offsets = [128, 0], sizes = [128, 128], strides = [1, 1]} : vector<256x128xf32> to vector<128x128xf32>
    %dot_general3A_65 = arith.constant dense<0.000000e+00> : vector<128x128xf32>
    %dot_general3A_66 = tpu.matmul %mul3A_63, %slice3A_64, %dot_general3A_65 {dimension_numbers = #tpu.dot_dimension_numbers<[1], [0], [0], [1], [0, 0, 1, 1], [], []>, transpose_lhs_hint = false} : vector<128x128xf32>, vector<128x128xf32>, vector<128x128xf32> -> vector<128x128xf32>
    %add3A_67 = vector.broadcast %dot_general3A_62 : vector<1x128xf32> to vector<128x128xf32>
    %add3A_68 = arith.addf %add3A_67, %dot_general3A_66 : vector<128x128xf32>
    %get3A_69 = arith.constant 0 : index
    %get3A_70 = arith.constant 0 : index
    %get3A_71 = vector.load %arg9[%get3A_69, %get3A_70] : memref<1x128xf32, #tpu.memory_space<vmem>>, vector<1x128xf32>
    %add3A_72 = vector.broadcast %get3A_71 : vector<1x128xf32> to vector<128x128xf32>
    %add3A_73 = arith.addf %add3A_68, %add3A_72 : vector<128x128xf32>
    %tanh3A = math.tanh %add3A_73 : vector<128x128xf32>
    %mul3A_74 = arith.mulf %logistic3A_40, %get3A_4 : vector<128x128xf32>
    %sub3A = arith.constant 1.000000e+00 : f32
    %sub3A_75 = vector.broadcast %sub3A : f32 to vector<128x128xf32>
    %sub3A_76 = arith.subf %sub3A_75, %logistic3A_40 : vector<128x128xf32>
    %mul3A_77 = arith.mulf %sub3A_76, %tanh3A : vector<128x128xf32>
    %add3A_78 = arith.addf %mul3A_74, %mul3A_77 : vector<128x128xf32>
    %swap3A = arith.constant 0 : index
    %swap3A_79 = arith.constant 0 : index
    %swap3A_80 = vector.load %arg11[%swap3A, %swap3A_79] : memref<128x128xf32, #tpu.memory_space<vmem>>, vector<128x128xf32>
    tpu.vector_store %arg11[%swap3A, %swap3A_79], %add3A_78 {strides = array<i32>} : memref<128x128xf32, #tpu.memory_space<vmem>>, vector<128x128xf32>,
    %get3A_81 = arith.constant 0 : index
    %get3A_82 = arith.constant 0 : index
    %get3A_83 = vector.load %arg10[%get3A_81, %get3A_82] : memref<128x1xf32, #tpu.memory_space<vmem>>, vector<128x1xf32>
    %dot_general3A_84 = arith.constant dense<0.000000e+00> : vector<128x1xf32>
    %dot_general3A_85 = tpu.matmul %add3A_78, %get3A_83, %dot_general3A_84 {dimension_numbers = #tpu.dot_dimension_numbers<[1], [0], [0], [1], [0, 0, 1, 1], [], []>, transpose_lhs_hint = false} : vector<128x128xf32>, vector<128x1xf32>, vector<128x1xf32> -> vector<128x1xf32>
    %dot_general3A_86 = arith.constant dense<0.000000e+00> : vector<10000x1xf32>
    %dot_general3A_87 = tpu.matmul %get3A_1, %dot_general3A_85, %dot_general3A_86 {dimension_numbers = #tpu.dot_dimension_numbers<[1], [0], [0], [1], [0, 0, 1, 1], [], []>, transpose_lhs_hint = false} : vector<10000x128xf32>, vector<128x1xf32>, vector<10000x1xf32> -> vector<10000x1xf32>
    %broadcast_in_dim3A_88 = arith.constant 0.000000e+00 : f32
    %broadcast_in_dim3A_89 = vector.broadcast %broadcast_in_dim3A_88 : f32 to vector<240x1xf32>
    %concatenate3A = tpu.concatenate %dot_general3A_87, %broadcast_in_dim3A_89 in 0 : vector<10000x1xf32>, vector<240x1xf32> -> vector<10240x1xf32>
    %swap3A_90 = arith.constant 0 : index
    %swap3A_91 = arith.constant 0 : index
    %swap3A_92 = vector.load %arg12[%swap3A_90, %swap3A_91] : memref<10240x1xf32, #tpu.memory_space<vmem>>, vector<10240x1xf32>
    tpu.vector_store %arg12[%swap3A_90, %swap3A_91], %concatenate3A {strides = array<i32>} : memref<10240x1xf32, #tpu.memory_space<vmem>>, vector<10240x1xf32>,
    return
  }
}

</mosaic_0001>

<sc_bundles>
// kernel: kernel.4.cloned.1.call-start
scs
__scs_entry_jumppad:
0x0: {  	(pc) =	sbr.rel $0x88, $3  }
0x1: {  	(tag) =	ssettag $0x0;
	lr =	simm.s32 $0x1  }
0x2: {  	[smem:$0x3F94] =	sst lr;
	_ =	strace $0xD0000000  }
0x3: {  	_ = 	snop  }
0x4: {  	_ = 	snop  }
0x5: {  	_ = 	snop  }
0x6: {  	_ = 	snop  }
0x7: {  	_ = 	snop  }
__scs_overlays_trampoline_lowered:
0x8: {  	[smem:$0x3FA3] =	sst s0  }
0x9: {  	[smem:$0x3FA4] =	sst s1  }
0xa: {  	[smem:$0x3FA5] =	sst s2  }
0xb: {  	[smem:$0x3FA6] =	sst s3  }
0xc: {  	[smem:$0x3FA7] =	sst s4  }
0xd: {  	[smem:$0x3FA8] =	sst s5  }
0xe: {  	[smem:$0x3FA9] =	sst s6  }
0xf: {  	[smem:$0x3FAA] =	sst s7  }
0x10: {  	[smem:$0x3FAB] =	sst s8  }
0x11: {  	[smem:$0x3FAC] =	sst s9;
	s0 =	simm.s32 @!p0 $0x0  }
0x12: {  	s1 =	sld [smem:$0x3F92];
	s0 =	simm.s32 @p0 $0x1  }
0x13: {  	[smem:$0x3FAD] =	sst s0;
	s0 =	simm.s32 @!p1 $0x0  }
0x14: {  	s2 =	sld [smem:$0x3F91];
	s0 =	simm.s32 @p1 $0x1  }
0x15: {  	[smem:$0x3FAE] =	sst s0;
	s0 =	simm.s32 @!p2 $0x0  }
0x16: {  	s3 =	sld [smem:$0x3FDB];
	s0 =	simm.s32 @p2 $0x1  }
0x17: {  	s4 =	simm.s32 $0x1BF5;
	[smem:$0x3FB0] =	sst s0  }
0x18: {  	s0 =	sld [smem:$0x3F93];
	_ =	swait.ge [sflag:s4], $0x0  }
0x19: {  	s7 =	sld [smem:$0x3F94]  }
0x1a: {  	s8 =	sadd.s32 $0xFFFFE003, lr  }
0x1b: {  	s9 =	sadd.s32 $0xFFFFFEF7, lr;
	s5 =	simm.s32 $0xFFFFFFFF;
	p2 =	slt.u32 s8, $0xFFFFF086  }
0x1c: {  	p1 =	slt.u32 s9, $0xF7A;
	s5 =	simm.s32 @!p2 $0x0  }
0x1d: {  	s5 =	simm.s32 @p1 $0x1;
	p0 =	seq.s32 s7, s2  }
0x1e: {  	s7 =	smul.u32 @!p0 $0xF7A, s2;
	p2 =	seq.s32 @!p0 s5, $0x0  }
0x1f: {  	s9 =	smul.u32 $0xF7A, s1;
	s8 =	simm.s32 @!p0 $0x1BF5;
	p2 =	por !p2, p0  }
0x20: {  	[sflag:s8] =	ssyncset.s32 @!p0 $0xFFFFF086;
	s6 =	sadd.s32 @!p0 s3, s7;
	s7 =	simm.s32 @!p0 $0x108  }
0x21: {  	s3 =	sadd.s32 s3, s9;
	s6 =	sadd.s32 @!p0 $0x88, s6;
	s7 =	simm.s32 @p2 $0x1082  }
0x22: {  	[simem:s7], [sflag:s8] =	dma.local @!p0 [hbm:s6], $0xF7A  }
0x23: {  	s9 =	sor.u32 $0xD0000000, s2;
	s6 =	simm.s32 $0x108;
	_ =	swait.ge @!p0 [sflag:s8], $0x0  }
0x24: {  	s3 =	sadd.s32 $0x88, s3;
	s6 =	simm.s32 @!p1 $0x1082;
	[sflag:s4] =	ssyncset.s32 $0xFFFFF086  }
0x25: {  	[simem:s6], [sflag:s4] =	dma.local [hbm:s3], $0xF7A  }
0x26: {  	[smem:$0x3F94] =	sst s1;
	(tag) =	ssettag s2;
	_ =	strace s9  }
0x27: {  	s1 =	sld [smem:$0x3FA4]  }
0x28: {  	s2 =	sld [smem:$0x3FA5]  }
0x29: {  	s4 =	sld [smem:$0x3FA7]  }
0x2a: {  	p0 =	seq.s32 s5, $0x0;
	s5 =	sld [smem:$0x3FA8]  }
0x2b: {  	s6 =	sld [smem:$0x3FA9]  }
0x2c: {  	s7 =	sld [smem:$0x3FAA]  }
0x2d: {  	s3 =	simm.s32 $0x108;
	s8 =	sld [smem:$0x3FAB]  }
0x2e: {  	s3 =	simm.s32 @!p0 $0x1082;
	s9 =	sld [smem:$0x3FAC]  }
0x2f: {  	lr =	sadd.s32 s0, s3;
	s0 =	sld [smem:$0x3FA3]  }
0x30: {  	s3 =	sld [smem:$0x3FA6]  }
0x31: {  	[smem:$0x3FAF] =	sst s10  }
0x32: {  	s10 =	sld [smem:$0x3FAD];
	_ =	sdelay $0x3  }
0x33: {  	p0 =	seq.s32 s10, $0x1;
	s10 =	sld [smem:$0x3FAF];
	_ =	sdelay $0x3  }
0x34: {  	[smem:$0x3FAF] =	sst s10  }
0x35: {  	s10 =	sld [smem:$0x3FAE];
	_ =	sdelay $0x3  }
0x36: {  	p1 =	seq.s32 s10, $0x1;
	s10 =	sld [smem:$0x3FAF];
	_ =	sdelay $0x3  }
0x37: {  	[smem:$0x3FAF] =	sst s10  }
0x38: {  	s10 =	sld [smem:$0x3FB0]  }
0x39: {  	_ = 	snop;
	(pc) =	sbr.ind lr, $3  }
0x3a: {  	_ = 	snop  }
0x3b: {  	_ = 	snop  }
0x3c: {  	p2 =	seq.s32 s10, $0x1;
	s10 =	sld [smem:$0x3FAF]  }
0x3d: {  	_ =	shalt  }
0x3e: {  	_ =	shalt  }
0x3f: {  	_ =	shalt  }
0x40: {  	_ =	shalt  }
0x41: {  	_ =	shalt  }
0x42: {  	_ =	shalt  }
0x43: {  	_ =	shalt  }
0x44: {  	_ =	shalt  }
0x45: {  	_ =	shalt  }
0x46: {  	_ =	shalt  }
0x47: {  	_ =	shalt  }
0x48: {  	_ =	shalt  }
0x49: {  	_ =	shalt  }
0x4a: {  	_ =	shalt  }
0x4b: {  	_ =	shalt  }
0x4c: {  	_ =	shalt  }
0x4d: {  	_ =	shalt  }
0x4e: {  	_ =	shalt  }
0x4f: {  	_ =	shalt  }
0x50: {  	_ =	shalt  }
0x51: {  	_ =	shalt  }
0x52: {  	_ =	shalt  }
0x53: {  	_ =	shalt  }
0x54: {  	_ =	shalt  }
0x55: {  	_ =	shalt  }
0x56: {  	_ =	shalt  }
0x57: {  	_ =	shalt  }
0x58: {  	_ =	shalt  }
0x59: {  	_ =	shalt  }
0x5a: {  	_ =	shalt  }
0x5b: {  	_ =	shalt  }
0x5c: {  	_ =	shalt  }
0x5d: {  	_ =	shalt  }
0x5e: {  	_ =	shalt  }
0x5f: {  	_ =	shalt  }
0x60: {  	_ =	shalt  }
0x61: {  	_ =	shalt  }
0x62: {  	_ =	shalt  }
0x63: {  	_ =	shalt  }
0x64: {  	_ =	shalt  }
0x65: {  	_ =	shalt  }
0x66: {  	_ =	shalt  }
0x67: {  	_ =	shalt  }
0x68: {  	_ =	shalt  }
0x69: {  	_ =	shalt  }
0x6a: {  	_ =	shalt  }
0x6b: {  	_ =	shalt  }
0x6c: {  	_ =	shalt  }
0x6d: {  	_ =	shalt  }
0x6e: {  	_ =	shalt  }
0x6f: {  	_ =	shalt  }
0x70: {  	_ =	shalt  }
0x71: {  	_ =	shalt  }
0x72: {  	_ =	shalt  }
0x73: {  	_ =	shalt  }
0x74: {  	_ =	shalt  }
0x75: {  	_ =	shalt  }
0x76: {  	_ =	shalt  }
0x77: {  	_ =	shalt  }
0x78: {  	_ =	shalt  }
0x79: {  	_ =	shalt  }
0x7a: {  	_ =	shalt  }
0x7b: {  	_ =	shalt  }
0x7c: {  	_ =	shalt  }
0x7d: {  	_ =	shalt  }
0x7e: {  	_ =	shalt  }
0x7f: {  	_ =	shalt  }
0x80: {  	_ =	shalt  }
0x81: {  	_ =	shalt  }
0x82: {  	_ =	shalt  }
0x83: {  	_ =	shalt  }
0x84: {  	_ =	shalt  }
0x85: {  	_ =	shalt  }
0x86: {  	_ =	shalt  }
0x87: {  	_ =	shalt  }
.Lfunc_end0:
.L_simem_size_0:
called_computation_lowered:
.L_overlay_start_0:
0x88: {  	s2 =	sld [smem:$0x3FD9]  }
0x89: {  	s3 =	sld [smem:$0x3FFE];
	_ =	sdelay $0x1  }
0x8a: {  	s1 =	srdreg.scid  }
0x8b: {  	s0 =	sand.u32 $0x1, s1  }
0x8c: {  	s16 =	sshll.u32 s0, $0xA;
	s2 =	sadd.s32 s3, s2  }
0x8d: {  	s2 =	sadd.s32 s2, s16  }
0x8e: {  	[smem:$0x3FBB] =	sst s2  }
0x8f: {  	_ = 	snop  }
0x90: {  	(tm) =	ssettm $0x1  }
0x91: {  	s17 =	sld [smem:$0x3FFB];
	_ =	sdelay $0x3  }
0x92: {  	_ =	strace s17  }
0x93: {  	s2 =	sld [smem:$0x3FFC];
	_ =	sdelay $0x3  }
0x94: {  	_ =	strace s2  }
0x95: {  	s2 =	sld [smem:$0x3FFD];
	_ =	sdelay $0x3  }
0x96: {  	_ =	strace s2  }
0x97: {  	_ =	strace $0x8FFFFFFF  }
0x98: {  	s18 =	sld [smem:$0x3FDB];
	_ =	sdelay $0x1  }
0x99: {  	s19 =	simm.s32 $_scs_section_size  }
0x9a: {  	s4 =	simm.s32 $_size__tile_overlayer_lowered;
	s5 =	simm.s32 $_tile_overlayer_lowered  }
0x9b: {  	s22 =	simm.s32 $0x1BFF;
	s21 =	sshll.u32 s5, $0x1;
	s2 =	sadd.s32 s19, s18  }
0x9c: {  	s6 =	simm.s32 $0x0;
	s20 =	sshll.u32 s4, $0x1;
	s4 =	sadd.s32 s21, s2  }
0x9d: {  	[timem:s6], [sflag:s22] =	dma.local [hbm:s4], s20  }
0x9e: {  	_ =	swait.ge [sflag:s22], s20  }
0x9f: {  	s3 =	ssub.s32 $0x0, s20;
	[sflag:s22] =	ssyncset.done $0x0  }
0xa0: {  	[sflag:s22] =	ssyncadd.s32 s3;
	_ =	sdelay $0x1  }
0xa1: {  	s23 =	simm.s32 $0x1B8B  }
0xa2: {  	_ =	swait.ge [sflag:s23], $0x1  }
0xa3: {  	[sflag:s23] =	ssyncset.done $0x0  }
0xa4: {  	s25 =	simm.s32 $0x1B8E;
	s24 =	sld [smem:$0x3FFE];
	[sflag:s23] =	ssyncadd.s32 $0xFFFFFFFF  }
0xa5: {  	s26 =	simm.s32 $execute0_lowered;
	[smem:$0x3FD2] =	sst s25  }
0xa6: {  	s4 =	sshll.u32 s26, $0x1;
	_ =	strace $0x80000046;
	[dreg:$0x1] =	wrdreg $0xFFFFFFFF  }
0xa7: {  	s28 =	simm.s32 $_size_execute0_lowered;
	s2 =	sadd.s32 s2, s4;
	[dreg:$0x0] =	wrdreg $0x0  }
0xa8: {  	s4 =	sshll.u32 s28, $0x1;
	[dreg:$0x2] =	wrdreg s2  }
0xa9: {  	[dreg:$0x3] =	wrdreg s4  }
0xaa: {  	[dreg:$0x4] =	wrdreg $0xC0  }
0xab: {  	_ =	task [dreg:s6], $0x5FFFF  }
0xac: {  	[dreg:$0x1] =	wrdreg $0xFFFFFFFF  }
0xad: {  	[dreg:$0x0] =	wrdreg $0x60  }
0xae: {  	[dreg:$0x2] =	wrdreg s24  }
0xaf: {  	[dreg:$0x3] =	wrdreg $0xB5800  }
0xb0: {  	[dreg:$0x4] =	wrdreg $0xB8000  }
0xb1: {  	[dreg:$0x5] =	wrdreg $0xB3000  }
0xb2: {  	[dreg:$0x6] =	wrdreg $0x9  }
0xb3: {  	_ =	task.clear_ibuf [dreg:s6], $0x7FFFF;
	_ =	strace $0x90000046  }
0xb4: {  	s29 =	simm.s32 $0x9;
	_ =	strace $0x80000049  }
0xb5: {  	_ =	swait.ge [sflag:s29], $0x1  }
0xb6: {  	[sflag:s29] =	ssyncadd.s32 $0xFFFFFFFF  }
0xb7: {  	_ =	strace $0x90000049  }
0xb8: {  	_ =	sfence  }
0xb9: {  	s30 =	sld [smem:$0x0];
	_ =	sdelay $0x2  }
0xba: {  	s31 =	sshll.u32 s1, $0xD;
	s1 =	sshrl.u32 s1, $0x2  }
0xbb: {  	s3 =	sand.u32 $0x4000, s31;
	s1 =	sadd.s32 s1, s30  }
0xbc: {  	s0 =	sor.u32 s3, s0;
	s1 =	sshll.u32 s1, $0x11  }
0xbd: {  	s0 =	sor.u32 s1, s0  }
0xbe: {  	s0 =	sadd.s32 $0x8F2B, s0  }
0xbf: {  	[sflag:s0] =	ssyncadd.remote.s32 $0x1  }
0xc0: {  	_ =	sfence.sel $0xFFFF  }
0xc1: {  	[dreg:$0x0] =	wrdreg $0xFFFFFFFF;
	(pc) =	sbr.abs _section_cstart, $3  }
0xc2: {  	[dreg:$0x1] =	wrdreg $0xFFFFFFFF  }
0xc3: {  	_ =	task.clear_ibuf [dreg:s6], $0x2FFFF;
	_ =	strace $0x9FFFFFFF  }
0xc4: {  	(tm) =	ssettm $0x7FFFFFFF  }
0xc5: {  	_ =	shalt  }
tec
execute0_lowered:
.L_overlay_start_1:
0x0: {  	(tag) =	ssettag $0x1  }
0x1: {  	s0 =	rddreg [dreg:$0x0]  }
0x2: {  	s2 =	rddreg [dreg:$0x1]  }
0x3: {  	s3 =	rddreg [dreg:$0x2]  }
0x4: {  	s4 =	rddreg [dreg:$0x3]  }
0x5: {  	s11 =	stileid.u32;
	s6 =	srdreg.scid;
	s5 =	simm.s32 $0x0  }
0x6: {  	s28 =	simm.s32 $0x3800;
	s29 =	simm.s32 $0x80;
	s1 =	smul.u32 $0x280, s11  }
0x7: {  	s31 =	simm.s32 $0xA800;
	s30 =	simm.s32 $0x2;
	s7 =	smul.u32 $0x30, s11  }
0x8: {  	s8 =	sand.u32 $0x1, s6;
	[smem:$0x7FF] =	sst s5;
	s9 =	smul.u32 $0x70, s11  }
0x9: {  	s17 =	sadd.s32 $0x16800, s0;
	s24 =	sshrl.u32 s6, $0x2;
	s10 =	sshll.u32 s8, $0x4  }
0xa: {  	p0 =	seq.s32 s8, $0x0;
	_ =	strace $0x80000047;
	[dreg:$0x5] =	wrdreg s17  }
0xb: {  	s17 =	sadd.s32 $0x16A00, s0;
	s18 =	ssub.s32 $0x2, s8;
	s15 =	smul.u32 $0x2800, s8  }
0xc: {  	[dreg:$0xb] =	wrdreg s24;
	s7 =	sadd.s32 $0x700, s7;
	s10 =	sor.u32 s11, s10  }
0xd: {  	s26 =	sshrl.u32 s1, $0x3;
	s14 =	sshrl.u32 s18, $0x1;
	s8 =	sadd.s32 s1, s2  }
0xe: {  	s7 =	smov.u32 @p0 s9;
	s10 =	smul.u32 $0x140, s10;
	s11 =	sadd.s32 s26, s0  }
0xf: {  	s21 =	ssub.s32 s18, s14;
	s9 =	sadd.s32 s1, s3;
	s19 =	sadd.s32 s1, s15  }
0x10: {  	s1 =	sadd.s32 s1, s4;
	s26 =	sand.u32 $0x3, s6;
	s6 =	simm.s32 $0x0  }
0x11: {  	s7 =	sshll.u32 s7, $0x4;
	s20 =	sshrl.u32 s19, $0x3;
	s21 =	smax.u32 s21, $0x1  }
0x12: {  	s24 =	sshrl.u32 s1, $0x3;
	s1 =	simm.s32 $0x3;
	s16 =	sadd.s32 s7, s0  }
0x13: {  	s12 =	sshrl.u32 s10, $0x3;
	s7 =	simm.s32 $0x7;
	s10 =	sadd.s32 $0x16200, s11  }
0x14: {  	s23 =	sadd.s32 s17, s20;
	s13 =	sadd.s32 s12, s0;
	s0 =	sadd.s32 $0x17400, s0  }
0x15: {  	s7 =	simm.s32 @!p0 $0x3;
	[dreg:$0x6] =	wrdreg s10;
	s22 =	sadd.s32 $0x1A00, s16  }
0x16: {  	s11 =	sadd.s32 $0xBE00, s16;
	[dreg:$0x9] =	wrdreg s23;
	s25 =	sadd.s32 $0x500, s12  }
.Ltmp0:
0x17: {  	s16 =	sadd.s32 s17, s12;
	[dreg:$0x7] =	wrdreg s22;
	(pc) =	sbr.rel .LBB2_1-.Ltmp0, $4  }
0x18: {  	[dreg:$0x8] =	wrdreg s11;
	s10 =	sadd.s32 s0, s20;
	s17 =	sadd.s32 s17, s25  }
0x19: {  	s18 =	sadd.s32 s0, s12;
	s19 =	sadd.s32 s0, s25;
	s20 =	sadd.s32 $0x17E00, s13  }
0x1a: {  	s0 =	sxor.u32 $0x5, s26;
	s22 =	sshll.u32 s7, $0xD;
	s26 =	simm.s32 $0x4  }
0x1b: {  	v0 =	vimm.f32 $0.0e+00;
	v1 =	vimm.f32 $1.000000000e+00;
	[dreg:$0xa] =	wrdreg s10;
	s25 =	sshll.u32 s0, $0xE;
	s0 =	simm.s32 $0x1  }
.LBB2_7:
0x1c: {  	_ =	swait.ge [sflag:s30], $0x80  }
0x1d: {  	[sflag:s30] =	ssyncset.done $0x0  }
0x1e: {  	[sflag:s30] =	ssyncadd.s32 $0xFFFFFF80  }
0x1f: {  	_ =	swait.ge [sflag:s30], $0x80  }
0x20: {  	[sflag:s30] =	ssyncset.done $0x0  }
0x21: {  	[sflag:s30] =	ssyncadd.s32 $0xFFFFFF80  }
0x22: {  	_ =	swait.ge [sflag:s30], $0x80  }
0x23: {  	[sflag:s30] =	ssyncset.done $0x0  }
0x24: {  	[sflag:s30] =	ssyncadd.s32 $0xFFFFFF80  }
0x25: {  	_ =	swait.ge [sflag:s30], $0x80  }
0x26: {  	[sflag:s30] =	ssyncset.done $0x0  }
0x27: {  	[sflag:s30] =	ssyncadd.s32 $0xFFFFFF80  }
0x28: {  	_ =	swait.ge [sflag:s30], $0x80  }
0x29: {  	[sflag:s30] =	ssyncset.done $0x0  }
0x2a: {  	[sflag:s30] =	ssyncadd.s32 $0xFFFFFF80  }
0x2b: {  	_ =	swait.ge [sflag:s30], $0x80  }
0x2c: {  	[sflag:s30] =	ssyncset.done $0x0  }
0x2d: {  	[sflag:s30] =	ssyncadd.s32 $0xFFFFFF80  }
0x2e: {  	_ =	swait.ge [sflag:s30], $0x80  }
0x2f: {  	[sflag:s30] =	ssyncset.done $0x0  }
0x30: {  	[sflag:s30] =	ssyncadd.s32 $0xFFFFFF80  }
0x31: {  	_ =	swait.ge [sflag:s30], $0x80  }
0x32: {  	[sflag:s30] =	ssyncset.done $0x0  }
0x33: {  	[sflag:s30] =	ssyncadd.s32 $0xFFFFFF80  }
0x34: {  	_ =	swait.ge [sflag:s30], $0x80  }
0x35: {  	[sflag:s30] =	ssyncset.done $0x0  }
0x36: {  	[sflag:s30] =	ssyncadd.s32 $0xFFFFFF80  }
0x37: {  	_ =	swait.ge [sflag:s30], $0x80  }
0x38: {  	[sflag:s30] =	ssyncset.done $0x0  }
0x39: {  	[sflag:s30] =	ssyncadd.s32 $0xFFFFFF80  }
0x3a: {  	_ =	swait.ge [sflag:s30], $0x80  }
0x3b: {  	[sflag:s30] =	ssyncset.done $0x0  }
0x3c: {  	[sflag:s30] =	ssyncadd.s32 $0xFFFFFF80  }
0x3d: {  	_ =	swait.ge [sflag:s30], $0x80  }
0x3e: {  	[sflag:s30] =	ssyncset.done $0x0  }
0x3f: {  	[sflag:s30] =	ssyncadd.s32 $0xFFFFFF80  }
0x40: {  	_ =	swait.ge [sflag:s30], $0x80  }
0x41: {  	[sflag:s30] =	ssyncset.done $0x0  }
0x42: {  	[sflag:s30] =	ssyncadd.s32 $0xFFFFFF80  }
0x43: {  	_ =	swait.ge [sflag:s30], $0x80  }
0x44: {  	[sflag:s30] =	ssyncset.done $0x0  }
0x45: {  	[sflag:s30] =	ssyncadd.s32 $0xFFFFFF80  }
0x46: {  	_ =	swait.ge [sflag:s30], $0x80  }
0x47: {  	[sflag:s30] =	ssyncset.done $0x0  }
0x48: {  	[sflag:s30] =	ssyncadd.s32 $0xFFFFFF80  }
0x49: {  	_ =	swait.ge [sflag:s30], $0x80  }
0x4a: {  	[sflag:s30] =	ssyncset.done $0x0  }
0x4b: {  	[sflag:s30] =	ssyncadd.s32 $0xFFFFFF80  }
0x4c: {  	_ =	swait.ge [sflag:s30], $0x80  }
0x4d: {  	[sflag:s30] =	ssyncset.done $0x0  }
0x4e: {  	[sflag:s30] =	ssyncadd.s32 $0xFFFFFF80  }
0x4f: {  	_ =	swait.ge [sflag:s30], $0x80  }
0x50: {  	[sflag:s30] =	ssyncset.done $0x0  }
0x51: {  	[sflag:s30] =	ssyncadd.s32 $0xFFFFFF80  }
0x52: {  	_ =	swait.ge [sflag:s30], $0x80  }
0x53: {  	[sflag:s30] =	ssyncset.done $0x0  }
0x54: {  	[sflag:s30] =	ssyncadd.s32 $0xFFFFFF80  }
0x55: {  	_ =	swait.ge [sflag:s30], $0x80  }
0x56: {  	[sflag:s30] =	ssyncset.done $0x0  }
0x57: {  	[sflag:s30] =	ssyncadd.s32 $0xFFFFFF80  }
0x58: {  	_ =	swait.ge [sflag:s30], $0x80  }
0x59: {  	[sflag:s30] =	ssyncset.done $0x0  }
0x5a: {  	[sflag:s30] =	ssyncadd.s32 $0xFFFFFF80  }
0x5b: {  	_ =	swait.ge [sflag:s30], $0x80  }
0x5c: {  	[sflag:s30] =	ssyncset.done $0x0  }
0x5d: {  	[sflag:s30] =	ssyncadd.s32 $0xFFFFFF80  }
0x5e: {  	_ =	swait.ge [sflag:s30], $0x80  }
0x5f: {  	[sflag:s30] =	ssyncset.done $0x0  }
0x60: {  	[sflag:s30] =	ssyncadd.s32 $0xFFFFFF80  }
0x61: {  	_ =	swait.ge [sflag:s30], $0x80  }
0x62: {  	[sflag:s30] =	ssyncset.done $0x0  }
0x63: {  	[sflag:s30] =	ssyncadd.s32 $0xFFFFFF80  }
0x64: {  	_ =	swait.ge [sflag:s30], $0x80  }
0x65: {  	[sflag:s30] =	ssyncset.done $0x0  }
0x66: {  	[sflag:s30] =	ssyncadd.s32 $0xFFFFFF80  }
0x67: {  	_ =	swait.ge [sflag:s30], $0x80  }
0x68: {  	[sflag:s30] =	ssyncset.done $0x0  }
0x69: {  	[sflag:s30] =	ssyncadd.s32 $0xFFFFFF80  }
0x6a: {  	_ =	swait.ge [sflag:s30], $0x80  }
0x6b: {  	[sflag:s30] =	ssyncset.done $0x0  }
0x6c: {  	[sflag:s30] =	ssyncadd.s32 $0xFFFFFF80  }
0x6d: {  	_ =	swait.ge [sflag:s30], $0x80  }
0x6e: {  	[sflag:s30] =	ssyncset.done $0x0  }
0x6f: {  	[sflag:s30] =	ssyncadd.s32 $0xFFFFFF80  }
0x70: {  	_ =	swait.ge [sflag:s30], $0x80  }
0x71: {  	[sflag:s30] =	ssyncset.done $0x0  }
0x72: {  	[sflag:s30] =	ssyncadd.s32 $0xFFFFFF80  }
0x73: {  	_ =	swait.ge [sflag:s30], $0x80  }
0x74: {  	[sflag:s30] =	ssyncset.done $0x0  }
0x75: {  	[sflag:s30] =	ssyncadd.s32 $0xFFFFFF80  }
0x76: {  	_ =	swait.ge [sflag:s30], $0x80  }
0x77: {  	[sflag:s30] =	ssyncset.done $0x0  }
0x78: {  	[sflag:s30] =	ssyncadd.s32 $0xFFFFFF80  }
0x79: {  	_ =	swait.ge [sflag:s30], $0x80  }
0x7a: {  	[sflag:s30] =	ssyncset.done $0x0  }
0x7b: {  	[sflag:s30] =	ssyncadd.s32 $0xFFFFFF80  }
0x7c: {  	[bflag:$0x0] =	sbarrier.arrive $0xFFFF  }
0x7d: {  	s12 =	sshrl.u32 s8, $0x3;
	s13 =	rddreg [dreg:$0x9]  }
0x7e: {  	[hbm:s13], [sflag:s11] =	dma.local [spmem:s12], $0x50  }
0x7f: {  	_ =	swait.ge [sflag:s26], $0x50  }
0x80: {  	[sflag:s26] =	ssyncset.done $0x0  }
0x81: {  	s15 =	sshrl.u32 s9, $0x3;
	s23 =	rddreg [dreg:$0xa];
	[sflag:s26] =	ssyncadd.s32 $0xFFFFFFB0  }
0x82: {  	[hbm:s23], [sflag:s11] =	dma.local [spmem:s15], $0x50  }
0x83: {  	_ =	swait.ge [sflag:s26], $0x50  }
0x84: {  	[sflag:s26] =	ssyncset.done $0x0  }
0x85: {  	[sflag:s26] =	ssyncadd.s32 $0xFFFFFFB0  }
0x86: {  	[bflag:$0x0] =	sbarrier.arrive $0xFFFF  }
0x87: {  	s13 =	simm.s32 $0x100000;
	_ =	strace $0x80000048  }
0x88: {  	[smem:s13], [sflag:$0x0] =	smem.add.s32 $0x0  }
0x89: {  	_ =	swait.done [sflag:s5]  }
0x8a: {  	s14 =	ssyncread [sflag:$0x0];
	_ =	sdelay $0x1  }
0x8b: {  	s15 =	rddreg [dreg:$0xb]  }
0x8c: {  	s11 =	sadd.s32 s15, s14  }
0x8d: {  	s10 =	sor.u32 s25, s10;
	s11 =	sshll.u32 s11, $0x11  }
0x8e: {  	[sflag:s5] =	ssyncset.s32 $0x0;
	s10 =	sor.u32 s11, s10  }
0x8f: {  	[sflag:s5] =	ssyncset.done $0x0;
	s10 =	sor.u32 $0x1C03, s10  }
0x90: {  	[sflag:s10] =	ssyncadd.remote.s32 $0x1  }
0x91: {  	_ =	swait.ge [sflag:s1], $0x1  }
0x92: {  	[sflag:s1] =	ssyncset.done $0x0  }
0x93: {  	[sflag:s1] =	ssyncadd.s32 $0xFFFFFFFF  }
0x94: {  	s23 =	simm.s32 $0xAB00;
	_ =	strace $0x90000048  }
0x95: {  	[tilespmem:s23], [sflag:$0x4] =	stream.linear.gather [hbm4b:s16+s5], $0x140, $0x38;
	[tilespmem:$0xBA80] =	vst v63  }
0x96: {  	_ =	swait.ge [sflag:s26], $0x140  }
0x97: {  	[sflag:s26] =	ssyncset.done $0x0  }
0x98: {  	s11 =	simm.s32 $0xAC80;
	[sflag:s26] =	ssyncadd.s32 $0xFFFFFEC0  }
0x99: {  	[tilespmem:s11], [sflag:$0x4] =	stream.linear.gather [hbm4b:s17+s5], $0x140, $0x38;
	[tilespmem:$0xBA80] =	vst v63  }
0x9a: {  	_ =	swait.ge [sflag:s26], $0x140  }
0x9b: {  	[sflag:s26] =	ssyncset.done $0x0  }
0x9c: {  	s12 =	simm.s32 $0xAE00;
	[sflag:s26] =	ssyncadd.s32 $0xFFFFFEC0  }
0x9d: {  	[tilespmem:s12], [sflag:$0x4] =	stream.linear.gather [hbm4b:s18+s5], $0x140, $0x38;
	[tilespmem:$0xBA80] =	vst v63  }
0x9e: {  	_ =	swait.ge [sflag:s26], $0x140  }
0x9f: {  	[sflag:s26] =	ssyncset.done $0x0  }
0xa0: {  	s13 =	simm.s32 $0xAF80;
	[sflag:s26] =	ssyncadd.s32 $0xFFFFFEC0  }
0xa1: {  	[tilespmem:s13], [sflag:$0x4] =	stream.linear.gather [hbm4b:s19+s5], $0x140, $0x38;
	[tilespmem:$0xBA80] =	vst v63  }
0xa2: {  	_ =	swait.ge [sflag:s26], $0x140  }
0xa3: {  	[sflag:s26] =	ssyncset.done $0x0  }
0xa4: {  	s15 =	simm.s32 $0xB280;
	s14 =	rddreg [dreg:$0x5];
	[sflag:s26] =	ssyncadd.s32 $0xFFFFFEC0  }
0xa5: {  	[tilespmem:s15], [sflag:$0x4] =	stream.linear.gather [hbm4b:s14+s5], $0x80, $0x38;
	[tilespmem:$0xBA80] =	vst v63  }
0xa6: {  	_ =	swait.ge [sflag:s26], $0x80  }
0xa7: {  	[sflag:s26] =	ssyncset.done $0x0  }
0xa8: {  	[sflag:s26] =	ssyncadd.s32 $0xFFFFFF80  }
0xa9: {  	v2 =	vld [tilespmem:$0xB280]  }
0xaa: {  	v6 =	vld [tilespmem:$0xAB00]  }
0xab: {  	v7 =	vld [tilespmem:$0xAC80]  }
0xac: {  	v4 =	vld [tilespmem:$0xAE00]  }
0xad: {  	v5 =	vld [tilespmem:$0xAF80]  }
0xae: {  	v8 =	vld [tilespmem:$0xAB10]  }
0xaf: {  	v9 =	vld [tilespmem:$0xAC90]  }
0xb0: {  	v10 =	vld [tilespmem:$0xAE10]  }
0xb1: {  	v11 =	vld [tilespmem:$0xAF90]  }
0xb2: {  	v12 =	vld [tilespmem:$0xAB20]  }
0xb3: {  	v13 =	vld [tilespmem:$0xACA0]  }
0xb4: {  	v14 =	vld [tilespmem:$0xAE20]  }
0xb5: {  	v15 =	vld [tilespmem:$0xAFA0]  }
0xb6: {  	v16 =	vld [tilespmem:$0xAB30]  }
0xb7: {  	v17 =	vld [tilespmem:$0xACB0]  }
0xb8: {  	v18 =	vld [tilespmem:$0xAE30]  }
0xb9: {  	v19 =	vld [tilespmem:$0xAFB0]  }
0xba: {  	v20 =	vld [tilespmem:$0xAB40]  }
0xbb: {  	v21 =	vld [tilespmem:$0xACC0]  }
0xbc: {  	v22 =	vld [tilespmem:$0xAE40]  }
0xbd: {  	v23 =	vld [tilespmem:$0xAFC0]  }
0xbe: {  	v24 =	vld [tilespmem:$0xAB50]  }
0xbf: {  	v25 =	vld [tilespmem:$0xACD0]  }
0xc0: {  	v26 =	vld [tilespmem:$0xAE50]  }
0xc1: {  	v27 =	vld [tilespmem:$0xAFD0]  }
0xc2: {  	v28 =	vld [tilespmem:$0xAB60]  }
0xc3: {  	v29 =	vld [tilespmem:$0xACE0]  }
0xc4: {  	v30 =	vld [tilespmem:$0xAE60]  }
0xc5: {  	v31 =	vld [tilespmem:$0xAFE0]  }
0xc6: {  	v32 =	vld [tilespmem:$0xAB70]  }
0xc7: {  	v33 =	vld [tilespmem:$0xACF0]  }
0xc8: {  	v34 =	vld [tilespmem:$0xAE70]  }
0xc9: {  	v35 =	vld [tilespmem:$0xAFF0]  }
0xca: {  	v36 =	vld [tilespmem:$0xAB80]  }
0xcb: {  	v37 =	vld [tilespmem:$0xAD00]  }
0xcc: {  	v38 =	vld [tilespmem:$0xAE80]  }
0xcd: {  	v39 =	vld [tilespmem:$0xB000]  }
0xce: {  	v40 =	vld [tilespmem:$0xAB90]  }
0xcf: {  	v41 =	vld [tilespmem:$0xAD10]  }
0xd0: {  	v42 =	vld [tilespmem:$0xAE90]  }
0xd1: {  	v43 =	vld [tilespmem:$0xB010]  }
0xd2: {  	v3 =	vld [tilespmem:$0xABA0]  }
0xd3: {  	v50 =	vld [tilespmem:$0xB050]  }
0xd4: {  	v53 =	vld [tilespmem:$0xAEE0]  }
0xd5: {  	v57 =	vld [tilespmem:$0xB060]  }
0xd6: {  	v5 =	vadd.f32 v5, v4;
	v4 =	vld [tilespmem:$0xAD20]  }
0xd7: {  	v10 =	vadd.f32 v11, v10;
	v11 =	vld [tilespmem:$0xAEA0]  }
0xd8: {  	v14 =	vadd.f32 v15, v14;
	v15 =	vld [tilespmem:$0xB020]  }
0xd9: {  	v18 =	vadd.f32 v19, v18;
	v59 =	vadd.f32 v23, v22;
	v19 =	vld [tilespmem:$0xAD30]  }
0xda: {  	v61 =	vadd.f32 v27, v26;
	v22 =	vld [tilespmem:$0xAEB0];
	v63 =	vadd.f32 v31, v30  }
0xdb: {  	v23 =	vld [tilespmem:$0xB030];
	v31 =	vadd.f32 v35, v34;
	v45 =	vadd.f32 v39, v38  }
0xdc: {  	v26 =	vld [tilespmem:$0xABC0];
	v6 =	vadd.f32 v7, v6;
	v47 =	vadd.f32 v9, v8;
	v5 =	vmax.f32 v5, $1.000000000e+00  }
0xdd: {  	v27 =	vld [tilespmem:$0xABD0];
	v12 =	vadd.f32 v13, v12;
	v10 =	vmax.f32 v10, $1.000000000e+00;
	(erf) = vrcp.f32 v5  }
0xde: {  	v38 =	vld [tilespmem:$0xAED0];
	v16 =	vadd.f32 v17, v16;
	v58 =	vmax.f32 v14, $1.000000000e+00;
	(erf) = vrcp.f32 v10  }
0xdf: {  	v9 =	vld [tilespmem:$0xABE0];
	v54 =	vadd.f32 v21, v20;
	v60 =	vmax.f32 v18, $1.000000000e+00;
	(erf) = vrcp.f32 v58  }
0xe0: {  	v55 =	vadd.f32 v25, v24;
	v62 =	vmax.f32 v59, $1.000000000e+00;
	v18 =	vld [tilespmem:$0xAEC0];
	(erf) = vrcp.f32 v60  }
0xe1: {  	v24 =	vadd.f32 v57, v53;
	v30 =	vmax.f32 v61, $1.000000000e+00;
	v10 =	vld [tilespmem:$0xB040];
	(erf) = vrcp.f32 v62  }
0xe2: {  	v34 =	vmax.f32 v63, $1.000000000e+00;
	v35 =	vmax.f32 v31, $1.000000000e+00;
	v5 =	vld [tilespmem:$0xABB0];
	(erf) = vrcp.f32 v30  }
0xe3: {  	v39 =	vld [tilespmem:$0xB070];
	v49 =	vmax.f32 v45, $1.000000000e+00;
	v63 =	vadd.f32 v43, v42;
	(erf) = vrcp.f32 v34  }
0xe4: {  	v57 =	vld [tilespmem:$0xB0B0];
	v43 =	vadd.f32 v37, v36;
	v53 =	vmax.f32 v24, $1.000000000e+00;
	v58 =	vadd.f32 v29, v28  }
0xe5: {  	v14 =	vld [tilespmem:$0xAD40];
	v21 =	vmax.f32 v63, $1.000000000e+00;
	v11 =	vadd.f32 v15, v11;
	v22 =	vadd.f32 v23, v22  }
0xe6: {  	v61 =	vld [tilespmem:$0xAEF0];
	v3 =	vadd.f32 v4, v3;
	v10 =	vadd.f32 v10, v18;
	(erf) = vrcp.f32 v35;
	v44 =	vpop (erf)  }
0xe7: {  	v42 =	vld [tilespmem:$0xAF00];
	v60 =	vadd.f32 v33, v32;
	v11 =	vmax.f32 v11, $1.000000000e+00;
	v5 =	vadd.f32 v19, v5;
	v46 =	vpop (erf)  }
0xe8: {  	v45 =	vld [tilespmem:$0xAF10];
	(erf) = vrcp.f32 v49;
	v10 =	vmax.f32 v10, $1.000000000e+00;
	v6 =	vmul.f32 v44, v6;
	v48 =	vpop (erf)  }
0xe9: {  	v44 =	vld [tilespmem:$0xB080];
	v7 =	vmul.f32 v46, v47;
	v46 =	vmax.f32 v22, $1.000000000e+00;
	v47 =	vadd.f32 v50, v38;
	v51 =	vpop (erf)  }
0xea: {  	v37 =	vld [tilespmem:$0xAC20];
	v8 =	vmul.f32 v48, v12;
	v6 =	vadd.f32 v6, v2;
	v52 =	vpop (erf);
	v13 =	vmul.f32 v51, v16  }
0xeb: {  	v50 =	vld [tilespmem:$0xAF20];
	v51 =	vmax.f32 v47, $1.000000000e+00;
	v7 =	vadd.f32 v7, v2;
	v56 =	vpop (erf);
	v12 =	vmul.f32 v52, v54  }
0xec: {  	v48 =	vld [tilespmem:$0xB090];
	v54 =	vadd.f32 v39, v61;
	v8 =	vadd.f32 v8, v2;
	v59 =	vpop (erf);
	(erf) = vrcp.f32 v21  }
0xed: {  	v52 =	vld [tilespmem:$0xB0A0];
	v17 =	vmul.f32 v56, v55;
	v56 =	vadd.f32 v41, v40;
	(erf) = vrcp.f32 v11  }
0xee: {  	v55 =	vld [tilespmem:$0xAF30];
	v15 =	vadd.f32 v44, v42;
	v13 =	vadd.f32 v13, v2;
	(erf) = vrcp.f32 v46  }
0xef: {  	v32 =	vld [tilespmem:$0xAC10];
	v62 =	vpop (erf);
	v16 =	vmul.f32 v59, v58;
	v24 =	vmax.f32 v54, $1.000000000e+00;
	(erf) = vrcp.f32 v10  }
0xf0: {  	v30 =	vld [tilespmem:$0xAD80];
	v20 =	vmul.f32 v62, v60;
	v60 =	vadd.f32 v12, v2;
	(erf) = vrcp.f32 v51  }
0xf1: {  	v34 =	vld [tilespmem:$0xAD50];
	[tilespmem:$0xB100] =	vst v6;
	v61 =	vadd.f32 v48, v45;
	v15 =	vmax.f32 v15, $1.000000000e+00;
	(erf) = vrcp.f32 v53  }
0xf2: {  	v35 =	vld [tilespmem:$0xAD90];
	[tilespmem:$0xB110] =	vst v7;
	v63 =	vadd.f32 v17, v2;
	v21 =	vadd.f32 v52, v50;
	(erf) = vrcp.f32 v24  }
0xf3: {  	v58 =	vld [tilespmem:$0xAD60];
	[tilespmem:$0xB120] =	vst v8;
	v49 =	vpop (erf);
	v12 =	vmax.f32 v61, $1.000000000e+00;
	v10 =	vadd.f32 v57, v55;
	(erf) = vrcp.f32 v15  }
0xf4: {  	v59 =	vld [tilespmem:$0xABF0];
	[tilespmem:$0xB130] =	vst v13;
	v11 =	vmul.f32 v49, v43;
	v15 =	vmax.f32 v21, $1.000000000e+00;
	(erf) = vrcp.f32 v12  }
0xf5: {  	v62 =	vld [tilespmem:$0xAD70];
	v28 =	vadd.f32 v16, v2;
	[tilespmem:$0xB140] =	vst v60;
	v10 =	vmax.f32 v10, $1.000000000e+00;
	v33 =	vpop (erf);
	(erf) = vrcp.f32 v15  }
0xf6: {  	v22 =	vld [tilespmem:$0xAC00];
	v31 =	vadd.f32 v20, v2;
	[tilespmem:$0xB150] =	vst v63;
	v4 =	vmul.f32 v33, v56;
	v36 =	vpop (erf);
	(erf) = vrcp.f32 v10  }
0xf7: {  	v47 =	vld [tilespmem:$0xADB0];
	v40 =	vadd.f32 v14, v26;
	[tilespmem:$0xB160] =	vst v28;
	v39 =	vadd.f32 v11, v2;
	v38 =	vpop (erf);
	v3 =	vmul.f32 v36, v3  }
0xf8: {  	v41 =	vld [tilespmem:$0xADA0];
	v43 =	vadd.f32 v34, v27;
	[tilespmem:$0xB170] =	vst v31;
	v42 =	vpop (erf);
	v4 =	vadd.f32 v4, v2;
	v5 =	vmul.f32 v38, v5  }
0xf9: {  	v44 =	vld [tilespmem:$0xAC30];
	v46 =	vadd.f32 v58, v9;
	[tilespmem:$0xB180] =	vst v39;
	v45 =	vpop (erf);
	v3 =	vadd.f32 v3, v2;
	v7 =	vmul.f32 v42, v40  }
0xfa: {  	v50 =	vadd.f32 v62, v59;
	v48 =	vpop (erf);
	[tilespmem:$0xB190] =	vst v4;
	v49 =	vmul.f32 v45, v43;
	v5 =	vadd.f32 v5, v2  }
0xfb: {  	v52 =	vadd.f32 v30, v22;
	v51 =	vpop (erf);
	[tilespmem:$0xB1A0] =	vst v3;
	v3 =	vmul.f32 v48, v46;
	v7 =	vadd.f32 v7, v2  }
0xfc: {  	v6 =	vadd.f32 v35, v32;
	v53 =	vpop (erf);
	[tilespmem:$0xB1B0] =	vst v5;
	v54 =	vmul.f32 v51, v50;
	v4 =	vadd.f32 v49, v2  }
0xfd: {  	v57 =	vadd.f32 v41, v37;
	v55 =	vpop (erf);
	[tilespmem:$0xB1C0] =	vst v7;
	v56 =	vmul.f32 v53, v52;
	v3 =	vadd.f32 v3, v2  }
0xfe: {  	v60 =	vadd.f32 v47, v44;
	v58 =	vpop (erf);
	[tilespmem:$0xB1D0] =	vst v4;
	v59 =	vmul.f32 v55, v6;
	v5 =	vadd.f32 v54, v2  }
0xff: {  	[tilespmem:$0xB1E0] =	vst v3;
	v3 =	vadd.f32 v56, v2;
	v61 =	vmul.f32 v58, v57;
	v62 =	vpop (erf)  }
0x100: {  	[tilespmem:$0xB1F0] =	vst v5;
	v63 =	vmul.f32 v62, v60;
	v4 =	vadd.f32 v59, v2  }
0x101: {  	[tilespmem:$0xB200] =	vst v3;
	v3 =	vadd.f32 v61, v2  }
0x102: {  	s6 =	sadd.s32 $0x1, s6;
	[tilespmem:$0xB210] =	vst v4;
	v2 =	vadd.f32 v63, v2  }
0x103: {  	p0 =	sne.s32 s6, s21;
	[tilespmem:$0xB220] =	vst v3  }
.Ltmp1:
0x104: {  	s23 =	simm.s32 $0xB100;
	[tilespmem:$0xB230] =	vst v2;
	(pc) =	sbr.rel @!p0 .LBB2_8-.Ltmp1, $4  }
0x105: {  	[hbm4b:s20+s5] =	stream.linear.scatter [tilespmem:s23], [sflag:$0x4], $0x140, $0x38;
	[tilespmem:$0xBA80] =	vst v63  }
0x106: {  	_ =	swait.ge [sflag:s26], $0x140  }
0x107: {  	[sflag:s26] =	ssyncset.done $0x0  }
0x108: {  	[sflag:s26] =	ssyncadd.s32 $0xFFFFFEC0  }
.LBB2_1:
0x109: {  	[tilespmem:$0xA880] =	vst v0  }
0x10a: {  	[tilespmem:$0xA890] =	vst v0  }
0x10b: {  	[tilespmem:$0xA8A0] =	vst v0  }
0x10c: {  	[tilespmem:$0xA8B0] =	vst v0  }
0x10d: {  	[tilespmem:$0xA8C0] =	vst v0  }
0x10e: {  	[tilespmem:$0xA8D0] =	vst v0  }
0x10f: {  	[tilespmem:$0xA8E0] =	vst v0  }
0x110: {  	[tilespmem:$0xA8F0] =	vst v0  }
0x111: {  	[tilespmem:$0xA900] =	vst v0  }
0x112: {  	[tilespmem:$0xA910] =	vst v0  }
0x113: {  	[tilespmem:$0xA920] =	vst v0  }
0x114: {  	[tilespmem:$0xA930] =	vst v0  }
0x115: {  	[tilespmem:$0xA940] =	vst v0  }
0x116: {  	[tilespmem:$0xA950] =	vst v0  }
0x117: {  	[tilespmem:$0xA960] =	vst v0  }
0x118: {  	[tilespmem:$0xA970] =	vst v0  }
0x119: {  	[tilespmem:$0xA980] =	vst v0  }
0x11a: {  	[tilespmem:$0xA990] =	vst v0  }
0x11b: {  	[tilespmem:$0xA9A0] =	vst v0  }
0x11c: {  	[tilespmem:$0xA9B0] =	vst v0  }
0x11d: {  	[tilespmem:$0xA9C0] =	vst v0  }
0x11e: {  	[tilespmem:$0xA9D0] =	vst v0  }
0x11f: {  	[tilespmem:$0xA9E0] =	vst v0  }
0x120: {  	[tilespmem:$0xA9F0] =	vst v0  }
0x121: {  	[tilespmem:$0xAA00] =	vst v0  }
0x122: {  	[tilespmem:$0xAA10] =	vst v0  }
0x123: {  	[tilespmem:$0xAA20] =	vst v0  }
0x124: {  	[tilespmem:$0xAA30] =	vst v0  }
0x125: {  	[tilespmem:$0xAA40] =	vst v0  }
0x126: {  	[tilespmem:$0xAA50] =	vst v0  }
0x127: {  	[tilespmem:$0xAA60] =	vst v0  }
0x128: {  	[tilespmem:$0xAA70] =	vst v0  }
0x129: {  	[tilespmem:$0xAA80] =	vst v0  }
0x12a: {  	[tilespmem:$0xAA90] =	vst v0  }
0x12b: {  	[tilespmem:$0xAAA0] =	vst v0  }
0x12c: {  	[tilespmem:$0xAAB0] =	vst v0  }
0x12d: {  	[tilespmem:$0xAAC0] =	vst v0  }
0x12e: {  	[tilespmem:$0xAAD0] =	vst v0  }
0x12f: {  	[tilespmem:$0xAAE0] =	vst v0  }
0x130: {  	[tilespmem:$0xAAF0] =	vst v0;
	s10 =	simm.s32 $0xA880  }
0x131: {  	[spmem:s8] =	stream.linear.scatter [tilespmem:s10], [sflag:$0x4], $0x280, $0x38;
	[tilespmem:$0xBA80] =	vst v63  }
0x132: {  	_ =	swait.ge [sflag:s26], $0x280  }
0x133: {  	[sflag:s26] =	ssyncset.done $0x0  }
0x134: {  	[sflag:s26] =	ssyncadd.s32 $0xFFFFFD80  }
0x135: {  	[spmem:s9] =	stream.linear.scatter [tilespmem:s10], [sflag:$0x4], $0x280, $0x38;
	[tilespmem:$0xBA80] =	vst v63  }
0x136: {  	s14 =	stileid.u32;
	_ =	swait.ge [sflag:s26], $0x280  }
0x137: {  	s10 =	sshll.u32 s14, $0x6;
	[sflag:s26] =	ssyncset.done $0x0  }
0x138: {  	s11 =	sor.u32 $0x1C04, s10;
	s12 =	rddreg [dreg:$0x6];
	[sflag:s26] =	ssyncadd.s32 $0xFFFFFD80  }
0x139: {  	[spmem:s24], [sflag:s11] =	dma.local [hbm:s12], $0x50  }
0x13a: {  	_ =	swait.ge [sflag:s26], $0x50  }
0x13b: {  	[sflag:s26] =	ssyncset.done $0x0  }
0x13c: {  	[sflag:s26] =	ssyncadd.s32 $0xFFFFFFB0  }
0x13d: {  	[tilespmem:$0xA800] =	vst v1  }
0x13e: {  	[tilespmem:$0xA810] =	vst v1  }
0x13f: {  	[tilespmem:$0xA820] =	vst v1  }
0x140: {  	[tilespmem:$0xA830] =	vst v1  }
0x141: {  	[tilespmem:$0xA840] =	vst v1  }
0x142: {  	[tilespmem:$0xA850] =	vst v1  }
0x143: {  	[tilespmem:$0xA860] =	vst v1  }
0x144: {  	s15 =	rddreg [dreg:$0x7];
	[tilespmem:$0xA870] =	vst v1  }
0x145: {  	[tilespmem:s5], [sflag:$0x4] =	stream.linear.gather [hbm4b:s15+s5], $0x3800, $0x38;
	[tilespmem:$0xBA80] =	vst v63  }
0x146: {  	_ =	swait.ge [sflag:s26], $0x3800  }
0x147: {  	[sflag:s26] =	ssyncset.done $0x0  }
0x148: {  	s23 =	rddreg [dreg:$0x8];
	[sflag:s26] =	ssyncadd.s32 $0xFFFFC800  }
0x149: {  	[tilespmem:s28], [sflag:$0x4] =	stream.linear.gather [hbm4b:s23+s5], $0x3800, $0x38;
	[tilespmem:$0xBA80] =	vst v63  }
0x14a: {  	_ =	swait.ge [sflag:s26], $0x3800  }
0x14b: {  	[sflag:s26] =	ssyncset.done $0x0  }
0x14c: {  	[sflag:s26] =	ssyncadd.s32 $0xFFFFC800  }
0x14d: {  	s13 =	simm.s32 $0x7000;
	[bflag:$0x0] =	sbarrier.arrive $0xFFFF  }
0x14e: {  	[tilespmem:s13], [sflag:$0x1] =	stream.indirect.gather [spmem:s4], $0x1, s5, s29, $0xb8;
	[tilespmem:$0xBA80] =	vst v63  }
0x14f: {  	_ = 	snop  }
0x150: {  	[spmem:s3] =	stream.indirect.scatter.add.f32 [tilespmem:s31], [sflag:$0x2], $0x1, s28, s29, $0xb8;
	[tilespmem:$0xBA80] =	vst v63  }
0x151: {  	s14 =	simm.s32 $0x7080  }
0x152: {  	[tilespmem:s14], [sflag:$0x1] =	stream.indirect.gather [spmem:s4], $0x1, s29, s29, $0xb8;
	[tilespmem:$0xBA80] =	vst v63  }
0x153: {  	s15 =	simm.s32 $0x3880  }
0x154: {  	[spmem:s3] =	stream.indirect.scatter.add.f32 [tilespmem:s31], [sflag:$0x2], $0x1, s15, s29, $0xb8;
	[tilespmem:$0xBA80] =	vst v63  }
0x155: {  	s23 =	simm.s32 $0x100;
	s13 =	simm.s32 $0x7100  }
0x156: {  	[tilespmem:s13], [sflag:$0x1] =	stream.indirect.gather [spmem:s4], $0x1, s23, s29, $0xb8;
	[tilespmem:$0xBA80] =	vst v63  }
0x157: {  	s14 =	simm.s32 $0x3900  }
0x158: {  	[spmem:s3] =	stream.indirect.scatter.add.f32 [tilespmem:s31], [sflag:$0x2], $0x1, s14, s29, $0xb8;
	[tilespmem:$0xBA80] =	vst v63  }
0x159: {  	s15 =	simm.s32 $0x180;
	s23 =	simm.s32 $0x7180  }
0x15a: {  	[tilespmem:s23], [sflag:$0x1] =	stream.indirect.gather [spmem:s4], $0x1, s15, s29, $0xb8;
	[tilespmem:$0xBA80] =	vst v63  }
0x15b: {  	s14 =	simm.s32 $0x3980  }
0x15c: {  	[spmem:s3] =	stream.indirect.scatter.add.f32 [tilespmem:s31], [sflag:$0x2], $0x1, s14, s29, $0xb8;
	[tilespmem:$0xBA80] =	vst v63  }
0x15d: {  	s15 =	simm.s32 $0x200;
	s23 =	simm.s32 $0x7200  }
0x15e: {  	[tilespmem:s23], [sflag:$0x1] =	stream.indirect.gather [spmem:s4], $0x1, s15, s29, $0xb8;
	[tilespmem:$0xBA80] =	vst v63  }
0x15f: {  	s14 =	simm.s32 $0x3A00  }
0x160: {  	[spmem:s3] =	stream.indirect.scatter.add.f32 [tilespmem:s31], [sflag:$0x2], $0x1, s14, s29, $0xb8;
	[tilespmem:$0xBA80] =	vst v63  }
0x161: {  	s15 =	simm.s32 $0x280;
	s23 =	simm.s32 $0x7280  }
0x162: {  	[tilespmem:s23], [sflag:$0x1] =	stream.indirect.gather [spmem:s4], $0x1, s15, s29, $0xb8;
	[tilespmem:$0xBA80] =	vst v63  }
0x163: {  	s14 =	simm.s32 $0x3A80  }
0x164: {  	[spmem:s3] =	stream.indirect.scatter.add.f32 [tilespmem:s31], [sflag:$0x2], $0x1, s14, s29, $0xb8;
	[tilespmem:$0xBA80] =	vst v63  }
0x165: {  	s15 =	simm.s32 $0x300;
	s23 =	simm.s32 $0x7300  }
0x166: {  	[tilespmem:s23], [sflag:$0x1] =	stream.indirect.gather [spmem:s4], $0x1, s15, s29, $0xb8;
	[tilespmem:$0xBA80] =	vst v63  }
0x167: {  	s14 =	simm.s32 $0x3B00  }
0x168: {  	[spmem:s3] =	stream.indirect.scatter.add.f32 [tilespmem:s31], [sflag:$0x2], $0x1, s14, s29, $0xb8;
	[tilespmem:$0xBA80] =	vst v63  }
0x169: {  	s15 =	simm.s32 $0x380;
	s23 =	simm.s32 $0x7380  }
0x16a: {  	[tilespmem:s23], [sflag:$0x1] =	stream.indirect.gather [spmem:s4], $0x1, s15, s29, $0xb8;
	[tilespmem:$0xBA80] =	vst v63  }
0x16b: {  	s14 =	simm.s32 $0x3B80  }
0x16c: {  	[spmem:s3] =	stream.indirect.scatter.add.f32 [tilespmem:s31], [sflag:$0x2], $0x1, s14, s29, $0xb8;
	[tilespmem:$0xBA80] =	vst v63  }
0x16d: {  	s15 =	simm.s32 $0x400;
	s23 =	simm.s32 $0x7400  }
0x16e: {  	[tilespmem:s23], [sflag:$0x1] =	stream.indirect.gather [spmem:s4], $0x1, s15, s29, $0xb8;
	[tilespmem:$0xBA80] =	vst v63  }
0x16f: {  	s14 =	simm.s32 $0x3C00  }
0x170: {  	[spmem:s3] =	stream.indirect.scatter.add.f32 [tilespmem:s31], [sflag:$0x2], $0x1, s14, s29, $0xb8;
	[tilespmem:$0xBA80] =	vst v63  }
0x171: {  	s15 =	simm.s32 $0x480;
	s23 =	simm.s32 $0x7480  }
0x172: {  	[tilespmem:s23], [sflag:$0x1] =	stream.indirect.gather [spmem:s4], $0x1, s15, s29, $0xb8;
	[tilespmem:$0xBA80] =	vst v63  }
0x173: {  	s14 =	simm.s32 $0x3C80  }
0x174: {  	[spmem:s3] =	stream.indirect.scatter.add.f32 [tilespmem:s31], [sflag:$0x2], $0x1, s14, s29, $0xb8;
	[tilespmem:$0xBA80] =	vst v63  }
0x175: {  	s15 =	simm.s32 $0x500;
	s23 =	simm.s32 $0x7500  }
0x176: {  	[tilespmem:s23], [sflag:$0x1] =	stream.indirect.gather [spmem:s4], $0x1, s15, s29, $0xb8;
	[tilespmem:$0xBA80] =	vst v63  }
0x177: {  	s14 =	simm.s32 $0x3D00  }
0x178: {  	[spmem:s3] =	stream.indirect.scatter.add.f32 [tilespmem:s31], [sflag:$0x2], $0x1, s14, s29, $0xb8;
	[tilespmem:$0xBA80] =	vst v63  }
0x179: {  	s15 =	simm.s32 $0x580;
	s23 =	simm.s32 $0x7580  }
0x17a: {  	[tilespmem:s23], [sflag:$0x1] =	stream.indirect.gather [spmem:s4], $0x1, s15, s29, $0xb8;
	[tilespmem:$0xBA80] =	vst v63  }
0x17b: {  	s14 =	simm.s32 $0x3D80  }
0x17c: {  	[spmem:s3] =	stream.indirect.scatter.add.f32 [tilespmem:s31], [sflag:$0x2], $0x1, s14, s29, $0xb8;
	[tilespmem:$0xBA80] =	vst v63  }
0x17d: {  	s15 =	simm.s32 $0x600;
	s23 =	simm.s32 $0x7600  }
0x17e: {  	[tilespmem:s23], [sflag:$0x1] =	stream.indirect.gather [spmem:s4], $0x1, s15, s29, $0xb8;
	[tilespmem:$0xBA80] =	vst v63  }
0x17f: {  	s14 =	simm.s32 $0x3E00  }
0x180: {  	[spmem:s3] =	stream.indirect.scatter.add.f32 [tilespmem:s31], [sflag:$0x2], $0x1, s14, s29, $0xb8;
	[tilespmem:$0xBA80] =	vst v63  }
0x181: {  	s15 =	simm.s32 $0x680;
	s23 =	simm.s32 $0x7680  }
0x182: {  	[tilespmem:s23], [sflag:$0x1] =	stream.indirect.gather [spmem:s4], $0x1, s15, s29, $0xb8;
	[tilespmem:$0xBA80] =	vst v63  }
0x183: {  	s14 =	simm.s32 $0x3E80  }
0x184: {  	[spmem:s3] =	stream.indirect.scatter.add.f32 [tilespmem:s31], [sflag:$0x2], $0x1, s14, s29, $0xb8;
	[tilespmem:$0xBA80] =	vst v63  }
0x185: {  	s15 =	simm.s32 $0x700;
	s23 =	simm.s32 $0x7700  }
0x186: {  	[tilespmem:s23], [sflag:$0x1] =	stream.indirect.gather [spmem:s4], $0x1, s15, s29, $0xb8;
	[tilespmem:$0xBA80] =	vst v63  }
0x187: {  	s13 =	simm.s32 $0x3F00  }
0x188: {  	[spmem:s3] =	stream.indirect.scatter.add.f32 [tilespmem:s31], [sflag:$0x2], $0x1, s13, s29, $0xb8;
	[tilespmem:$0xBA80] =	vst v63  }
.Ltmp2:
0x189: {  	s14 =	simm.s32 $0x780;
	s15 =	simm.s32 $0x7780;
	(pc) =	sbr.rel .LBB2_2-.Ltmp2, $4  }
0x18a: {  	[tilespmem:s15], [sflag:$0x1] =	stream.indirect.gather [spmem:s4], $0x1, s14, s29, $0xb8;
	[tilespmem:$0xBA80] =	vst v63  }
0x18b: {  	s23 =	simm.s32 $0x3F80  }
0x18c: {  	[spmem:s3] =	stream.indirect.scatter.add.f32 [tilespmem:s31], [sflag:$0x2], $0x1, s23, s29, $0xb8;
	[tilespmem:$0xBA80] =	vst v63  }
0x18d: {  	s12 =	simm.s32 $0x1;
	s23 =	simm.s32 $0x0  }
.LBB2_6:
0x18e: {  	s23 =	sadd.s32 $0x2000, s23  }
0x18f: {  	p0 =	sne.s32 s22, s23  }
.Ltmp3:
0x190: {  	_ = 	snop;
	(pc) =	sbr.rel @!p0 .LBB2_7-.Ltmp3, $2  }
0x191: {  	_ =	sdelay $0x2  }
0x192: {  	s12 =	sadd.s32 $0x1, s12  }
.LBB2_2:
0x193: {  	p0 =	sge.u32 s12, s7  }
.Ltmp4:
0x194: {  	_ = 	snop;
	(pc) =	sbr.rel @p0 .LBB2_4-.Ltmp4, $2  }
0x195: {  	_ =	sdelay $0x2  }
0x196: {  	s13 =	sshra.s32 s23, $0x2  }
0x197: {  	s14 =	sadd.s32 $0x7800, s13;
	s15 =	sadd.s32 $0x800, s13  }
0x198: {  	[tilespmem:s14], [sflag:$0x1] =	stream.indirect.gather [spmem:s4], $0x1, s15, s29, $0xb8;
	[tilespmem:$0xBA80] =	vst v63  }
0x199: {  	s15 =	sadd.s32 $0x4000, s13  }
0x19a: {  	[spmem:s3] =	stream.indirect.scatter.add.f32 [tilespmem:s31], [sflag:$0x2], $0x1, s15, s29, $0xb8;
	[tilespmem:$0xBA80] =	vst v63  }
0x19b: {  	s14 =	sadd.s32 $0x7880, s13;
	s15 =	sadd.s32 $0x880, s13  }
0x19c: {  	[tilespmem:s14], [sflag:$0x1] =	stream.indirect.gather [spmem:s4], $0x1, s15, s29, $0xb8;
	[tilespmem:$0xBA80] =	vst v63  }
0x19d: {  	s15 =	sadd.s32 $0x4080, s13  }
0x19e: {  	[spmem:s3] =	stream.indirect.scatter.add.f32 [tilespmem:s31], [sflag:$0x2], $0x1, s15, s29, $0xb8;
	[tilespmem:$0xBA80] =	vst v63  }
0x19f: {  	s14 =	sadd.s32 $0x7900, s13;
	s15 =	sadd.s32 $0x900, s13  }
0x1a0: {  	[tilespmem:s14], [sflag:$0x1] =	stream.indirect.gather [spmem:s4], $0x1, s15, s29, $0xb8;
	[tilespmem:$0xBA80] =	vst v63  }
0x1a1: {  	s15 =	sadd.s32 $0x4100, s13  }
0x1a2: {  	[spmem:s3] =	stream.indirect.scatter.add.f32 [tilespmem:s31], [sflag:$0x2], $0x1, s15, s29, $0xb8;
	[tilespmem:$0xBA80] =	vst v63  }
0x1a3: {  	s14 =	sadd.s32 $0x7980, s13;
	s15 =	sadd.s32 $0x980, s13  }
0x1a4: {  	[tilespmem:s14], [sflag:$0x1] =	stream.indirect.gather [spmem:s4], $0x1, s15, s29, $0xb8;
	[tilespmem:$0xBA80] =	vst v63  }
0x1a5: {  	s15 =	sadd.s32 $0x4180, s13  }
0x1a6: {  	[spmem:s3] =	stream.indirect.scatter.add.f32 [tilespmem:s31], [sflag:$0x2], $0x1, s15, s29, $0xb8;
	[tilespmem:$0xBA80] =	vst v63  }
0x1a7: {  	s14 =	sadd.s32 $0x7A00, s13;
	s15 =	sadd.s32 $0xA00, s13  }
0x1a8: {  	[tilespmem:s14], [sflag:$0x1] =	stream.indirect.gather [spmem:s4], $0x1, s15, s29, $0xb8;
	[tilespmem:$0xBA80] =	vst v63  }
0x1a9: {  	s15 =	sadd.s32 $0x4200, s13  }
0x1aa: {  	[spmem:s3] =	stream.indirect.scatter.add.f32 [tilespmem:s31], [sflag:$0x2], $0x1, s15, s29, $0xb8;
	[tilespmem:$0xBA80] =	vst v63  }
0x1ab: {  	s14 =	sadd.s32 $0x7A80, s13;
	s15 =	sadd.s32 $0xA80, s13  }
0x1ac: {  	[tilespmem:s14], [sflag:$0x1] =	stream.indirect.gather [spmem:s4], $0x1, s15, s29, $0xb8;
	[tilespmem:$0xBA80] =	vst v63  }
0x1ad: {  	s15 =	sadd.s32 $0x4280, s13  }
0x1ae: {  	[spmem:s3] =	stream.indirect.scatter.add.f32 [tilespmem:s31], [sflag:$0x2], $0x1, s15, s29, $0xb8;
	[tilespmem:$0xBA80] =	vst v63  }
0x1af: {  	s14 =	sadd.s32 $0x7B00, s13;
	s15 =	sadd.s32 $0xB00, s13  }
0x1b0: {  	[tilespmem:s14], [sflag:$0x1] =	stream.indirect.gather [spmem:s4], $0x1, s15, s29, $0xb8;
	[tilespmem:$0xBA80] =	vst v63  }
0x1b1: {  	s15 =	sadd.s32 $0x4300, s13  }
0x1b2: {  	[spmem:s3] =	stream.indirect.scatter.add.f32 [tilespmem:s31], [sflag:$0x2], $0x1, s15, s29, $0xb8;
	[tilespmem:$0xBA80] =	vst v63  }
0x1b3: {  	s14 =	sadd.s32 $0x7B80, s13;
	s15 =	sadd.s32 $0xB80, s13  }
0x1b4: {  	[tilespmem:s14], [sflag:$0x1] =	stream.indirect.gather [spmem:s4], $0x1, s15, s29, $0xb8;
	[tilespmem:$0xBA80] =	vst v63  }
0x1b5: {  	s15 =	sadd.s32 $0x4380, s13  }
0x1b6: {  	[spmem:s3] =	stream.indirect.scatter.add.f32 [tilespmem:s31], [sflag:$0x2], $0x1, s15, s29, $0xb8;
	[tilespmem:$0xBA80] =	vst v63  }
0x1b7: {  	s14 =	sadd.s32 $0x7C00, s13;
	s15 =	sadd.s32 $0xC00, s13  }
0x1b8: {  	[tilespmem:s14], [sflag:$0x1] =	stream.indirect.gather [spmem:s4], $0x1, s15, s29, $0xb8;
	[tilespmem:$0xBA80] =	vst v63  }
0x1b9: {  	s15 =	sadd.s32 $0x4400, s13  }
0x1ba: {  	[spmem:s3] =	stream.indirect.scatter.add.f32 [tilespmem:s31], [sflag:$0x2], $0x1, s15, s29, $0xb8;
	[tilespmem:$0xBA80] =	vst v63  }
0x1bb: {  	s14 =	sadd.s32 $0x7C80, s13;
	s15 =	sadd.s32 $0xC80, s13  }
0x1bc: {  	[tilespmem:s14], [sflag:$0x1] =	stream.indirect.gather [spmem:s4], $0x1, s15, s29, $0xb8;
	[tilespmem:$0xBA80] =	vst v63  }
0x1bd: {  	s15 =	sadd.s32 $0x4480, s13  }
0x1be: {  	[spmem:s3] =	stream.indirect.scatter.add.f32 [tilespmem:s31], [sflag:$0x2], $0x1, s15, s29, $0xb8;
	[tilespmem:$0xBA80] =	vst v63  }
0x1bf: {  	s14 =	sadd.s32 $0x7D00, s13;
	s15 =	sadd.s32 $0xD00, s13  }
0x1c0: {  	[tilespmem:s14], [sflag:$0x1] =	stream.indirect.gather [spmem:s4], $0x1, s15, s29, $0xb8;
	[tilespmem:$0xBA80] =	vst v63  }
0x1c1: {  	s15 =	sadd.s32 $0x4500, s13  }
0x1c2: {  	[spmem:s3] =	stream.indirect.scatter.add.f32 [tilespmem:s31], [sflag:$0x2], $0x1, s15, s29, $0xb8;
	[tilespmem:$0xBA80] =	vst v63  }
0x1c3: {  	s14 =	sadd.s32 $0x7D80, s13;
	s15 =	sadd.s32 $0xD80, s13  }
0x1c4: {  	[tilespmem:s14], [sflag:$0x1] =	stream.indirect.gather [spmem:s4], $0x1, s15, s29, $0xb8;
	[tilespmem:$0xBA80] =	vst v63  }
0x1c5: {  	s15 =	sadd.s32 $0x4580, s13  }
0x1c6: {  	[spmem:s3] =	stream.indirect.scatter.add.f32 [tilespmem:s31], [sflag:$0x2], $0x1, s15, s29, $0xb8;
	[tilespmem:$0xBA80] =	vst v63  }
0x1c7: {  	s14 =	sadd.s32 $0x7E00, s13;
	s15 =	sadd.s32 $0xE00, s13  }
0x1c8: {  	[tilespmem:s14], [sflag:$0x1] =	stream.indirect.gather [spmem:s4], $0x1, s15, s29, $0xb8;
	[tilespmem:$0xBA80] =	vst v63  }
0x1c9: {  	s15 =	sadd.s32 $0x4600, s13  }
0x1ca: {  	[spmem:s3] =	stream.indirect.scatter.add.f32 [tilespmem:s31], [sflag:$0x2], $0x1, s15, s29, $0xb8;
	[tilespmem:$0xBA80] =	vst v63  }
0x1cb: {  	s14 =	sadd.s32 $0x7E80, s13;
	s15 =	sadd.s32 $0xE80, s13  }
0x1cc: {  	[tilespmem:s14], [sflag:$0x1] =	stream.indirect.gather [spmem:s4], $0x1, s15, s29, $0xb8;
	[tilespmem:$0xBA80] =	vst v63  }
0x1cd: {  	s15 =	sadd.s32 $0x4680, s13  }
0x1ce: {  	[spmem:s3] =	stream.indirect.scatter.add.f32 [tilespmem:s31], [sflag:$0x2], $0x1, s15, s29, $0xb8;
	[tilespmem:$0xBA80] =	vst v63  }
0x1cf: {  	s14 =	sadd.s32 $0x7F00, s13;
	s15 =	sadd.s32 $0xF00, s13  }
0x1d0: {  	[tilespmem:s14], [sflag:$0x1] =	stream.indirect.gather [spmem:s4], $0x1, s15, s29, $0xb8;
	[tilespmem:$0xBA80] =	vst v63  }
0x1d1: {  	s15 =	sadd.s32 $0x4700, s13  }
0x1d2: {  	[spmem:s3] =	stream.indirect.scatter.add.f32 [tilespmem:s31], [sflag:$0x2], $0x1, s15, s29, $0xb8;
	[tilespmem:$0xBA80] =	vst v63  }
0x1d3: {  	s14 =	sadd.s32 $0x7F80, s13;
	s15 =	sadd.s32 $0xF80, s13  }
0x1d4: {  	[tilespmem:s14], [sflag:$0x1] =	stream.indirect.gather [spmem:s4], $0x1, s15, s29, $0xb8;
	[tilespmem:$0xBA80] =	vst v63  }
0x1d5: {  	s15 =	sadd.s32 $0x4780, s13  }
0x1d6: {  	[spmem:s3] =	stream.indirect.scatter.add.f32 [tilespmem:s31], [sflag:$0x2], $0x1, s15, s29, $0xb8;
	[tilespmem:$0xBA80] =	vst v63  }
.LBB2_4:
0x1d7: {  	_ =	swait.ge [sflag:s0], $0x80  }
0x1d8: {  	[sflag:s0] =	ssyncset.done $0x0  }
0x1d9: {  	[sflag:s0] =	ssyncadd.s32 $0xFFFFFF80  }
0x1da: {  	_ =	swait.ge [sflag:s0], $0x80  }
0x1db: {  	[sflag:s0] =	ssyncset.done $0x0  }
0x1dc: {  	[sflag:s0] =	ssyncadd.s32 $0xFFFFFF80  }
0x1dd: {  	_ =	swait.ge [sflag:s0], $0x80  }
0x1de: {  	[sflag:s0] =	ssyncset.done $0x0  }
0x1df: {  	[sflag:s0] =	ssyncadd.s32 $0xFFFFFF80  }
0x1e0: {  	_ =	swait.ge [sflag:s0], $0x80  }
0x1e1: {  	[sflag:s0] =	ssyncset.done $0x0  }
0x1e2: {  	[sflag:s0] =	ssyncadd.s32 $0xFFFFFF80  }
0x1e3: {  	_ =	swait.ge [sflag:s0], $0x80  }
0x1e4: {  	[sflag:s0] =	ssyncset.done $0x0  }
0x1e5: {  	[sflag:s0] =	ssyncadd.s32 $0xFFFFFF80  }
0x1e6: {  	_ =	swait.ge [sflag:s0], $0x80  }
0x1e7: {  	[sflag:s0] =	ssyncset.done $0x0  }
0x1e8: {  	[sflag:s0] =	ssyncadd.s32 $0xFFFFFF80  }
0x1e9: {  	_ =	swait.ge [sflag:s0], $0x80  }
0x1ea: {  	[sflag:s0] =	ssyncset.done $0x0  }
0x1eb: {  	[sflag:s0] =	ssyncadd.s32 $0xFFFFFF80  }
0x1ec: {  	_ =	swait.ge [sflag:s0], $0x80  }
0x1ed: {  	[sflag:s0] =	ssyncset.done $0x0  }
0x1ee: {  	[sflag:s0] =	ssyncadd.s32 $0xFFFFFF80  }
0x1ef: {  	_ =	swait.ge [sflag:s0], $0x80  }
0x1f0: {  	[sflag:s0] =	ssyncset.done $0x0  }
0x1f1: {  	[sflag:s0] =	ssyncadd.s32 $0xFFFFFF80  }
0x1f2: {  	_ =	swait.ge [sflag:s0], $0x80  }
0x1f3: {  	[sflag:s0] =	ssyncset.done $0x0  }
0x1f4: {  	[sflag:s0] =	ssyncadd.s32 $0xFFFFFF80  }
0x1f5: {  	_ =	swait.ge [sflag:s0], $0x80  }
0x1f6: {  	[sflag:s0] =	ssyncset.done $0x0  }
0x1f7: {  	[sflag:s0] =	ssyncadd.s32 $0xFFFFFF80  }
0x1f8: {  	_ =	swait.ge [sflag:s0], $0x80  }
0x1f9: {  	[sflag:s0] =	ssyncset.done $0x0  }
0x1fa: {  	[sflag:s0] =	ssyncadd.s32 $0xFFFFFF80  }
0x1fb: {  	_ =	swait.ge [sflag:s0], $0x80  }
0x1fc: {  	[sflag:s0] =	ssyncset.done $0x0  }
0x1fd: {  	[sflag:s0] =	ssyncadd.s32 $0xFFFFFF80  }
0x1fe: {  	_ =	swait.ge [sflag:s0], $0x80  }
0x1ff: {  	[sflag:s0] =	ssyncset.done $0x0  }
0x200: {  	[sflag:s0] =	ssyncadd.s32 $0xFFFFFF80  }
0x201: {  	_ =	swait.ge [sflag:s0], $0x80  }
0x202: {  	[sflag:s0] =	ssyncset.done $0x0  }
0x203: {  	[sflag:s0] =	ssyncadd.s32 $0xFFFFFF80  }
0x204: {  	_ =	swait.ge [sflag:s0], $0x80  }
0x205: {  	[sflag:s0] =	ssyncset.done $0x0  }
0x206: {  	s14 =	sadd.s32 $0x7000, s13;
	s15 =	sadd.s32 $0x3800, s13;
	[sflag:s0] =	ssyncadd.s32 $0xFFFFFF80  }
0x207: {  	[spmem:s2] =	stream.indirect.scatter.add.f32 [tilespmem:s14], [sflag:$0x2], $0x1, s15, s29, $0xb8;
	[tilespmem:$0xBA80] =	vst v63  }
0x208: {  	s14 =	sadd.s32 $0x7080, s13;
	s15 =	sadd.s32 $0x3880, s13  }
0x209: {  	[spmem:s2] =	stream.indirect.scatter.add.f32 [tilespmem:s14], [sflag:$0x2], $0x1, s15, s29, $0xb8;
	[tilespmem:$0xBA80] =	vst v63  }
0x20a: {  	s14 =	sadd.s32 $0x7100, s13;
	s15 =	sadd.s32 $0x3900, s13  }
0x20b: {  	[spmem:s2] =	stream.indirect.scatter.add.f32 [tilespmem:s14], [sflag:$0x2], $0x1, s15, s29, $0xb8;
	[tilespmem:$0xBA80] =	vst v63  }
0x20c: {  	s14 =	sadd.s32 $0x7180, s13;
	s15 =	sadd.s32 $0x3980, s13  }
0x20d: {  	[spmem:s2] =	stream.indirect.scatter.add.f32 [tilespmem:s14], [sflag:$0x2], $0x1, s15, s29, $0xb8;
	[tilespmem:$0xBA80] =	vst v63  }
0x20e: {  	s14 =	sadd.s32 $0x7200, s13;
	s15 =	sadd.s32 $0x3A00, s13  }
0x20f: {  	[spmem:s2] =	stream.indirect.scatter.add.f32 [tilespmem:s14], [sflag:$0x2], $0x1, s15, s29, $0xb8;
	[tilespmem:$0xBA80] =	vst v63  }
0x210: {  	s14 =	sadd.s32 $0x7280, s13;
	s15 =	sadd.s32 $0x3A80, s13  }
0x211: {  	[spmem:s2] =	stream.indirect.scatter.add.f32 [tilespmem:s14], [sflag:$0x2], $0x1, s15, s29, $0xb8;
	[tilespmem:$0xBA80] =	vst v63  }
0x212: {  	s14 =	sadd.s32 $0x7300, s13;
	s15 =	sadd.s32 $0x3B00, s13  }
0x213: {  	[spmem:s2] =	stream.indirect.scatter.add.f32 [tilespmem:s14], [sflag:$0x2], $0x1, s15, s29, $0xb8;
	[tilespmem:$0xBA80] =	vst v63  }
0x214: {  	s14 =	sadd.s32 $0x7380, s13;
	s15 =	sadd.s32 $0x3B80, s13  }
0x215: {  	[spmem:s2] =	stream.indirect.scatter.add.f32 [tilespmem:s14], [sflag:$0x2], $0x1, s15, s29, $0xb8;
	[tilespmem:$0xBA80] =	vst v63  }
0x216: {  	s14 =	sadd.s32 $0x7400, s13;
	s15 =	sadd.s32 $0x3C00, s13  }
0x217: {  	[spmem:s2] =	stream.indirect.scatter.add.f32 [tilespmem:s14], [sflag:$0x2], $0x1, s15, s29, $0xb8;
	[tilespmem:$0xBA80] =	vst v63  }
0x218: {  	s14 =	sadd.s32 $0x7480, s13;
	s15 =	sadd.s32 $0x3C80, s13  }
0x219: {  	[spmem:s2] =	stream.indirect.scatter.add.f32 [tilespmem:s14], [sflag:$0x2], $0x1, s15, s29, $0xb8;
	[tilespmem:$0xBA80] =	vst v63  }
0x21a: {  	s14 =	sadd.s32 $0x7500, s13;
	s15 =	sadd.s32 $0x3D00, s13  }
0x21b: {  	[spmem:s2] =	stream.indirect.scatter.add.f32 [tilespmem:s14], [sflag:$0x2], $0x1, s15, s29, $0xb8;
	[tilespmem:$0xBA80] =	vst v63  }
0x21c: {  	s14 =	sadd.s32 $0x7580, s13;
	s15 =	sadd.s32 $0x3D80, s13  }
0x21d: {  	[spmem:s2] =	stream.indirect.scatter.add.f32 [tilespmem:s14], [sflag:$0x2], $0x1, s15, s29, $0xb8;
	[tilespmem:$0xBA80] =	vst v63  }
0x21e: {  	s14 =	sadd.s32 $0x7600, s13;
	s15 =	sadd.s32 $0x3E00, s13  }
0x21f: {  	[spmem:s2] =	stream.indirect.scatter.add.f32 [tilespmem:s14], [sflag:$0x2], $0x1, s15, s29, $0xb8;
	[tilespmem:$0xBA80] =	vst v63  }
0x220: {  	p0 =	seq.s32 s23, $0x0;
	s14 =	sadd.s32 $0x7680, s13;
	s15 =	sadd.s32 $0x3E80, s13  }
0x221: {  	[spmem:s2] =	stream.indirect.scatter.add.f32 [tilespmem:s14], [sflag:$0x2], $0x1, s15, s29, $0xb8;
	[tilespmem:$0xBA80] =	vst v63  }
.Ltmp5:
0x222: {  	_ = 	snop;
	(pc) =	sbr.rel @p0 .LBB2_6-.Ltmp5, $4  }
0x223: {  	s14 =	sadd.s32 $0x7700, s13;
	s15 =	sadd.s32 $0x3F00, s13  }
0x224: {  	[spmem:s2] =	stream.indirect.scatter.add.f32 [tilespmem:s14], [sflag:$0x2], $0x1, s15, s29, $0xb8;
	[tilespmem:$0xBA80] =	vst v63  }
0x225: {  	s14 =	sadd.s32 $0x7780, s13;
	s15 =	sadd.s32 $0x3F80, s13  }
0x226: {  	[spmem:s2] =	stream.indirect.scatter.add.f32 [tilespmem:s14], [sflag:$0x2], $0x1, s15, s29, $0xb8;
	[tilespmem:$0xBA80] =	vst v63  }
0x227: {  	_ =	swait.ge [sflag:s30], $0x80  }
0x228: {  	[sflag:s30] =	ssyncset.done $0x0  }
0x229: {  	[sflag:s30] =	ssyncadd.s32 $0xFFFFFF80  }
0x22a: {  	_ =	swait.ge [sflag:s30], $0x80  }
0x22b: {  	[sflag:s30] =	ssyncset.done $0x0  }
0x22c: {  	[sflag:s30] =	ssyncadd.s32 $0xFFFFFF80  }
0x22d: {  	_ =	swait.ge [sflag:s30], $0x80  }
0x22e: {  	[sflag:s30] =	ssyncset.done $0x0  }
0x22f: {  	[sflag:s30] =	ssyncadd.s32 $0xFFFFFF80  }
0x230: {  	_ =	swait.ge [sflag:s30], $0x80  }
0x231: {  	[sflag:s30] =	ssyncset.done $0x0  }
0x232: {  	[sflag:s30] =	ssyncadd.s32 $0xFFFFFF80  }
0x233: {  	_ =	swait.ge [sflag:s30], $0x80  }
0x234: {  	[sflag:s30] =	ssyncset.done $0x0  }
0x235: {  	[sflag:s30] =	ssyncadd.s32 $0xFFFFFF80  }
0x236: {  	_ =	swait.ge [sflag:s30], $0x80  }
0x237: {  	[sflag:s30] =	ssyncset.done $0x0  }
0x238: {  	[sflag:s30] =	ssyncadd.s32 $0xFFFFFF80  }
0x239: {  	_ =	swait.ge [sflag:s30], $0x80  }
0x23a: {  	[sflag:s30] =	ssyncset.done $0x0  }
0x23b: {  	[sflag:s30] =	ssyncadd.s32 $0xFFFFFF80  }
0x23c: {  	_ =	swait.ge [sflag:s30], $0x80  }
0x23d: {  	[sflag:s30] =	ssyncset.done $0x0  }
0x23e: {  	[sflag:s30] =	ssyncadd.s32 $0xFFFFFF80  }
0x23f: {  	_ =	swait.ge [sflag:s30], $0x80  }
0x240: {  	[sflag:s30] =	ssyncset.done $0x0  }
0x241: {  	[sflag:s30] =	ssyncadd.s32 $0xFFFFFF80  }
0x242: {  	_ =	swait.ge [sflag:s30], $0x80  }
0x243: {  	[sflag:s30] =	ssyncset.done $0x0  }
0x244: {  	[sflag:s30] =	ssyncadd.s32 $0xFFFFFF80  }
0x245: {  	_ =	swait.ge [sflag:s30], $0x80  }
0x246: {  	[sflag:s30] =	ssyncset.done $0x0  }
0x247: {  	[sflag:s30] =	ssyncadd.s32 $0xFFFFFF80  }
0x248: {  	_ =	swait.ge [sflag:s30], $0x80  }
0x249: {  	[sflag:s30] =	ssyncset.done $0x0  }
0x24a: {  	[sflag:s30] =	ssyncadd.s32 $0xFFFFFF80  }
0x24b: {  	_ =	swait.ge [sflag:s30], $0x80  }
0x24c: {  	[sflag:s30] =	ssyncset.done $0x0  }
0x24d: {  	[sflag:s30] =	ssyncadd.s32 $0xFFFFFF80  }
0x24e: {  	_ =	swait.ge [sflag:s30], $0x80  }
0x24f: {  	[sflag:s30] =	ssyncset.done $0x0  }
0x250: {  	[sflag:s30] =	ssyncadd.s32 $0xFFFFFF80  }
0x251: {  	_ =	swait.ge [sflag:s30], $0x80  }
0x252: {  	[sflag:s30] =	ssyncset.done $0x0  }
0x253: {  	[sflag:s30] =	ssyncadd.s32 $0xFFFFFF80  }
0x254: {  	_ =	swait.ge [sflag:s30], $0x80  }
0x255: {  	[sflag:s30] =	ssyncset.done $0x0  }
0x256: {  	[sflag:s30] =	ssyncadd.s32 $0xFFFFFF80  }
0x257: {  	_ =	swait.ge [sflag:s30], $0x80  }
0x258: {  	[sflag:s30] =	ssyncset.done $0x0  }
0x259: {  	[sflag:s30] =	ssyncadd.s32 $0xFFFFFF80  }
0x25a: {  	_ =	swait.ge [sflag:s30], $0x80  }
0x25b: {  	[sflag:s30] =	ssyncset.done $0x0  }
0x25c: {  	[sflag:s30] =	ssyncadd.s32 $0xFFFFFF80  }
0x25d: {  	_ =	swait.ge [sflag:s30], $0x80  }
0x25e: {  	[sflag:s30] =	ssyncset.done $0x0  }
0x25f: {  	[sflag:s30] =	ssyncadd.s32 $0xFFFFFF80  }
0x260: {  	_ =	swait.ge [sflag:s30], $0x80  }
0x261: {  	[sflag:s30] =	ssyncset.done $0x0  }
0x262: {  	[sflag:s30] =	ssyncadd.s32 $0xFFFFFF80  }
0x263: {  	_ =	swait.ge [sflag:s30], $0x80  }
0x264: {  	[sflag:s30] =	ssyncset.done $0x0  }
0x265: {  	[sflag:s30] =	ssyncadd.s32 $0xFFFFFF80  }
0x266: {  	_ =	swait.ge [sflag:s30], $0x80  }
0x267: {  	[sflag:s30] =	ssyncset.done $0x0  }
0x268: {  	[sflag:s30] =	ssyncadd.s32 $0xFFFFFF80  }
0x269: {  	_ =	swait.ge [sflag:s30], $0x80  }
0x26a: {  	[sflag:s30] =	ssyncset.done $0x0  }
0x26b: {  	[sflag:s30] =	ssyncadd.s32 $0xFFFFFF80  }
0x26c: {  	_ =	swait.ge [sflag:s30], $0x80  }
0x26d: {  	[sflag:s30] =	ssyncset.done $0x0  }
0x26e: {  	[sflag:s30] =	ssyncadd.s32 $0xFFFFFF80  }
0x26f: {  	_ =	swait.ge [sflag:s30], $0x80  }
0x270: {  	[sflag:s30] =	ssyncset.done $0x0  }
0x271: {  	[sflag:s30] =	ssyncadd.s32 $0xFFFFFF80  }
0x272: {  	_ =	swait.ge [sflag:s30], $0x80  }
0x273: {  	[sflag:s30] =	ssyncset.done $0x0  }
0x274: {  	[sflag:s30] =	ssyncadd.s32 $0xFFFFFF80  }
0x275: {  	_ =	swait.ge [sflag:s30], $0x80  }
0x276: {  	[sflag:s30] =	ssyncset.done $0x0  }
0x277: {  	[sflag:s30] =	ssyncadd.s32 $0xFFFFFF80  }
0x278: {  	_ =	swait.ge [sflag:s30], $0x80  }
0x279: {  	[sflag:s30] =	ssyncset.done $0x0  }
0x27a: {  	[sflag:s30] =	ssyncadd.s32 $0xFFFFFF80  }
0x27b: {  	_ =	swait.ge [sflag:s30], $0x80  }
0x27c: {  	[sflag:s30] =	ssyncset.done $0x0  }
0x27d: {  	[sflag:s30] =	ssyncadd.s32 $0xFFFFFF80  }
0x27e: {  	_ =	swait.ge [sflag:s30], $0x80  }
0x27f: {  	[sflag:s30] =	ssyncset.done $0x0  }
0x280: {  	[sflag:s30] =	ssyncadd.s32 $0xFFFFFF80  }
0x281: {  	_ =	swait.ge [sflag:s30], $0x80  }
.Ltmp6:
0x282: {  	[sflag:s30] =	ssyncset.done $0x0;
	(pc) =	sbr.rel .LBB2_6-.Ltmp6, $4  }
0x283: {  	[sflag:s30] =	ssyncadd.s32 $0xFFFFFF80  }
0x284: {  	_ =	swait.ge [sflag:s30], $0x80  }
0x285: {  	[sflag:s30] =	ssyncset.done $0x0  }
0x286: {  	[sflag:s30] =	ssyncadd.s32 $0xFFFFFF80  }
.LBB2_8:
0x287: {  	_ =	sfence.sel $0x180000  }
0x288: {  	[bflag:$0x0] =	sbarrier.arrive $0xFFFF  }
0x289: {  	_ =	strace $0x90000047  }
0x28a: {  	s0 =	stileid.u32;
	[bflag:$0x2] =	sbarrier.arrive $0xFFFF  }
0x28b: {  	p0 =	sne.s32 s0, $0x0;
	s0 =	rddreg [dreg:$0x4]  }
0x28c: {  	s0 =	sadd.s32 @!p0 $0x100000, s0  }
0x28d: {  	[sflag:s0] =	ssyncadd.tile.s32 @!p0 $0x1;
	_ =	shalt  }
.Lfunc_end2:
_tile_overlayer_lowered:
.L_overlay_start_2:
0x28e: {  	(tag) =	ssettag $0x2  }
0x28f: {  	s0 =	rddreg [dreg:$0x0];
	s2 =	stileid.u32  }
0x290: {  	s1 =	rddreg [dreg:$0x1];
	p0 =	sne.s32 s2, $0x0  }
0x291: {  	s3 =	rddreg [dreg:$0x2];
	[bflag:$0x3] =	sbarrier.arrive $0xFFFF;
	s2 =	simm.s32 @!p0 $0x1C04  }
0x292: {  	[timem:s3], [sflag:s2] =	dma.local @!p0 [hbm:s0], s1  }
0x293: {  	s0 =	simm.s32 @!p0 $0x4  }
0x294: {  	_ =	swait.ge @!p0 [sflag:s0], s1  }
0x295: {  	s1 =	ssub.s32 @!p0 $0x0, s1;
	[sflag:s0] =	ssyncset.done @!p0 $0x0  }
0x296: {  	[sflag:s0] =	ssyncadd.s32 @!p0 s1  }
0x297: {  	[bflag:$0x3] =	sbarrier.arrive $0xFFFF  }
0x298: {  	_ =	shalt  }

</sc_bundles>
